<compile_context>
chip_gen: v7x
topology: tpu7x:2x2x1
jax: 0.10.2.dev20260603
libtpu: 0.0.44.dev20260713+nightly
codegen_flags: <defaults>
</compile_context>

<pallas_src>
import functools

import jax
import jax.numpy as jnp
from jax import lax
from jax.experimental import pallas as pl
from jax.experimental.pallas import tpu as pltpu
from jax.experimental.pallas import tpu_sc as plsc

_INV_STD = 1.0 / (1.0 + 1e-5) ** 0.5

_NW = 32
_CHUNK = 128
_NBUF = 6
_GDEPTH = 3
_RB = 512
_C0F = 0.8



def _make_deg_kernel(n_pad, e_pad):
    per_w = e_pad // _NW
    n_chunks = per_w // _CHUNK
    stripe = n_pad // 16
    mesh = plsc.VectorSubcoreMesh(core_axis_name="c", subcore_axis_name="s")

    @functools.partial(
        pl.kernel,
        mesh=mesh,
        compiler_params=pltpu.CompilerParams(use_tc_tiling_on_sc=False),
        out_type=jax.ShapeDtypeStruct((2, n_pad, 16), jnp.float32),
        scratch_types=[
            pltpu.VMEM((2, 2, _CHUNK), jnp.int32),
            pltpu.VMEM((_CHUNK, 16), jnp.float32),
            pltpu.VMEM_SHARED((n_pad, 16), jnp.float32),
            pltpu.SemaphoreType.DMA,
        ],
    )
    def deg_kernel(es_hbm, z_hbm, ones_hbm, out_hbm, sd, ones_v, acc, ssem):
        cid = lax.axis_index("c")
        sid = lax.axis_index("s")
        wid = sid * 2 + cid
        pltpu.sync_copy(ones_hbm, ones_v)
        pltpu.sync_copy(
            z_hbm.at[pl.ds(sid * stripe, stripe)],
            acc.at[pl.ds(sid * stripe, stripe)],
        )
        plsc.subcore_barrier()
        cbase = wid * n_chunks

        def copy_idx(c, slot):
            pltpu.sync_copy(es_hbm.at[cbase + c], sd.at[slot])

        def scat_start(slot):
            pltpu.async_copy(ones_v, acc.at[sd.at[slot, 1]], ssem, add=True)

        def scat_wait(slot):
            pltpu.make_async_copy(ones_v, acc.at[sd.at[slot, 1]], ssem).wait()

        copy_idx(0, 0)
        scat_start(0)
        copy_idx(1, 1)
        scat_start(1)

        def body(j, carry):
            b = j % 2
            scat_wait(b)
            copy_idx(j, b)
            scat_start(b)
            return carry

        lax.fori_loop(2, n_chunks, body, 0)
        scat_wait(0)
        scat_wait(1)
        plsc.subcore_barrier()
        pltpu.sync_copy(
            acc.at[pl.ds(sid * stripe, stripe)],
            out_hbm.at[cid, pl.ds(sid * stripe, stripe)],
        )

    return deg_kernel


def _make_agg_kernel(n_pad, e_pad, d_feat, n_slabs, c0_frac=0.5):
    per16 = e_pad // _CHUNK // 16
    cb0 = max(_NBUF, min(per16 - _NBUF, round(per16 * c0_frac)))
    cb1 = per16 - cb0
    stripe = n_pad // 16
    mesh = plsc.VectorSubcoreMesh(core_axis_name="c", subcore_axis_name="s")

    def agg_body(*refs):
        hps = refs[:n_slabs]
        es_hbm, z_hbm, out_hbm, sd, rows, acc, gsem, ssem = refs[n_slabs:]
        cid = lax.axis_index("c")
        sid = lax.axis_index("s")
        n_chunks = jnp.where(cid == 0, cb0, cb1)
        cbase = jnp.where(cid == 0, sid * cb0, 16 * cb0 + sid * cb1)

        def copy_idx(c):
            pltpu.sync_copy(es_hbm.at[cbase + c], sd.at[c % _NBUF])

        for slab in range(n_slabs):
            hp_hbm = hps[slab]

            def gather_start(c):
                pltpu.async_copy(
                    hp_hbm.at[sd.at[c % _NBUF, 0]], rows.at[c % _NBUF], gsem)

            def gather_wait(c):
                pltpu.make_async_copy(
                    hp_hbm.at[sd.at[c % _NBUF, 0]], rows.at[c % _NBUF],
                    gsem).wait()

            def scat_start(c):
                pltpu.async_copy(
                    rows.at[c % _NBUF], acc.at[sd.at[c % _NBUF, 1]], ssem,
                    add=True)

            def scat_wait(c):
                pltpu.make_async_copy(
                    rows.at[c % _NBUF], acc.at[sd.at[c % _NBUF, 1]],
                    ssem).wait()

            for c in range(_GDEPTH):
                copy_idx(c)
                gather_start(c)

            pltpu.sync_copy(
                z_hbm.at[pl.ds(sid * stripe, stripe)],
                acc.at[pl.ds(sid * stripe, stripe)],
            )
            plsc.subcore_barrier()

            def body(j, carry):
                gather_wait(j)
                scat_start(j)

                @pl.when(jnp.logical_and(j + _GDEPTH < n_chunks,
                                         j >= _GDEPTH))
                def _():
                    scat_wait(j - (_NBUF - _GDEPTH))

                @pl.when(j + _GDEPTH < n_chunks)
                def _():
                    copy_idx(j + _GDEPTH)
                    gather_start(j + _GDEPTH)

                return carry

            lax.fori_loop(0, n_chunks, body, 0)
            for c in range(_NBUF):
                scat_wait(c)
            plsc.subcore_barrier()
            pltpu.sync_copy(
                acc.at[pl.ds(sid * stripe, stripe)],
                out_hbm.at[slab, cid, pl.ds(sid * stripe, stripe)],
            )

    return functools.partial(
        pl.kernel,
        mesh=mesh,
        compiler_params=pltpu.CompilerParams(use_tc_tiling_on_sc=False),
        out_type=jax.ShapeDtypeStruct((n_slabs, 2, n_pad, d_feat),
                                      jnp.float32),
        scratch_types=[
            pltpu.VMEM((_NBUF, 2, _CHUNK), jnp.int32),
            pltpu.VMEM((_NBUF, _CHUNK, d_feat), jnp.float32),
            pltpu.VMEM_SHARED((n_pad, d_feat), jnp.float32),
            pltpu.SemaphoreType.DMA,
            pltpu.SemaphoreType.DMA,
        ],
    )(agg_body)



def _full(shape):
    nd = len(shape)
    return pl.BlockSpec(shape, lambda i, _n=nd: (0,) * _n)


def _rows(minor):
    return pl.BlockSpec((_RB, minor), lambda i: (i, 0))


def _deg_part(which):
    return pl.BlockSpec((1, _RB, 16), lambda i, _w=which: (_w, i, 0))


def _agg_part(minor, slab, which):
    return pl.BlockSpec((1, 1, _RB, minor),
                        lambda i, _s=slab, _w=which: (_s, _w, i, 0))


def _stage_a(n_pad):

    def body(d0_ref, d1_ref, x_ref, w1_ref, dinv_ref, hpa_ref, hpb_ref):
        deg = d0_ref[0] + d1_ref[0] + 1.0
        dv = lax.rsqrt(deg)
        dinv_ref[...] = dv
        xw = jnp.dot(x_ref[...], w1_ref[...], preferred_element_type=jnp.float32)
        hp = xw * dv[:, 0:1]
        hpa_ref[...] = hp[:, :64]
        hpb_ref[...] = hp[:, 64:]

    return pl.pallas_call(
        body,
        grid=(n_pad // _RB,),
        in_specs=[_deg_part(0), _deg_part(1), _rows(128), _full((128, 128))],
        out_specs=[_rows(16), _rows(64), _rows(64)],
        out_shape=[
            jax.ShapeDtypeStruct((n_pad, 16), jnp.float32),
            jax.ShapeDtypeStruct((n_pad, 64), jnp.float32),
            jax.ShapeDtypeStruct((n_pad, 64), jnp.float32),
        ],
    )


def _stage_b1(n_pad):

    def body(aa0_ref, aa1_ref, ab0_ref, ab1_ref, hpa_ref, hpb_ref, x_ref,
             dv_ref, b_ref, g_ref, be_ref, wn_ref, swn_ref, sbn_ref,
             hpn_ref, resn_ref):
        dv = dv_ref[...][:, 0:1]
        ta = aa0_ref[0, 0] + aa1_ref[0, 0] + hpa_ref[...]
        tb = ab0_ref[0, 0] + ab1_ref[0, 0] + hpb_ref[...]
        t = jnp.concatenate([ta, tb], axis=1) * dv + b_ref[...][None, :]
        t = t * (_INV_STD * g_ref[...][None, :]) + be_ref[...][None, :]
        h = jnp.maximum(t, 0.0) + x_ref[...]
        hpn_ref[...] = jnp.dot(h, wn_ref[...],
                               preferred_element_type=jnp.float32) * dv
        resn_ref[...] = jnp.dot(h, swn_ref[...],
                                preferred_element_type=jnp.float32) + sbn_ref[...][None, :]

    return pl.pallas_call(
        body,
        grid=(n_pad // _RB,),
        in_specs=[
            _agg_part(64, 0, 0), _agg_part(64, 0, 1),
            _agg_part(64, 1, 0), _agg_part(64, 1, 1),
            _rows(64), _rows(64), _rows(128),
            _rows(16), _full((128,)), _full((128,)), _full((128,)),
            _full((128, 64)), _full((128, 64)), _full((64,)),
        ],
        out_specs=[_rows(64), _rows(64)],
        out_shape=[
            jax.ShapeDtypeStruct((n_pad, 64), jnp.float32),
            jax.ShapeDtypeStruct((n_pad, 64), jnp.float32),
        ],
    )


def _stage_b2(n_pad):

    def body(a0_ref, a1_ref, hp_ref, res_ref, dv_ref, b_ref, g_ref, be_ref,
             wn_ref, swn_ref, sbn_ref, hpn_ref, resn_ref):
        dv = dv_ref[...][:, 0:1]
        t = (a0_ref[0, 0] + a1_ref[0, 0] + hp_ref[...]) * dv + b_ref[...][None, :]
        t = t * (_INV_STD * g_ref[...][None, :]) + be_ref[...][None, :]
        h = jnp.maximum(t, 0.0) + res_ref[...]
        hpn_ref[...] = jnp.dot(h, wn_ref[...],
                               preferred_element_type=jnp.float32) * dv
        resn_ref[...] = jnp.dot(h, swn_ref[...],
                                preferred_element_type=jnp.float32) + sbn_ref[...][None, :]

    return pl.pallas_call(
        body,
        grid=(n_pad // _RB,),
        in_specs=[
            _agg_part(64, 0, 0), _agg_part(64, 0, 1),
            _rows(64), _rows(64),
            _rows(16), _full((64,)), _full((64,)), _full((64,)),
            _full((64, 32)), _full((64, 32)), _full((32,)),
        ],
        out_specs=[_rows(32), _rows(32)],
        out_shape=[
            jax.ShapeDtypeStruct((n_pad, 32), jnp.float32),
            jax.ShapeDtypeStruct((n_pad, 32), jnp.float32),
        ],
    )


def _stage_final(n_pad):

    def body(a0_ref, a1_ref, hp_ref, res_ref, dv_ref, b_ref, g_ref, be_ref,
             cw1_ref, cb1_ref, cw2_ref, cb2_ref, out_ref):
        dv = dv_ref[...][:, 0:1]
        t = (a0_ref[0, 0] + a1_ref[0, 0] + hp_ref[...]) * dv + b_ref[...][None, :]
        t = t * (_INV_STD * g_ref[...][None, :]) + be_ref[...][None, :]
        h = jnp.maximum(t, 0.0) + res_ref[...]
        u = jnp.dot(h, cw1_ref[...], preferred_element_type=jnp.float32)
        u = jnp.maximum(u + cb1_ref[...][None, :], 0.0)
        v = jnp.dot(u, cw2_ref[...],
                    preferred_element_type=jnp.float32) + cb2_ref[...][None, :]
        m = jnp.max(v, axis=1, keepdims=True)
        lse = m + jnp.log(jnp.sum(jnp.exp(v - m), axis=1, keepdims=True))
        out_ref[...] = v - lse

    return pl.pallas_call(
        body,
        grid=(n_pad // _RB,),
        in_specs=[
            _agg_part(32, 0, 0), _agg_part(32, 0, 1),
            _rows(32), _rows(32),
            _rows(16), _full((32,)), _full((32,)), _full((32,)),
            _full((32, 16)), _full((16,)), _full((16, 2)), _full((2,)),
        ],
        out_specs=_rows(2),
        out_shape=jax.ShapeDtypeStruct((n_pad, 2), jnp.float32),
    )



def kernel(x, edge_index, W1, b1, g1, be1, W2, b2, g2, be2, W3, b3, g3, be3,
           sW2, sb2, sW3, sb3, cW1, cb1, cW2, cb2):
    n, _ = x.shape
    e = edge_index.shape[1]
    n_pad = -(-n // 2048) * 2048
    e_pad = -(-e // (_NW * _CHUNK)) * (_NW * _CHUNK)

    pad = e_pad - e
    s_pad = jnp.concatenate([edge_index[0], jnp.zeros((pad,), jnp.int32)])
    d_pad = jnp.concatenate(
        [edge_index[1], jnp.full((pad,), n_pad - 1, jnp.int32)])
    es = jnp.stack([s_pad.reshape(-1, _CHUNK), d_pad.reshape(-1, _CHUNK)],
                   axis=1)
    x_p = jnp.pad(x, ((0, n_pad - n), (0, 0)))

    z64 = jnp.zeros((n_pad, 64), jnp.float32)
    ones16 = jnp.ones((_CHUNK, 16), jnp.float32)

    deg_p = _make_deg_kernel(n_pad, e_pad)(es, z64[:, :16], ones16)
    dinv, hp1a, hp1b = _stage_a(n_pad)(deg_p, deg_p, x_p, W1)

    agg1 = _make_agg_kernel(n_pad, e_pad, 64, 2, _C0F)(hp1a, hp1b, es, z64)
    hp2, res2 = _stage_b1(n_pad)(
        agg1, agg1, agg1, agg1, hp1a, hp1b, x_p, dinv,
        b1, g1, be1, W2, sW2, sb2)

    agg2 = _make_agg_kernel(n_pad, e_pad, 64, 1, _C0F)(hp2, es, z64)
    hp3, res3 = _stage_b2(n_pad)(
        agg2, agg2, hp2, res2, dinv, b2, g2, be2, W3, sW3, sb3)

    agg3 = _make_agg_kernel(n_pad, e_pad, 32, 1, 2.0 / 3.0)(
        hp3, es, z64[:, :32])
    out = _stage_final(n_pad)(
        agg3, agg3, hp3, res3, dinv, b3, g3, be3, cW1, cb1, cW2, cb2)

    return out[:n]

# --- scband reference (transcript-rebuilt; emitter-appended) ---
"""Pipeline reference for scband-advanced-gcn-80625126080954 (READ-ONLY COPY).

The authoritative reference and input builder live on the scoring server;
editing this copy changes nothing except your own understanding.
"""

import jax, jax.numpy as jnp
import numpy as np

N, E, D = 10000, 320000, 128

def _params(key):
    ks = jax.random.split(key, 8)
    p = {}
    p['W1'] = jax.random.normal(ks[0], (128, 128), jnp.float32) * 0.05
    p['b1'] = jnp.zeros((128,), jnp.float32)
    p['g1'] = jnp.ones((128,), jnp.float32)
    p['be1'] = jnp.zeros((128,), jnp.float32)
    p['W2'] = jax.random.normal(ks[1], (128, 64), jnp.float32) * 0.05
    p['b2'] = jnp.zeros((64,), jnp.float32)
    p['g2'] = jnp.ones((64,), jnp.float32)
    p['be2'] = jnp.zeros((64,), jnp.float32)
    p['W3'] = jax.random.normal(ks[2], (64, 32), jnp.float32) * 0.05
    p['b3'] = jnp.zeros((32,), jnp.float32)
    p['g3'] = jnp.ones((32,), jnp.float32)
    p['be3'] = jnp.zeros((32,), jnp.float32)
    p['sW2'] = jax.random.normal(ks[3], (128, 64), jnp.float32) * 0.05
    p['sb2'] = jnp.zeros((64,), jnp.float32)
    p['sW3'] = jax.random.normal(ks[4], (64, 32), jnp.float32) * 0.05
    p['sb3'] = jnp.zeros((32,), jnp.float32)
    p['cW1'] = jax.random.normal(ks[5], (32, 16), jnp.float32) * 0.05
    p['cb1'] = jnp.zeros((16,), jnp.float32)
    p['cW2'] = jax.random.normal(ks[6], (16, 2), jnp.float32) * 0.05
    p['cb2'] = jnp.zeros((2,), jnp.float32)
    return p

def setup_inputs(seed: int = 0):
    key = jax.random.key(seed)
    kx, ke, kp = jax.random.split(key, 3)
    inp = {
        'x': jax.random.normal(kx, (N, D), jnp.float32),
        'edge_index': jax.random.randint(ke, (2, E), 0, N, dtype=jnp.int32),
    }
    inp.update(_params(kp))
    return inp

def _forward(x, edge_index, W1, b1, g1, be1, W2, b2, g2, be2, W3, b3, g3, be3, sW2, sb2, sW3, sb3, cW1, cb1, cW2, cb2):
    n = x.shape[0]
    loop = jnp.arange(n, dtype=edge_index.dtype)
    s = jnp.concatenate([edge_index[0], loop])
    d = jnp.concatenate([edge_index[1], loop])
    deg = jax.ops.segment_sum(jnp.ones(s.shape[0], jnp.float32), d, num_segments=n)
    dinv = jnp.where(deg > 0, jax.lax.rsqrt(jnp.maximum(deg, 1e-12)), 0.0)
    norm = dinv[s] * dinv[d]

    def conv(h, W, b):
        h = h @ W
        m = h[s] * norm[:, None]
        return jax.ops.segment_sum(m, d, num_segments=n) + b

    inv_std = 1.0 / np.sqrt(1.0 + 1e-5)  # BatchNorm1d eval mode: running_mean=0, running_var=1

    def bn(h, g, be):
        return h * inv_std * g + be

    res = x
    h = jax.nn.relu(bn(conv(x, W1, b1), g1, be1)) + res
    res = h @ sW2 + sb2
    h = jax.nn.relu(bn(conv(h, W2, b2), g2, be2)) + res
    res = h @ sW3 + sb3
    h = jax.nn.relu(bn(conv(h, W3, b3), g3, be3)) + res
    h = jax.nn.relu(h @ cW1 + cb1)
    h = h @ cW2 + cb2
    return jax.nn.log_softmax(h, axis=1)

def reference(x, edge_index, W1, b1, g1, be1, W2, b2, g2, be2, W3, b3, g3, be3, sW2, sb2, sW3, sb3, cW1, cb1, cW2, cb2):
    return _forward(x, edge_index, W1, b1, g1, be1, W2, b2, g2, be2, W3, b3, g3, be3, sW2, sb2, sW3, sb3, cW1, cb1, cW2, cb2)

if __name__ == "__main__":
    import jax
    _d = setup_inputs()
    print(jax.jit(kernel)(*tuple(_d.values())))

</pallas_src>

<mosaic_0001>
#map = affine_map<(d0, d1) -> (0, 0)>
#map1 = affine_map<(d0, d1) -> (0, 0, 0)>
#map2 = affine_map<(d0, d1) -> (0, 0, 0, 0)>
module attributes {stable_mosaic.version = 14 : i64} {
  func.func @agg_body(%arg0: i32, %arg1: i32, %arg2: memref<10240x32xf32, #tpu.memory_space<hbm>>, %arg3: memref<2528x2x128xi32, #tpu.memory_space<hbm>>, %arg4: memref<10240x32xf32, #tpu.memory_space<hbm>>, %arg5: memref<1x2x10240x32xf32, #tpu.memory_space<hbm>>, %arg6: memref<6x2x128xi32, #tpu.memory_space<vmem>>, %arg7: memref<6x128x32xf32, #tpu.memory_space<vmem>>, %arg8: memref<10240x32xf32, #tpu.memory_space<vmem_shared>>, %arg9: memref<!tpu.dma_semaphore, #tpu.memory_space<semaphore_mem>>, %arg10: memref<!tpu.dma_semaphore, #tpu.memory_space<semaphore_mem>>) attributes {dimension_semantics = [#tpu.dimension_semantics<core_parallel>, #tpu.dimension_semantics<subcore_parallel>], iteration_bounds = array<i64: 2, 16>, scalar_prefetch = 0 : i64, scratch_operands = 5 : i64, tpu.core_type = #tpu.core_type<sc_vector_subcore>, window_params = [{transform_indices = #map}, {transform_indices = #map1}, {transform_indices = #map}, {transform_indices = #map2}]} {
    %eq3A = arith.constant 0 : i32
    %eq3A_0 = arith.cmpi eq, %arg0, %eq3A : i32
    %jit3A = arith.constant 105 : i32
    %jit3A_1 = arith.constant 53 : i32
    %select_n3A = arith.select %eq3A_0, %jit3A, %jit3A_1 : i32
    %eq3A_2 = arith.constant 0 : i32
    %eq3A_3 = arith.cmpi eq, %arg0, %eq3A_2 : i32
    %mul3A = arith.constant 105 : i32
    %mul3A_4 = arith.muli %arg1, %mul3A : i32
    %mul3A_5 = arith.constant 53 : i32
    %mul3A_6 = arith.muli %arg1, %mul3A_5 : i32
    %add3A = arith.constant 1680 : i32
    %add3A_7 = arith.addi %add3A, %mul3A_6 : i32
    %select_n3A_8 = arith.select %eq3A_3, %mul3A_4, %add3A_7 : i32
    %add3A_9 = arith.constant 0 : i32
    %add3A_10 = arith.addi %select_n3A_8, %add3A_9 : i32
    %run_scoped3A = arith.constant 0 : i32
    "tpu.region"() ({
      %run_scoped3A_151 = tpu.sem_alloc : memref<!tpu.dma_semaphore, #tpu.memory_space<semaphore_mem>>
      %dma_start3A_152 = arith.constant 0 : i32
      %dma_start3A_153 = arith.constant 0 : i32
      %dma_start3A_154 = tpu.memref_slice %arg6[%run_scoped3A, %dma_start3A_152, %dma_start3A_153] : memref<6x2x128xi32, #tpu.memory_space<vmem>> -> memref<1x2x128xi32, #tpu.memory_space<vmem>>
      %dma_start3A_155 = tpu.memref_squeeze %dma_start3A_154 : memref<1x2x128xi32, #tpu.memory_space<vmem>> -> memref<2x128xi32, #tpu.memory_space<vmem>>
      %dma_start3A_156 = arith.constant 0 : i32
      %dma_start3A_157 = arith.constant 0 : i32
      %dma_start3A_158 = tpu.memref_slice %arg3[%add3A_10, %dma_start3A_156, %dma_start3A_157] : memref<2528x2x128xi32, #tpu.memory_space<hbm>> -> memref<1x2x128xi32, #tpu.memory_space<hbm>>
      %dma_start3A_159 = tpu.memref_squeeze %dma_start3A_158 : memref<1x2x128xi32, #tpu.memory_space<hbm>> -> memref<2x128xi32, #tpu.memory_space<hbm>>
      %dma_start3A_160 = arith.constant 0 : i32
      %dma_start3A_161 = arith.constant 0 : i32
      %dma_start3A_162 = tpu.memref_slice %arg6[%run_scoped3A, %dma_start3A_160, %dma_start3A_161] : memref<6x2x128xi32, #tpu.memory_space<vmem>> -> memref<1x2x128xi32, #tpu.memory_space<vmem>>
      %dma_start3A_163 = tpu.memref_squeeze %dma_start3A_162 : memref<1x2x128xi32, #tpu.memory_space<vmem>> -> memref<2x128xi32, #tpu.memory_space<vmem>>
      %dma_start3A_164 = arith.constant 0 : i32
      %dma_start3A_165 = arith.constant 0 : i32
      %dma_start3A_166 = tpu.memref_slice %arg3[%add3A_10, %dma_start3A_164, %dma_start3A_165] : memref<2528x2x128xi32, #tpu.memory_space<hbm>> -> memref<1x2x128xi32, #tpu.memory_space<hbm>>
      %dma_start3A_167 = tpu.memref_squeeze %dma_start3A_166 : memref<1x2x128xi32, #tpu.memory_space<hbm>> -> memref<2x128xi32, #tpu.memory_space<hbm>>
      tpu.enqueue_dma source(%dma_start3A_167 : memref<2x128xi32, #tpu.memory_space<hbm>>) target(%dma_start3A_163 : memref<2x128xi32, #tpu.memory_space<vmem>>) target_semaphore(%run_scoped3A_151 : memref<!tpu.dma_semaphore, #tpu.memory_space<semaphore_mem>>)
      %dma_wait3A_168 = arith.constant 0 : i32
      %dma_wait3A_169 = arith.constant 0 : i32
      %dma_wait3A_170 = tpu.memref_slice %arg6[%run_scoped3A, %dma_wait3A_168, %dma_wait3A_169] : memref<6x2x128xi32, #tpu.memory_space<vmem>> -> memref<1x2x128xi32, #tpu.memory_space<vmem>>
      %dma_wait3A_171 = tpu.memref_squeeze %dma_wait3A_170 : memref<1x2x128xi32, #tpu.memory_space<vmem>> -> memref<2x128xi32, #tpu.memory_space<vmem>>
      %dma_wait3A_172 = arith.constant 0 : i32
      %dma_wait3A_173 = arith.constant 0 : i32
      %dma_wait3A_174 = tpu.memref_slice %arg3[%add3A_10, %dma_wait3A_172, %dma_wait3A_173] : memref<2528x2x128xi32, #tpu.memory_space<hbm>> -> memref<1x2x128xi32, #tpu.memory_space<hbm>>
      %dma_wait3A_175 = tpu.memref_squeeze %dma_wait3A_174 : memref<1x2x128xi32, #tpu.memory_space<hbm>> -> memref<2x128xi32, #tpu.memory_space<hbm>>
      %dma_wait3A_176 = arith.constant 0 : i32
      %dma_wait3A_177 = arith.constant 0 : i32
      %dma_wait3A_178 = tpu.memref_slice %arg6[%run_scoped3A, %dma_wait3A_176, %dma_wait3A_177] : memref<6x2x128xi32, #tpu.memory_space<vmem>> -> memref<1x2x128xi32, #tpu.memory_space<vmem>>
      %dma_wait3A_179 = tpu.memref_squeeze %dma_wait3A_178 : memref<1x2x128xi32, #tpu.memory_space<vmem>> -> memref<2x128xi32, #tpu.memory_space<vmem>>
      %dma_wait3A_180 = arith.constant 0 : i32
      %dma_wait3A_181 = arith.constant 0 : i32
      %dma_wait3A_182 = tpu.memref_slice %arg3[%add3A_10, %dma_wait3A_180, %dma_wait3A_181] : memref<2528x2x128xi32, #tpu.memory_space<hbm>> -> memref<1x2x128xi32, #tpu.memory_space<hbm>>
      %dma_wait3A_183 = tpu.memref_squeeze %dma_wait3A_182 : memref<1x2x128xi32, #tpu.memory_space<hbm>> -> memref<2x128xi32, #tpu.memory_space<hbm>>
      tpu.wait_dma2 semaphore(%run_scoped3A_151 : memref<!tpu.dma_semaphore, #tpu.memory_space<semaphore_mem>>) src(%dma_wait3A_183 : memref<2x128xi32, #tpu.memory_space<hbm>>) dst(%dma_wait3A_179 : memref<2x128xi32, #tpu.memory_space<vmem>>)
      tpu.yield
    }) : () -> ()
    %dma_start3A = arith.constant 0 : i32
    %dma_start3A_11 = arith.constant 0 : i32
    %dma_start3A_12 = arith.constant 0 : i32
    %dma_start3A_13 = arith.constant 0 : i32
    %dma_start3A_14 = arith.constant 0 : i32
    %dma_start3A_15 = tpu.memref_slice %arg7[%dma_start3A_12, %dma_start3A_13, %dma_start3A_14] : memref<6x128x32xf32, #tpu.memory_space<vmem>> -> memref<1x128x32xf32, #tpu.memory_space<vmem>>
    %dma_start3A_16 = tpu.memref_squeeze %dma_start3A_15 : memref<1x128x32xf32, #tpu.memory_space<vmem>> -> memref<128x32xf32, #tpu.memory_space<vmem>>
    %dma_start3A_17 = arith.constant 0 : i32
    %dma_start3A_18 = tpu.memref_slice %arg6[%dma_start3A, %dma_start3A_11, %dma_start3A_17] : memref<6x2x128xi32, #tpu.memory_space<vmem>> -> memref<1x1x128xi32, #tpu.memory_space<vmem>>
    %dma_start3A_19 = tpu.memref_squeeze %dma_start3A_18 : memref<1x1x128xi32, #tpu.memory_space<vmem>> -> memref<128xi32, #tpu.memory_space<vmem>>
    %dma_start3A_20 = arith.constant 0 : i32
    %dma_start3A_21 = arith.constant 0 : i32
    %dma_start3A_22 = tpu.memref_slice %arg2[%dma_start3A_20, %dma_start3A_21] : memref<10240x32xf32, #tpu.memory_space<hbm>> -> memref<10240x32xf32, #tpu.memory_space<hbm>>
    tpu.enqueue_indirect_dma source(%dma_start3A_22 : memref<10240x32xf32, #tpu.memory_space<hbm>>) target(%dma_start3A_16 : memref<128x32xf32, #tpu.memory_space<vmem>>) offsets(%dma_start3A_19 : memref<128xi32, #tpu.memory_space<vmem>>) semaphore(%arg9 : memref<!tpu.dma_semaphore, #tpu.memory_space<semaphore_mem>>)
    %add3A_23 = arith.constant 1 : i32
    %add3A_24 = arith.addi %select_n3A_8, %add3A_23 : i32
    %run_scoped3A_25 = arith.constant 1 : i32
    "tpu.region"() ({
      %run_scoped3A_151 = tpu.sem_alloc : memref<!tpu.dma_semaphore, #tpu.memory_space<semaphore_mem>>
      %dma_start3A_152 = arith.constant 0 : i32
      %dma_start3A_153 = arith.constant 0 : i32
      %dma_start3A_154 = tpu.memref_slice %arg6[%run_scoped3A_25, %dma_start3A_152, %dma_start3A_153] : memref<6x2x128xi32, #tpu.memory_space<vmem>> -> memref<1x2x128xi32, #tpu.memory_space<vmem>>
      %dma_start3A_155 = tpu.memref_squeeze %dma_start3A_154 : memref<1x2x128xi32, #tpu.memory_space<vmem>> -> memref<2x128xi32, #tpu.memory_space<vmem>>
      %dma_start3A_156 = arith.constant 0 : i32
      %dma_start3A_157 = arith.constant 0 : i32
      %dma_start3A_158 = tpu.memref_slice %arg3[%add3A_24, %dma_start3A_156, %dma_start3A_157] : memref<2528x2x128xi32, #tpu.memory_space<hbm>> -> memref<1x2x128xi32, #tpu.memory_space<hbm>>
      %dma_start3A_159 = tpu.memref_squeeze %dma_start3A_158 : memref<1x2x128xi32, #tpu.memory_space<hbm>> -> memref<2x128xi32, #tpu.memory_space<hbm>>
      %dma_start3A_160 = arith.constant 0 : i32
      %dma_start3A_161 = arith.constant 0 : i32
      %dma_start3A_162 = tpu.memref_slice %arg6[%run_scoped3A_25, %dma_start3A_160, %dma_start3A_161] : memref<6x2x128xi32, #tpu.memory_space<vmem>> -> memref<1x2x128xi32, #tpu.memory_space<vmem>>
      %dma_start3A_163 = tpu.memref_squeeze %dma_start3A_162 : memref<1x2x128xi32, #tpu.memory_space<vmem>> -> memref<2x128xi32, #tpu.memory_space<vmem>>
      %dma_start3A_164 = arith.constant 0 : i32
      %dma_start3A_165 = arith.constant 0 : i32
      %dma_start3A_166 = tpu.memref_slice %arg3[%add3A_24, %dma_start3A_164, %dma_start3A_165] : memref<2528x2x128xi32, #tpu.memory_space<hbm>> -> memref<1x2x128xi32, #tpu.memory_space<hbm>>
      %dma_start3A_167 = tpu.memref_squeeze %dma_start3A_166 : memref<1x2x128xi32, #tpu.memory_space<hbm>> -> memref<2x128xi32, #tpu.memory_space<hbm>>
      tpu.enqueue_dma source(%dma_start3A_167 : memref<2x128xi32, #tpu.memory_space<hbm>>) target(%dma_start3A_163 : memref<2x128xi32, #tpu.memory_space<vmem>>) target_semaphore(%run_scoped3A_151 : memref<!tpu.dma_semaphore, #tpu.memory_space<semaphore_mem>>)
      %dma_wait3A_168 = arith.constant 0 : i32
      %dma_wait3A_169 = arith.constant 0 : i32
      %dma_wait3A_170 = tpu.memref_slice %arg6[%run_scoped3A_25, %dma_wait3A_168, %dma_wait3A_169] : memref<6x2x128xi32, #tpu.memory_space<vmem>> -> memref<1x2x128xi32, #tpu.memory_space<vmem>>
      %dma_wait3A_171 = tpu.memref_squeeze %dma_wait3A_170 : memref<1x2x128xi32, #tpu.memory_space<vmem>> -> memref<2x128xi32, #tpu.memory_space<vmem>>
      %dma_wait3A_172 = arith.constant 0 : i32
      %dma_wait3A_173 = arith.constant 0 : i32
      %dma_wait3A_174 = tpu.memref_slice %arg3[%add3A_24, %dma_wait3A_172, %dma_wait3A_173] : memref<2528x2x128xi32, #tpu.memory_space<hbm>> -> memref<1x2x128xi32, #tpu.memory_space<hbm>>
      %dma_wait3A_175 = tpu.memref_squeeze %dma_wait3A_174 : memref<1x2x128xi32, #tpu.memory_space<hbm>> -> memref<2x128xi32, #tpu.memory_space<hbm>>
      %dma_wait3A_176 = arith.constant 0 : i32
      %dma_wait3A_177 = arith.constant 0 : i32
      %dma_wait3A_178 = tpu.memref_slice %arg6[%run_scoped3A_25, %dma_wait3A_176, %dma_wait3A_177] : memref<6x2x128xi32, #tpu.memory_space<vmem>> -> memref<1x2x128xi32, #tpu.memory_space<vmem>>
      %dma_wait3A_179 = tpu.memref_squeeze %dma_wait3A_178 : memref<1x2x128xi32, #tpu.memory_space<vmem>> -> memref<2x128xi32, #tpu.memory_space<vmem>>
      %dma_wait3A_180 = arith.constant 0 : i32
      %dma_wait3A_181 = arith.constant 0 : i32
      %dma_wait3A_182 = tpu.memref_slice %arg3[%add3A_24, %dma_wait3A_180, %dma_wait3A_181] : memref<2528x2x128xi32, #tpu.memory_space<hbm>> -> memref<1x2x128xi32, #tpu.memory_space<hbm>>
      %dma_wait3A_183 = tpu.memref_squeeze %dma_wait3A_182 : memref<1x2x128xi32, #tpu.memory_space<hbm>> -> memref<2x128xi32, #tpu.memory_space<hbm>>
      tpu.wait_dma2 semaphore(%run_scoped3A_151 : memref<!tpu.dma_semaphore, #tpu.memory_space<semaphore_mem>>) src(%dma_wait3A_183 : memref<2x128xi32, #tpu.memory_space<hbm>>) dst(%dma_wait3A_179 : memref<2x128xi32, #tpu.memory_space<vmem>>)
      tpu.yield
    }) : () -> ()
    %dma_start3A_26 = arith.constant 1 : i32
    %dma_start3A_27 = arith.constant 0 : i32
    %dma_start3A_28 = arith.constant 1 : i32
    %dma_start3A_29 = arith.constant 0 : i32
    %dma_start3A_30 = arith.constant 0 : i32
    %dma_start3A_31 = tpu.memref_slice %arg7[%dma_start3A_28, %dma_start3A_29, %dma_start3A_30] : memref<6x128x32xf32, #tpu.memory_space<vmem>> -> memref<1x128x32xf32, #tpu.memory_space<vmem>>
    %dma_start3A_32 = tpu.memref_squeeze %dma_start3A_31 : memref<1x128x32xf32, #tpu.memory_space<vmem>> -> memref<128x32xf32, #tpu.memory_space<vmem>>
    %dma_start3A_33 = arith.constant 0 : i32
    %dma_start3A_34 = tpu.memref_slice %arg6[%dma_start3A_26, %dma_start3A_27, %dma_start3A_33] : memref<6x2x128xi32, #tpu.memory_space<vmem>> -> memref<1x1x128xi32, #tpu.memory_space<vmem>>
    %dma_start3A_35 = tpu.memref_squeeze %dma_start3A_34 : memref<1x1x128xi32, #tpu.memory_space<vmem>> -> memref<128xi32, #tpu.memory_space<vmem>>
    %dma_start3A_36 = arith.constant 0 : i32
    %dma_start3A_37 = arith.constant 0 : i32
    %dma_start3A_38 = tpu.memref_slice %arg2[%dma_start3A_36, %dma_start3A_37] : memref<10240x32xf32, #tpu.memory_space<hbm>> -> memref<10240x32xf32, #tpu.memory_space<hbm>>
    tpu.enqueue_indirect_dma source(%dma_start3A_38 : memref<10240x32xf32, #tpu.memory_space<hbm>>) target(%dma_start3A_32 : memref<128x32xf32, #tpu.memory_space<vmem>>) offsets(%dma_start3A_35 : memref<128xi32, #tpu.memory_space<vmem>>) semaphore(%arg9 : memref<!tpu.dma_semaphore, #tpu.memory_space<semaphore_mem>>)
    %add3A_39 = arith.constant 2 : i32
    %add3A_40 = arith.addi %select_n3A_8, %add3A_39 : i32
    %run_scoped3A_41 = arith.constant 2 : i32
    "tpu.region"() ({
      %run_scoped3A_151 = tpu.sem_alloc : memref<!tpu.dma_semaphore, #tpu.memory_space<semaphore_mem>>
      %dma_start3A_152 = arith.constant 0 : i32
      %dma_start3A_153 = arith.constant 0 : i32
      %dma_start3A_154 = tpu.memref_slice %arg6[%run_scoped3A_41, %dma_start3A_152, %dma_start3A_153] : memref<6x2x128xi32, #tpu.memory_space<vmem>> -> memref<1x2x128xi32, #tpu.memory_space<vmem>>
      %dma_start3A_155 = tpu.memref_squeeze %dma_start3A_154 : memref<1x2x128xi32, #tpu.memory_space<vmem>> -> memref<2x128xi32, #tpu.memory_space<vmem>>
      %dma_start3A_156 = arith.constant 0 : i32
      %dma_start3A_157 = arith.constant 0 : i32
      %dma_start3A_158 = tpu.memref_slice %arg3[%add3A_40, %dma_start3A_156, %dma_start3A_157] : memref<2528x2x128xi32, #tpu.memory_space<hbm>> -> memref<1x2x128xi32, #tpu.memory_space<hbm>>
      %dma_start3A_159 = tpu.memref_squeeze %dma_start3A_158 : memref<1x2x128xi32, #tpu.memory_space<hbm>> -> memref<2x128xi32, #tpu.memory_space<hbm>>
      %dma_start3A_160 = arith.constant 0 : i32
      %dma_start3A_161 = arith.constant 0 : i32
      %dma_start3A_162 = tpu.memref_slice %arg6[%run_scoped3A_41, %dma_start3A_160, %dma_start3A_161] : memref<6x2x128xi32, #tpu.memory_space<vmem>> -> memref<1x2x128xi32, #tpu.memory_space<vmem>>
      %dma_start3A_163 = tpu.memref_squeeze %dma_start3A_162 : memref<1x2x128xi32, #tpu.memory_space<vmem>> -> memref<2x128xi32, #tpu.memory_space<vmem>>
      %dma_start3A_164 = arith.constant 0 : i32
      %dma_start3A_165 = arith.constant 0 : i32
      %dma_start3A_166 = tpu.memref_slice %arg3[%add3A_40, %dma_start3A_164, %dma_start3A_165] : memref<2528x2x128xi32, #tpu.memory_space<hbm>> -> memref<1x2x128xi32, #tpu.memory_space<hbm>>
      %dma_start3A_167 = tpu.memref_squeeze %dma_start3A_166 : memref<1x2x128xi32, #tpu.memory_space<hbm>> -> memref<2x128xi32, #tpu.memory_space<hbm>>
      tpu.enqueue_dma source(%dma_start3A_167 : memref<2x128xi32, #tpu.memory_space<hbm>>) target(%dma_start3A_163 : memref<2x128xi32, #tpu.memory_space<vmem>>) target_semaphore(%run_scoped3A_151 : memref<!tpu.dma_semaphore, #tpu.memory_space<semaphore_mem>>)
      %dma_wait3A_168 = arith.constant 0 : i32
      %dma_wait3A_169 = arith.constant 0 : i32
      %dma_wait3A_170 = tpu.memref_slice %arg6[%run_scoped3A_41, %dma_wait3A_168, %dma_wait3A_169] : memref<6x2x128xi32, #tpu.memory_space<vmem>> -> memref<1x2x128xi32, #tpu.memory_space<vmem>>
      %dma_wait3A_171 = tpu.memref_squeeze %dma_wait3A_170 : memref<1x2x128xi32, #tpu.memory_space<vmem>> -> memref<2x128xi32, #tpu.memory_space<vmem>>
      %dma_wait3A_172 = arith.constant 0 : i32
      %dma_wait3A_173 = arith.constant 0 : i32
      %dma_wait3A_174 = tpu.memref_slice %arg3[%add3A_40, %dma_wait3A_172, %dma_wait3A_173] : memref<2528x2x128xi32, #tpu.memory_space<hbm>> -> memref<1x2x128xi32, #tpu.memory_space<hbm>>
      %dma_wait3A_175 = tpu.memref_squeeze %dma_wait3A_174 : memref<1x2x128xi32, #tpu.memory_space<hbm>> -> memref<2x128xi32, #tpu.memory_space<hbm>>
      %dma_wait3A_176 = arith.constant 0 : i32
      %dma_wait3A_177 = arith.constant 0 : i32
      %dma_wait3A_178 = tpu.memref_slice %arg6[%run_scoped3A_41, %dma_wait3A_176, %dma_wait3A_177] : memref<6x2x128xi32, #tpu.memory_space<vmem>> -> memref<1x2x128xi32, #tpu.memory_space<vmem>>
      %dma_wait3A_179 = tpu.memref_squeeze %dma_wait3A_178 : memref<1x2x128xi32, #tpu.memory_space<vmem>> -> memref<2x128xi32, #tpu.memory_space<vmem>>
      %dma_wait3A_180 = arith.constant 0 : i32
      %dma_wait3A_181 = arith.constant 0 : i32
      %dma_wait3A_182 = tpu.memref_slice %arg3[%add3A_40, %dma_wait3A_180, %dma_wait3A_181] : memref<2528x2x128xi32, #tpu.memory_space<hbm>> -> memref<1x2x128xi32, #tpu.memory_space<hbm>>
      %dma_wait3A_183 = tpu.memref_squeeze %dma_wait3A_182 : memref<1x2x128xi32, #tpu.memory_space<hbm>> -> memref<2x128xi32, #tpu.memory_space<hbm>>
      tpu.wait_dma2 semaphore(%run_scoped3A_151 : memref<!tpu.dma_semaphore, #tpu.memory_space<semaphore_mem>>) src(%dma_wait3A_183 : memref<2x128xi32, #tpu.memory_space<hbm>>) dst(%dma_wait3A_179 : memref<2x128xi32, #tpu.memory_space<vmem>>)
      tpu.yield
    }) : () -> ()
    %dma_start3A_42 = arith.constant 2 : i32
    %dma_start3A_43 = arith.constant 0 : i32
    %dma_start3A_44 = arith.constant 2 : i32
    %dma_start3A_45 = arith.constant 0 : i32
    %dma_start3A_46 = arith.constant 0 : i32
    %dma_start3A_47 = tpu.memref_slice %arg7[%dma_start3A_44, %dma_start3A_45, %dma_start3A_46] : memref<6x128x32xf32, #tpu.memory_space<vmem>> -> memref<1x128x32xf32, #tpu.memory_space<vmem>>
    %dma_start3A_48 = tpu.memref_squeeze %dma_start3A_47 : memref<1x128x32xf32, #tpu.memory_space<vmem>> -> memref<128x32xf32, #tpu.memory_space<vmem>>
    %dma_start3A_49 = arith.constant 0 : i32
    %dma_start3A_50 = tpu.memref_slice %arg6[%dma_start3A_42, %dma_start3A_43, %dma_start3A_49] : memref<6x2x128xi32, #tpu.memory_space<vmem>> -> memref<1x1x128xi32, #tpu.memory_space<vmem>>
    %dma_start3A_51 = tpu.memref_squeeze %dma_start3A_50 : memref<1x1x128xi32, #tpu.memory_space<vmem>> -> memref<128xi32, #tpu.memory_space<vmem>>
    %dma_start3A_52 = arith.constant 0 : i32
    %dma_start3A_53 = arith.constant 0 : i32
    %dma_start3A_54 = tpu.memref_slice %arg2[%dma_start3A_52, %dma_start3A_53] : memref<10240x32xf32, #tpu.memory_space<hbm>> -> memref<10240x32xf32, #tpu.memory_space<hbm>>
    tpu.enqueue_indirect_dma source(%dma_start3A_54 : memref<10240x32xf32, #tpu.memory_space<hbm>>) target(%dma_start3A_48 : memref<128x32xf32, #tpu.memory_space<vmem>>) offsets(%dma_start3A_51 : memref<128xi32, #tpu.memory_space<vmem>>) semaphore(%arg9 : memref<!tpu.dma_semaphore, #tpu.memory_space<semaphore_mem>>)
    %mul3A_55 = arith.constant 640 : i32
    %mul3A_56 = arith.muli %arg1, %mul3A_55 : i32
    %mul3A_57 = arith.constant 640 : i32
    %mul3A_58 = arith.muli %arg1, %mul3A_57 : i32
    "tpu.region"() ({
      %run_scoped3A_151 = tpu.sem_alloc : memref<!tpu.dma_semaphore, #tpu.memory_space<semaphore_mem>>
      %dma_start3A_152 = arith.constant 0 : i32
      %dma_start3A_153 = tpu.memref_slice %arg8[%mul3A_58, %dma_start3A_152] : memref<10240x32xf32, #tpu.memory_space<vmem_shared>> -> memref<640x32xf32, #tpu.memory_space<vmem_shared>>
      %dma_start3A_154 = arith.constant 0 : i32
      %dma_start3A_155 = tpu.memref_slice %arg4[%mul3A_56, %dma_start3A_154] : memref<10240x32xf32, #tpu.memory_space<hbm>> -> memref<640x32xf32, #tpu.memory_space<hbm>>
      tpu.enqueue_dma source(%dma_start3A_155 : memref<640x32xf32, #tpu.memory_space<hbm>>) target(%dma_start3A_153 : memref<640x32xf32, #tpu.memory_space<vmem_shared>>) target_semaphore(%run_scoped3A_151 : memref<!tpu.dma_semaphore, #tpu.memory_space<semaphore_mem>>)
      %dma_wait3A_156 = arith.constant 0 : i32
      %dma_wait3A_157 = tpu.memref_slice %arg8[%mul3A_58, %dma_wait3A_156] : memref<10240x32xf32, #tpu.memory_space<vmem_shared>> -> memref<640x32xf32, #tpu.memory_space<vmem_shared>>
      %dma_wait3A_158 = arith.constant 0 : i32
      %dma_wait3A_159 = tpu.memref_slice %arg4[%mul3A_56, %dma_wait3A_158] : memref<10240x32xf32, #tpu.memory_space<hbm>> -> memref<640x32xf32, #tpu.memory_space<hbm>>
      tpu.wait_dma2 semaphore(%run_scoped3A_151 : memref<!tpu.dma_semaphore, #tpu.memory_space<semaphore_mem>>) src(%dma_wait3A_159 : memref<640x32xf32, #tpu.memory_space<hbm>>) dst(%dma_wait3A_157 : memref<640x32xf32, #tpu.memory_space<vmem_shared>>)
      tpu.yield
    }) : () -> ()
    %barrier3A = arith.constant 0 : index
    tpu.barrier barrier_id(%barrier3A)
    %while3A = arith.constant 0 : i32
    %while3A_59 = arith.constant 0 : i32
    %while3A_60 = arith.subi %select_n3A, %while3A_59 : i32
    %while3A_61 = arith.addi %while3A_59, %while3A_60 : i32
    %while3A_62 = arith.constant 1 : i32
    %while3A_63 = arith.divsi %while3A_60, %while3A_62 : i32
    %while3A_64 = arith.muli %while3A_63, %while3A_62 : i32
    %while3A_65 = arith.addi %while3A_59, %while3A_64 : i32
    %while3A_66 = arith.constant 1 : i32
    scf.for %while3A_151 = %while3A_59 to %while3A_65 step %while3A_66  : i32 {
      %jit3A_152 = arith.constant 6 : i32
      %eq3A_153 = arith.constant 0 : i32
      %eq3A_154 = arith.cmpi eq, %jit3A_152, %eq3A_153 : i32
      %jit3A_155 = arith.constant 1 : i32
      %select_n3A_156 = arith.select %eq3A_154, %jit3A_155, %jit3A_152 : i32
      %rem3A = arith.remsi %while3A_151, %select_n3A_156 : i32
      %ne3A = arith.constant 0 : i32
      %ne3A_157 = arith.cmpi ne, %rem3A, %ne3A : i32
      %lt3A = arith.constant 0 : i32
      %lt3A_158 = arith.cmpi slt, %rem3A, %lt3A : i32
      %lt3A_159 = arith.constant 0 : i32
      %lt3A_160 = arith.cmpi slt, %select_n3A_156, %lt3A_159 : i32
      %ne3A_161 = arith.xori %lt3A_158, %lt3A_160 : i1
      %and3A = arith.andi %ne3A_161, %ne3A_157 : i1
      %add3A_162 = arith.addi %rem3A, %select_n3A_156 : i32
      %select_n3A_163 = arith.select %and3A, %add3A_162, %rem3A : i32
      %jit3A_164 = arith.constant 6 : i32
      %eq3A_165 = arith.constant 0 : i32
      %eq3A_166 = arith.cmpi eq, %jit3A_164, %eq3A_165 : i32
      %jit3A_167 = arith.constant 1 : i32
      %select_n3A_168 = arith.select %eq3A_166, %jit3A_167, %jit3A_164 : i32
      %rem3A_169 = arith.remsi %while3A_151, %select_n3A_168 : i32
      %ne3A_170 = arith.constant 0 : i32
      %ne3A_171 = arith.cmpi ne, %rem3A_169, %ne3A_170 : i32
      %lt3A_172 = arith.constant 0 : i32
      %lt3A_173 = arith.cmpi slt, %rem3A_169, %lt3A_172 : i32
      %lt3A_174 = arith.constant 0 : i32
      %lt3A_175 = arith.cmpi slt, %select_n3A_168, %lt3A_174 : i32
      %ne3A_176 = arith.xori %lt3A_173, %lt3A_175 : i1
      %and3A_177 = arith.andi %ne3A_176, %ne3A_171 : i1
      %add3A_178 = arith.addi %rem3A_169, %select_n3A_168 : i32
      %select_n3A_179 = arith.select %and3A_177, %add3A_178, %rem3A_169 : i32
      %dma_wait3A_180 = arith.constant 0 : i32
      %dma_wait3A_181 = arith.constant 0 : i32
      %dma_wait3A_182 = arith.constant 0 : i32
      %dma_wait3A_183 = tpu.memref_slice %arg7[%select_n3A_179, %dma_wait3A_181, %dma_wait3A_182] : memref<6x128x32xf32, #tpu.memory_space<vmem>> -> memref<1x128x32xf32, #tpu.memory_space<vmem>>
      %dma_wait3A_184 = tpu.memref_squeeze %dma_wait3A_183 : memref<1x128x32xf32, #tpu.memory_space<vmem>> -> memref<128x32xf32, #tpu.memory_space<vmem>>
      %dma_wait3A_185 = arith.constant 0 : i32
      %dma_wait3A_186 = tpu.memref_slice %arg6[%select_n3A_163, %dma_wait3A_180, %dma_wait3A_185] : memref<6x2x128xi32, #tpu.memory_space<vmem>> -> memref<1x1x128xi32, #tpu.memory_space<vmem>>
      %dma_wait3A_187 = tpu.memref_squeeze %dma_wait3A_186 : memref<1x1x128xi32, #tpu.memory_space<vmem>> -> memref<128xi32, #tpu.memory_space<vmem>>
      %dma_wait3A_188 = arith.constant 0 : i32
      %dma_wait3A_189 = arith.constant 0 : i32
      %dma_wait3A_190 = tpu.memref_slice %arg2[%dma_wait3A_188, %dma_wait3A_189] : memref<10240x32xf32, #tpu.memory_space<hbm>> -> memref<10240x32xf32, #tpu.memory_space<hbm>>
      tpu.wait_indirect_dma semaphore(%arg9 : memref<!tpu.dma_semaphore, #tpu.memory_space<semaphore_mem>>) src(%dma_wait3A_190 : memref<10240x32xf32, #tpu.memory_space<hbm>>) dst(%dma_wait3A_184 : memref<128x32xf32, #tpu.memory_space<vmem>>)
      %jit3A_191 = arith.constant 6 : i32
      %eq3A_192 = arith.constant 0 : i32
      %eq3A_193 = arith.cmpi eq, %jit3A_191, %eq3A_192 : i32
      %jit3A_194 = arith.constant 1 : i32
      %select_n3A_195 = arith.select %eq3A_193, %jit3A_194, %jit3A_191 : i32
      %rem3A_196 = arith.remsi %while3A_151, %select_n3A_195 : i32
      %ne3A_197 = arith.constant 0 : i32
      %ne3A_198 = arith.cmpi ne, %rem3A_196, %ne3A_197 : i32
      %lt3A_199 = arith.constant 0 : i32
      %lt3A_200 = arith.cmpi slt, %rem3A_196, %lt3A_199 : i32
      %lt3A_201 = arith.constant 0 : i32
      %lt3A_202 = arith.cmpi slt, %select_n3A_195, %lt3A_201 : i32
      %ne3A_203 = arith.xori %lt3A_200, %lt3A_202 : i1
      %and3A_204 = arith.andi %ne3A_203, %ne3A_198 : i1
      %add3A_205 = arith.addi %rem3A_196, %select_n3A_195 : i32
      %select_n3A_206 = arith.select %and3A_204, %add3A_205, %rem3A_196 : i32
      %jit3A_207 = arith.constant 6 : i32
      %eq3A_208 = arith.constant 0 : i32
      %eq3A_209 = arith.cmpi eq, %jit3A_207, %eq3A_208 : i32
      %jit3A_210 = arith.constant 1 : i32
      %select_n3A_211 = arith.select %eq3A_209, %jit3A_210, %jit3A_207 : i32
      %rem3A_212 = arith.remsi %while3A_151, %select_n3A_211 : i32
      %ne3A_213 = arith.constant 0 : i32
      %ne3A_214 = arith.cmpi ne, %rem3A_212, %ne3A_213 : i32
      %lt3A_215 = arith.constant 0 : i32
      %lt3A_216 = arith.cmpi slt, %rem3A_212, %lt3A_215 : i32
      %lt3A_217 = arith.constant 0 : i32
      %lt3A_218 = arith.cmpi slt, %select_n3A_211, %lt3A_217 : i32
      %ne3A_219 = arith.xori %lt3A_216, %lt3A_218 : i1
      %and3A_220 = arith.andi %ne3A_219, %ne3A_214 : i1
      %add3A_221 = arith.addi %rem3A_212, %select_n3A_211 : i32
      %select_n3A_222 = arith.select %and3A_220, %add3A_221, %rem3A_212 : i32
      %dma_start3A_223 = arith.constant 1 : i32
      %dma_start3A_224 = arith.constant 0 : i32
      %dma_start3A_225 = arith.constant 0 : i32
      %dma_start3A_226 = tpu.memref_slice %arg7[%select_n3A_206, %dma_start3A_224, %dma_start3A_225] : memref<6x128x32xf32, #tpu.memory_space<vmem>> -> memref<1x128x32xf32, #tpu.memory_space<vmem>>
      %dma_start3A_227 = tpu.memref_squeeze %dma_start3A_226 : memref<1x128x32xf32, #tpu.memory_space<vmem>> -> memref<128x32xf32, #tpu.memory_space<vmem>>
      %dma_start3A_228 = arith.constant 0 : i32
      %dma_start3A_229 = tpu.memref_slice %arg6[%select_n3A_222, %dma_start3A_223, %dma_start3A_228] : memref<6x2x128xi32, #tpu.memory_space<vmem>> -> memref<1x1x128xi32, #tpu.memory_space<vmem>>
      %dma_start3A_230 = tpu.memref_squeeze %dma_start3A_229 : memref<1x1x128xi32, #tpu.memory_space<vmem>> -> memref<128xi32, #tpu.memory_space<vmem>>
      %dma_start3A_231 = arith.constant 0 : i32
      %dma_start3A_232 = arith.constant 0 : i32
      %dma_start3A_233 = tpu.memref_slice %arg8[%dma_start3A_231, %dma_start3A_232] : memref<10240x32xf32, #tpu.memory_space<vmem_shared>> -> memref<10240x32xf32, #tpu.memory_space<vmem_shared>>
      tpu.enqueue_indirect_dma source(%dma_start3A_227 : memref<128x32xf32, #tpu.memory_space<vmem>>) target(%dma_start3A_233 : memref<10240x32xf32, #tpu.memory_space<vmem_shared>>) offsets(%dma_start3A_230 : memref<128xi32, #tpu.memory_space<vmem>>) semaphore(%arg10 : memref<!tpu.dma_semaphore, #tpu.memory_space<semaphore_mem>>) {add = true}
      %add3A_234 = arith.constant 3 : i32
      %add3A_235 = arith.addi %while3A_151, %add3A_234 : i32
      %lt3A_236 = arith.cmpi slt, %add3A_235, %select_n3A : i32
      %ge3A = arith.constant 3 : i32
      %ge3A_237 = arith.cmpi sge, %while3A_151, %ge3A : i32
      %and3A_238 = arith.andi %lt3A_236, %ge3A_237 : i1
      %convert_element_type3A = arith.extui %and3A_238 : i1 to i32
      %cond3A = arith.constant 0 : i32
      %cond3A_239 = arith.cmpi ne, %convert_element_type3A, %cond3A : i32
      scf.if %cond3A_239 {
        %sub3A = arith.constant 3 : i32
        %sub3A_246 = arith.subi %while3A_151, %sub3A : i32
        %jit3A_247 = arith.constant 6 : i32
        %eq3A_248 = arith.constant 0 : i32
        %eq3A_249 = arith.cmpi eq, %jit3A_247, %eq3A_248 : i32
        %jit3A_250 = arith.constant 1 : i32
        %select_n3A_251 = arith.select %eq3A_249, %jit3A_250, %jit3A_247 : i32
        %rem3A_252 = arith.remsi %sub3A_246, %select_n3A_251 : i32
        %ne3A_253 = arith.constant 0 : i32
        %ne3A_254 = arith.cmpi ne, %rem3A_252, %ne3A_253 : i32
        %lt3A_255 = arith.constant 0 : i32
        %lt3A_256 = arith.cmpi slt, %rem3A_252, %lt3A_255 : i32
        %lt3A_257 = arith.constant 0 : i32
        %lt3A_258 = arith.cmpi slt, %select_n3A_251, %lt3A_257 : i32
        %ne3A_259 = arith.xori %lt3A_256, %lt3A_258 : i1
        %and3A_260 = arith.andi %ne3A_259, %ne3A_254 : i1
        %add3A_261 = arith.addi %rem3A_252, %select_n3A_251 : i32
        %select_n3A_262 = arith.select %and3A_260, %add3A_261, %rem3A_252 : i32
        %jit3A_263 = arith.constant 6 : i32
        %eq3A_264 = arith.constant 0 : i32
        %eq3A_265 = arith.cmpi eq, %jit3A_263, %eq3A_264 : i32
        %jit3A_266 = arith.constant 1 : i32
        %select_n3A_267 = arith.select %eq3A_265, %jit3A_266, %jit3A_263 : i32
        %rem3A_268 = arith.remsi %sub3A_246, %select_n3A_267 : i32
        %ne3A_269 = arith.constant 0 : i32
        %ne3A_270 = arith.cmpi ne, %rem3A_268, %ne3A_269 : i32
        %lt3A_271 = arith.constant 0 : i32
        %lt3A_272 = arith.cmpi slt, %rem3A_268, %lt3A_271 : i32
        %lt3A_273 = arith.constant 0 : i32
        %lt3A_274 = arith.cmpi slt, %select_n3A_267, %lt3A_273 : i32
        %ne3A_275 = arith.xori %lt3A_272, %lt3A_274 : i1
        %and3A_276 = arith.andi %ne3A_275, %ne3A_270 : i1
        %add3A_277 = arith.addi %rem3A_268, %select_n3A_267 : i32
        %select_n3A_278 = arith.select %and3A_276, %add3A_277, %rem3A_268 : i32
        %dma_wait3A_279 = arith.constant 1 : i32
        %dma_wait3A_280 = arith.constant 0 : i32
        %dma_wait3A_281 = arith.constant 0 : i32
        %dma_wait3A_282 = tpu.memref_slice %arg7[%select_n3A_262, %dma_wait3A_280, %dma_wait3A_281] : memref<6x128x32xf32, #tpu.memory_space<vmem>> -> memref<1x128x32xf32, #tpu.memory_space<vmem>>
        %dma_wait3A_283 = tpu.memref_squeeze %dma_wait3A_282 : memref<1x128x32xf32, #tpu.memory_space<vmem>> -> memref<128x32xf32, #tpu.memory_space<vmem>>
        %dma_wait3A_284 = arith.constant 0 : i32
        %dma_wait3A_285 = tpu.memref_slice %arg6[%select_n3A_278, %dma_wait3A_279, %dma_wait3A_284] : memref<6x2x128xi32, #tpu.memory_space<vmem>> -> memref<1x1x128xi32, #tpu.memory_space<vmem>>
        %dma_wait3A_286 = tpu.memref_squeeze %dma_wait3A_285 : memref<1x1x128xi32, #tpu.memory_space<vmem>> -> memref<128xi32, #tpu.memory_space<vmem>>
        %dma_wait3A_287 = arith.constant 0 : i32
        %dma_wait3A_288 = arith.constant 0 : i32
        %dma_wait3A_289 = tpu.memref_slice %arg8[%dma_wait3A_287, %dma_wait3A_288] : memref<10240x32xf32, #tpu.memory_space<vmem_shared>> -> memref<10240x32xf32, #tpu.memory_space<vmem_shared>>
        tpu.wait_indirect_dma semaphore(%arg10 : memref<!tpu.dma_semaphore, #tpu.memory_space<semaphore_mem>>) src(%dma_wait3A_283 : memref<128x32xf32, #tpu.memory_space<vmem>>) dst(%dma_wait3A_289 : memref<10240x32xf32, #tpu.memory_space<vmem_shared>>)
      } else {
      }
      %add3A_240 = arith.constant 3 : i32
      %add3A_241 = arith.addi %while3A_151, %add3A_240 : i32
      %lt3A_242 = arith.cmpi slt, %add3A_241, %select_n3A : i32
      %convert_element_type3A_243 = arith.extui %lt3A_242 : i1 to i32
      %cond3A_244 = arith.constant 0 : i32
      %cond3A_245 = arith.cmpi ne, %convert_element_type3A_243, %cond3A_244 : i32
      scf.if %cond3A_245 {
        %add3A_246 = arith.constant 3 : i32
        %add3A_247 = arith.addi %while3A_151, %add3A_246 : i32
        %add3A_248 = arith.addi %select_n3A_8, %add3A_247 : i32
        %jit3A_249 = arith.constant 6 : i32
        %eq3A_250 = arith.constant 0 : i32
        %eq3A_251 = arith.cmpi eq, %jit3A_249, %eq3A_250 : i32
        %jit3A_252 = arith.constant 1 : i32
        %select_n3A_253 = arith.select %eq3A_251, %jit3A_252, %jit3A_249 : i32
        %rem3A_254 = arith.remsi %add3A_247, %select_n3A_253 : i32
        %ne3A_255 = arith.constant 0 : i32
        %ne3A_256 = arith.cmpi ne, %rem3A_254, %ne3A_255 : i32
        %lt3A_257 = arith.constant 0 : i32
        %lt3A_258 = arith.cmpi slt, %rem3A_254, %lt3A_257 : i32
        %lt3A_259 = arith.constant 0 : i32
        %lt3A_260 = arith.cmpi slt, %select_n3A_253, %lt3A_259 : i32
        %ne3A_261 = arith.xori %lt3A_258, %lt3A_260 : i1
        %and3A_262 = arith.andi %ne3A_261, %ne3A_256 : i1
        %add3A_263 = arith.addi %rem3A_254, %select_n3A_253 : i32
        %select_n3A_264 = arith.select %and3A_262, %add3A_263, %rem3A_254 : i32
        "tpu.region"() ({
          %run_scoped3A_310 = tpu.sem_alloc : memref<!tpu.dma_semaphore, #tpu.memory_space<semaphore_mem>>
          %dma_start3A_311 = arith.constant 0 : i32
          %dma_start3A_312 = arith.constant 0 : i32
          %dma_start3A_313 = tpu.memref_slice %arg6[%select_n3A_264, %dma_start3A_311, %dma_start3A_312] : memref<6x2x128xi32, #tpu.memory_space<vmem>> -> memref<1x2x128xi32, #tpu.memory_space<vmem>>
          %dma_start3A_314 = tpu.memref_squeeze %dma_start3A_313 : memref<1x2x128xi32, #tpu.memory_space<vmem>> -> memref<2x128xi32, #tpu.memory_space<vmem>>
          %dma_start3A_315 = arith.constant 0 : i32
          %dma_start3A_316 = arith.constant 0 : i32
          %dma_start3A_317 = tpu.memref_slice %arg3[%add3A_248, %dma_start3A_315, %dma_start3A_316] : memref<2528x2x128xi32, #tpu.memory_space<hbm>> -> memref<1x2x128xi32, #tpu.memory_space<hbm>>
          %dma_start3A_318 = tpu.memref_squeeze %dma_start3A_317 : memref<1x2x128xi32, #tpu.memory_space<hbm>> -> memref<2x128xi32, #tpu.memory_space<hbm>>
          %dma_start3A_319 = arith.constant 0 : i32
          %dma_start3A_320 = arith.constant 0 : i32
          %dma_start3A_321 = tpu.memref_slice %arg6[%select_n3A_264, %dma_start3A_319, %dma_start3A_320] : memref<6x2x128xi32, #tpu.memory_space<vmem>> -> memref<1x2x128xi32, #tpu.memory_space<vmem>>
          %dma_start3A_322 = tpu.memref_squeeze %dma_start3A_321 : memref<1x2x128xi32, #tpu.memory_space<vmem>> -> memref<2x128xi32, #tpu.memory_space<vmem>>
          %dma_start3A_323 = arith.constant 0 : i32
          %dma_start3A_324 = arith.constant 0 : i32
          %dma_start3A_325 = tpu.memref_slice %arg3[%add3A_248, %dma_start3A_323, %dma_start3A_324] : memref<2528x2x128xi32, #tpu.memory_space<hbm>> -> memref<1x2x128xi32, #tpu.memory_space<hbm>>
          %dma_start3A_326 = tpu.memref_squeeze %dma_start3A_325 : memref<1x2x128xi32, #tpu.memory_space<hbm>> -> memref<2x128xi32, #tpu.memory_space<hbm>>
          tpu.enqueue_dma source(%dma_start3A_326 : memref<2x128xi32, #tpu.memory_space<hbm>>) target(%dma_start3A_322 : memref<2x128xi32, #tpu.memory_space<vmem>>) target_semaphore(%run_scoped3A_310 : memref<!tpu.dma_semaphore, #tpu.memory_space<semaphore_mem>>)
          %dma_wait3A_327 = arith.constant 0 : i32
          %dma_wait3A_328 = arith.constant 0 : i32
          %dma_wait3A_329 = tpu.memref_slice %arg6[%select_n3A_264, %dma_wait3A_327, %dma_wait3A_328] : memref<6x2x128xi32, #tpu.memory_space<vmem>> -> memref<1x2x128xi32, #tpu.memory_space<vmem>>
          %dma_wait3A_330 = tpu.memref_squeeze %dma_wait3A_329 : memref<1x2x128xi32, #tpu.memory_space<vmem>> -> memref<2x128xi32, #tpu.memory_space<vmem>>
          %dma_wait3A_331 = arith.constant 0 : i32
          %dma_wait3A_332 = arith.constant 0 : i32
          %dma_wait3A_333 = tpu.memref_slice %arg3[%add3A_248, %dma_wait3A_331, %dma_wait3A_332] : memref<2528x2x128xi32, #tpu.memory_space<hbm>> -> memref<1x2x128xi32, #tpu.memory_space<hbm>>
          %dma_wait3A_334 = tpu.memref_squeeze %dma_wait3A_333 : memref<1x2x128xi32, #tpu.memory_space<hbm>> -> memref<2x128xi32, #tpu.memory_space<hbm>>
          %dma_wait3A_335 = arith.constant 0 : i32
          %dma_wait3A_336 = arith.constant 0 : i32
          %dma_wait3A_337 = tpu.memref_slice %arg6[%select_n3A_264, %dma_wait3A_335, %dma_wait3A_336] : memref<6x2x128xi32, #tpu.memory_space<vmem>> -> memref<1x2x128xi32, #tpu.memory_space<vmem>>
          %dma_wait3A_338 = tpu.memref_squeeze %dma_wait3A_337 : memref<1x2x128xi32, #tpu.memory_space<vmem>> -> memref<2x128xi32, #tpu.memory_space<vmem>>
          %dma_wait3A_339 = arith.constant 0 : i32
          %dma_wait3A_340 = arith.constant 0 : i32
          %dma_wait3A_341 = tpu.memref_slice %arg3[%add3A_248, %dma_wait3A_339, %dma_wait3A_340] : memref<2528x2x128xi32, #tpu.memory_space<hbm>> -> memref<1x2x128xi32, #tpu.memory_space<hbm>>
          %dma_wait3A_342 = tpu.memref_squeeze %dma_wait3A_341 : memref<1x2x128xi32, #tpu.memory_space<hbm>> -> memref<2x128xi32, #tpu.memory_space<hbm>>
          tpu.wait_dma2 semaphore(%run_scoped3A_310 : memref<!tpu.dma_semaphore, #tpu.memory_space<semaphore_mem>>) src(%dma_wait3A_342 : memref<2x128xi32, #tpu.memory_space<hbm>>) dst(%dma_wait3A_338 : memref<2x128xi32, #tpu.memory_space<vmem>>)
          tpu.yield
        }) : () -> ()
        %add3A_265 = arith.constant 3 : i32
        %add3A_266 = arith.addi %while3A_151, %add3A_265 : i32
        %jit3A_267 = arith.constant 6 : i32
        %eq3A_268 = arith.constant 0 : i32
        %eq3A_269 = arith.cmpi eq, %jit3A_267, %eq3A_268 : i32
        %jit3A_270 = arith.constant 1 : i32
        %select_n3A_271 = arith.select %eq3A_269, %jit3A_270, %jit3A_267 : i32
        %rem3A_272 = arith.remsi %add3A_266, %select_n3A_271 : i32
        %ne3A_273 = arith.constant 0 : i32
        %ne3A_274 = arith.cmpi ne, %rem3A_272, %ne3A_273 : i32
        %lt3A_275 = arith.constant 0 : i32
        %lt3A_276 = arith.cmpi slt, %rem3A_272, %lt3A_275 : i32
        %lt3A_277 = arith.constant 0 : i32
        %lt3A_278 = arith.cmpi slt, %select_n3A_271, %lt3A_277 : i32
        %ne3A_279 = arith.xori %lt3A_276, %lt3A_278 : i1
        %and3A_280 = arith.andi %ne3A_279, %ne3A_274 : i1
        %add3A_281 = arith.addi %rem3A_272, %select_n3A_271 : i32
        %select_n3A_282 = arith.select %and3A_280, %add3A_281, %rem3A_272 : i32
        %jit3A_283 = arith.constant 6 : i32
        %eq3A_284 = arith.constant 0 : i32
        %eq3A_285 = arith.cmpi eq, %jit3A_283, %eq3A_284 : i32
        %jit3A_286 = arith.constant 1 : i32
        %select_n3A_287 = arith.select %eq3A_285, %jit3A_286, %jit3A_283 : i32
        %rem3A_288 = arith.remsi %add3A_266, %select_n3A_287 : i32
        %ne3A_289 = arith.constant 0 : i32
        %ne3A_290 = arith.cmpi ne, %rem3A_288, %ne3A_289 : i32
        %lt3A_291 = arith.constant 0 : i32
        %lt3A_292 = arith.cmpi slt, %rem3A_288, %lt3A_291 : i32
        %lt3A_293 = arith.constant 0 : i32
        %lt3A_294 = arith.cmpi slt, %select_n3A_287, %lt3A_293 : i32
        %ne3A_295 = arith.xori %lt3A_292, %lt3A_294 : i1
        %and3A_296 = arith.andi %ne3A_295, %ne3A_290 : i1
        %add3A_297 = arith.addi %rem3A_288, %select_n3A_287 : i32
        %select_n3A_298 = arith.select %and3A_296, %add3A_297, %rem3A_288 : i32
        %dma_start3A_299 = arith.constant 0 : i32
        %dma_start3A_300 = arith.constant 0 : i32
        %dma_start3A_301 = arith.constant 0 : i32
        %dma_start3A_302 = tpu.memref_slice %arg7[%select_n3A_298, %dma_start3A_300, %dma_start3A_301] : memref<6x128x32xf32, #tpu.memory_space<vmem>> -> memref<1x128x32xf32, #tpu.memory_space<vmem>>
        %dma_start3A_303 = tpu.memref_squeeze %dma_start3A_302 : memref<1x128x32xf32, #tpu.memory_space<vmem>> -> memref<128x32xf32, #tpu.memory_space<vmem>>
        %dma_start3A_304 = arith.constant 0 : i32
        %dma_start3A_305 = tpu.memref_slice %arg6[%select_n3A_282, %dma_start3A_299, %dma_start3A_304] : memref<6x2x128xi32, #tpu.memory_space<vmem>> -> memref<1x1x128xi32, #tpu.memory_space<vmem>>
        %dma_start3A_306 = tpu.memref_squeeze %dma_start3A_305 : memref<1x1x128xi32, #tpu.memory_space<vmem>> -> memref<128xi32, #tpu.memory_space<vmem>>
        %dma_start3A_307 = arith.constant 0 : i32
        %dma_start3A_308 = arith.constant 0 : i32
        %dma_start3A_309 = tpu.memref_slice %arg2[%dma_start3A_307, %dma_start3A_308] : memref<10240x32xf32, #tpu.memory_space<hbm>> -> memref<10240x32xf32, #tpu.memory_space<hbm>>
        tpu.enqueue_indirect_dma source(%dma_start3A_309 : memref<10240x32xf32, #tpu.memory_space<hbm>>) target(%dma_start3A_303 : memref<128x32xf32, #tpu.memory_space<vmem>>) offsets(%dma_start3A_306 : memref<128xi32, #tpu.memory_space<vmem>>) semaphore(%arg9 : memref<!tpu.dma_semaphore, #tpu.memory_space<semaphore_mem>>)
      } else {
      }
    }
    %while3A_67 = arith.constant 1 : i32
    scf.for %while3A_151 = %while3A_65 to %while3A_61 step %while3A_67  : i32 {
      %jit3A_152 = arith.constant 6 : i32
      %eq3A_153 = arith.constant 0 : i32
      %eq3A_154 = arith.cmpi eq, %jit3A_152, %eq3A_153 : i32
      %jit3A_155 = arith.constant 1 : i32
      %select_n3A_156 = arith.select %eq3A_154, %jit3A_155, %jit3A_152 : i32
      %rem3A = arith.remsi %while3A_151, %select_n3A_156 : i32
      %ne3A = arith.constant 0 : i32
      %ne3A_157 = arith.cmpi ne, %rem3A, %ne3A : i32
      %lt3A = arith.constant 0 : i32
      %lt3A_158 = arith.cmpi slt, %rem3A, %lt3A : i32
      %lt3A_159 = arith.constant 0 : i32
      %lt3A_160 = arith.cmpi slt, %select_n3A_156, %lt3A_159 : i32
      %ne3A_161 = arith.xori %lt3A_158, %lt3A_160 : i1
      %and3A = arith.andi %ne3A_161, %ne3A_157 : i1
      %add3A_162 = arith.addi %rem3A, %select_n3A_156 : i32
      %select_n3A_163 = arith.select %and3A, %add3A_162, %rem3A : i32
      %jit3A_164 = arith.constant 6 : i32
      %eq3A_165 = arith.constant 0 : i32
      %eq3A_166 = arith.cmpi eq, %jit3A_164, %eq3A_165 : i32
      %jit3A_167 = arith.constant 1 : i32
      %select_n3A_168 = arith.select %eq3A_166, %jit3A_167, %jit3A_164 : i32
      %rem3A_169 = arith.remsi %while3A_151, %select_n3A_168 : i32
      %ne3A_170 = arith.constant 0 : i32
      %ne3A_171 = arith.cmpi ne, %rem3A_169, %ne3A_170 : i32
      %lt3A_172 = arith.constant 0 : i32
      %lt3A_173 = arith.cmpi slt, %rem3A_169, %lt3A_172 : i32
      %lt3A_174 = arith.constant 0 : i32
      %lt3A_175 = arith.cmpi slt, %select_n3A_168, %lt3A_174 : i32
      %ne3A_176 = arith.xori %lt3A_173, %lt3A_175 : i1
      %and3A_177 = arith.andi %ne3A_176, %ne3A_171 : i1
      %add3A_178 = arith.addi %rem3A_169, %select_n3A_168 : i32
      %select_n3A_179 = arith.select %and3A_177, %add3A_178, %rem3A_169 : i32
      %dma_wait3A_180 = arith.constant 0 : i32
      %dma_wait3A_181 = arith.constant 0 : i32
      %dma_wait3A_182 = arith.constant 0 : i32
      %dma_wait3A_183 = tpu.memref_slice %arg7[%select_n3A_179, %dma_wait3A_181, %dma_wait3A_182] : memref<6x128x32xf32, #tpu.memory_space<vmem>> -> memref<1x128x32xf32, #tpu.memory_space<vmem>>
      %dma_wait3A_184 = tpu.memref_squeeze %dma_wait3A_183 : memref<1x128x32xf32, #tpu.memory_space<vmem>> -> memref<128x32xf32, #tpu.memory_space<vmem>>
      %dma_wait3A_185 = arith.constant 0 : i32
      %dma_wait3A_186 = tpu.memref_slice %arg6[%select_n3A_163, %dma_wait3A_180, %dma_wait3A_185] : memref<6x2x128xi32, #tpu.memory_space<vmem>> -> memref<1x1x128xi32, #tpu.memory_space<vmem>>
      %dma_wait3A_187 = tpu.memref_squeeze %dma_wait3A_186 : memref<1x1x128xi32, #tpu.memory_space<vmem>> -> memref<128xi32, #tpu.memory_space<vmem>>
      %dma_wait3A_188 = arith.constant 0 : i32
      %dma_wait3A_189 = arith.constant 0 : i32
      %dma_wait3A_190 = tpu.memref_slice %arg2[%dma_wait3A_188, %dma_wait3A_189] : memref<10240x32xf32, #tpu.memory_space<hbm>> -> memref<10240x32xf32, #tpu.memory_space<hbm>>
      tpu.wait_indirect_dma semaphore(%arg9 : memref<!tpu.dma_semaphore, #tpu.memory_space<semaphore_mem>>) src(%dma_wait3A_190 : memref<10240x32xf32, #tpu.memory_space<hbm>>) dst(%dma_wait3A_184 : memref<128x32xf32, #tpu.memory_space<vmem>>)
      %jit3A_191 = arith.constant 6 : i32
      %eq3A_192 = arith.constant 0 : i32
      %eq3A_193 = arith.cmpi eq, %jit3A_191, %eq3A_192 : i32
      %jit3A_194 = arith.constant 1 : i32
      %select_n3A_195 = arith.select %eq3A_193, %jit3A_194, %jit3A_191 : i32
      %rem3A_196 = arith.remsi %while3A_151, %select_n3A_195 : i32
      %ne3A_197 = arith.constant 0 : i32
      %ne3A_198 = arith.cmpi ne, %rem3A_196, %ne3A_197 : i32
      %lt3A_199 = arith.constant 0 : i32
      %lt3A_200 = arith.cmpi slt, %rem3A_196, %lt3A_199 : i32
      %lt3A_201 = arith.constant 0 : i32
      %lt3A_202 = arith.cmpi slt, %select_n3A_195, %lt3A_201 : i32
      %ne3A_203 = arith.xori %lt3A_200, %lt3A_202 : i1
      %and3A_204 = arith.andi %ne3A_203, %ne3A_198 : i1
      %add3A_205 = arith.addi %rem3A_196, %select_n3A_195 : i32
      %select_n3A_206 = arith.select %and3A_204, %add3A_205, %rem3A_196 : i32
      %jit3A_207 = arith.constant 6 : i32
      %eq3A_208 = arith.constant 0 : i32
      %eq3A_209 = arith.cmpi eq, %jit3A_207, %eq3A_208 : i32
      %jit3A_210 = arith.constant 1 : i32
      %select_n3A_211 = arith.select %eq3A_209, %jit3A_210, %jit3A_207 : i32
      %rem3A_212 = arith.remsi %while3A_151, %select_n3A_211 : i32
      %ne3A_213 = arith.constant 0 : i32
      %ne3A_214 = arith.cmpi ne, %rem3A_212, %ne3A_213 : i32
      %lt3A_215 = arith.constant 0 : i32
      %lt3A_216 = arith.cmpi slt, %rem3A_212, %lt3A_215 : i32
      %lt3A_217 = arith.constant 0 : i32
      %lt3A_218 = arith.cmpi slt, %select_n3A_211, %lt3A_217 : i32
      %ne3A_219 = arith.xori %lt3A_216, %lt3A_218 : i1
      %and3A_220 = arith.andi %ne3A_219, %ne3A_214 : i1
      %add3A_221 = arith.addi %rem3A_212, %select_n3A_211 : i32
      %select_n3A_222 = arith.select %and3A_220, %add3A_221, %rem3A_212 : i32
      %dma_start3A_223 = arith.constant 1 : i32
      %dma_start3A_224 = arith.constant 0 : i32
      %dma_start3A_225 = arith.constant 0 : i32
      %dma_start3A_226 = tpu.memref_slice %arg7[%select_n3A_206, %dma_start3A_224, %dma_start3A_225] : memref<6x128x32xf32, #tpu.memory_space<vmem>> -> memref<1x128x32xf32, #tpu.memory_space<vmem>>
      %dma_start3A_227 = tpu.memref_squeeze %dma_start3A_226 : memref<1x128x32xf32, #tpu.memory_space<vmem>> -> memref<128x32xf32, #tpu.memory_space<vmem>>
      %dma_start3A_228 = arith.constant 0 : i32
      %dma_start3A_229 = tpu.memref_slice %arg6[%select_n3A_222, %dma_start3A_223, %dma_start3A_228] : memref<6x2x128xi32, #tpu.memory_space<vmem>> -> memref<1x1x128xi32, #tpu.memory_space<vmem>>
      %dma_start3A_230 = tpu.memref_squeeze %dma_start3A_229 : memref<1x1x128xi32, #tpu.memory_space<vmem>> -> memref<128xi32, #tpu.memory_space<vmem>>
      %dma_start3A_231 = arith.constant 0 : i32
      %dma_start3A_232 = arith.constant 0 : i32
      %dma_start3A_233 = tpu.memref_slice %arg8[%dma_start3A_231, %dma_start3A_232] : memref<10240x32xf32, #tpu.memory_space<vmem_shared>> -> memref<10240x32xf32, #tpu.memory_space<vmem_shared>>
      tpu.enqueue_indirect_dma source(%dma_start3A_227 : memref<128x32xf32, #tpu.memory_space<vmem>>) target(%dma_start3A_233 : memref<10240x32xf32, #tpu.memory_space<vmem_shared>>) offsets(%dma_start3A_230 : memref<128xi32, #tpu.memory_space<vmem>>) semaphore(%arg10 : memref<!tpu.dma_semaphore, #tpu.memory_space<semaphore_mem>>) {add = true}
      %add3A_234 = arith.constant 3 : i32
      %add3A_235 = arith.addi %while3A_151, %add3A_234 : i32
      %lt3A_236 = arith.cmpi slt, %add3A_235, %select_n3A : i32
      %ge3A = arith.constant 3 : i32
      %ge3A_237 = arith.cmpi sge, %while3A_151, %ge3A : i32
      %and3A_238 = arith.andi %lt3A_236, %ge3A_237 : i1
      %convert_element_type3A = arith.extui %and3A_238 : i1 to i32
      %cond3A = arith.constant 0 : i32
      %cond3A_239 = arith.cmpi ne, %convert_element_type3A, %cond3A : i32
      scf.if %cond3A_239 {
        %sub3A = arith.constant 3 : i32
        %sub3A_246 = arith.subi %while3A_151, %sub3A : i32
        %jit3A_247 = arith.constant 6 : i32
        %eq3A_248 = arith.constant 0 : i32
        %eq3A_249 = arith.cmpi eq, %jit3A_247, %eq3A_248 : i32
        %jit3A_250 = arith.constant 1 : i32
        %select_n3A_251 = arith.select %eq3A_249, %jit3A_250, %jit3A_247 : i32
        %rem3A_252 = arith.remsi %sub3A_246, %select_n3A_251 : i32
        %ne3A_253 = arith.constant 0 : i32
        %ne3A_254 = arith.cmpi ne, %rem3A_252, %ne3A_253 : i32
        %lt3A_255 = arith.constant 0 : i32
        %lt3A_256 = arith.cmpi slt, %rem3A_252, %lt3A_255 : i32
        %lt3A_257 = arith.constant 0 : i32
        %lt3A_258 = arith.cmpi slt, %select_n3A_251, %lt3A_257 : i32
        %ne3A_259 = arith.xori %lt3A_256, %lt3A_258 : i1
        %and3A_260 = arith.andi %ne3A_259, %ne3A_254 : i1
        %add3A_261 = arith.addi %rem3A_252, %select_n3A_251 : i32
        %select_n3A_262 = arith.select %and3A_260, %add3A_261, %rem3A_252 : i32
        %jit3A_263 = arith.constant 6 : i32
        %eq3A_264 = arith.constant 0 : i32
        %eq3A_265 = arith.cmpi eq, %jit3A_263, %eq3A_264 : i32
        %jit3A_266 = arith.constant 1 : i32
        %select_n3A_267 = arith.select %eq3A_265, %jit3A_266, %jit3A_263 : i32
        %rem3A_268 = arith.remsi %sub3A_246, %select_n3A_267 : i32
        %ne3A_269 = arith.constant 0 : i32
        %ne3A_270 = arith.cmpi ne, %rem3A_268, %ne3A_269 : i32
        %lt3A_271 = arith.constant 0 : i32
        %lt3A_272 = arith.cmpi slt, %rem3A_268, %lt3A_271 : i32
        %lt3A_273 = arith.constant 0 : i32
        %lt3A_274 = arith.cmpi slt, %select_n3A_267, %lt3A_273 : i32
        %ne3A_275 = arith.xori %lt3A_272, %lt3A_274 : i1
        %and3A_276 = arith.andi %ne3A_275, %ne3A_270 : i1
        %add3A_277 = arith.addi %rem3A_268, %select_n3A_267 : i32
        %select_n3A_278 = arith.select %and3A_276, %add3A_277, %rem3A_268 : i32
        %dma_wait3A_279 = arith.constant 1 : i32
        %dma_wait3A_280 = arith.constant 0 : i32
        %dma_wait3A_281 = arith.constant 0 : i32
        %dma_wait3A_282 = tpu.memref_slice %arg7[%select_n3A_262, %dma_wait3A_280, %dma_wait3A_281] : memref<6x128x32xf32, #tpu.memory_space<vmem>> -> memref<1x128x32xf32, #tpu.memory_space<vmem>>
        %dma_wait3A_283 = tpu.memref_squeeze %dma_wait3A_282 : memref<1x128x32xf32, #tpu.memory_space<vmem>> -> memref<128x32xf32, #tpu.memory_space<vmem>>
        %dma_wait3A_284 = arith.constant 0 : i32
        %dma_wait3A_285 = tpu.memref_slice %arg6[%select_n3A_278, %dma_wait3A_279, %dma_wait3A_284] : memref<6x2x128xi32, #tpu.memory_space<vmem>> -> memref<1x1x128xi32, #tpu.memory_space<vmem>>
        %dma_wait3A_286 = tpu.memref_squeeze %dma_wait3A_285 : memref<1x1x128xi32, #tpu.memory_space<vmem>> -> memref<128xi32, #tpu.memory_space<vmem>>
        %dma_wait3A_287 = arith.constant 0 : i32
        %dma_wait3A_288 = arith.constant 0 : i32
        %dma_wait3A_289 = tpu.memref_slice %arg8[%dma_wait3A_287, %dma_wait3A_288] : memref<10240x32xf32, #tpu.memory_space<vmem_shared>> -> memref<10240x32xf32, #tpu.memory_space<vmem_shared>>
        tpu.wait_indirect_dma semaphore(%arg10 : memref<!tpu.dma_semaphore, #tpu.memory_space<semaphore_mem>>) src(%dma_wait3A_283 : memref<128x32xf32, #tpu.memory_space<vmem>>) dst(%dma_wait3A_289 : memref<10240x32xf32, #tpu.memory_space<vmem_shared>>)
      } else {
      }
      %add3A_240 = arith.constant 3 : i32
      %add3A_241 = arith.addi %while3A_151, %add3A_240 : i32
      %lt3A_242 = arith.cmpi slt, %add3A_241, %select_n3A : i32
      %convert_element_type3A_243 = arith.extui %lt3A_242 : i1 to i32
      %cond3A_244 = arith.constant 0 : i32
      %cond3A_245 = arith.cmpi ne, %convert_element_type3A_243, %cond3A_244 : i32
      scf.if %cond3A_245 {
        %add3A_246 = arith.constant 3 : i32
        %add3A_247 = arith.addi %while3A_151, %add3A_246 : i32
        %add3A_248 = arith.addi %select_n3A_8, %add3A_247 : i32
        %jit3A_249 = arith.constant 6 : i32
        %eq3A_250 = arith.constant 0 : i32
        %eq3A_251 = arith.cmpi eq, %jit3A_249, %eq3A_250 : i32
        %jit3A_252 = arith.constant 1 : i32
        %select_n3A_253 = arith.select %eq3A_251, %jit3A_252, %jit3A_249 : i32
        %rem3A_254 = arith.remsi %add3A_247, %select_n3A_253 : i32
        %ne3A_255 = arith.constant 0 : i32
        %ne3A_256 = arith.cmpi ne, %rem3A_254, %ne3A_255 : i32
        %lt3A_257 = arith.constant 0 : i32
        %lt3A_258 = arith.cmpi slt, %rem3A_254, %lt3A_257 : i32
        %lt3A_259 = arith.constant 0 : i32
        %lt3A_260 = arith.cmpi slt, %select_n3A_253, %lt3A_259 : i32
        %ne3A_261 = arith.xori %lt3A_258, %lt3A_260 : i1
        %and3A_262 = arith.andi %ne3A_261, %ne3A_256 : i1
        %add3A_263 = arith.addi %rem3A_254, %select_n3A_253 : i32
        %select_n3A_264 = arith.select %and3A_262, %add3A_263, %rem3A_254 : i32
        "tpu.region"() ({
          %run_scoped3A_310 = tpu.sem_alloc : memref<!tpu.dma_semaphore, #tpu.memory_space<semaphore_mem>>
          %dma_start3A_311 = arith.constant 0 : i32
          %dma_start3A_312 = arith.constant 0 : i32
          %dma_start3A_313 = tpu.memref_slice %arg6[%select_n3A_264, %dma_start3A_311, %dma_start3A_312] : memref<6x2x128xi32, #tpu.memory_space<vmem>> -> memref<1x2x128xi32, #tpu.memory_space<vmem>>
          %dma_start3A_314 = tpu.memref_squeeze %dma_start3A_313 : memref<1x2x128xi32, #tpu.memory_space<vmem>> -> memref<2x128xi32, #tpu.memory_space<vmem>>
          %dma_start3A_315 = arith.constant 0 : i32
          %dma_start3A_316 = arith.constant 0 : i32
          %dma_start3A_317 = tpu.memref_slice %arg3[%add3A_248, %dma_start3A_315, %dma_start3A_316] : memref<2528x2x128xi32, #tpu.memory_space<hbm>> -> memref<1x2x128xi32, #tpu.memory_space<hbm>>
          %dma_start3A_318 = tpu.memref_squeeze %dma_start3A_317 : memref<1x2x128xi32, #tpu.memory_space<hbm>> -> memref<2x128xi32, #tpu.memory_space<hbm>>
          %dma_start3A_319 = arith.constant 0 : i32
          %dma_start3A_320 = arith.constant 0 : i32
          %dma_start3A_321 = tpu.memref_slice %arg6[%select_n3A_264, %dma_start3A_319, %dma_start3A_320] : memref<6x2x128xi32, #tpu.memory_space<vmem>> -> memref<1x2x128xi32, #tpu.memory_space<vmem>>
          %dma_start3A_322 = tpu.memref_squeeze %dma_start3A_321 : memref<1x2x128xi32, #tpu.memory_space<vmem>> -> memref<2x128xi32, #tpu.memory_space<vmem>>
          %dma_start3A_323 = arith.constant 0 : i32
          %dma_start3A_324 = arith.constant 0 : i32
          %dma_start3A_325 = tpu.memref_slice %arg3[%add3A_248, %dma_start3A_323, %dma_start3A_324] : memref<2528x2x128xi32, #tpu.memory_space<hbm>> -> memref<1x2x128xi32, #tpu.memory_space<hbm>>
          %dma_start3A_326 = tpu.memref_squeeze %dma_start3A_325 : memref<1x2x128xi32, #tpu.memory_space<hbm>> -> memref<2x128xi32, #tpu.memory_space<hbm>>
          tpu.enqueue_dma source(%dma_start3A_326 : memref<2x128xi32, #tpu.memory_space<hbm>>) target(%dma_start3A_322 : memref<2x128xi32, #tpu.memory_space<vmem>>) target_semaphore(%run_scoped3A_310 : memref<!tpu.dma_semaphore, #tpu.memory_space<semaphore_mem>>)
          %dma_wait3A_327 = arith.constant 0 : i32
          %dma_wait3A_328 = arith.constant 0 : i32
          %dma_wait3A_329 = tpu.memref_slice %arg6[%select_n3A_264, %dma_wait3A_327, %dma_wait3A_328] : memref<6x2x128xi32, #tpu.memory_space<vmem>> -> memref<1x2x128xi32, #tpu.memory_space<vmem>>
          %dma_wait3A_330 = tpu.memref_squeeze %dma_wait3A_329 : memref<1x2x128xi32, #tpu.memory_space<vmem>> -> memref<2x128xi32, #tpu.memory_space<vmem>>
          %dma_wait3A_331 = arith.constant 0 : i32
          %dma_wait3A_332 = arith.constant 0 : i32
          %dma_wait3A_333 = tpu.memref_slice %arg3[%add3A_248, %dma_wait3A_331, %dma_wait3A_332] : memref<2528x2x128xi32, #tpu.memory_space<hbm>> -> memref<1x2x128xi32, #tpu.memory_space<hbm>>
          %dma_wait3A_334 = tpu.memref_squeeze %dma_wait3A_333 : memref<1x2x128xi32, #tpu.memory_space<hbm>> -> memref<2x128xi32, #tpu.memory_space<hbm>>
          %dma_wait3A_335 = arith.constant 0 : i32
          %dma_wait3A_336 = arith.constant 0 : i32
          %dma_wait3A_337 = tpu.memref_slice %arg6[%select_n3A_264, %dma_wait3A_335, %dma_wait3A_336] : memref<6x2x128xi32, #tpu.memory_space<vmem>> -> memref<1x2x128xi32, #tpu.memory_space<vmem>>
          %dma_wait3A_338 = tpu.memref_squeeze %dma_wait3A_337 : memref<1x2x128xi32, #tpu.memory_space<vmem>> -> memref<2x128xi32, #tpu.memory_space<vmem>>
          %dma_wait3A_339 = arith.constant 0 : i32
          %dma_wait3A_340 = arith.constant 0 : i32
          %dma_wait3A_341 = tpu.memref_slice %arg3[%add3A_248, %dma_wait3A_339, %dma_wait3A_340] : memref<2528x2x128xi32, #tpu.memory_space<hbm>> -> memref<1x2x128xi32, #tpu.memory_space<hbm>>
          %dma_wait3A_342 = tpu.memref_squeeze %dma_wait3A_341 : memref<1x2x128xi32, #tpu.memory_space<hbm>> -> memref<2x128xi32, #tpu.memory_space<hbm>>
          tpu.wait_dma2 semaphore(%run_scoped3A_310 : memref<!tpu.dma_semaphore, #tpu.memory_space<semaphore_mem>>) src(%dma_wait3A_342 : memref<2x128xi32, #tpu.memory_space<hbm>>) dst(%dma_wait3A_338 : memref<2x128xi32, #tpu.memory_space<vmem>>)
          tpu.yield
        }) : () -> ()
        %add3A_265 = arith.constant 3 : i32
        %add3A_266 = arith.addi %while3A_151, %add3A_265 : i32
        %jit3A_267 = arith.constant 6 : i32
        %eq3A_268 = arith.constant 0 : i32
        %eq3A_269 = arith.cmpi eq, %jit3A_267, %eq3A_268 : i32
        %jit3A_270 = arith.constant 1 : i32
        %select_n3A_271 = arith.select %eq3A_269, %jit3A_270, %jit3A_267 : i32
        %rem3A_272 = arith.remsi %add3A_266, %select_n3A_271 : i32
        %ne3A_273 = arith.constant 0 : i32
        %ne3A_274 = arith.cmpi ne, %rem3A_272, %ne3A_273 : i32
        %lt3A_275 = arith.constant 0 : i32
        %lt3A_276 = arith.cmpi slt, %rem3A_272, %lt3A_275 : i32
        %lt3A_277 = arith.constant 0 : i32
        %lt3A_278 = arith.cmpi slt, %select_n3A_271, %lt3A_277 : i32
        %ne3A_279 = arith.xori %lt3A_276, %lt3A_278 : i1
        %and3A_280 = arith.andi %ne3A_279, %ne3A_274 : i1
        %add3A_281 = arith.addi %rem3A_272, %select_n3A_271 : i32
        %select_n3A_282 = arith.select %and3A_280, %add3A_281, %rem3A_272 : i32
        %jit3A_283 = arith.constant 6 : i32
        %eq3A_284 = arith.constant 0 : i32
        %eq3A_285 = arith.cmpi eq, %jit3A_283, %eq3A_284 : i32
        %jit3A_286 = arith.constant 1 : i32
        %select_n3A_287 = arith.select %eq3A_285, %jit3A_286, %jit3A_283 : i32
        %rem3A_288 = arith.remsi %add3A_266, %select_n3A_287 : i32
        %ne3A_289 = arith.constant 0 : i32
        %ne3A_290 = arith.cmpi ne, %rem3A_288, %ne3A_289 : i32
        %lt3A_291 = arith.constant 0 : i32
        %lt3A_292 = arith.cmpi slt, %rem3A_288, %lt3A_291 : i32
        %lt3A_293 = arith.constant 0 : i32
        %lt3A_294 = arith.cmpi slt, %select_n3A_287, %lt3A_293 : i32
        %ne3A_295 = arith.xori %lt3A_292, %lt3A_294 : i1
        %and3A_296 = arith.andi %ne3A_295, %ne3A_290 : i1
        %add3A_297 = arith.addi %rem3A_288, %select_n3A_287 : i32
        %select_n3A_298 = arith.select %and3A_296, %add3A_297, %rem3A_288 : i32
        %dma_start3A_299 = arith.constant 0 : i32
        %dma_start3A_300 = arith.constant 0 : i32
        %dma_start3A_301 = arith.constant 0 : i32
        %dma_start3A_302 = tpu.memref_slice %arg7[%select_n3A_298, %dma_start3A_300, %dma_start3A_301] : memref<6x128x32xf32, #tpu.memory_space<vmem>> -> memref<1x128x32xf32, #tpu.memory_space<vmem>>
        %dma_start3A_303 = tpu.memref_squeeze %dma_start3A_302 : memref<1x128x32xf32, #tpu.memory_space<vmem>> -> memref<128x32xf32, #tpu.memory_space<vmem>>
        %dma_start3A_304 = arith.constant 0 : i32
        %dma_start3A_305 = tpu.memref_slice %arg6[%select_n3A_282, %dma_start3A_299, %dma_start3A_304] : memref<6x2x128xi32, #tpu.memory_space<vmem>> -> memref<1x1x128xi32, #tpu.memory_space<vmem>>
        %dma_start3A_306 = tpu.memref_squeeze %dma_start3A_305 : memref<1x1x128xi32, #tpu.memory_space<vmem>> -> memref<128xi32, #tpu.memory_space<vmem>>
        %dma_start3A_307 = arith.constant 0 : i32
        %dma_start3A_308 = arith.constant 0 : i32
        %dma_start3A_309 = tpu.memref_slice %arg2[%dma_start3A_307, %dma_start3A_308] : memref<10240x32xf32, #tpu.memory_space<hbm>> -> memref<10240x32xf32, #tpu.memory_space<hbm>>
        tpu.enqueue_indirect_dma source(%dma_start3A_309 : memref<10240x32xf32, #tpu.memory_space<hbm>>) target(%dma_start3A_303 : memref<128x32xf32, #tpu.memory_space<vmem>>) offsets(%dma_start3A_306 : memref<128xi32, #tpu.memory_space<vmem>>) semaphore(%arg9 : memref<!tpu.dma_semaphore, #tpu.memory_space<semaphore_mem>>)
      } else {
      }
    }
    %dma_wait3A = arith.constant 0 : i32
    %dma_wait3A_68 = arith.constant 0 : i32
    %dma_wait3A_69 = arith.constant 1 : i32
    %dma_wait3A_70 = arith.constant 0 : i32
    %dma_wait3A_71 = arith.constant 0 : i32
    %dma_wait3A_72 = tpu.memref_slice %arg7[%dma_wait3A, %dma_wait3A_70, %dma_wait3A_71] : memref<6x128x32xf32, #tpu.memory_space<vmem>> -> memref<1x128x32xf32, #tpu.memory_space<vmem>>
    %dma_wait3A_73 = tpu.memref_squeeze %dma_wait3A_72 : memref<1x128x32xf32, #tpu.memory_space<vmem>> -> memref<128x32xf32, #tpu.memory_space<vmem>>
    %dma_wait3A_74 = arith.constant 0 : i32
    %dma_wait3A_75 = tpu.memref_slice %arg6[%dma_wait3A_68, %dma_wait3A_69, %dma_wait3A_74] : memref<6x2x128xi32, #tpu.memory_space<vmem>> -> memref<1x1x128xi32, #tpu.memory_space<vmem>>
    %dma_wait3A_76 = tpu.memref_squeeze %dma_wait3A_75 : memref<1x1x128xi32, #tpu.memory_space<vmem>> -> memref<128xi32, #tpu.memory_space<vmem>>
    %dma_wait3A_77 = arith.constant 0 : i32
    %dma_wait3A_78 = arith.constant 0 : i32
    %dma_wait3A_79 = tpu.memref_slice %arg8[%dma_wait3A_77, %dma_wait3A_78] : memref<10240x32xf32, #tpu.memory_space<vmem_shared>> -> memref<10240x32xf32, #tpu.memory_space<vmem_shared>>
    tpu.wait_indirect_dma semaphore(%arg10 : memref<!tpu.dma_semaphore, #tpu.memory_space<semaphore_mem>>) src(%dma_wait3A_73 : memref<128x32xf32, #tpu.memory_space<vmem>>) dst(%dma_wait3A_79 : memref<10240x32xf32, #tpu.memory_space<vmem_shared>>)
    %dma_wait3A_80 = arith.constant 1 : i32
    %dma_wait3A_81 = arith.constant 1 : i32
    %dma_wait3A_82 = arith.constant 1 : i32
    %dma_wait3A_83 = arith.constant 0 : i32
    %dma_wait3A_84 = arith.constant 0 : i32
    %dma_wait3A_85 = tpu.memref_slice %arg7[%dma_wait3A_80, %dma_wait3A_83, %dma_wait3A_84] : memref<6x128x32xf32, #tpu.memory_space<vmem>> -> memref<1x128x32xf32, #tpu.memory_space<vmem>>
    %dma_wait3A_86 = tpu.memref_squeeze %dma_wait3A_85 : memref<1x128x32xf32, #tpu.memory_space<vmem>> -> memref<128x32xf32, #tpu.memory_space<vmem>>
    %dma_wait3A_87 = arith.constant 0 : i32
    %dma_wait3A_88 = tpu.memref_slice %arg6[%dma_wait3A_81, %dma_wait3A_82, %dma_wait3A_87] : memref<6x2x128xi32, #tpu.memory_space<vmem>> -> memref<1x1x128xi32, #tpu.memory_space<vmem>>
    %dma_wait3A_89 = tpu.memref_squeeze %dma_wait3A_88 : memref<1x1x128xi32, #tpu.memory_space<vmem>> -> memref<128xi32, #tpu.memory_space<vmem>>
    %dma_wait3A_90 = arith.constant 0 : i32
    %dma_wait3A_91 = arith.constant 0 : i32
    %dma_wait3A_92 = tpu.memref_slice %arg8[%dma_wait3A_90, %dma_wait3A_91] : memref<10240x32xf32, #tpu.memory_space<vmem_shared>> -> memref<10240x32xf32, #tpu.memory_space<vmem_shared>>
    tpu.wait_indirect_dma semaphore(%arg10 : memref<!tpu.dma_semaphore, #tpu.memory_space<semaphore_mem>>) src(%dma_wait3A_86 : memref<128x32xf32, #tpu.memory_space<vmem>>) dst(%dma_wait3A_92 : memref<10240x32xf32, #tpu.memory_space<vmem_shared>>)
    %dma_wait3A_93 = arith.constant 2 : i32
    %dma_wait3A_94 = arith.constant 2 : i32
    %dma_wait3A_95 = arith.constant 1 : i32
    %dma_wait3A_96 = arith.constant 0 : i32
    %dma_wait3A_97 = arith.constant 0 : i32
    %dma_wait3A_98 = tpu.memref_slice %arg7[%dma_wait3A_93, %dma_wait3A_96, %dma_wait3A_97] : memref<6x128x32xf32, #tpu.memory_space<vmem>> -> memref<1x128x32xf32, #tpu.memory_space<vmem>>
    %dma_wait3A_99 = tpu.memref_squeeze %dma_wait3A_98 : memref<1x128x32xf32, #tpu.memory_space<vmem>> -> memref<128x32xf32, #tpu.memory_space<vmem>>
    %dma_wait3A_100 = arith.constant 0 : i32
    %dma_wait3A_101 = tpu.memref_slice %arg6[%dma_wait3A_94, %dma_wait3A_95, %dma_wait3A_100] : memref<6x2x128xi32, #tpu.memory_space<vmem>> -> memref<1x1x128xi32, #tpu.memory_space<vmem>>
    %dma_wait3A_102 = tpu.memref_squeeze %dma_wait3A_101 : memref<1x1x128xi32, #tpu.memory_space<vmem>> -> memref<128xi32, #tpu.memory_space<vmem>>
    %dma_wait3A_103 = arith.constant 0 : i32
    %dma_wait3A_104 = arith.constant 0 : i32
    %dma_wait3A_105 = tpu.memref_slice %arg8[%dma_wait3A_103, %dma_wait3A_104] : memref<10240x32xf32, #tpu.memory_space<vmem_shared>> -> memref<10240x32xf32, #tpu.memory_space<vmem_shared>>
    tpu.wait_indirect_dma semaphore(%arg10 : memref<!tpu.dma_semaphore, #tpu.memory_space<semaphore_mem>>) src(%dma_wait3A_99 : memref<128x32xf32, #tpu.memory_space<vmem>>) dst(%dma_wait3A_105 : memref<10240x32xf32, #tpu.memory_space<vmem_shared>>)
    %dma_wait3A_106 = arith.constant 3 : i32
    %dma_wait3A_107 = arith.constant 3 : i32
    %dma_wait3A_108 = arith.constant 1 : i32
    %dma_wait3A_109 = arith.constant 0 : i32
    %dma_wait3A_110 = arith.constant 0 : i32
    %dma_wait3A_111 = tpu.memref_slice %arg7[%dma_wait3A_106, %dma_wait3A_109, %dma_wait3A_110] : memref<6x128x32xf32, #tpu.memory_space<vmem>> -> memref<1x128x32xf32, #tpu.memory_space<vmem>>
    %dma_wait3A_112 = tpu.memref_squeeze %dma_wait3A_111 : memref<1x128x32xf32, #tpu.memory_space<vmem>> -> memref<128x32xf32, #tpu.memory_space<vmem>>
    %dma_wait3A_113 = arith.constant 0 : i32
    %dma_wait3A_114 = tpu.memref_slice %arg6[%dma_wait3A_107, %dma_wait3A_108, %dma_wait3A_113] : memref<6x2x128xi32, #tpu.memory_space<vmem>> -> memref<1x1x128xi32, #tpu.memory_space<vmem>>
    %dma_wait3A_115 = tpu.memref_squeeze %dma_wait3A_114 : memref<1x1x128xi32, #tpu.memory_space<vmem>> -> memref<128xi32, #tpu.memory_space<vmem>>
    %dma_wait3A_116 = arith.constant 0 : i32
    %dma_wait3A_117 = arith.constant 0 : i32
    %dma_wait3A_118 = tpu.memref_slice %arg8[%dma_wait3A_116, %dma_wait3A_117] : memref<10240x32xf32, #tpu.memory_space<vmem_shared>> -> memref<10240x32xf32, #tpu.memory_space<vmem_shared>>
    tpu.wait_indirect_dma semaphore(%arg10 : memref<!tpu.dma_semaphore, #tpu.memory_space<semaphore_mem>>) src(%dma_wait3A_112 : memref<128x32xf32, #tpu.memory_space<vmem>>) dst(%dma_wait3A_118 : memref<10240x32xf32, #tpu.memory_space<vmem_shared>>)
    %dma_wait3A_119 = arith.constant 4 : i32
    %dma_wait3A_120 = arith.constant 4 : i32
    %dma_wait3A_121 = arith.constant 1 : i32
    %dma_wait3A_122 = arith.constant 0 : i32
    %dma_wait3A_123 = arith.constant 0 : i32
    %dma_wait3A_124 = tpu.memref_slice %arg7[%dma_wait3A_119, %dma_wait3A_122, %dma_wait3A_123] : memref<6x128x32xf32, #tpu.memory_space<vmem>> -> memref<1x128x32xf32, #tpu.memory_space<vmem>>
    %dma_wait3A_125 = tpu.memref_squeeze %dma_wait3A_124 : memref<1x128x32xf32, #tpu.memory_space<vmem>> -> memref<128x32xf32, #tpu.memory_space<vmem>>
    %dma_wait3A_126 = arith.constant 0 : i32
    %dma_wait3A_127 = tpu.memref_slice %arg6[%dma_wait3A_120, %dma_wait3A_121, %dma_wait3A_126] : memref<6x2x128xi32, #tpu.memory_space<vmem>> -> memref<1x1x128xi32, #tpu.memory_space<vmem>>
    %dma_wait3A_128 = tpu.memref_squeeze %dma_wait3A_127 : memref<1x1x128xi32, #tpu.memory_space<vmem>> -> memref<128xi32, #tpu.memory_space<vmem>>
    %dma_wait3A_129 = arith.constant 0 : i32
    %dma_wait3A_130 = arith.constant 0 : i32
    %dma_wait3A_131 = tpu.memref_slice %arg8[%dma_wait3A_129, %dma_wait3A_130] : memref<10240x32xf32, #tpu.memory_space<vmem_shared>> -> memref<10240x32xf32, #tpu.memory_space<vmem_shared>>
    tpu.wait_indirect_dma semaphore(%arg10 : memref<!tpu.dma_semaphore, #tpu.memory_space<semaphore_mem>>) src(%dma_wait3A_125 : memref<128x32xf32, #tpu.memory_space<vmem>>) dst(%dma_wait3A_131 : memref<10240x32xf32, #tpu.memory_space<vmem_shared>>)
    %dma_wait3A_132 = arith.constant 5 : i32
    %dma_wait3A_133 = arith.constant 5 : i32
    %dma_wait3A_134 = arith.constant 1 : i32
    %dma_wait3A_135 = arith.constant 0 : i32
    %dma_wait3A_136 = arith.constant 0 : i32
    %dma_wait3A_137 = tpu.memref_slice %arg7[%dma_wait3A_132, %dma_wait3A_135, %dma_wait3A_136] : memref<6x128x32xf32, #tpu.memory_space<vmem>> -> memref<1x128x32xf32, #tpu.memory_space<vmem>>
    %dma_wait3A_138 = tpu.memref_squeeze %dma_wait3A_137 : memref<1x128x32xf32, #tpu.memory_space<vmem>> -> memref<128x32xf32, #tpu.memory_space<vmem>>
    %dma_wait3A_139 = arith.constant 0 : i32
    %dma_wait3A_140 = tpu.memref_slice %arg6[%dma_wait3A_133, %dma_wait3A_134, %dma_wait3A_139] : memref<6x2x128xi32, #tpu.memory_space<vmem>> -> memref<1x1x128xi32, #tpu.memory_space<vmem>>
    %dma_wait3A_141 = tpu.memref_squeeze %dma_wait3A_140 : memref<1x1x128xi32, #tpu.memory_space<vmem>> -> memref<128xi32, #tpu.memory_space<vmem>>
    %dma_wait3A_142 = arith.constant 0 : i32
    %dma_wait3A_143 = arith.constant 0 : i32
    %dma_wait3A_144 = tpu.memref_slice %arg8[%dma_wait3A_142, %dma_wait3A_143] : memref<10240x32xf32, #tpu.memory_space<vmem_shared>> -> memref<10240x32xf32, #tpu.memory_space<vmem_shared>>
    tpu.wait_indirect_dma semaphore(%arg10 : memref<!tpu.dma_semaphore, #tpu.memory_space<semaphore_mem>>) src(%dma_wait3A_138 : memref<128x32xf32, #tpu.memory_space<vmem>>) dst(%dma_wait3A_144 : memref<10240x32xf32, #tpu.memory_space<vmem_shared>>)
    %barrier3A_145 = arith.constant 0 : index
    tpu.barrier barrier_id(%barrier3A_145)
    %mul3A_146 = arith.constant 640 : i32
    %mul3A_147 = arith.muli %arg1, %mul3A_146 : i32
    %mul3A_148 = arith.constant 640 : i32
    %mul3A_149 = arith.muli %arg1, %mul3A_148 : i32
    %run_scoped3A_150 = arith.constant 0 : i32
    "tpu.region"() ({
      %run_scoped3A_151 = tpu.sem_alloc : memref<!tpu.dma_semaphore, #tpu.memory_space<semaphore_mem>>
      %dma_start3A_152 = arith.constant 0 : i32
      %dma_start3A_153 = tpu.memref_slice %arg5[%run_scoped3A_150, %arg0, %mul3A_149, %dma_start3A_152] : memref<1x2x10240x32xf32, #tpu.memory_space<hbm>> -> memref<1x1x640x32xf32, #tpu.memory_space<hbm>>
      %dma_start3A_154 = tpu.memref_squeeze %dma_start3A_153 : memref<1x1x640x32xf32, #tpu.memory_space<hbm>> -> memref<640x32xf32, #tpu.memory_space<hbm>>
      %dma_start3A_155 = arith.constant 0 : i32
      %dma_start3A_156 = tpu.memref_slice %arg8[%mul3A_147, %dma_start3A_155] : memref<10240x32xf32, #tpu.memory_space<vmem_shared>> -> memref<640x32xf32, #tpu.memory_space<vmem_shared>>
      tpu.enqueue_dma source(%dma_start3A_156 : memref<640x32xf32, #tpu.memory_space<vmem_shared>>) target(%dma_start3A_154 : memref<640x32xf32, #tpu.memory_space<hbm>>) target_semaphore(%run_scoped3A_151 : memref<!tpu.dma_semaphore, #tpu.memory_space<semaphore_mem>>)
      %dma_wait3A_157 = arith.constant 0 : i32
      %dma_wait3A_158 = tpu.memref_slice %arg5[%run_scoped3A_150, %arg0, %mul3A_149, %dma_wait3A_157] : memref<1x2x10240x32xf32, #tpu.memory_space<hbm>> -> memref<1x1x640x32xf32, #tpu.memory_space<hbm>>
      %dma_wait3A_159 = tpu.memref_squeeze %dma_wait3A_158 : memref<1x1x640x32xf32, #tpu.memory_space<hbm>> -> memref<640x32xf32, #tpu.memory_space<hbm>>
      %dma_wait3A_160 = arith.constant 0 : i32
      %dma_wait3A_161 = tpu.memref_slice %arg8[%mul3A_147, %dma_wait3A_160] : memref<10240x32xf32, #tpu.memory_space<vmem_shared>> -> memref<640x32xf32, #tpu.memory_space<vmem_shared>>
      tpu.wait_dma2 semaphore(%run_scoped3A_151 : memref<!tpu.dma_semaphore, #tpu.memory_space<semaphore_mem>>) src(%dma_wait3A_161 : memref<640x32xf32, #tpu.memory_space<vmem_shared>>) dst(%dma_wait3A_159 : memref<640x32xf32, #tpu.memory_space<hbm>>)
      tpu.yield
    }) : () -> ()
    return
  }
}

#map = affine_map<(d0, d1) -> (0, 0)>
#map1 = affine_map<(d0, d1) -> (0, 0, 0)>
#map2 = affine_map<(d0, d1) -> (0, 0, 0, 0)>
module attributes {stable_mosaic.version = 14 : i64} {
  func.func @agg_body(%arg0: i32, %arg1: i32, %arg2: memref<10240x64xf32, #tpu.memory_space<hbm>>, %arg3: memref<2528x2x128xi32, #tpu.memory_space<hbm>>, %arg4: memref<10240x64xf32, #tpu.memory_space<hbm>>, %arg5: memref<1x2x10240x64xf32, #tpu.memory_space<hbm>>, %arg6: memref<6x2x128xi32, #tpu.memory_space<vmem>>, %arg7: memref<6x128x64xf32, #tpu.memory_space<vmem>>, %arg8: memref<10240x64xf32, #tpu.memory_space<vmem_shared>>, %arg9: memref<!tpu.dma_semaphore, #tpu.memory_space<semaphore_mem>>, %arg10: memref<!tpu.dma_semaphore, #tpu.memory_space<semaphore_mem>>) attributes {dimension_semantics = [#tpu.dimension_semantics<core_parallel>, #tpu.dimension_semantics<subcore_parallel>], iteration_bounds = array<i64: 2, 16>, scalar_prefetch = 0 : i64, scratch_operands = 5 : i64, tpu.core_type = #tpu.core_type<sc_vector_subcore>, window_params = [{transform_indices = #map}, {transform_indices = #map1}, {transform_indices = #map}, {transform_indices = #map2}]} {
    %eq3A = arith.constant 0 : i32
    %eq3A_0 = arith.cmpi eq, %arg0, %eq3A : i32
    %jit3A = arith.constant 126 : i32
    %jit3A_1 = arith.constant 32 : i32
    %select_n3A = arith.select %eq3A_0, %jit3A, %jit3A_1 : i32
    %eq3A_2 = arith.constant 0 : i32
    %eq3A_3 = arith.cmpi eq, %arg0, %eq3A_2 : i32
    %mul3A = arith.constant 126 : i32
    %mul3A_4 = arith.muli %arg1, %mul3A : i32
    %mul3A_5 = arith.constant 32 : i32
    %mul3A_6 = arith.muli %arg1, %mul3A_5 : i32
    %add3A = arith.constant 2016 : i32
    %add3A_7 = arith.addi %add3A, %mul3A_6 : i32
    %select_n3A_8 = arith.select %eq3A_3, %mul3A_4, %add3A_7 : i32
    %add3A_9 = arith.constant 0 : i32
    %add3A_10 = arith.addi %select_n3A_8, %add3A_9 : i32
    %run_scoped3A = arith.constant 0 : i32
    "tpu.region"() ({
      %run_scoped3A_151 = tpu.sem_alloc : memref<!tpu.dma_semaphore, #tpu.memory_space<semaphore_mem>>
      %dma_start3A_152 = arith.constant 0 : i32
      %dma_start3A_153 = arith.constant 0 : i32
      %dma_start3A_154 = tpu.memref_slice %arg6[%run_scoped3A, %dma_start3A_152, %dma_start3A_153] : memref<6x2x128xi32, #tpu.memory_space<vmem>> -> memref<1x2x128xi32, #tpu.memory_space<vmem>>
      %dma_start3A_155 = tpu.memref_squeeze %dma_start3A_154 : memref<1x2x128xi32, #tpu.memory_space<vmem>> -> memref<2x128xi32, #tpu.memory_space<vmem>>
      %dma_start3A_156 = arith.constant 0 : i32
      %dma_start3A_157 = arith.constant 0 : i32
      %dma_start3A_158 = tpu.memref_slice %arg3[%add3A_10, %dma_start3A_156, %dma_start3A_157] : memref<2528x2x128xi32, #tpu.memory_space<hbm>> -> memref<1x2x128xi32, #tpu.memory_space<hbm>>
      %dma_start3A_159 = tpu.memref_squeeze %dma_start3A_158 : memref<1x2x128xi32, #tpu.memory_space<hbm>> -> memref<2x128xi32, #tpu.memory_space<hbm>>
      %dma_start3A_160 = arith.constant 0 : i32
      %dma_start3A_161 = arith.constant 0 : i32
      %dma_start3A_162 = tpu.memref_slice %arg6[%run_scoped3A, %dma_start3A_160, %dma_start3A_161] : memref<6x2x128xi32, #tpu.memory_space<vmem>> -> memref<1x2x128xi32, #tpu.memory_space<vmem>>
      %dma_start3A_163 = tpu.memref_squeeze %dma_start3A_162 : memref<1x2x128xi32, #tpu.memory_space<vmem>> -> memref<2x128xi32, #tpu.memory_space<vmem>>
      %dma_start3A_164 = arith.constant 0 : i32
      %dma_start3A_165 = arith.constant 0 : i32
      %dma_start3A_166 = tpu.memref_slice %arg3[%add3A_10, %dma_start3A_164, %dma_start3A_165] : memref<2528x2x128xi32, #tpu.memory_space<hbm>> -> memref<1x2x128xi32, #tpu.memory_space<hbm>>
      %dma_start3A_167 = tpu.memref_squeeze %dma_start3A_166 : memref<1x2x128xi32, #tpu.memory_space<hbm>> -> memref<2x128xi32, #tpu.memory_space<hbm>>
      tpu.enqueue_dma source(%dma_start3A_167 : memref<2x128xi32, #tpu.memory_space<hbm>>) target(%dma_start3A_163 : memref<2x128xi32, #tpu.memory_space<vmem>>) target_semaphore(%run_scoped3A_151 : memref<!tpu.dma_semaphore, #tpu.memory_space<semaphore_mem>>)
      %dma_wait3A_168 = arith.constant 0 : i32
      %dma_wait3A_169 = arith.constant 0 : i32
      %dma_wait3A_170 = tpu.memref_slice %arg6[%run_scoped3A, %dma_wait3A_168, %dma_wait3A_169] : memref<6x2x128xi32, #tpu.memory_space<vmem>> -> memref<1x2x128xi32, #tpu.memory_space<vmem>>
      %dma_wait3A_171 = tpu.memref_squeeze %dma_wait3A_170 : memref<1x2x128xi32, #tpu.memory_space<vmem>> -> memref<2x128xi32, #tpu.memory_space<vmem>>
      %dma_wait3A_172 = arith.constant 0 : i32
      %dma_wait3A_173 = arith.constant 0 : i32
      %dma_wait3A_174 = tpu.memref_slice %arg3[%add3A_10, %dma_wait3A_172, %dma_wait3A_173] : memref<2528x2x128xi32, #tpu.memory_space<hbm>> -> memref<1x2x128xi32, #tpu.memory_space<hbm>>
      %dma_wait3A_175 = tpu.memref_squeeze %dma_wait3A_174 : memref<1x2x128xi32, #tpu.memory_space<hbm>> -> memref<2x128xi32, #tpu.memory_space<hbm>>
      %dma_wait3A_176 = arith.constant 0 : i32
      %dma_wait3A_177 = arith.constant 0 : i32
      %dma_wait3A_178 = tpu.memref_slice %arg6[%run_scoped3A, %dma_wait3A_176, %dma_wait3A_177] : memref<6x2x128xi32, #tpu.memory_space<vmem>> -> memref<1x2x128xi32, #tpu.memory_space<vmem>>
      %dma_wait3A_179 = tpu.memref_squeeze %dma_wait3A_178 : memref<1x2x128xi32, #tpu.memory_space<vmem>> -> memref<2x128xi32, #tpu.memory_space<vmem>>
      %dma_wait3A_180 = arith.constant 0 : i32
      %dma_wait3A_181 = arith.constant 0 : i32
      %dma_wait3A_182 = tpu.memref_slice %arg3[%add3A_10, %dma_wait3A_180, %dma_wait3A_181] : memref<2528x2x128xi32, #tpu.memory_space<hbm>> -> memref<1x2x128xi32, #tpu.memory_space<hbm>>
      %dma_wait3A_183 = tpu.memref_squeeze %dma_wait3A_182 : memref<1x2x128xi32, #tpu.memory_space<hbm>> -> memref<2x128xi32, #tpu.memory_space<hbm>>
      tpu.wait_dma2 semaphore(%run_scoped3A_151 : memref<!tpu.dma_semaphore, #tpu.memory_space<semaphore_mem>>) src(%dma_wait3A_183 : memref<2x128xi32, #tpu.memory_space<hbm>>) dst(%dma_wait3A_179 : memref<2x128xi32, #tpu.memory_space<vmem>>)
      tpu.yield
    }) : () -> ()
    %dma_start3A = arith.constant 0 : i32
    %dma_start3A_11 = arith.constant 0 : i32
    %dma_start3A_12 = arith.constant 0 : i32
    %dma_start3A_13 = arith.constant 0 : i32
    %dma_start3A_14 = arith.constant 0 : i32
    %dma_start3A_15 = tpu.memref_slice %arg7[%dma_start3A_12, %dma_start3A_13, %dma_start3A_14] : memref<6x128x64xf32, #tpu.memory_space<vmem>> -> memref<1x128x64xf32, #tpu.memory_space<vmem>>
    %dma_start3A_16 = tpu.memref_squeeze %dma_start3A_15 : memref<1x128x64xf32, #tpu.memory_space<vmem>> -> memref<128x64xf32, #tpu.memory_space<vmem>>
    %dma_start3A_17 = arith.constant 0 : i32
    %dma_start3A_18 = tpu.memref_slice %arg6[%dma_start3A, %dma_start3A_11, %dma_start3A_17] : memref<6x2x128xi32, #tpu.memory_space<vmem>> -> memref<1x1x128xi32, #tpu.memory_space<vmem>>
    %dma_start3A_19 = tpu.memref_squeeze %dma_start3A_18 : memref<1x1x128xi32, #tpu.memory_space<vmem>> -> memref<128xi32, #tpu.memory_space<vmem>>
    %dma_start3A_20 = arith.constant 0 : i32
    %dma_start3A_21 = arith.constant 0 : i32
    %dma_start3A_22 = tpu.memref_slice %arg2[%dma_start3A_20, %dma_start3A_21] : memref<10240x64xf32, #tpu.memory_space<hbm>> -> memref<10240x64xf32, #tpu.memory_space<hbm>>
    tpu.enqueue_indirect_dma source(%dma_start3A_22 : memref<10240x64xf32, #tpu.memory_space<hbm>>) target(%dma_start3A_16 : memref<128x64xf32, #tpu.memory_space<vmem>>) offsets(%dma_start3A_19 : memref<128xi32, #tpu.memory_space<vmem>>) semaphore(%arg9 : memref<!tpu.dma_semaphore, #tpu.memory_space<semaphore_mem>>)
    %add3A_23 = arith.constant 1 : i32
    %add3A_24 = arith.addi %select_n3A_8, %add3A_23 : i32
    %run_scoped3A_25 = arith.constant 1 : i32
    "tpu.region"() ({
      %run_scoped3A_151 = tpu.sem_alloc : memref<!tpu.dma_semaphore, #tpu.memory_space<semaphore_mem>>
      %dma_start3A_152 = arith.constant 0 : i32
      %dma_start3A_153 = arith.constant 0 : i32
      %dma_start3A_154 = tpu.memref_slice %arg6[%run_scoped3A_25, %dma_start3A_152, %dma_start3A_153] : memref<6x2x128xi32, #tpu.memory_space<vmem>> -> memref<1x2x128xi32, #tpu.memory_space<vmem>>
      %dma_start3A_155 = tpu.memref_squeeze %dma_start3A_154 : memref<1x2x128xi32, #tpu.memory_space<vmem>> -> memref<2x128xi32, #tpu.memory_space<vmem>>
      %dma_start3A_156 = arith.constant 0 : i32
      %dma_start3A_157 = arith.constant 0 : i32
      %dma_start3A_158 = tpu.memref_slice %arg3[%add3A_24, %dma_start3A_156, %dma_start3A_157] : memref<2528x2x128xi32, #tpu.memory_space<hbm>> -> memref<1x2x128xi32, #tpu.memory_space<hbm>>
      %dma_start3A_159 = tpu.memref_squeeze %dma_start3A_158 : memref<1x2x128xi32, #tpu.memory_space<hbm>> -> memref<2x128xi32, #tpu.memory_space<hbm>>
      %dma_start3A_160 = arith.constant 0 : i32
      %dma_start3A_161 = arith.constant 0 : i32
      %dma_start3A_162 = tpu.memref_slice %arg6[%run_scoped3A_25, %dma_start3A_160, %dma_start3A_161] : memref<6x2x128xi32, #tpu.memory_space<vmem>> -> memref<1x2x128xi32, #tpu.memory_space<vmem>>
      %dma_start3A_163 = tpu.memref_squeeze %dma_start3A_162 : memref<1x2x128xi32, #tpu.memory_space<vmem>> -> memref<2x128xi32, #tpu.memory_space<vmem>>
      %dma_start3A_164 = arith.constant 0 : i32
      %dma_start3A_165 = arith.constant 0 : i32
      %dma_start3A_166 = tpu.memref_slice %arg3[%add3A_24, %dma_start3A_164, %dma_start3A_165] : memref<2528x2x128xi32, #tpu.memory_space<hbm>> -> memref<1x2x128xi32, #tpu.memory_space<hbm>>
      %dma_start3A_167 = tpu.memref_squeeze %dma_start3A_166 : memref<1x2x128xi32, #tpu.memory_space<hbm>> -> memref<2x128xi32, #tpu.memory_space<hbm>>
      tpu.enqueue_dma source(%dma_start3A_167 : memref<2x128xi32, #tpu.memory_space<hbm>>) target(%dma_start3A_163 : memref<2x128xi32, #tpu.memory_space<vmem>>) target_semaphore(%run_scoped3A_151 : memref<!tpu.dma_semaphore, #tpu.memory_space<semaphore_mem>>)
      %dma_wait3A_168 = arith.constant 0 : i32
      %dma_wait3A_169 = arith.constant 0 : i32
      %dma_wait3A_170 = tpu.memref_slice %arg6[%run_scoped3A_25, %dma_wait3A_168, %dma_wait3A_169] : memref<6x2x128xi32, #tpu.memory_space<vmem>> -> memref<1x2x128xi32, #tpu.memory_space<vmem>>
      %dma_wait3A_171 = tpu.memref_squeeze %dma_wait3A_170 : memref<1x2x128xi32, #tpu.memory_space<vmem>> -> memref<2x128xi32, #tpu.memory_space<vmem>>
      %dma_wait3A_172 = arith.constant 0 : i32
      %dma_wait3A_173 = arith.constant 0 : i32
      %dma_wait3A_174 = tpu.memref_slice %arg3[%add3A_24, %dma_wait3A_172, %dma_wait3A_173] : memref<2528x2x128xi32, #tpu.memory_space<hbm>> -> memref<1x2x128xi32, #tpu.memory_space<hbm>>
      %dma_wait3A_175 = tpu.memref_squeeze %dma_wait3A_174 : memref<1x2x128xi32, #tpu.memory_space<hbm>> -> memref<2x128xi32, #tpu.memory_space<hbm>>
      %dma_wait3A_176 = arith.constant 0 : i32
      %dma_wait3A_177 = arith.constant 0 : i32
      %dma_wait3A_178 = tpu.memref_slice %arg6[%run_scoped3A_25, %dma_wait3A_176, %dma_wait3A_177] : memref<6x2x128xi32, #tpu.memory_space<vmem>> -> memref<1x2x128xi32, #tpu.memory_space<vmem>>
      %dma_wait3A_179 = tpu.memref_squeeze %dma_wait3A_178 : memref<1x2x128xi32, #tpu.memory_space<vmem>> -> memref<2x128xi32, #tpu.memory_space<vmem>>
      %dma_wait3A_180 = arith.constant 0 : i32
      %dma_wait3A_181 = arith.constant 0 : i32
      %dma_wait3A_182 = tpu.memref_slice %arg3[%add3A_24, %dma_wait3A_180, %dma_wait3A_181] : memref<2528x2x128xi32, #tpu.memory_space<hbm>> -> memref<1x2x128xi32, #tpu.memory_space<hbm>>
      %dma_wait3A_183 = tpu.memref_squeeze %dma_wait3A_182 : memref<1x2x128xi32, #tpu.memory_space<hbm>> -> memref<2x128xi32, #tpu.memory_space<hbm>>
      tpu.wait_dma2 semaphore(%run_scoped3A_151 : memref<!tpu.dma_semaphore, #tpu.memory_space<semaphore_mem>>) src(%dma_wait3A_183 : memref<2x128xi32, #tpu.memory_space<hbm>>) dst(%dma_wait3A_179 : memref<2x128xi32, #tpu.memory_space<vmem>>)
      tpu.yield
    }) : () -> ()
    %dma_start3A_26 = arith.constant 1 : i32
    %dma_start3A_27 = arith.constant 0 : i32
    %dma_start3A_28 = arith.constant 1 : i32
    %dma_start3A_29 = arith.constant 0 : i32
    %dma_start3A_30 = arith.constant 0 : i32
    %dma_start3A_31 = tpu.memref_slice %arg7[%dma_start3A_28, %dma_start3A_29, %dma_start3A_30] : memref<6x128x64xf32, #tpu.memory_space<vmem>> -> memref<1x128x64xf32, #tpu.memory_space<vmem>>
    %dma_start3A_32 = tpu.memref_squeeze %dma_start3A_31 : memref<1x128x64xf32, #tpu.memory_space<vmem>> -> memref<128x64xf32, #tpu.memory_space<vmem>>
    %dma_start3A_33 = arith.constant 0 : i32
    %dma_start3A_34 = tpu.memref_slice %arg6[%dma_start3A_26, %dma_start3A_27, %dma_start3A_33] : memref<6x2x128xi32, #tpu.memory_space<vmem>> -> memref<1x1x128xi32, #tpu.memory_space<vmem>>
    %dma_start3A_35 = tpu.memref_squeeze %dma_start3A_34 : memref<1x1x128xi32, #tpu.memory_space<vmem>> -> memref<128xi32, #tpu.memory_space<vmem>>
    %dma_start3A_36 = arith.constant 0 : i32
    %dma_start3A_37 = arith.constant 0 : i32
    %dma_start3A_38 = tpu.memref_slice %arg2[%dma_start3A_36, %dma_start3A_37] : memref<10240x64xf32, #tpu.memory_space<hbm>> -> memref<10240x64xf32, #tpu.memory_space<hbm>>
    tpu.enqueue_indirect_dma source(%dma_start3A_38 : memref<10240x64xf32, #tpu.memory_space<hbm>>) target(%dma_start3A_32 : memref<128x64xf32, #tpu.memory_space<vmem>>) offsets(%dma_start3A_35 : memref<128xi32, #tpu.memory_space<vmem>>) semaphore(%arg9 : memref<!tpu.dma_semaphore, #tpu.memory_space<semaphore_mem>>)
    %add3A_39 = arith.constant 2 : i32
    %add3A_40 = arith.addi %select_n3A_8, %add3A_39 : i32
    %run_scoped3A_41 = arith.constant 2 : i32
    "tpu.region"() ({
      %run_scoped3A_151 = tpu.sem_alloc : memref<!tpu.dma_semaphore, #tpu.memory_space<semaphore_mem>>
      %dma_start3A_152 = arith.constant 0 : i32
      %dma_start3A_153 = arith.constant 0 : i32
      %dma_start3A_154 = tpu.memref_slice %arg6[%run_scoped3A_41, %dma_start3A_152, %dma_start3A_153] : memref<6x2x128xi32, #tpu.memory_space<vmem>> -> memref<1x2x128xi32, #tpu.memory_space<vmem>>
      %dma_start3A_155 = tpu.memref_squeeze %dma_start3A_154 : memref<1x2x128xi32, #tpu.memory_space<vmem>> -> memref<2x128xi32, #tpu.memory_space<vmem>>
      %dma_start3A_156 = arith.constant 0 : i32
      %dma_start3A_157 = arith.constant 0 : i32
      %dma_start3A_158 = tpu.memref_slice %arg3[%add3A_40, %dma_start3A_156, %dma_start3A_157] : memref<2528x2x128xi32, #tpu.memory_space<hbm>> -> memref<1x2x128xi32, #tpu.memory_space<hbm>>
      %dma_start3A_159 = tpu.memref_squeeze %dma_start3A_158 : memref<1x2x128xi32, #tpu.memory_space<hbm>> -> memref<2x128xi32, #tpu.memory_space<hbm>>
      %dma_start3A_160 = arith.constant 0 : i32
      %dma_start3A_161 = arith.constant 0 : i32
      %dma_start3A_162 = tpu.memref_slice %arg6[%run_scoped3A_41, %dma_start3A_160, %dma_start3A_161] : memref<6x2x128xi32, #tpu.memory_space<vmem>> -> memref<1x2x128xi32, #tpu.memory_space<vmem>>
      %dma_start3A_163 = tpu.memref_squeeze %dma_start3A_162 : memref<1x2x128xi32, #tpu.memory_space<vmem>> -> memref<2x128xi32, #tpu.memory_space<vmem>>
      %dma_start3A_164 = arith.constant 0 : i32
      %dma_start3A_165 = arith.constant 0 : i32
      %dma_start3A_166 = tpu.memref_slice %arg3[%add3A_40, %dma_start3A_164, %dma_start3A_165] : memref<2528x2x128xi32, #tpu.memory_space<hbm>> -> memref<1x2x128xi32, #tpu.memory_space<hbm>>
      %dma_start3A_167 = tpu.memref_squeeze %dma_start3A_166 : memref<1x2x128xi32, #tpu.memory_space<hbm>> -> memref<2x128xi32, #tpu.memory_space<hbm>>
      tpu.enqueue_dma source(%dma_start3A_167 : memref<2x128xi32, #tpu.memory_space<hbm>>) target(%dma_start3A_163 : memref<2x128xi32, #tpu.memory_space<vmem>>) target_semaphore(%run_scoped3A_151 : memref<!tpu.dma_semaphore, #tpu.memory_space<semaphore_mem>>)
      %dma_wait3A_168 = arith.constant 0 : i32
      %dma_wait3A_169 = arith.constant 0 : i32
      %dma_wait3A_170 = tpu.memref_slice %arg6[%run_scoped3A_41, %dma_wait3A_168, %dma_wait3A_169] : memref<6x2x128xi32, #tpu.memory_space<vmem>> -> memref<1x2x128xi32, #tpu.memory_space<vmem>>
      %dma_wait3A_171 = tpu.memref_squeeze %dma_wait3A_170 : memref<1x2x128xi32, #tpu.memory_space<vmem>> -> memref<2x128xi32, #tpu.memory_space<vmem>>
      %dma_wait3A_172 = arith.constant 0 : i32
      %dma_wait3A_173 = arith.constant 0 : i32
      %dma_wait3A_174 = tpu.memref_slice %arg3[%add3A_40, %dma_wait3A_172, %dma_wait3A_173] : memref<2528x2x128xi32, #tpu.memory_space<hbm>> -> memref<1x2x128xi32, #tpu.memory_space<hbm>>
      %dma_wait3A_175 = tpu.memref_squeeze %dma_wait3A_174 : memref<1x2x128xi32, #tpu.memory_space<hbm>> -> memref<2x128xi32, #tpu.memory_space<hbm>>
      %dma_wait3A_176 = arith.constant 0 : i32
      %dma_wait3A_177 = arith.constant 0 : i32
      %dma_wait3A_178 = tpu.memref_slice %arg6[%run_scoped3A_41, %dma_wait3A_176, %dma_wait3A_177] : memref<6x2x128xi32, #tpu.memory_space<vmem>> -> memref<1x2x128xi32, #tpu.memory_space<vmem>>
      %dma_wait3A_179 = tpu.memref_squeeze %dma_wait3A_178 : memref<1x2x128xi32, #tpu.memory_space<vmem>> -> memref<2x128xi32, #tpu.memory_space<vmem>>
      %dma_wait3A_180 = arith.constant 0 : i32
      %dma_wait3A_181 = arith.constant 0 : i32
      %dma_wait3A_182 = tpu.memref_slice %arg3[%add3A_40, %dma_wait3A_180, %dma_wait3A_181] : memref<2528x2x128xi32, #tpu.memory_space<hbm>> -> memref<1x2x128xi32, #tpu.memory_space<hbm>>
      %dma_wait3A_183 = tpu.memref_squeeze %dma_wait3A_182 : memref<1x2x128xi32, #tpu.memory_space<hbm>> -> memref<2x128xi32, #tpu.memory_space<hbm>>
      tpu.wait_dma2 semaphore(%run_scoped3A_151 : memref<!tpu.dma_semaphore, #tpu.memory_space<semaphore_mem>>) src(%dma_wait3A_183 : memref<2x128xi32, #tpu.memory_space<hbm>>) dst(%dma_wait3A_179 : memref<2x128xi32, #tpu.memory_space<vmem>>)
      tpu.yield
    }) : () -> ()
    %dma_start3A_42 = arith.constant 2 : i32
    %dma_start3A_43 = arith.constant 0 : i32
    %dma_start3A_44 = arith.constant 2 : i32
    %dma_start3A_45 = arith.constant 0 : i32
    %dma_start3A_46 = arith.constant 0 : i32
    %dma_start3A_47 = tpu.memref_slice %arg7[%dma_start3A_44, %dma_start3A_45, %dma_start3A_46] : memref<6x128x64xf32, #tpu.memory_space<vmem>> -> memref<1x128x64xf32, #tpu.memory_space<vmem>>
    %dma_start3A_48 = tpu.memref_squeeze %dma_start3A_47 : memref<1x128x64xf32, #tpu.memory_space<vmem>> -> memref<128x64xf32, #tpu.memory_space<vmem>>
    %dma_start3A_49 = arith.constant 0 : i32
    %dma_start3A_50 = tpu.memref_slice %arg6[%dma_start3A_42, %dma_start3A_43, %dma_start3A_49] : memref<6x2x128xi32, #tpu.memory_space<vmem>> -> memref<1x1x128xi32, #tpu.memory_space<vmem>>
    %dma_start3A_51 = tpu.memref_squeeze %dma_start3A_50 : memref<1x1x128xi32, #tpu.memory_space<vmem>> -> memref<128xi32, #tpu.memory_space<vmem>>
    %dma_start3A_52 = arith.constant 0 : i32
    %dma_start3A_53 = arith.constant 0 : i32
    %dma_start3A_54 = tpu.memref_slice %arg2[%dma_start3A_52, %dma_start3A_53] : memref<10240x64xf32, #tpu.memory_space<hbm>> -> memref<10240x64xf32, #tpu.memory_space<hbm>>
    tpu.enqueue_indirect_dma source(%dma_start3A_54 : memref<10240x64xf32, #tpu.memory_space<hbm>>) target(%dma_start3A_48 : memref<128x64xf32, #tpu.memory_space<vmem>>) offsets(%dma_start3A_51 : memref<128xi32, #tpu.memory_space<vmem>>) semaphore(%arg9 : memref<!tpu.dma_semaphore, #tpu.memory_space<semaphore_mem>>)
    %mul3A_55 = arith.constant 640 : i32
    %mul3A_56 = arith.muli %arg1, %mul3A_55 : i32
    %mul3A_57 = arith.constant 640 : i32
    %mul3A_58 = arith.muli %arg1, %mul3A_57 : i32
    "tpu.region"() ({
      %run_scoped3A_151 = tpu.sem_alloc : memref<!tpu.dma_semaphore, #tpu.memory_space<semaphore_mem>>
      %dma_start3A_152 = arith.constant 0 : i32
      %dma_start3A_153 = tpu.memref_slice %arg8[%mul3A_58, %dma_start3A_152] : memref<10240x64xf32, #tpu.memory_space<vmem_shared>> -> memref<640x64xf32, #tpu.memory_space<vmem_shared>>
      %dma_start3A_154 = arith.constant 0 : i32
      %dma_start3A_155 = tpu.memref_slice %arg4[%mul3A_56, %dma_start3A_154] : memref<10240x64xf32, #tpu.memory_space<hbm>> -> memref<640x64xf32, #tpu.memory_space<hbm>>
      tpu.enqueue_dma source(%dma_start3A_155 : memref<640x64xf32, #tpu.memory_space<hbm>>) target(%dma_start3A_153 : memref<640x64xf32, #tpu.memory_space<vmem_shared>>) target_semaphore(%run_scoped3A_151 : memref<!tpu.dma_semaphore, #tpu.memory_space<semaphore_mem>>)
      %dma_wait3A_156 = arith.constant 0 : i32
      %dma_wait3A_157 = tpu.memref_slice %arg8[%mul3A_58, %dma_wait3A_156] : memref<10240x64xf32, #tpu.memory_space<vmem_shared>> -> memref<640x64xf32, #tpu.memory_space<vmem_shared>>
      %dma_wait3A_158 = arith.constant 0 : i32
      %dma_wait3A_159 = tpu.memref_slice %arg4[%mul3A_56, %dma_wait3A_158] : memref<10240x64xf32, #tpu.memory_space<hbm>> -> memref<640x64xf32, #tpu.memory_space<hbm>>
      tpu.wait_dma2 semaphore(%run_scoped3A_151 : memref<!tpu.dma_semaphore, #tpu.memory_space<semaphore_mem>>) src(%dma_wait3A_159 : memref<640x64xf32, #tpu.memory_space<hbm>>) dst(%dma_wait3A_157 : memref<640x64xf32, #tpu.memory_space<vmem_shared>>)
      tpu.yield
    }) : () -> ()
    %barrier3A = arith.constant 0 : index
    tpu.barrier barrier_id(%barrier3A)
    %while3A = arith.constant 0 : i32
    %while3A_59 = arith.constant 0 : i32
    %while3A_60 = arith.subi %select_n3A, %while3A_59 : i32
    %while3A_61 = arith.addi %while3A_59, %while3A_60 : i32
    %while3A_62 = arith.constant 1 : i32
    %while3A_63 = arith.divsi %while3A_60, %while3A_62 : i32
    %while3A_64 = arith.muli %while3A_63, %while3A_62 : i32
    %while3A_65 = arith.addi %while3A_59, %while3A_64 : i32
    %while3A_66 = arith.constant 1 : i32
    scf.for %while3A_151 = %while3A_59 to %while3A_65 step %while3A_66  : i32 {
      %jit3A_152 = arith.constant 6 : i32
      %eq3A_153 = arith.constant 0 : i32
      %eq3A_154 = arith.cmpi eq, %jit3A_152, %eq3A_153 : i32
      %jit3A_155 = arith.constant 1 : i32
      %select_n3A_156 = arith.select %eq3A_154, %jit3A_155, %jit3A_152 : i32
      %rem3A = arith.remsi %while3A_151, %select_n3A_156 : i32
      %ne3A = arith.constant 0 : i32
      %ne3A_157 = arith.cmpi ne, %rem3A, %ne3A : i32
      %lt3A = arith.constant 0 : i32
      %lt3A_158 = arith.cmpi slt, %rem3A, %lt3A : i32
      %lt3A_159 = arith.constant 0 : i32
      %lt3A_160 = arith.cmpi slt, %select_n3A_156, %lt3A_159 : i32
      %ne3A_161 = arith.xori %lt3A_158, %lt3A_160 : i1
      %and3A = arith.andi %ne3A_161, %ne3A_157 : i1
      %add3A_162 = arith.addi %rem3A, %select_n3A_156 : i32
      %select_n3A_163 = arith.select %and3A, %add3A_162, %rem3A : i32
      %jit3A_164 = arith.constant 6 : i32
      %eq3A_165 = arith.constant 0 : i32
      %eq3A_166 = arith.cmpi eq, %jit3A_164, %eq3A_165 : i32
      %jit3A_167 = arith.constant 1 : i32
      %select_n3A_168 = arith.select %eq3A_166, %jit3A_167, %jit3A_164 : i32
      %rem3A_169 = arith.remsi %while3A_151, %select_n3A_168 : i32
      %ne3A_170 = arith.constant 0 : i32
      %ne3A_171 = arith.cmpi ne, %rem3A_169, %ne3A_170 : i32
      %lt3A_172 = arith.constant 0 : i32
      %lt3A_173 = arith.cmpi slt, %rem3A_169, %lt3A_172 : i32
      %lt3A_174 = arith.constant 0 : i32
      %lt3A_175 = arith.cmpi slt, %select_n3A_168, %lt3A_174 : i32
      %ne3A_176 = arith.xori %lt3A_173, %lt3A_175 : i1
      %and3A_177 = arith.andi %ne3A_176, %ne3A_171 : i1
      %add3A_178 = arith.addi %rem3A_169, %select_n3A_168 : i32
      %select_n3A_179 = arith.select %and3A_177, %add3A_178, %rem3A_169 : i32
      %dma_wait3A_180 = arith.constant 0 : i32
      %dma_wait3A_181 = arith.constant 0 : i32
      %dma_wait3A_182 = arith.constant 0 : i32
      %dma_wait3A_183 = tpu.memref_slice %arg7[%select_n3A_179, %dma_wait3A_181, %dma_wait3A_182] : memref<6x128x64xf32, #tpu.memory_space<vmem>> -> memref<1x128x64xf32, #tpu.memory_space<vmem>>
      %dma_wait3A_184 = tpu.memref_squeeze %dma_wait3A_183 : memref<1x128x64xf32, #tpu.memory_space<vmem>> -> memref<128x64xf32, #tpu.memory_space<vmem>>
      %dma_wait3A_185 = arith.constant 0 : i32
      %dma_wait3A_186 = tpu.memref_slice %arg6[%select_n3A_163, %dma_wait3A_180, %dma_wait3A_185] : memref<6x2x128xi32, #tpu.memory_space<vmem>> -> memref<1x1x128xi32, #tpu.memory_space<vmem>>
      %dma_wait3A_187 = tpu.memref_squeeze %dma_wait3A_186 : memref<1x1x128xi32, #tpu.memory_space<vmem>> -> memref<128xi32, #tpu.memory_space<vmem>>
      %dma_wait3A_188 = arith.constant 0 : i32
      %dma_wait3A_189 = arith.constant 0 : i32
      %dma_wait3A_190 = tpu.memref_slice %arg2[%dma_wait3A_188, %dma_wait3A_189] : memref<10240x64xf32, #tpu.memory_space<hbm>> -> memref<10240x64xf32, #tpu.memory_space<hbm>>
      tpu.wait_indirect_dma semaphore(%arg9 : memref<!tpu.dma_semaphore, #tpu.memory_space<semaphore_mem>>) src(%dma_wait3A_190 : memref<10240x64xf32, #tpu.memory_space<hbm>>) dst(%dma_wait3A_184 : memref<128x64xf32, #tpu.memory_space<vmem>>)
      %jit3A_191 = arith.constant 6 : i32
      %eq3A_192 = arith.constant 0 : i32
      %eq3A_193 = arith.cmpi eq, %jit3A_191, %eq3A_192 : i32
      %jit3A_194 = arith.constant 1 : i32
      %select_n3A_195 = arith.select %eq3A_193, %jit3A_194, %jit3A_191 : i32
      %rem3A_196 = arith.remsi %while3A_151, %select_n3A_195 : i32
      %ne3A_197 = arith.constant 0 : i32
      %ne3A_198 = arith.cmpi ne, %rem3A_196, %ne3A_197 : i32
      %lt3A_199 = arith.constant 0 : i32
      %lt3A_200 = arith.cmpi slt, %rem3A_196, %lt3A_199 : i32
      %lt3A_201 = arith.constant 0 : i32
      %lt3A_202 = arith.cmpi slt, %select_n3A_195, %lt3A_201 : i32
      %ne3A_203 = arith.xori %lt3A_200, %lt3A_202 : i1
      %and3A_204 = arith.andi %ne3A_203, %ne3A_198 : i1
      %add3A_205 = arith.addi %rem3A_196, %select_n3A_195 : i32
      %select_n3A_206 = arith.select %and3A_204, %add3A_205, %rem3A_196 : i32
      %jit3A_207 = arith.constant 6 : i32
      %eq3A_208 = arith.constant 0 : i32
      %eq3A_209 = arith.cmpi eq, %jit3A_207, %eq3A_208 : i32
      %jit3A_210 = arith.constant 1 : i32
      %select_n3A_211 = arith.select %eq3A_209, %jit3A_210, %jit3A_207 : i32
      %rem3A_212 = arith.remsi %while3A_151, %select_n3A_211 : i32
      %ne3A_213 = arith.constant 0 : i32
      %ne3A_214 = arith.cmpi ne, %rem3A_212, %ne3A_213 : i32
      %lt3A_215 = arith.constant 0 : i32
      %lt3A_216 = arith.cmpi slt, %rem3A_212, %lt3A_215 : i32
      %lt3A_217 = arith.constant 0 : i32
      %lt3A_218 = arith.cmpi slt, %select_n3A_211, %lt3A_217 : i32
      %ne3A_219 = arith.xori %lt3A_216, %lt3A_218 : i1
      %and3A_220 = arith.andi %ne3A_219, %ne3A_214 : i1
      %add3A_221 = arith.addi %rem3A_212, %select_n3A_211 : i32
      %select_n3A_222 = arith.select %and3A_220, %add3A_221, %rem3A_212 : i32
      %dma_start3A_223 = arith.constant 1 : i32
      %dma_start3A_224 = arith.constant 0 : i32
      %dma_start3A_225 = arith.constant 0 : i32
      %dma_start3A_226 = tpu.memref_slice %arg7[%select_n3A_206, %dma_start3A_224, %dma_start3A_225] : memref<6x128x64xf32, #tpu.memory_space<vmem>> -> memref<1x128x64xf32, #tpu.memory_space<vmem>>
      %dma_start3A_227 = tpu.memref_squeeze %dma_start3A_226 : memref<1x128x64xf32, #tpu.memory_space<vmem>> -> memref<128x64xf32, #tpu.memory_space<vmem>>
      %dma_start3A_228 = arith.constant 0 : i32
      %dma_start3A_229 = tpu.memref_slice %arg6[%select_n3A_222, %dma_start3A_223, %dma_start3A_228] : memref<6x2x128xi32, #tpu.memory_space<vmem>> -> memref<1x1x128xi32, #tpu.memory_space<vmem>>
      %dma_start3A_230 = tpu.memref_squeeze %dma_start3A_229 : memref<1x1x128xi32, #tpu.memory_space<vmem>> -> memref<128xi32, #tpu.memory_space<vmem>>
      %dma_start3A_231 = arith.constant 0 : i32
      %dma_start3A_232 = arith.constant 0 : i32
      %dma_start3A_233 = tpu.memref_slice %arg8[%dma_start3A_231, %dma_start3A_232] : memref<10240x64xf32, #tpu.memory_space<vmem_shared>> -> memref<10240x64xf32, #tpu.memory_space<vmem_shared>>
      tpu.enqueue_indirect_dma source(%dma_start3A_227 : memref<128x64xf32, #tpu.memory_space<vmem>>) target(%dma_start3A_233 : memref<10240x64xf32, #tpu.memory_space<vmem_shared>>) offsets(%dma_start3A_230 : memref<128xi32, #tpu.memory_space<vmem>>) semaphore(%arg10 : memref<!tpu.dma_semaphore, #tpu.memory_space<semaphore_mem>>) {add = true}
      %add3A_234 = arith.constant 3 : i32
      %add3A_235 = arith.addi %while3A_151, %add3A_234 : i32
      %lt3A_236 = arith.cmpi slt, %add3A_235, %select_n3A : i32
      %ge3A = arith.constant 3 : i32
      %ge3A_237 = arith.cmpi sge, %while3A_151, %ge3A : i32
      %and3A_238 = arith.andi %lt3A_236, %ge3A_237 : i1
      %convert_element_type3A = arith.extui %and3A_238 : i1 to i32
      %cond3A = arith.constant 0 : i32
      %cond3A_239 = arith.cmpi ne, %convert_element_type3A, %cond3A : i32
      scf.if %cond3A_239 {
        %sub3A = arith.constant 3 : i32
        %sub3A_246 = arith.subi %while3A_151, %sub3A : i32
        %jit3A_247 = arith.constant 6 : i32
        %eq3A_248 = arith.constant 0 : i32
        %eq3A_249 = arith.cmpi eq, %jit3A_247, %eq3A_248 : i32
        %jit3A_250 = arith.constant 1 : i32
        %select_n3A_251 = arith.select %eq3A_249, %jit3A_250, %jit3A_247 : i32
        %rem3A_252 = arith.remsi %sub3A_246, %select_n3A_251 : i32
        %ne3A_253 = arith.constant 0 : i32
        %ne3A_254 = arith.cmpi ne, %rem3A_252, %ne3A_253 : i32
        %lt3A_255 = arith.constant 0 : i32
        %lt3A_256 = arith.cmpi slt, %rem3A_252, %lt3A_255 : i32
        %lt3A_257 = arith.constant 0 : i32
        %lt3A_258 = arith.cmpi slt, %select_n3A_251, %lt3A_257 : i32
        %ne3A_259 = arith.xori %lt3A_256, %lt3A_258 : i1
        %and3A_260 = arith.andi %ne3A_259, %ne3A_254 : i1
        %add3A_261 = arith.addi %rem3A_252, %select_n3A_251 : i32
        %select_n3A_262 = arith.select %and3A_260, %add3A_261, %rem3A_252 : i32
        %jit3A_263 = arith.constant 6 : i32
        %eq3A_264 = arith.constant 0 : i32
        %eq3A_265 = arith.cmpi eq, %jit3A_263, %eq3A_264 : i32
        %jit3A_266 = arith.constant 1 : i32
        %select_n3A_267 = arith.select %eq3A_265, %jit3A_266, %jit3A_263 : i32
        %rem3A_268 = arith.remsi %sub3A_246, %select_n3A_267 : i32
        %ne3A_269 = arith.constant 0 : i32
        %ne3A_270 = arith.cmpi ne, %rem3A_268, %ne3A_269 : i32
        %lt3A_271 = arith.constant 0 : i32
        %lt3A_272 = arith.cmpi slt, %rem3A_268, %lt3A_271 : i32
        %lt3A_273 = arith.constant 0 : i32
        %lt3A_274 = arith.cmpi slt, %select_n3A_267, %lt3A_273 : i32
        %ne3A_275 = arith.xori %lt3A_272, %lt3A_274 : i1
        %and3A_276 = arith.andi %ne3A_275, %ne3A_270 : i1
        %add3A_277 = arith.addi %rem3A_268, %select_n3A_267 : i32
        %select_n3A_278 = arith.select %and3A_276, %add3A_277, %rem3A_268 : i32
        %dma_wait3A_279 = arith.constant 1 : i32
        %dma_wait3A_280 = arith.constant 0 : i32
        %dma_wait3A_281 = arith.constant 0 : i32
        %dma_wait3A_282 = tpu.memref_slice %arg7[%select_n3A_262, %dma_wait3A_280, %dma_wait3A_281] : memref<6x128x64xf32, #tpu.memory_space<vmem>> -> memref<1x128x64xf32, #tpu.memory_space<vmem>>
        %dma_wait3A_283 = tpu.memref_squeeze %dma_wait3A_282 : memref<1x128x64xf32, #tpu.memory_space<vmem>> -> memref<128x64xf32, #tpu.memory_space<vmem>>
        %dma_wait3A_284 = arith.constant 0 : i32
        %dma_wait3A_285 = tpu.memref_slice %arg6[%select_n3A_278, %dma_wait3A_279, %dma_wait3A_284] : memref<6x2x128xi32, #tpu.memory_space<vmem>> -> memref<1x1x128xi32, #tpu.memory_space<vmem>>
        %dma_wait3A_286 = tpu.memref_squeeze %dma_wait3A_285 : memref<1x1x128xi32, #tpu.memory_space<vmem>> -> memref<128xi32, #tpu.memory_space<vmem>>
        %dma_wait3A_287 = arith.constant 0 : i32
        %dma_wait3A_288 = arith.constant 0 : i32
        %dma_wait3A_289 = tpu.memref_slice %arg8[%dma_wait3A_287, %dma_wait3A_288] : memref<10240x64xf32, #tpu.memory_space<vmem_shared>> -> memref<10240x64xf32, #tpu.memory_space<vmem_shared>>
        tpu.wait_indirect_dma semaphore(%arg10 : memref<!tpu.dma_semaphore, #tpu.memory_space<semaphore_mem>>) src(%dma_wait3A_283 : memref<128x64xf32, #tpu.memory_space<vmem>>) dst(%dma_wait3A_289 : memref<10240x64xf32, #tpu.memory_space<vmem_shared>>)
      } else {
      }
      %add3A_240 = arith.constant 3 : i32
      %add3A_241 = arith.addi %while3A_151, %add3A_240 : i32
      %lt3A_242 = arith.cmpi slt, %add3A_241, %select_n3A : i32
      %convert_element_type3A_243 = arith.extui %lt3A_242 : i1 to i32
      %cond3A_244 = arith.constant 0 : i32
      %cond3A_245 = arith.cmpi ne, %convert_element_type3A_243, %cond3A_244 : i32
      scf.if %cond3A_245 {
        %add3A_246 = arith.constant 3 : i32
        %add3A_247 = arith.addi %while3A_151, %add3A_246 : i32
        %add3A_248 = arith.addi %select_n3A_8, %add3A_247 : i32
        %jit3A_249 = arith.constant 6 : i32
        %eq3A_250 = arith.constant 0 : i32
        %eq3A_251 = arith.cmpi eq, %jit3A_249, %eq3A_250 : i32
        %jit3A_252 = arith.constant 1 : i32
        %select_n3A_253 = arith.select %eq3A_251, %jit3A_252, %jit3A_249 : i32
        %rem3A_254 = arith.remsi %add3A_247, %select_n3A_253 : i32
        %ne3A_255 = arith.constant 0 : i32
        %ne3A_256 = arith.cmpi ne, %rem3A_254, %ne3A_255 : i32
        %lt3A_257 = arith.constant 0 : i32
        %lt3A_258 = arith.cmpi slt, %rem3A_254, %lt3A_257 : i32
        %lt3A_259 = arith.constant 0 : i32
        %lt3A_260 = arith.cmpi slt, %select_n3A_253, %lt3A_259 : i32
        %ne3A_261 = arith.xori %lt3A_258, %lt3A_260 : i1
        %and3A_262 = arith.andi %ne3A_261, %ne3A_256 : i1
        %add3A_263 = arith.addi %rem3A_254, %select_n3A_253 : i32
        %select_n3A_264 = arith.select %and3A_262, %add3A_263, %rem3A_254 : i32
        "tpu.region"() ({
          %run_scoped3A_310 = tpu.sem_alloc : memref<!tpu.dma_semaphore, #tpu.memory_space<semaphore_mem>>
          %dma_start3A_311 = arith.constant 0 : i32
          %dma_start3A_312 = arith.constant 0 : i32
          %dma_start3A_313 = tpu.memref_slice %arg6[%select_n3A_264, %dma_start3A_311, %dma_start3A_312] : memref<6x2x128xi32, #tpu.memory_space<vmem>> -> memref<1x2x128xi32, #tpu.memory_space<vmem>>
          %dma_start3A_314 = tpu.memref_squeeze %dma_start3A_313 : memref<1x2x128xi32, #tpu.memory_space<vmem>> -> memref<2x128xi32, #tpu.memory_space<vmem>>
          %dma_start3A_315 = arith.constant 0 : i32
          %dma_start3A_316 = arith.constant 0 : i32
          %dma_start3A_317 = tpu.memref_slice %arg3[%add3A_248, %dma_start3A_315, %dma_start3A_316] : memref<2528x2x128xi32, #tpu.memory_space<hbm>> -> memref<1x2x128xi32, #tpu.memory_space<hbm>>
          %dma_start3A_318 = tpu.memref_squeeze %dma_start3A_317 : memref<1x2x128xi32, #tpu.memory_space<hbm>> -> memref<2x128xi32, #tpu.memory_space<hbm>>
          %dma_start3A_319 = arith.constant 0 : i32
          %dma_start3A_320 = arith.constant 0 : i32
          %dma_start3A_321 = tpu.memref_slice %arg6[%select_n3A_264, %dma_start3A_319, %dma_start3A_320] : memref<6x2x128xi32, #tpu.memory_space<vmem>> -> memref<1x2x128xi32, #tpu.memory_space<vmem>>
          %dma_start3A_322 = tpu.memref_squeeze %dma_start3A_321 : memref<1x2x128xi32, #tpu.memory_space<vmem>> -> memref<2x128xi32, #tpu.memory_space<vmem>>
          %dma_start3A_323 = arith.constant 0 : i32
          %dma_start3A_324 = arith.constant 0 : i32
          %dma_start3A_325 = tpu.memref_slice %arg3[%add3A_248, %dma_start3A_323, %dma_start3A_324] : memref<2528x2x128xi32, #tpu.memory_space<hbm>> -> memref<1x2x128xi32, #tpu.memory_space<hbm>>
          %dma_start3A_326 = tpu.memref_squeeze %dma_start3A_325 : memref<1x2x128xi32, #tpu.memory_space<hbm>> -> memref<2x128xi32, #tpu.memory_space<hbm>>
          tpu.enqueue_dma source(%dma_start3A_326 : memref<2x128xi32, #tpu.memory_space<hbm>>) target(%dma_start3A_322 : memref<2x128xi32, #tpu.memory_space<vmem>>) target_semaphore(%run_scoped3A_310 : memref<!tpu.dma_semaphore, #tpu.memory_space<semaphore_mem>>)
          %dma_wait3A_327 = arith.constant 0 : i32
          %dma_wait3A_328 = arith.constant 0 : i32
          %dma_wait3A_329 = tpu.memref_slice %arg6[%select_n3A_264, %dma_wait3A_327, %dma_wait3A_328] : memref<6x2x128xi32, #tpu.memory_space<vmem>> -> memref<1x2x128xi32, #tpu.memory_space<vmem>>
          %dma_wait3A_330 = tpu.memref_squeeze %dma_wait3A_329 : memref<1x2x128xi32, #tpu.memory_space<vmem>> -> memref<2x128xi32, #tpu.memory_space<vmem>>
          %dma_wait3A_331 = arith.constant 0 : i32
          %dma_wait3A_332 = arith.constant 0 : i32
          %dma_wait3A_333 = tpu.memref_slice %arg3[%add3A_248, %dma_wait3A_331, %dma_wait3A_332] : memref<2528x2x128xi32, #tpu.memory_space<hbm>> -> memref<1x2x128xi32, #tpu.memory_space<hbm>>
          %dma_wait3A_334 = tpu.memref_squeeze %dma_wait3A_333 : memref<1x2x128xi32, #tpu.memory_space<hbm>> -> memref<2x128xi32, #tpu.memory_space<hbm>>
          %dma_wait3A_335 = arith.constant 0 : i32
          %dma_wait3A_336 = arith.constant 0 : i32
          %dma_wait3A_337 = tpu.memref_slice %arg6[%select_n3A_264, %dma_wait3A_335, %dma_wait3A_336] : memref<6x2x128xi32, #tpu.memory_space<vmem>> -> memref<1x2x128xi32, #tpu.memory_space<vmem>>
          %dma_wait3A_338 = tpu.memref_squeeze %dma_wait3A_337 : memref<1x2x128xi32, #tpu.memory_space<vmem>> -> memref<2x128xi32, #tpu.memory_space<vmem>>
          %dma_wait3A_339 = arith.constant 0 : i32
          %dma_wait3A_340 = arith.constant 0 : i32
          %dma_wait3A_341 = tpu.memref_slice %arg3[%add3A_248, %dma_wait3A_339, %dma_wait3A_340] : memref<2528x2x128xi32, #tpu.memory_space<hbm>> -> memref<1x2x128xi32, #tpu.memory_space<hbm>>
          %dma_wait3A_342 = tpu.memref_squeeze %dma_wait3A_341 : memref<1x2x128xi32, #tpu.memory_space<hbm>> -> memref<2x128xi32, #tpu.memory_space<hbm>>
          tpu.wait_dma2 semaphore(%run_scoped3A_310 : memref<!tpu.dma_semaphore, #tpu.memory_space<semaphore_mem>>) src(%dma_wait3A_342 : memref<2x128xi32, #tpu.memory_space<hbm>>) dst(%dma_wait3A_338 : memref<2x128xi32, #tpu.memory_space<vmem>>)
          tpu.yield
        }) : () -> ()
        %add3A_265 = arith.constant 3 : i32
        %add3A_266 = arith.addi %while3A_151, %add3A_265 : i32
        %jit3A_267 = arith.constant 6 : i32
        %eq3A_268 = arith.constant 0 : i32
        %eq3A_269 = arith.cmpi eq, %jit3A_267, %eq3A_268 : i32
        %jit3A_270 = arith.constant 1 : i32
        %select_n3A_271 = arith.select %eq3A_269, %jit3A_270, %jit3A_267 : i32
        %rem3A_272 = arith.remsi %add3A_266, %select_n3A_271 : i32
        %ne3A_273 = arith.constant 0 : i32
        %ne3A_274 = arith.cmpi ne, %rem3A_272, %ne3A_273 : i32
        %lt3A_275 = arith.constant 0 : i32
        %lt3A_276 = arith.cmpi slt, %rem3A_272, %lt3A_275 : i32
        %lt3A_277 = arith.constant 0 : i32
        %lt3A_278 = arith.cmpi slt, %select_n3A_271, %lt3A_277 : i32
        %ne3A_279 = arith.xori %lt3A_276, %lt3A_278 : i1
        %and3A_280 = arith.andi %ne3A_279, %ne3A_274 : i1
        %add3A_281 = arith.addi %rem3A_272, %select_n3A_271 : i32
        %select_n3A_282 = arith.select %and3A_280, %add3A_281, %rem3A_272 : i32
        %jit3A_283 = arith.constant 6 : i32
        %eq3A_284 = arith.constant 0 : i32
        %eq3A_285 = arith.cmpi eq, %jit3A_283, %eq3A_284 : i32
        %jit3A_286 = arith.constant 1 : i32
        %select_n3A_287 = arith.select %eq3A_285, %jit3A_286, %jit3A_283 : i32
        %rem3A_288 = arith.remsi %add3A_266, %select_n3A_287 : i32
        %ne3A_289 = arith.constant 0 : i32
        %ne3A_290 = arith.cmpi ne, %rem3A_288, %ne3A_289 : i32
        %lt3A_291 = arith.constant 0 : i32
        %lt3A_292 = arith.cmpi slt, %rem3A_288, %lt3A_291 : i32
        %lt3A_293 = arith.constant 0 : i32
        %lt3A_294 = arith.cmpi slt, %select_n3A_287, %lt3A_293 : i32
        %ne3A_295 = arith.xori %lt3A_292, %lt3A_294 : i1
        %and3A_296 = arith.andi %ne3A_295, %ne3A_290 : i1
        %add3A_297 = arith.addi %rem3A_288, %select_n3A_287 : i32
        %select_n3A_298 = arith.select %and3A_296, %add3A_297, %rem3A_288 : i32
        %dma_start3A_299 = arith.constant 0 : i32
        %dma_start3A_300 = arith.constant 0 : i32
        %dma_start3A_301 = arith.constant 0 : i32
        %dma_start3A_302 = tpu.memref_slice %arg7[%select_n3A_298, %dma_start3A_300, %dma_start3A_301] : memref<6x128x64xf32, #tpu.memory_space<vmem>> -> memref<1x128x64xf32, #tpu.memory_space<vmem>>
        %dma_start3A_303 = tpu.memref_squeeze %dma_start3A_302 : memref<1x128x64xf32, #tpu.memory_space<vmem>> -> memref<128x64xf32, #tpu.memory_space<vmem>>
        %dma_start3A_304 = arith.constant 0 : i32
        %dma_start3A_305 = tpu.memref_slice %arg6[%select_n3A_282, %dma_start3A_299, %dma_start3A_304] : memref<6x2x128xi32, #tpu.memory_space<vmem>> -> memref<1x1x128xi32, #tpu.memory_space<vmem>>
        %dma_start3A_306 = tpu.memref_squeeze %dma_start3A_305 : memref<1x1x128xi32, #tpu.memory_space<vmem>> -> memref<128xi32, #tpu.memory_space<vmem>>
        %dma_start3A_307 = arith.constant 0 : i32
        %dma_start3A_308 = arith.constant 0 : i32
        %dma_start3A_309 = tpu.memref_slice %arg2[%dma_start3A_307, %dma_start3A_308] : memref<10240x64xf32, #tpu.memory_space<hbm>> -> memref<10240x64xf32, #tpu.memory_space<hbm>>
        tpu.enqueue_indirect_dma source(%dma_start3A_309 : memref<10240x64xf32, #tpu.memory_space<hbm>>) target(%dma_start3A_303 : memref<128x64xf32, #tpu.memory_space<vmem>>) offsets(%dma_start3A_306 : memref<128xi32, #tpu.memory_space<vmem>>) semaphore(%arg9 : memref<!tpu.dma_semaphore, #tpu.memory_space<semaphore_mem>>)
      } else {
      }
    }
    %while3A_67 = arith.constant 1 : i32
    scf.for %while3A_151 = %while3A_65 to %while3A_61 step %while3A_67  : i32 {
      %jit3A_152 = arith.constant 6 : i32
      %eq3A_153 = arith.constant 0 : i32
      %eq3A_154 = arith.cmpi eq, %jit3A_152, %eq3A_153 : i32
      %jit3A_155 = arith.constant 1 : i32
      %select_n3A_156 = arith.select %eq3A_154, %jit3A_155, %jit3A_152 : i32
      %rem3A = arith.remsi %while3A_151, %select_n3A_156 : i32
      %ne3A = arith.constant 0 : i32
      %ne3A_157 = arith.cmpi ne, %rem3A, %ne3A : i32
      %lt3A = arith.constant 0 : i32
      %lt3A_158 = arith.cmpi slt, %rem3A, %lt3A : i32
      %lt3A_159 = arith.constant 0 : i32
      %lt3A_160 = arith.cmpi slt, %select_n3A_156, %lt3A_159 : i32
      %ne3A_161 = arith.xori %lt3A_158, %lt3A_160 : i1
      %and3A = arith.andi %ne3A_161, %ne3A_157 : i1
      %add3A_162 = arith.addi %rem3A, %select_n3A_156 : i32
      %select_n3A_163 = arith.select %and3A, %add3A_162, %rem3A : i32
      %jit3A_164 = arith.constant 6 : i32
      %eq3A_165 = arith.constant 0 : i32
      %eq3A_166 = arith.cmpi eq, %jit3A_164, %eq3A_165 : i32
      %jit3A_167 = arith.constant 1 : i32
      %select_n3A_168 = arith.select %eq3A_166, %jit3A_167, %jit3A_164 : i32
      %rem3A_169 = arith.remsi %while3A_151, %select_n3A_168 : i32
      %ne3A_170 = arith.constant 0 : i32
      %ne3A_171 = arith.cmpi ne, %rem3A_169, %ne3A_170 : i32
      %lt3A_172 = arith.constant 0 : i32
      %lt3A_173 = arith.cmpi slt, %rem3A_169, %lt3A_172 : i32
      %lt3A_174 = arith.constant 0 : i32
      %lt3A_175 = arith.cmpi slt, %select_n3A_168, %lt3A_174 : i32
      %ne3A_176 = arith.xori %lt3A_173, %lt3A_175 : i1
      %and3A_177 = arith.andi %ne3A_176, %ne3A_171 : i1
      %add3A_178 = arith.addi %rem3A_169, %select_n3A_168 : i32
      %select_n3A_179 = arith.select %and3A_177, %add3A_178, %rem3A_169 : i32
      %dma_wait3A_180 = arith.constant 0 : i32
      %dma_wait3A_181 = arith.constant 0 : i32
      %dma_wait3A_182 = arith.constant 0 : i32
      %dma_wait3A_183 = tpu.memref_slice %arg7[%select_n3A_179, %dma_wait3A_181, %dma_wait3A_182] : memref<6x128x64xf32, #tpu.memory_space<vmem>> -> memref<1x128x64xf32, #tpu.memory_space<vmem>>
      %dma_wait3A_184 = tpu.memref_squeeze %dma_wait3A_183 : memref<1x128x64xf32, #tpu.memory_space<vmem>> -> memref<128x64xf32, #tpu.memory_space<vmem>>
      %dma_wait3A_185 = arith.constant 0 : i32
      %dma_wait3A_186 = tpu.memref_slice %arg6[%select_n3A_163, %dma_wait3A_180, %dma_wait3A_185] : memref<6x2x128xi32, #tpu.memory_space<vmem>> -> memref<1x1x128xi32, #tpu.memory_space<vmem>>
      %dma_wait3A_187 = tpu.memref_squeeze %dma_wait3A_186 : memref<1x1x128xi32, #tpu.memory_space<vmem>> -> memref<128xi32, #tpu.memory_space<vmem>>
      %dma_wait3A_188 = arith.constant 0 : i32
      %dma_wait3A_189 = arith.constant 0 : i32
      %dma_wait3A_190 = tpu.memref_slice %arg2[%dma_wait3A_188, %dma_wait3A_189] : memref<10240x64xf32, #tpu.memory_space<hbm>> -> memref<10240x64xf32, #tpu.memory_space<hbm>>
      tpu.wait_indirect_dma semaphore(%arg9 : memref<!tpu.dma_semaphore, #tpu.memory_space<semaphore_mem>>) src(%dma_wait3A_190 : memref<10240x64xf32, #tpu.memory_space<hbm>>) dst(%dma_wait3A_184 : memref<128x64xf32, #tpu.memory_space<vmem>>)
      %jit3A_191 = arith.constant 6 : i32
      %eq3A_192 = arith.constant 0 : i32
      %eq3A_193 = arith.cmpi eq, %jit3A_191, %eq3A_192 : i32
      %jit3A_194 = arith.constant 1 : i32
      %select_n3A_195 = arith.select %eq3A_193, %jit3A_194, %jit3A_191 : i32
      %rem3A_196 = arith.remsi %while3A_151, %select_n3A_195 : i32
      %ne3A_197 = arith.constant 0 : i32
      %ne3A_198 = arith.cmpi ne, %rem3A_196, %ne3A_197 : i32
      %lt3A_199 = arith.constant 0 : i32
      %lt3A_200 = arith.cmpi slt, %rem3A_196, %lt3A_199 : i32
      %lt3A_201 = arith.constant 0 : i32
      %lt3A_202 = arith.cmpi slt, %select_n3A_195, %lt3A_201 : i32
      %ne3A_203 = arith.xori %lt3A_200, %lt3A_202 : i1
      %and3A_204 = arith.andi %ne3A_203, %ne3A_198 : i1
      %add3A_205 = arith.addi %rem3A_196, %select_n3A_195 : i32
      %select_n3A_206 = arith.select %and3A_204, %add3A_205, %rem3A_196 : i32
      %jit3A_207 = arith.constant 6 : i32
      %eq3A_208 = arith.constant 0 : i32
      %eq3A_209 = arith.cmpi eq, %jit3A_207, %eq3A_208 : i32
      %jit3A_210 = arith.constant 1 : i32
      %select_n3A_211 = arith.select %eq3A_209, %jit3A_210, %jit3A_207 : i32
      %rem3A_212 = arith.remsi %while3A_151, %select_n3A_211 : i32
      %ne3A_213 = arith.constant 0 : i32
      %ne3A_214 = arith.cmpi ne, %rem3A_212, %ne3A_213 : i32
      %lt3A_215 = arith.constant 0 : i32
      %lt3A_216 = arith.cmpi slt, %rem3A_212, %lt3A_215 : i32
      %lt3A_217 = arith.constant 0 : i32
      %lt3A_218 = arith.cmpi slt, %select_n3A_211, %lt3A_217 : i32
      %ne3A_219 = arith.xori %lt3A_216, %lt3A_218 : i1
      %and3A_220 = arith.andi %ne3A_219, %ne3A_214 : i1
      %add3A_221 = arith.addi %rem3A_212, %select_n3A_211 : i32
      %select_n3A_222 = arith.select %and3A_220, %add3A_221, %rem3A_212 : i32
      %dma_start3A_223 = arith.constant 1 : i32
      %dma_start3A_224 = arith.constant 0 : i32
      %dma_start3A_225 = arith.constant 0 : i32
      %dma_start3A_226 = tpu.memref_slice %arg7[%select_n3A_206, %dma_start3A_224, %dma_start3A_225] : memref<6x128x64xf32, #tpu.memory_space<vmem>> -> memref<1x128x64xf32, #tpu.memory_space<vmem>>
      %dma_start3A_227 = tpu.memref_squeeze %dma_start3A_226 : memref<1x128x64xf32, #tpu.memory_space<vmem>> -> memref<128x64xf32, #tpu.memory_space<vmem>>
      %dma_start3A_228 = arith.constant 0 : i32
      %dma_start3A_229 = tpu.memref_slice %arg6[%select_n3A_222, %dma_start3A_223, %dma_start3A_228] : memref<6x2x128xi32, #tpu.memory_space<vmem>> -> memref<1x1x128xi32, #tpu.memory_space<vmem>>
      %dma_start3A_230 = tpu.memref_squeeze %dma_start3A_229 : memref<1x1x128xi32, #tpu.memory_space<vmem>> -> memref<128xi32, #tpu.memory_space<vmem>>
      %dma_start3A_231 = arith.constant 0 : i32
      %dma_start3A_232 = arith.constant 0 : i32
      %dma_start3A_233 = tpu.memref_slice %arg8[%dma_start3A_231, %dma_start3A_232] : memref<10240x64xf32, #tpu.memory_space<vmem_shared>> -> memref<10240x64xf32, #tpu.memory_space<vmem_shared>>
      tpu.enqueue_indirect_dma source(%dma_start3A_227 : memref<128x64xf32, #tpu.memory_space<vmem>>) target(%dma_start3A_233 : memref<10240x64xf32, #tpu.memory_space<vmem_shared>>) offsets(%dma_start3A_230 : memref<128xi32, #tpu.memory_space<vmem>>) semaphore(%arg10 : memref<!tpu.dma_semaphore, #tpu.memory_space<semaphore_mem>>) {add = true}
      %add3A_234 = arith.constant 3 : i32
      %add3A_235 = arith.addi %while3A_151, %add3A_234 : i32
      %lt3A_236 = arith.cmpi slt, %add3A_235, %select_n3A : i32
      %ge3A = arith.constant 3 : i32
      %ge3A_237 = arith.cmpi sge, %while3A_151, %ge3A : i32
      %and3A_238 = arith.andi %lt3A_236, %ge3A_237 : i1
      %convert_element_type3A = arith.extui %and3A_238 : i1 to i32
      %cond3A = arith.constant 0 : i32
      %cond3A_239 = arith.cmpi ne, %convert_element_type3A, %cond3A : i32
      scf.if %cond3A_239 {
        %sub3A = arith.constant 3 : i32
        %sub3A_246 = arith.subi %while3A_151, %sub3A : i32
        %jit3A_247 = arith.constant 6 : i32
        %eq3A_248 = arith.constant 0 : i32
        %eq3A_249 = arith.cmpi eq, %jit3A_247, %eq3A_248 : i32
        %jit3A_250 = arith.constant 1 : i32
        %select_n3A_251 = arith.select %eq3A_249, %jit3A_250, %jit3A_247 : i32
        %rem3A_252 = arith.remsi %sub3A_246, %select_n3A_251 : i32
        %ne3A_253 = arith.constant 0 : i32
        %ne3A_254 = arith.cmpi ne, %rem3A_252, %ne3A_253 : i32
        %lt3A_255 = arith.constant 0 : i32
        %lt3A_256 = arith.cmpi slt, %rem3A_252, %lt3A_255 : i32
        %lt3A_257 = arith.constant 0 : i32
        %lt3A_258 = arith.cmpi slt, %select_n3A_251, %lt3A_257 : i32
        %ne3A_259 = arith.xori %lt3A_256, %lt3A_258 : i1
        %and3A_260 = arith.andi %ne3A_259, %ne3A_254 : i1
        %add3A_261 = arith.addi %rem3A_252, %select_n3A_251 : i32
        %select_n3A_262 = arith.select %and3A_260, %add3A_261, %rem3A_252 : i32
        %jit3A_263 = arith.constant 6 : i32
        %eq3A_264 = arith.constant 0 : i32
        %eq3A_265 = arith.cmpi eq, %jit3A_263, %eq3A_264 : i32
        %jit3A_266 = arith.constant 1 : i32
        %select_n3A_267 = arith.select %eq3A_265, %jit3A_266, %jit3A_263 : i32
        %rem3A_268 = arith.remsi %sub3A_246, %select_n3A_267 : i32
        %ne3A_269 = arith.constant 0 : i32
        %ne3A_270 = arith.cmpi ne, %rem3A_268, %ne3A_269 : i32
        %lt3A_271 = arith.constant 0 : i32
        %lt3A_272 = arith.cmpi slt, %rem3A_268, %lt3A_271 : i32
        %lt3A_273 = arith.constant 0 : i32
        %lt3A_274 = arith.cmpi slt, %select_n3A_267, %lt3A_273 : i32
        %ne3A_275 = arith.xori %lt3A_272, %lt3A_274 : i1
        %and3A_276 = arith.andi %ne3A_275, %ne3A_270 : i1
        %add3A_277 = arith.addi %rem3A_268, %select_n3A_267 : i32
        %select_n3A_278 = arith.select %and3A_276, %add3A_277, %rem3A_268 : i32
        %dma_wait3A_279 = arith.constant 1 : i32
        %dma_wait3A_280 = arith.constant 0 : i32
        %dma_wait3A_281 = arith.constant 0 : i32
        %dma_wait3A_282 = tpu.memref_slice %arg7[%select_n3A_262, %dma_wait3A_280, %dma_wait3A_281] : memref<6x128x64xf32, #tpu.memory_space<vmem>> -> memref<1x128x64xf32, #tpu.memory_space<vmem>>
        %dma_wait3A_283 = tpu.memref_squeeze %dma_wait3A_282 : memref<1x128x64xf32, #tpu.memory_space<vmem>> -> memref<128x64xf32, #tpu.memory_space<vmem>>
        %dma_wait3A_284 = arith.constant 0 : i32
        %dma_wait3A_285 = tpu.memref_slice %arg6[%select_n3A_278, %dma_wait3A_279, %dma_wait3A_284] : memref<6x2x128xi32, #tpu.memory_space<vmem>> -> memref<1x1x128xi32, #tpu.memory_space<vmem>>
        %dma_wait3A_286 = tpu.memref_squeeze %dma_wait3A_285 : memref<1x1x128xi32, #tpu.memory_space<vmem>> -> memref<128xi32, #tpu.memory_space<vmem>>
        %dma_wait3A_287 = arith.constant 0 : i32
        %dma_wait3A_288 = arith.constant 0 : i32
        %dma_wait3A_289 = tpu.memref_slice %arg8[%dma_wait3A_287, %dma_wait3A_288] : memref<10240x64xf32, #tpu.memory_space<vmem_shared>> -> memref<10240x64xf32, #tpu.memory_space<vmem_shared>>
        tpu.wait_indirect_dma semaphore(%arg10 : memref<!tpu.dma_semaphore, #tpu.memory_space<semaphore_mem>>) src(%dma_wait3A_283 : memref<128x64xf32, #tpu.memory_space<vmem>>) dst(%dma_wait3A_289 : memref<10240x64xf32, #tpu.memory_space<vmem_shared>>)
      } else {
      }
      %add3A_240 = arith.constant 3 : i32
      %add3A_241 = arith.addi %while3A_151, %add3A_240 : i32
      %lt3A_242 = arith.cmpi slt, %add3A_241, %select_n3A : i32
      %convert_element_type3A_243 = arith.extui %lt3A_242 : i1 to i32
      %cond3A_244 = arith.constant 0 : i32
      %cond3A_245 = arith.cmpi ne, %convert_element_type3A_243, %cond3A_244 : i32
      scf.if %cond3A_245 {
        %add3A_246 = arith.constant 3 : i32
        %add3A_247 = arith.addi %while3A_151, %add3A_246 : i32
        %add3A_248 = arith.addi %select_n3A_8, %add3A_247 : i32
        %jit3A_249 = arith.constant 6 : i32
        %eq3A_250 = arith.constant 0 : i32
        %eq3A_251 = arith.cmpi eq, %jit3A_249, %eq3A_250 : i32
        %jit3A_252 = arith.constant 1 : i32
        %select_n3A_253 = arith.select %eq3A_251, %jit3A_252, %jit3A_249 : i32
        %rem3A_254 = arith.remsi %add3A_247, %select_n3A_253 : i32
        %ne3A_255 = arith.constant 0 : i32
        %ne3A_256 = arith.cmpi ne, %rem3A_254, %ne3A_255 : i32
        %lt3A_257 = arith.constant 0 : i32
        %lt3A_258 = arith.cmpi slt, %rem3A_254, %lt3A_257 : i32
        %lt3A_259 = arith.constant 0 : i32
        %lt3A_260 = arith.cmpi slt, %select_n3A_253, %lt3A_259 : i32
        %ne3A_261 = arith.xori %lt3A_258, %lt3A_260 : i1
        %and3A_262 = arith.andi %ne3A_261, %ne3A_256 : i1
        %add3A_263 = arith.addi %rem3A_254, %select_n3A_253 : i32
        %select_n3A_264 = arith.select %and3A_262, %add3A_263, %rem3A_254 : i32
        "tpu.region"() ({
          %run_scoped3A_310 = tpu.sem_alloc : memref<!tpu.dma_semaphore, #tpu.memory_space<semaphore_mem>>
          %dma_start3A_311 = arith.constant 0 : i32
          %dma_start3A_312 = arith.constant 0 : i32
          %dma_start3A_313 = tpu.memref_slice %arg6[%select_n3A_264, %dma_start3A_311, %dma_start3A_312] : memref<6x2x128xi32, #tpu.memory_space<vmem>> -> memref<1x2x128xi32, #tpu.memory_space<vmem>>
          %dma_start3A_314 = tpu.memref_squeeze %dma_start3A_313 : memref<1x2x128xi32, #tpu.memory_space<vmem>> -> memref<2x128xi32, #tpu.memory_space<vmem>>
          %dma_start3A_315 = arith.constant 0 : i32
          %dma_start3A_316 = arith.constant 0 : i32
          %dma_start3A_317 = tpu.memref_slice %arg3[%add3A_248, %dma_start3A_315, %dma_start3A_316] : memref<2528x2x128xi32, #tpu.memory_space<hbm>> -> memref<1x2x128xi32, #tpu.memory_space<hbm>>
          %dma_start3A_318 = tpu.memref_squeeze %dma_start3A_317 : memref<1x2x128xi32, #tpu.memory_space<hbm>> -> memref<2x128xi32, #tpu.memory_space<hbm>>
          %dma_start3A_319 = arith.constant 0 : i32
          %dma_start3A_320 = arith.constant 0 : i32
          %dma_start3A_321 = tpu.memref_slice %arg6[%select_n3A_264, %dma_start3A_319, %dma_start3A_320] : memref<6x2x128xi32, #tpu.memory_space<vmem>> -> memref<1x2x128xi32, #tpu.memory_space<vmem>>
          %dma_start3A_322 = tpu.memref_squeeze %dma_start3A_321 : memref<1x2x128xi32, #tpu.memory_space<vmem>> -> memref<2x128xi32, #tpu.memory_space<vmem>>
          %dma_start3A_323 = arith.constant 0 : i32
          %dma_start3A_324 = arith.constant 0 : i32
          %dma_start3A_325 = tpu.memref_slice %arg3[%add3A_248, %dma_start3A_323, %dma_start3A_324] : memref<2528x2x128xi32, #tpu.memory_space<hbm>> -> memref<1x2x128xi32, #tpu.memory_space<hbm>>
          %dma_start3A_326 = tpu.memref_squeeze %dma_start3A_325 : memref<1x2x128xi32, #tpu.memory_space<hbm>> -> memref<2x128xi32, #tpu.memory_space<hbm>>
          tpu.enqueue_dma source(%dma_start3A_326 : memref<2x128xi32, #tpu.memory_space<hbm>>) target(%dma_start3A_322 : memref<2x128xi32, #tpu.memory_space<vmem>>) target_semaphore(%run_scoped3A_310 : memref<!tpu.dma_semaphore, #tpu.memory_space<semaphore_mem>>)
          %dma_wait3A_327 = arith.constant 0 : i32
          %dma_wait3A_328 = arith.constant 0 : i32
          %dma_wait3A_329 = tpu.memref_slice %arg6[%select_n3A_264, %dma_wait3A_327, %dma_wait3A_328] : memref<6x2x128xi32, #tpu.memory_space<vmem>> -> memref<1x2x128xi32, #tpu.memory_space<vmem>>
          %dma_wait3A_330 = tpu.memref_squeeze %dma_wait3A_329 : memref<1x2x128xi32, #tpu.memory_space<vmem>> -> memref<2x128xi32, #tpu.memory_space<vmem>>
          %dma_wait3A_331 = arith.constant 0 : i32
          %dma_wait3A_332 = arith.constant 0 : i32
          %dma_wait3A_333 = tpu.memref_slice %arg3[%add3A_248, %dma_wait3A_331, %dma_wait3A_332] : memref<2528x2x128xi32, #tpu.memory_space<hbm>> -> memref<1x2x128xi32, #tpu.memory_space<hbm>>
          %dma_wait3A_334 = tpu.memref_squeeze %dma_wait3A_333 : memref<1x2x128xi32, #tpu.memory_space<hbm>> -> memref<2x128xi32, #tpu.memory_space<hbm>>
          %dma_wait3A_335 = arith.constant 0 : i32
          %dma_wait3A_336 = arith.constant 0 : i32
          %dma_wait3A_337 = tpu.memref_slice %arg6[%select_n3A_264, %dma_wait3A_335, %dma_wait3A_336] : memref<6x2x128xi32, #tpu.memory_space<vmem>> -> memref<1x2x128xi32, #tpu.memory_space<vmem>>
          %dma_wait3A_338 = tpu.memref_squeeze %dma_wait3A_337 : memref<1x2x128xi32, #tpu.memory_space<vmem>> -> memref<2x128xi32, #tpu.memory_space<vmem>>
          %dma_wait3A_339 = arith.constant 0 : i32
          %dma_wait3A_340 = arith.constant 0 : i32
          %dma_wait3A_341 = tpu.memref_slice %arg3[%add3A_248, %dma_wait3A_339, %dma_wait3A_340] : memref<2528x2x128xi32, #tpu.memory_space<hbm>> -> memref<1x2x128xi32, #tpu.memory_space<hbm>>
          %dma_wait3A_342 = tpu.memref_squeeze %dma_wait3A_341 : memref<1x2x128xi32, #tpu.memory_space<hbm>> -> memref<2x128xi32, #tpu.memory_space<hbm>>
          tpu.wait_dma2 semaphore(%run_scoped3A_310 : memref<!tpu.dma_semaphore, #tpu.memory_space<semaphore_mem>>) src(%dma_wait3A_342 : memref<2x128xi32, #tpu.memory_space<hbm>>) dst(%dma_wait3A_338 : memref<2x128xi32, #tpu.memory_space<vmem>>)
          tpu.yield
        }) : () -> ()
        %add3A_265 = arith.constant 3 : i32
        %add3A_266 = arith.addi %while3A_151, %add3A_265 : i32
        %jit3A_267 = arith.constant 6 : i32
        %eq3A_268 = arith.constant 0 : i32
        %eq3A_269 = arith.cmpi eq, %jit3A_267, %eq3A_268 : i32
        %jit3A_270 = arith.constant 1 : i32
        %select_n3A_271 = arith.select %eq3A_269, %jit3A_270, %jit3A_267 : i32
        %rem3A_272 = arith.remsi %add3A_266, %select_n3A_271 : i32
        %ne3A_273 = arith.constant 0 : i32
        %ne3A_274 = arith.cmpi ne, %rem3A_272, %ne3A_273 : i32
        %lt3A_275 = arith.constant 0 : i32
        %lt3A_276 = arith.cmpi slt, %rem3A_272, %lt3A_275 : i32
        %lt3A_277 = arith.constant 0 : i32
        %lt3A_278 = arith.cmpi slt, %select_n3A_271, %lt3A_277 : i32
        %ne3A_279 = arith.xori %lt3A_276, %lt3A_278 : i1
        %and3A_280 = arith.andi %ne3A_279, %ne3A_274 : i1
        %add3A_281 = arith.addi %rem3A_272, %select_n3A_271 : i32
        %select_n3A_282 = arith.select %and3A_280, %add3A_281, %rem3A_272 : i32
        %jit3A_283 = arith.constant 6 : i32
        %eq3A_284 = arith.constant 0 : i32
        %eq3A_285 = arith.cmpi eq, %jit3A_283, %eq3A_284 : i32
        %jit3A_286 = arith.constant 1 : i32
        %select_n3A_287 = arith.select %eq3A_285, %jit3A_286, %jit3A_283 : i32
        %rem3A_288 = arith.remsi %add3A_266, %select_n3A_287 : i32
        %ne3A_289 = arith.constant 0 : i32
        %ne3A_290 = arith.cmpi ne, %rem3A_288, %ne3A_289 : i32
        %lt3A_291 = arith.constant 0 : i32
        %lt3A_292 = arith.cmpi slt, %rem3A_288, %lt3A_291 : i32
        %lt3A_293 = arith.constant 0 : i32
        %lt3A_294 = arith.cmpi slt, %select_n3A_287, %lt3A_293 : i32
        %ne3A_295 = arith.xori %lt3A_292, %lt3A_294 : i1
        %and3A_296 = arith.andi %ne3A_295, %ne3A_290 : i1
        %add3A_297 = arith.addi %rem3A_288, %select_n3A_287 : i32
        %select_n3A_298 = arith.select %and3A_296, %add3A_297, %rem3A_288 : i32
        %dma_start3A_299 = arith.constant 0 : i32
        %dma_start3A_300 = arith.constant 0 : i32
        %dma_start3A_301 = arith.constant 0 : i32
        %dma_start3A_302 = tpu.memref_slice %arg7[%select_n3A_298, %dma_start3A_300, %dma_start3A_301] : memref<6x128x64xf32, #tpu.memory_space<vmem>> -> memref<1x128x64xf32, #tpu.memory_space<vmem>>
        %dma_start3A_303 = tpu.memref_squeeze %dma_start3A_302 : memref<1x128x64xf32, #tpu.memory_space<vmem>> -> memref<128x64xf32, #tpu.memory_space<vmem>>
        %dma_start3A_304 = arith.constant 0 : i32
        %dma_start3A_305 = tpu.memref_slice %arg6[%select_n3A_282, %dma_start3A_299, %dma_start3A_304] : memref<6x2x128xi32, #tpu.memory_space<vmem>> -> memref<1x1x128xi32, #tpu.memory_space<vmem>>
        %dma_start3A_306 = tpu.memref_squeeze %dma_start3A_305 : memref<1x1x128xi32, #tpu.memory_space<vmem>> -> memref<128xi32, #tpu.memory_space<vmem>>
        %dma_start3A_307 = arith.constant 0 : i32
        %dma_start3A_308 = arith.constant 0 : i32
        %dma_start3A_309 = tpu.memref_slice %arg2[%dma_start3A_307, %dma_start3A_308] : memref<10240x64xf32, #tpu.memory_space<hbm>> -> memref<10240x64xf32, #tpu.memory_space<hbm>>
        tpu.enqueue_indirect_dma source(%dma_start3A_309 : memref<10240x64xf32, #tpu.memory_space<hbm>>) target(%dma_start3A_303 : memref<128x64xf32, #tpu.memory_space<vmem>>) offsets(%dma_start3A_306 : memref<128xi32, #tpu.memory_space<vmem>>) semaphore(%arg9 : memref<!tpu.dma_semaphore, #tpu.memory_space<semaphore_mem>>)
      } else {
      }
    }
    %dma_wait3A = arith.constant 0 : i32
    %dma_wait3A_68 = arith.constant 0 : i32
    %dma_wait3A_69 = arith.constant 1 : i32
    %dma_wait3A_70 = arith.constant 0 : i32
    %dma_wait3A_71 = arith.constant 0 : i32
    %dma_wait3A_72 = tpu.memref_slice %arg7[%dma_wait3A, %dma_wait3A_70, %dma_wait3A_71] : memref<6x128x64xf32, #tpu.memory_space<vmem>> -> memref<1x128x64xf32, #tpu.memory_space<vmem>>
    %dma_wait3A_73 = tpu.memref_squeeze %dma_wait3A_72 : memref<1x128x64xf32, #tpu.memory_space<vmem>> -> memref<128x64xf32, #tpu.memory_space<vmem>>
    %dma_wait3A_74 = arith.constant 0 : i32
    %dma_wait3A_75 = tpu.memref_slice %arg6[%dma_wait3A_68, %dma_wait3A_69, %dma_wait3A_74] : memref<6x2x128xi32, #tpu.memory_space<vmem>> -> memref<1x1x128xi32, #tpu.memory_space<vmem>>
    %dma_wait3A_76 = tpu.memref_squeeze %dma_wait3A_75 : memref<1x1x128xi32, #tpu.memory_space<vmem>> -> memref<128xi32, #tpu.memory_space<vmem>>
    %dma_wait3A_77 = arith.constant 0 : i32
    %dma_wait3A_78 = arith.constant 0 : i32
    %dma_wait3A_79 = tpu.memref_slice %arg8[%dma_wait3A_77, %dma_wait3A_78] : memref<10240x64xf32, #tpu.memory_space<vmem_shared>> -> memref<10240x64xf32, #tpu.memory_space<vmem_shared>>
    tpu.wait_indirect_dma semaphore(%arg10 : memref<!tpu.dma_semaphore, #tpu.memory_space<semaphore_mem>>) src(%dma_wait3A_73 : memref<128x64xf32, #tpu.memory_space<vmem>>) dst(%dma_wait3A_79 : memref<10240x64xf32, #tpu.memory_space<vmem_shared>>)
    %dma_wait3A_80 = arith.constant 1 : i32
    %dma_wait3A_81 = arith.constant 1 : i32
    %dma_wait3A_82 = arith.constant 1 : i32
    %dma_wait3A_83 = arith.constant 0 : i32
    %dma_wait3A_84 = arith.constant 0 : i32
    %dma_wait3A_85 = tpu.memref_slice %arg7[%dma_wait3A_80, %dma_wait3A_83, %dma_wait3A_84] : memref<6x128x64xf32, #tpu.memory_space<vmem>> -> memref<1x128x64xf32, #tpu.memory_space<vmem>>
    %dma_wait3A_86 = tpu.memref_squeeze %dma_wait3A_85 : memref<1x128x64xf32, #tpu.memory_space<vmem>> -> memref<128x64xf32, #tpu.memory_space<vmem>>
    %dma_wait3A_87 = arith.constant 0 : i32
    %dma_wait3A_88 = tpu.memref_slice %arg6[%dma_wait3A_81, %dma_wait3A_82, %dma_wait3A_87] : memref<6x2x128xi32, #tpu.memory_space<vmem>> -> memref<1x1x128xi32, #tpu.memory_space<vmem>>
    %dma_wait3A_89 = tpu.memref_squeeze %dma_wait3A_88 : memref<1x1x128xi32, #tpu.memory_space<vmem>> -> memref<128xi32, #tpu.memory_space<vmem>>
    %dma_wait3A_90 = arith.constant 0 : i32
    %dma_wait3A_91 = arith.constant 0 : i32
    %dma_wait3A_92 = tpu.memref_slice %arg8[%dma_wait3A_90, %dma_wait3A_91] : memref<10240x64xf32, #tpu.memory_space<vmem_shared>> -> memref<10240x64xf32, #tpu.memory_space<vmem_shared>>
    tpu.wait_indirect_dma semaphore(%arg10 : memref<!tpu.dma_semaphore, #tpu.memory_space<semaphore_mem>>) src(%dma_wait3A_86 : memref<128x64xf32, #tpu.memory_space<vmem>>) dst(%dma_wait3A_92 : memref<10240x64xf32, #tpu.memory_space<vmem_shared>>)
    %dma_wait3A_93 = arith.constant 2 : i32
    %dma_wait3A_94 = arith.constant 2 : i32
    %dma_wait3A_95 = arith.constant 1 : i32
    %dma_wait3A_96 = arith.constant 0 : i32
    %dma_wait3A_97 = arith.constant 0 : i32
    %dma_wait3A_98 = tpu.memref_slice %arg7[%dma_wait3A_93, %dma_wait3A_96, %dma_wait3A_97] : memref<6x128x64xf32, #tpu.memory_space<vmem>> -> memref<1x128x64xf32, #tpu.memory_space<vmem>>
    %dma_wait3A_99 = tpu.memref_squeeze %dma_wait3A_98 : memref<1x128x64xf32, #tpu.memory_space<vmem>> -> memref<128x64xf32, #tpu.memory_space<vmem>>
    %dma_wait3A_100 = arith.constant 0 : i32
    %dma_wait3A_101 = tpu.memref_slice %arg6[%dma_wait3A_94, %dma_wait3A_95, %dma_wait3A_100] : memref<6x2x128xi32, #tpu.memory_space<vmem>> -> memref<1x1x128xi32, #tpu.memory_space<vmem>>
    %dma_wait3A_102 = tpu.memref_squeeze %dma_wait3A_101 : memref<1x1x128xi32, #tpu.memory_space<vmem>> -> memref<128xi32, #tpu.memory_space<vmem>>
    %dma_wait3A_103 = arith.constant 0 : i32
    %dma_wait3A_104 = arith.constant 0 : i32
    %dma_wait3A_105 = tpu.memref_slice %arg8[%dma_wait3A_103, %dma_wait3A_104] : memref<10240x64xf32, #tpu.memory_space<vmem_shared>> -> memref<10240x64xf32, #tpu.memory_space<vmem_shared>>
    tpu.wait_indirect_dma semaphore(%arg10 : memref<!tpu.dma_semaphore, #tpu.memory_space<semaphore_mem>>) src(%dma_wait3A_99 : memref<128x64xf32, #tpu.memory_space<vmem>>) dst(%dma_wait3A_105 : memref<10240x64xf32, #tpu.memory_space<vmem_shared>>)
    %dma_wait3A_106 = arith.constant 3 : i32
    %dma_wait3A_107 = arith.constant 3 : i32
    %dma_wait3A_108 = arith.constant 1 : i32
    %dma_wait3A_109 = arith.constant 0 : i32
    %dma_wait3A_110 = arith.constant 0 : i32
    %dma_wait3A_111 = tpu.memref_slice %arg7[%dma_wait3A_106, %dma_wait3A_109, %dma_wait3A_110] : memref<6x128x64xf32, #tpu.memory_space<vmem>> -> memref<1x128x64xf32, #tpu.memory_space<vmem>>
    %dma_wait3A_112 = tpu.memref_squeeze %dma_wait3A_111 : memref<1x128x64xf32, #tpu.memory_space<vmem>> -> memref<128x64xf32, #tpu.memory_space<vmem>>
    %dma_wait3A_113 = arith.constant 0 : i32
    %dma_wait3A_114 = tpu.memref_slice %arg6[%dma_wait3A_107, %dma_wait3A_108, %dma_wait3A_113] : memref<6x2x128xi32, #tpu.memory_space<vmem>> -> memref<1x1x128xi32, #tpu.memory_space<vmem>>
    %dma_wait3A_115 = tpu.memref_squeeze %dma_wait3A_114 : memref<1x1x128xi32, #tpu.memory_space<vmem>> -> memref<128xi32, #tpu.memory_space<vmem>>
    %dma_wait3A_116 = arith.constant 0 : i32
    %dma_wait3A_117 = arith.constant 0 : i32
    %dma_wait3A_118 = tpu.memref_slice %arg8[%dma_wait3A_116, %dma_wait3A_117] : memref<10240x64xf32, #tpu.memory_space<vmem_shared>> -> memref<10240x64xf32, #tpu.memory_space<vmem_shared>>
    tpu.wait_indirect_dma semaphore(%arg10 : memref<!tpu.dma_semaphore, #tpu.memory_space<semaphore_mem>>) src(%dma_wait3A_112 : memref<128x64xf32, #tpu.memory_space<vmem>>) dst(%dma_wait3A_118 : memref<10240x64xf32, #tpu.memory_space<vmem_shared>>)
    %dma_wait3A_119 = arith.constant 4 : i32
    %dma_wait3A_120 = arith.constant 4 : i32
    %dma_wait3A_121 = arith.constant 1 : i32
    %dma_wait3A_122 = arith.constant 0 : i32
    %dma_wait3A_123 = arith.constant 0 : i32
    %dma_wait3A_124 = tpu.memref_slice %arg7[%dma_wait3A_119, %dma_wait3A_122, %dma_wait3A_123] : memref<6x128x64xf32, #tpu.memory_space<vmem>> -> memref<1x128x64xf32, #tpu.memory_space<vmem>>
    %dma_wait3A_125 = tpu.memref_squeeze %dma_wait3A_124 : memref<1x128x64xf32, #tpu.memory_space<vmem>> -> memref<128x64xf32, #tpu.memory_space<vmem>>
    %dma_wait3A_126 = arith.constant 0 : i32
    %dma_wait3A_127 = tpu.memref_slice %arg6[%dma_wait3A_120, %dma_wait3A_121, %dma_wait3A_126] : memref<6x2x128xi32, #tpu.memory_space<vmem>> -> memref<1x1x128xi32, #tpu.memory_space<vmem>>
    %dma_wait3A_128 = tpu.memref_squeeze %dma_wait3A_127 : memref<1x1x128xi32, #tpu.memory_space<vmem>> -> memref<128xi32, #tpu.memory_space<vmem>>
    %dma_wait3A_129 = arith.constant 0 : i32
    %dma_wait3A_130 = arith.constant 0 : i32
    %dma_wait3A_131 = tpu.memref_slice %arg8[%dma_wait3A_129, %dma_wait3A_130] : memref<10240x64xf32, #tpu.memory_space<vmem_shared>> -> memref<10240x64xf32, #tpu.memory_space<vmem_shared>>
    tpu.wait_indirect_dma semaphore(%arg10 : memref<!tpu.dma_semaphore, #tpu.memory_space<semaphore_mem>>) src(%dma_wait3A_125 : memref<128x64xf32, #tpu.memory_space<vmem>>) dst(%dma_wait3A_131 : memref<10240x64xf32, #tpu.memory_space<vmem_shared>>)
    %dma_wait3A_132 = arith.constant 5 : i32
    %dma_wait3A_133 = arith.constant 5 : i32
    %dma_wait3A_134 = arith.constant 1 : i32
    %dma_wait3A_135 = arith.constant 0 : i32
    %dma_wait3A_136 = arith.constant 0 : i32
    %dma_wait3A_137 = tpu.memref_slice %arg7[%dma_wait3A_132, %dma_wait3A_135, %dma_wait3A_136] : memref<6x128x64xf32, #tpu.memory_space<vmem>> -> memref<1x128x64xf32, #tpu.memory_space<vmem>>
    %dma_wait3A_138 = tpu.memref_squeeze %dma_wait3A_137 : memref<1x128x64xf32, #tpu.memory_space<vmem>> -> memref<128x64xf32, #tpu.memory_space<vmem>>
    %dma_wait3A_139 = arith.constant 0 : i32
    %dma_wait3A_140 = tpu.memref_slice %arg6[%dma_wait3A_133, %dma_wait3A_134, %dma_wait3A_139] : memref<6x2x128xi32, #tpu.memory_space<vmem>> -> memref<1x1x128xi32, #tpu.memory_space<vmem>>
    %dma_wait3A_141 = tpu.memref_squeeze %dma_wait3A_140 : memref<1x1x128xi32, #tpu.memory_space<vmem>> -> memref<128xi32, #tpu.memory_space<vmem>>
    %dma_wait3A_142 = arith.constant 0 : i32
    %dma_wait3A_143 = arith.constant 0 : i32
    %dma_wait3A_144 = tpu.memref_slice %arg8[%dma_wait3A_142, %dma_wait3A_143] : memref<10240x64xf32, #tpu.memory_space<vmem_shared>> -> memref<10240x64xf32, #tpu.memory_space<vmem_shared>>
    tpu.wait_indirect_dma semaphore(%arg10 : memref<!tpu.dma_semaphore, #tpu.memory_space<semaphore_mem>>) src(%dma_wait3A_138 : memref<128x64xf32, #tpu.memory_space<vmem>>) dst(%dma_wait3A_144 : memref<10240x64xf32, #tpu.memory_space<vmem_shared>>)
    %barrier3A_145 = arith.constant 0 : index
    tpu.barrier barrier_id(%barrier3A_145)
    %mul3A_146 = arith.constant 640 : i32
    %mul3A_147 = arith.muli %arg1, %mul3A_146 : i32
    %mul3A_148 = arith.constant 640 : i32
    %mul3A_149 = arith.muli %arg1, %mul3A_148 : i32
    %run_scoped3A_150 = arith.constant 0 : i32
    "tpu.region"() ({
      %run_scoped3A_151 = tpu.sem_alloc : memref<!tpu.dma_semaphore, #tpu.memory_space<semaphore_mem>>
      %dma_start3A_152 = arith.constant 0 : i32
      %dma_start3A_153 = tpu.memref_slice %arg5[%run_scoped3A_150, %arg0, %mul3A_149, %dma_start3A_152] : memref<1x2x10240x64xf32, #tpu.memory_space<hbm>> -> memref<1x1x640x64xf32, #tpu.memory_space<hbm>>
      %dma_start3A_154 = tpu.memref_squeeze %dma_start3A_153 : memref<1x1x640x64xf32, #tpu.memory_space<hbm>> -> memref<640x64xf32, #tpu.memory_space<hbm>>
      %dma_start3A_155 = arith.constant 0 : i32
      %dma_start3A_156 = tpu.memref_slice %arg8[%mul3A_147, %dma_start3A_155] : memref<10240x64xf32, #tpu.memory_space<vmem_shared>> -> memref<640x64xf32, #tpu.memory_space<vmem_shared>>
      tpu.enqueue_dma source(%dma_start3A_156 : memref<640x64xf32, #tpu.memory_space<vmem_shared>>) target(%dma_start3A_154 : memref<640x64xf32, #tpu.memory_space<hbm>>) target_semaphore(%run_scoped3A_151 : memref<!tpu.dma_semaphore, #tpu.memory_space<semaphore_mem>>)
      %dma_wait3A_157 = arith.constant 0 : i32
      %dma_wait3A_158 = tpu.memref_slice %arg5[%run_scoped3A_150, %arg0, %mul3A_149, %dma_wait3A_157] : memref<1x2x10240x64xf32, #tpu.memory_space<hbm>> -> memref<1x1x640x64xf32, #tpu.memory_space<hbm>>
      %dma_wait3A_159 = tpu.memref_squeeze %dma_wait3A_158 : memref<1x1x640x64xf32, #tpu.memory_space<hbm>> -> memref<640x64xf32, #tpu.memory_space<hbm>>
      %dma_wait3A_160 = arith.constant 0 : i32
      %dma_wait3A_161 = tpu.memref_slice %arg8[%mul3A_147, %dma_wait3A_160] : memref<10240x64xf32, #tpu.memory_space<vmem_shared>> -> memref<640x64xf32, #tpu.memory_space<vmem_shared>>
      tpu.wait_dma2 semaphore(%run_scoped3A_151 : memref<!tpu.dma_semaphore, #tpu.memory_space<semaphore_mem>>) src(%dma_wait3A_161 : memref<640x64xf32, #tpu.memory_space<vmem_shared>>) dst(%dma_wait3A_159 : memref<640x64xf32, #tpu.memory_space<hbm>>)
      tpu.yield
    }) : () -> ()
    return
  }
}

#map = affine_map<(d0, d1) -> (0, 0, 0)>
#map1 = affine_map<(d0, d1) -> (0, 0)>
module attributes {stable_mosaic.version = 14 : i64} {
  func.func @deg_kernel(%arg0: i32, %arg1: i32, %arg2: memref<2528x2x128xi32, #tpu.memory_space<hbm>>, %arg3: memref<10240x16xf32, #tpu.memory_space<hbm>>, %arg4: memref<128x16xf32, #tpu.memory_space<hbm>>, %arg5: memref<2x10240x16xf32, #tpu.memory_space<hbm>>, %arg6: memref<2x2x128xi32, #tpu.memory_space<vmem>>, %arg7: memref<128x16xf32, #tpu.memory_space<vmem>>, %arg8: memref<10240x16xf32, #tpu.memory_space<vmem_shared>>, %arg9: memref<!tpu.dma_semaphore, #tpu.memory_space<semaphore_mem>>) attributes {dimension_semantics = [#tpu.dimension_semantics<core_parallel>, #tpu.dimension_semantics<subcore_parallel>], iteration_bounds = array<i64: 2, 16>, scalar_prefetch = 0 : i64, scratch_operands = 4 : i64, tpu.core_type = #tpu.core_type<sc_vector_subcore>, window_params = [{transform_indices = #map}, {transform_indices = #map1}, {transform_indices = #map1}, {transform_indices = #map}]} {
    %mul3A = arith.constant 2 : i32
    %mul3A_0 = arith.muli %arg1, %mul3A : i32
    %add3A = arith.addi %mul3A_0, %arg0 : i32
    "tpu.region"() ({
      %run_scoped3A_52 = tpu.sem_alloc : memref<!tpu.dma_semaphore, #tpu.memory_space<semaphore_mem>>
      tpu.enqueue_dma source(%arg4 : memref<128x16xf32, #tpu.memory_space<hbm>>) target(%arg7 : memref<128x16xf32, #tpu.memory_space<vmem>>) target_semaphore(%run_scoped3A_52 : memref<!tpu.dma_semaphore, #tpu.memory_space<semaphore_mem>>)
      tpu.wait_dma2 semaphore(%run_scoped3A_52 : memref<!tpu.dma_semaphore, #tpu.memory_space<semaphore_mem>>) src(%arg4 : memref<128x16xf32, #tpu.memory_space<hbm>>) dst(%arg7 : memref<128x16xf32, #tpu.memory_space<vmem>>)
      tpu.yield
    }) : () -> ()
    %mul3A_1 = arith.constant 640 : i32
    %mul3A_2 = arith.muli %arg1, %mul3A_1 : i32
    %mul3A_3 = arith.constant 640 : i32
    %mul3A_4 = arith.muli %arg1, %mul3A_3 : i32
    "tpu.region"() ({
      %run_scoped3A_52 = tpu.sem_alloc : memref<!tpu.dma_semaphore, #tpu.memory_space<semaphore_mem>>
      %dma_start3A_53 = arith.constant 0 : i32
      %dma_start3A_54 = tpu.memref_slice %arg8[%mul3A_4, %dma_start3A_53] : memref<10240x16xf32, #tpu.memory_space<vmem_shared>> -> memref<640x16xf32, #tpu.memory_space<vmem_shared>>
      %dma_start3A_55 = arith.constant 0 : i32
      %dma_start3A_56 = tpu.memref_slice %arg3[%mul3A_2, %dma_start3A_55] : memref<10240x16xf32, #tpu.memory_space<hbm>> -> memref<640x16xf32, #tpu.memory_space<hbm>>
      tpu.enqueue_dma source(%dma_start3A_56 : memref<640x16xf32, #tpu.memory_space<hbm>>) target(%dma_start3A_54 : memref<640x16xf32, #tpu.memory_space<vmem_shared>>) target_semaphore(%run_scoped3A_52 : memref<!tpu.dma_semaphore, #tpu.memory_space<semaphore_mem>>)
      %dma_wait3A_57 = arith.constant 0 : i32
      %dma_wait3A_58 = tpu.memref_slice %arg8[%mul3A_4, %dma_wait3A_57] : memref<10240x16xf32, #tpu.memory_space<vmem_shared>> -> memref<640x16xf32, #tpu.memory_space<vmem_shared>>
      %dma_wait3A_59 = arith.constant 0 : i32
      %dma_wait3A_60 = tpu.memref_slice %arg3[%mul3A_2, %dma_wait3A_59] : memref<10240x16xf32, #tpu.memory_space<hbm>> -> memref<640x16xf32, #tpu.memory_space<hbm>>
      tpu.wait_dma2 semaphore(%run_scoped3A_52 : memref<!tpu.dma_semaphore, #tpu.memory_space<semaphore_mem>>) src(%dma_wait3A_60 : memref<640x16xf32, #tpu.memory_space<hbm>>) dst(%dma_wait3A_58 : memref<640x16xf32, #tpu.memory_space<vmem_shared>>)
      tpu.yield
    }) : () -> ()
    %barrier3A = arith.constant 0 : index
    tpu.barrier barrier_id(%barrier3A)
    %mul3A_5 = arith.constant 79 : i32
    %mul3A_6 = arith.muli %add3A, %mul3A_5 : i32
    %add3A_7 = arith.constant 0 : i32
    %add3A_8 = arith.addi %mul3A_6, %add3A_7 : i32
    %run_scoped3A = arith.constant 0 : i32
    "tpu.region"() ({
      %run_scoped3A_52 = tpu.sem_alloc : memref<!tpu.dma_semaphore, #tpu.memory_space<semaphore_mem>>
      %dma_start3A_53 = arith.constant 0 : i32
      %dma_start3A_54 = arith.constant 0 : i32
      %dma_start3A_55 = tpu.memref_slice %arg6[%run_scoped3A, %dma_start3A_53, %dma_start3A_54] : memref<2x2x128xi32, #tpu.memory_space<vmem>> -> memref<1x2x128xi32, #tpu.memory_space<vmem>>
      %dma_start3A_56 = tpu.memref_squeeze %dma_start3A_55 : memref<1x2x128xi32, #tpu.memory_space<vmem>> -> memref<2x128xi32, #tpu.memory_space<vmem>>
      %dma_start3A_57 = arith.constant 0 : i32
      %dma_start3A_58 = arith.constant 0 : i32
      %dma_start3A_59 = tpu.memref_slice %arg2[%add3A_8, %dma_start3A_57, %dma_start3A_58] : memref<2528x2x128xi32, #tpu.memory_space<hbm>> -> memref<1x2x128xi32, #tpu.memory_space<hbm>>
      %dma_start3A_60 = tpu.memref_squeeze %dma_start3A_59 : memref<1x2x128xi32, #tpu.memory_space<hbm>> -> memref<2x128xi32, #tpu.memory_space<hbm>>
      %dma_start3A_61 = arith.constant 0 : i32
      %dma_start3A_62 = arith.constant 0 : i32
      %dma_start3A_63 = tpu.memref_slice %arg6[%run_scoped3A, %dma_start3A_61, %dma_start3A_62] : memref<2x2x128xi32, #tpu.memory_space<vmem>> -> memref<1x2x128xi32, #tpu.memory_space<vmem>>
      %dma_start3A_64 = tpu.memref_squeeze %dma_start3A_63 : memref<1x2x128xi32, #tpu.memory_space<vmem>> -> memref<2x128xi32, #tpu.memory_space<vmem>>
      %dma_start3A_65 = arith.constant 0 : i32
      %dma_start3A_66 = arith.constant 0 : i32
      %dma_start3A_67 = tpu.memref_slice %arg2[%add3A_8, %dma_start3A_65, %dma_start3A_66] : memref<2528x2x128xi32, #tpu.memory_space<hbm>> -> memref<1x2x128xi32, #tpu.memory_space<hbm>>
      %dma_start3A_68 = tpu.memref_squeeze %dma_start3A_67 : memref<1x2x128xi32, #tpu.memory_space<hbm>> -> memref<2x128xi32, #tpu.memory_space<hbm>>
      tpu.enqueue_dma source(%dma_start3A_68 : memref<2x128xi32, #tpu.memory_space<hbm>>) target(%dma_start3A_64 : memref<2x128xi32, #tpu.memory_space<vmem>>) target_semaphore(%run_scoped3A_52 : memref<!tpu.dma_semaphore, #tpu.memory_space<semaphore_mem>>)
      %dma_wait3A_69 = arith.constant 0 : i32
      %dma_wait3A_70 = arith.constant 0 : i32
      %dma_wait3A_71 = tpu.memref_slice %arg6[%run_scoped3A, %dma_wait3A_69, %dma_wait3A_70] : memref<2x2x128xi32, #tpu.memory_space<vmem>> -> memref<1x2x128xi32, #tpu.memory_space<vmem>>
      %dma_wait3A_72 = tpu.memref_squeeze %dma_wait3A_71 : memref<1x2x128xi32, #tpu.memory_space<vmem>> -> memref<2x128xi32, #tpu.memory_space<vmem>>
      %dma_wait3A_73 = arith.constant 0 : i32
      %dma_wait3A_74 = arith.constant 0 : i32
      %dma_wait3A_75 = tpu.memref_slice %arg2[%add3A_8, %dma_wait3A_73, %dma_wait3A_74] : memref<2528x2x128xi32, #tpu.memory_space<hbm>> -> memref<1x2x128xi32, #tpu.memory_space<hbm>>
      %dma_wait3A_76 = tpu.memref_squeeze %dma_wait3A_75 : memref<1x2x128xi32, #tpu.memory_space<hbm>> -> memref<2x128xi32, #tpu.memory_space<hbm>>
      %dma_wait3A_77 = arith.constant 0 : i32
      %dma_wait3A_78 = arith.constant 0 : i32
      %dma_wait3A_79 = tpu.memref_slice %arg6[%run_scoped3A, %dma_wait3A_77, %dma_wait3A_78] : memref<2x2x128xi32, #tpu.memory_space<vmem>> -> memref<1x2x128xi32, #tpu.memory_space<vmem>>
      %dma_wait3A_80 = tpu.memref_squeeze %dma_wait3A_79 : memref<1x2x128xi32, #tpu.memory_space<vmem>> -> memref<2x128xi32, #tpu.memory_space<vmem>>
      %dma_wait3A_81 = arith.constant 0 : i32
      %dma_wait3A_82 = arith.constant 0 : i32
      %dma_wait3A_83 = tpu.memref_slice %arg2[%add3A_8, %dma_wait3A_81, %dma_wait3A_82] : memref<2528x2x128xi32, #tpu.memory_space<hbm>> -> memref<1x2x128xi32, #tpu.memory_space<hbm>>
      %dma_wait3A_84 = tpu.memref_squeeze %dma_wait3A_83 : memref<1x2x128xi32, #tpu.memory_space<hbm>> -> memref<2x128xi32, #tpu.memory_space<hbm>>
      tpu.wait_dma2 semaphore(%run_scoped3A_52 : memref<!tpu.dma_semaphore, #tpu.memory_space<semaphore_mem>>) src(%dma_wait3A_84 : memref<2x128xi32, #tpu.memory_space<hbm>>) dst(%dma_wait3A_80 : memref<2x128xi32, #tpu.memory_space<vmem>>)
      tpu.yield
    }) : () -> ()
    %dma_start3A = arith.constant 0 : i32
    %dma_start3A_9 = arith.constant 1 : i32
    %dma_start3A_10 = arith.constant 0 : i32
    %dma_start3A_11 = tpu.memref_slice %arg6[%dma_start3A, %dma_start3A_9, %dma_start3A_10] : memref<2x2x128xi32, #tpu.memory_space<vmem>> -> memref<1x1x128xi32, #tpu.memory_space<vmem>>
    %dma_start3A_12 = tpu.memref_squeeze %dma_start3A_11 : memref<1x1x128xi32, #tpu.memory_space<vmem>> -> memref<128xi32, #tpu.memory_space<vmem>>
    %dma_start3A_13 = arith.constant 0 : i32
    %dma_start3A_14 = arith.constant 0 : i32
    %dma_start3A_15 = tpu.memref_slice %arg8[%dma_start3A_13, %dma_start3A_14] : memref<10240x16xf32, #tpu.memory_space<vmem_shared>> -> memref<10240x16xf32, #tpu.memory_space<vmem_shared>>
    tpu.enqueue_indirect_dma source(%arg7 : memref<128x16xf32, #tpu.memory_space<vmem>>) target(%dma_start3A_15 : memref<10240x16xf32, #tpu.memory_space<vmem_shared>>) offsets(%dma_start3A_12 : memref<128xi32, #tpu.memory_space<vmem>>) semaphore(%arg9 : memref<!tpu.dma_semaphore, #tpu.memory_space<semaphore_mem>>) {add = true}
    %add3A_16 = arith.constant 1 : i32
    %add3A_17 = arith.addi %mul3A_6, %add3A_16 : i32
    %run_scoped3A_18 = arith.constant 1 : i32
    "tpu.region"() ({
      %run_scoped3A_52 = tpu.sem_alloc : memref<!tpu.dma_semaphore, #tpu.memory_space<semaphore_mem>>
      %dma_start3A_53 = arith.constant 0 : i32
      %dma_start3A_54 = arith.constant 0 : i32
      %dma_start3A_55 = tpu.memref_slice %arg6[%run_scoped3A_18, %dma_start3A_53, %dma_start3A_54] : memref<2x2x128xi32, #tpu.memory_space<vmem>> -> memref<1x2x128xi32, #tpu.memory_space<vmem>>
      %dma_start3A_56 = tpu.memref_squeeze %dma_start3A_55 : memref<1x2x128xi32, #tpu.memory_space<vmem>> -> memref<2x128xi32, #tpu.memory_space<vmem>>
      %dma_start3A_57 = arith.constant 0 : i32
      %dma_start3A_58 = arith.constant 0 : i32
      %dma_start3A_59 = tpu.memref_slice %arg2[%add3A_17, %dma_start3A_57, %dma_start3A_58] : memref<2528x2x128xi32, #tpu.memory_space<hbm>> -> memref<1x2x128xi32, #tpu.memory_space<hbm>>
      %dma_start3A_60 = tpu.memref_squeeze %dma_start3A_59 : memref<1x2x128xi32, #tpu.memory_space<hbm>> -> memref<2x128xi32, #tpu.memory_space<hbm>>
      %dma_start3A_61 = arith.constant 0 : i32
      %dma_start3A_62 = arith.constant 0 : i32
      %dma_start3A_63 = tpu.memref_slice %arg6[%run_scoped3A_18, %dma_start3A_61, %dma_start3A_62] : memref<2x2x128xi32, #tpu.memory_space<vmem>> -> memref<1x2x128xi32, #tpu.memory_space<vmem>>
      %dma_start3A_64 = tpu.memref_squeeze %dma_start3A_63 : memref<1x2x128xi32, #tpu.memory_space<vmem>> -> memref<2x128xi32, #tpu.memory_space<vmem>>
      %dma_start3A_65 = arith.constant 0 : i32
      %dma_start3A_66 = arith.constant 0 : i32
      %dma_start3A_67 = tpu.memref_slice %arg2[%add3A_17, %dma_start3A_65, %dma_start3A_66] : memref<2528x2x128xi32, #tpu.memory_space<hbm>> -> memref<1x2x128xi32, #tpu.memory_space<hbm>>
      %dma_start3A_68 = tpu.memref_squeeze %dma_start3A_67 : memref<1x2x128xi32, #tpu.memory_space<hbm>> -> memref<2x128xi32, #tpu.memory_space<hbm>>
      tpu.enqueue_dma source(%dma_start3A_68 : memref<2x128xi32, #tpu.memory_space<hbm>>) target(%dma_start3A_64 : memref<2x128xi32, #tpu.memory_space<vmem>>) target_semaphore(%run_scoped3A_52 : memref<!tpu.dma_semaphore, #tpu.memory_space<semaphore_mem>>)
      %dma_wait3A_69 = arith.constant 0 : i32
      %dma_wait3A_70 = arith.constant 0 : i32
      %dma_wait3A_71 = tpu.memref_slice %arg6[%run_scoped3A_18, %dma_wait3A_69, %dma_wait3A_70] : memref<2x2x128xi32, #tpu.memory_space<vmem>> -> memref<1x2x128xi32, #tpu.memory_space<vmem>>
      %dma_wait3A_72 = tpu.memref_squeeze %dma_wait3A_71 : memref<1x2x128xi32, #tpu.memory_space<vmem>> -> memref<2x128xi32, #tpu.memory_space<vmem>>
      %dma_wait3A_73 = arith.constant 0 : i32
      %dma_wait3A_74 = arith.constant 0 : i32
      %dma_wait3A_75 = tpu.memref_slice %arg2[%add3A_17, %dma_wait3A_73, %dma_wait3A_74] : memref<2528x2x128xi32, #tpu.memory_space<hbm>> -> memref<1x2x128xi32, #tpu.memory_space<hbm>>
      %dma_wait3A_76 = tpu.memref_squeeze %dma_wait3A_75 : memref<1x2x128xi32, #tpu.memory_space<hbm>> -> memref<2x128xi32, #tpu.memory_space<hbm>>
      %dma_wait3A_77 = arith.constant 0 : i32
      %dma_wait3A_78 = arith.constant 0 : i32
      %dma_wait3A_79 = tpu.memref_slice %arg6[%run_scoped3A_18, %dma_wait3A_77, %dma_wait3A_78] : memref<2x2x128xi32, #tpu.memory_space<vmem>> -> memref<1x2x128xi32, #tpu.memory_space<vmem>>
      %dma_wait3A_80 = tpu.memref_squeeze %dma_wait3A_79 : memref<1x2x128xi32, #tpu.memory_space<vmem>> -> memref<2x128xi32, #tpu.memory_space<vmem>>
      %dma_wait3A_81 = arith.constant 0 : i32
      %dma_wait3A_82 = arith.constant 0 : i32
      %dma_wait3A_83 = tpu.memref_slice %arg2[%add3A_17, %dma_wait3A_81, %dma_wait3A_82] : memref<2528x2x128xi32, #tpu.memory_space<hbm>> -> memref<1x2x128xi32, #tpu.memory_space<hbm>>
      %dma_wait3A_84 = tpu.memref_squeeze %dma_wait3A_83 : memref<1x2x128xi32, #tpu.memory_space<hbm>> -> memref<2x128xi32, #tpu.memory_space<hbm>>
      tpu.wait_dma2 semaphore(%run_scoped3A_52 : memref<!tpu.dma_semaphore, #tpu.memory_space<semaphore_mem>>) src(%dma_wait3A_84 : memref<2x128xi32, #tpu.memory_space<hbm>>) dst(%dma_wait3A_80 : memref<2x128xi32, #tpu.memory_space<vmem>>)
      tpu.yield
    }) : () -> ()
    %dma_start3A_19 = arith.constant 1 : i32
    %dma_start3A_20 = arith.constant 1 : i32
    %dma_start3A_21 = arith.constant 0 : i32
    %dma_start3A_22 = tpu.memref_slice %arg6[%dma_start3A_19, %dma_start3A_20, %dma_start3A_21] : memref<2x2x128xi32, #tpu.memory_space<vmem>> -> memref<1x1x128xi32, #tpu.memory_space<vmem>>
    %dma_start3A_23 = tpu.memref_squeeze %dma_start3A_22 : memref<1x1x128xi32, #tpu.memory_space<vmem>> -> memref<128xi32, #tpu.memory_space<vmem>>
    %dma_start3A_24 = arith.constant 0 : i32
    %dma_start3A_25 = arith.constant 0 : i32
    %dma_start3A_26 = tpu.memref_slice %arg8[%dma_start3A_24, %dma_start3A_25] : memref<10240x16xf32, #tpu.memory_space<vmem_shared>> -> memref<10240x16xf32, #tpu.memory_space<vmem_shared>>
    tpu.enqueue_indirect_dma source(%arg7 : memref<128x16xf32, #tpu.memory_space<vmem>>) target(%dma_start3A_26 : memref<10240x16xf32, #tpu.memory_space<vmem_shared>>) offsets(%dma_start3A_23 : memref<128xi32, #tpu.memory_space<vmem>>) semaphore(%arg9 : memref<!tpu.dma_semaphore, #tpu.memory_space<semaphore_mem>>) {add = true}
    %scan3A = arith.constant 0 : i32
    %scan3A_27 = arith.constant 2 : i32
    %scan3A_28 = arith.constant 77 : i32
    %scan3A_29 = arith.addi %scan3A_27, %scan3A_28 : i32
    %scan3A_30 = arith.constant 1 : i32
    scf.for %scan3A_52 = %scan3A_27 to %scan3A_29 step %scan3A_30  : i32 {
      %jit3A = arith.constant 2 : i32
      %eq3A = arith.constant 0 : i32
      %eq3A_53 = arith.cmpi eq, %jit3A, %eq3A : i32
      %jit3A_54 = arith.constant 1 : i32
      %select_n3A = arith.select %eq3A_53, %jit3A_54, %jit3A : i32
      %rem3A = arith.remsi %scan3A_52, %select_n3A : i32
      %ne3A = arith.constant 0 : i32
      %ne3A_55 = arith.cmpi ne, %rem3A, %ne3A : i32
      %lt3A = arith.constant 0 : i32
      %lt3A_56 = arith.cmpi slt, %rem3A, %lt3A : i32
      %lt3A_57 = arith.constant 0 : i32
      %lt3A_58 = arith.cmpi slt, %select_n3A, %lt3A_57 : i32
      %ne3A_59 = arith.xori %lt3A_56, %lt3A_58 : i1
      %and3A = arith.andi %ne3A_59, %ne3A_55 : i1
      %add3A_60 = arith.addi %rem3A, %select_n3A : i32
      %select_n3A_61 = arith.select %and3A, %add3A_60, %rem3A : i32
      %dma_wait3A_62 = arith.constant 1 : i32
      %dma_wait3A_63 = arith.constant 0 : i32
      %dma_wait3A_64 = tpu.memref_slice %arg6[%select_n3A_61, %dma_wait3A_62, %dma_wait3A_63] : memref<2x2x128xi32, #tpu.memory_space<vmem>> -> memref<1x1x128xi32, #tpu.memory_space<vmem>>
      %dma_wait3A_65 = tpu.memref_squeeze %dma_wait3A_64 : memref<1x1x128xi32, #tpu.memory_space<vmem>> -> memref<128xi32, #tpu.memory_space<vmem>>
      %dma_wait3A_66 = arith.constant 0 : i32
      %dma_wait3A_67 = arith.constant 0 : i32
      %dma_wait3A_68 = tpu.memref_slice %arg8[%dma_wait3A_66, %dma_wait3A_67] : memref<10240x16xf32, #tpu.memory_space<vmem_shared>> -> memref<10240x16xf32, #tpu.memory_space<vmem_shared>>
      tpu.wait_indirect_dma semaphore(%arg9 : memref<!tpu.dma_semaphore, #tpu.memory_space<semaphore_mem>>) src(%arg7 : memref<128x16xf32, #tpu.memory_space<vmem>>) dst(%dma_wait3A_68 : memref<10240x16xf32, #tpu.memory_space<vmem_shared>>)
      %add3A_69 = arith.addi %mul3A_6, %scan3A_52 : i32
      "tpu.region"() ({
        %run_scoped3A_77 = tpu.sem_alloc : memref<!tpu.dma_semaphore, #tpu.memory_space<semaphore_mem>>
        %dma_start3A_78 = arith.constant 0 : i32
        %dma_start3A_79 = arith.constant 0 : i32
        %dma_start3A_80 = tpu.memref_slice %arg6[%select_n3A_61, %dma_start3A_78, %dma_start3A_79] : memref<2x2x128xi32, #tpu.memory_space<vmem>> -> memref<1x2x128xi32, #tpu.memory_space<vmem>>
        %dma_start3A_81 = tpu.memref_squeeze %dma_start3A_80 : memref<1x2x128xi32, #tpu.memory_space<vmem>> -> memref<2x128xi32, #tpu.memory_space<vmem>>
        %dma_start3A_82 = arith.constant 0 : i32
        %dma_start3A_83 = arith.constant 0 : i32
        %dma_start3A_84 = tpu.memref_slice %arg2[%add3A_69, %dma_start3A_82, %dma_start3A_83] : memref<2528x2x128xi32, #tpu.memory_space<hbm>> -> memref<1x2x128xi32, #tpu.memory_space<hbm>>
        %dma_start3A_85 = tpu.memref_squeeze %dma_start3A_84 : memref<1x2x128xi32, #tpu.memory_space<hbm>> -> memref<2x128xi32, #tpu.memory_space<hbm>>
        %dma_start3A_86 = arith.constant 0 : i32
        %dma_start3A_87 = arith.constant 0 : i32
        %dma_start3A_88 = tpu.memref_slice %arg6[%select_n3A_61, %dma_start3A_86, %dma_start3A_87] : memref<2x2x128xi32, #tpu.memory_space<vmem>> -> memref<1x2x128xi32, #tpu.memory_space<vmem>>
        %dma_start3A_89 = tpu.memref_squeeze %dma_start3A_88 : memref<1x2x128xi32, #tpu.memory_space<vmem>> -> memref<2x128xi32, #tpu.memory_space<vmem>>
        %dma_start3A_90 = arith.constant 0 : i32
        %dma_start3A_91 = arith.constant 0 : i32
        %dma_start3A_92 = tpu.memref_slice %arg2[%add3A_69, %dma_start3A_90, %dma_start3A_91] : memref<2528x2x128xi32, #tpu.memory_space<hbm>> -> memref<1x2x128xi32, #tpu.memory_space<hbm>>
        %dma_start3A_93 = tpu.memref_squeeze %dma_start3A_92 : memref<1x2x128xi32, #tpu.memory_space<hbm>> -> memref<2x128xi32, #tpu.memory_space<hbm>>
        tpu.enqueue_dma source(%dma_start3A_93 : memref<2x128xi32, #tpu.memory_space<hbm>>) target(%dma_start3A_89 : memref<2x128xi32, #tpu.memory_space<vmem>>) target_semaphore(%run_scoped3A_77 : memref<!tpu.dma_semaphore, #tpu.memory_space<semaphore_mem>>)
        %dma_wait3A_94 = arith.constant 0 : i32
        %dma_wait3A_95 = arith.constant 0 : i32
        %dma_wait3A_96 = tpu.memref_slice %arg6[%select_n3A_61, %dma_wait3A_94, %dma_wait3A_95] : memref<2x2x128xi32, #tpu.memory_space<vmem>> -> memref<1x2x128xi32, #tpu.memory_space<vmem>>
        %dma_wait3A_97 = tpu.memref_squeeze %dma_wait3A_96 : memref<1x2x128xi32, #tpu.memory_space<vmem>> -> memref<2x128xi32, #tpu.memory_space<vmem>>
        %dma_wait3A_98 = arith.constant 0 : i32
        %dma_wait3A_99 = arith.constant 0 : i32
        %dma_wait3A_100 = tpu.memref_slice %arg2[%add3A_69, %dma_wait3A_98, %dma_wait3A_99] : memref<2528x2x128xi32, #tpu.memory_space<hbm>> -> memref<1x2x128xi32, #tpu.memory_space<hbm>>
        %dma_wait3A_101 = tpu.memref_squeeze %dma_wait3A_100 : memref<1x2x128xi32, #tpu.memory_space<hbm>> -> memref<2x128xi32, #tpu.memory_space<hbm>>
        %dma_wait3A_102 = arith.constant 0 : i32
        %dma_wait3A_103 = arith.constant 0 : i32
        %dma_wait3A_104 = tpu.memref_slice %arg6[%select_n3A_61, %dma_wait3A_102, %dma_wait3A_103] : memref<2x2x128xi32, #tpu.memory_space<vmem>> -> memref<1x2x128xi32, #tpu.memory_space<vmem>>
        %dma_wait3A_105 = tpu.memref_squeeze %dma_wait3A_104 : memref<1x2x128xi32, #tpu.memory_space<vmem>> -> memref<2x128xi32, #tpu.memory_space<vmem>>
        %dma_wait3A_106 = arith.constant 0 : i32
        %dma_wait3A_107 = arith.constant 0 : i32
        %dma_wait3A_108 = tpu.memref_slice %arg2[%add3A_69, %dma_wait3A_106, %dma_wait3A_107] : memref<2528x2x128xi32, #tpu.memory_space<hbm>> -> memref<1x2x128xi32, #tpu.memory_space<hbm>>
        %dma_wait3A_109 = tpu.memref_squeeze %dma_wait3A_108 : memref<1x2x128xi32, #tpu.memory_space<hbm>> -> memref<2x128xi32, #tpu.memory_space<hbm>>
        tpu.wait_dma2 semaphore(%run_scoped3A_77 : memref<!tpu.dma_semaphore, #tpu.memory_space<semaphore_mem>>) src(%dma_wait3A_109 : memref<2x128xi32, #tpu.memory_space<hbm>>) dst(%dma_wait3A_105 : memref<2x128xi32, #tpu.memory_space<vmem>>)
        tpu.yield
      }) : () -> ()
      %dma_start3A_70 = arith.constant 1 : i32
      %dma_start3A_71 = arith.constant 0 : i32
      %dma_start3A_72 = tpu.memref_slice %arg6[%select_n3A_61, %dma_start3A_70, %dma_start3A_71] : memref<2x2x128xi32, #tpu.memory_space<vmem>> -> memref<1x1x128xi32, #tpu.memory_space<vmem>>
      %dma_start3A_73 = tpu.memref_squeeze %dma_start3A_72 : memref<1x1x128xi32, #tpu.memory_space<vmem>> -> memref<128xi32, #tpu.memory_space<vmem>>
      %dma_start3A_74 = arith.constant 0 : i32
      %dma_start3A_75 = arith.constant 0 : i32
      %dma_start3A_76 = tpu.memref_slice %arg8[%dma_start3A_74, %dma_start3A_75] : memref<10240x16xf32, #tpu.memory_space<vmem_shared>> -> memref<10240x16xf32, #tpu.memory_space<vmem_shared>>
      tpu.enqueue_indirect_dma source(%arg7 : memref<128x16xf32, #tpu.memory_space<vmem>>) target(%dma_start3A_76 : memref<10240x16xf32, #tpu.memory_space<vmem_shared>>) offsets(%dma_start3A_73 : memref<128xi32, #tpu.memory_space<vmem>>) semaphore(%arg9 : memref<!tpu.dma_semaphore, #tpu.memory_space<semaphore_mem>>) {add = true}
    }
    %scan3A_31 = arith.constant 77 : i32
    %dma_wait3A = arith.constant 0 : i32
    %dma_wait3A_32 = arith.constant 1 : i32
    %dma_wait3A_33 = arith.constant 0 : i32
    %dma_wait3A_34 = tpu.memref_slice %arg6[%dma_wait3A, %dma_wait3A_32, %dma_wait3A_33] : memref<2x2x128xi32, #tpu.memory_space<vmem>> -> memref<1x1x128xi32, #tpu.memory_space<vmem>>
    %dma_wait3A_35 = tpu.memref_squeeze %dma_wait3A_34 : memref<1x1x128xi32, #tpu.memory_space<vmem>> -> memref<128xi32, #tpu.memory_space<vmem>>
    %dma_wait3A_36 = arith.constant 0 : i32
    %dma_wait3A_37 = arith.constant 0 : i32
    %dma_wait3A_38 = tpu.memref_slice %arg8[%dma_wait3A_36, %dma_wait3A_37] : memref<10240x16xf32, #tpu.memory_space<vmem_shared>> -> memref<10240x16xf32, #tpu.memory_space<vmem_shared>>
    tpu.wait_indirect_dma semaphore(%arg9 : memref<!tpu.dma_semaphore, #tpu.memory_space<semaphore_mem>>) src(%arg7 : memref<128x16xf32, #tpu.memory_space<vmem>>) dst(%dma_wait3A_38 : memref<10240x16xf32, #tpu.memory_space<vmem_shared>>)
    %dma_wait3A_39 = arith.constant 1 : i32
    %dma_wait3A_40 = arith.constant 1 : i32
    %dma_wait3A_41 = arith.constant 0 : i32
    %dma_wait3A_42 = tpu.memref_slice %arg6[%dma_wait3A_39, %dma_wait3A_40, %dma_wait3A_41] : memref<2x2x128xi32, #tpu.memory_space<vmem>> -> memref<1x1x128xi32, #tpu.memory_space<vmem>>
    %dma_wait3A_43 = tpu.memref_squeeze %dma_wait3A_42 : memref<1x1x128xi32, #tpu.memory_space<vmem>> -> memref<128xi32, #tpu.memory_space<vmem>>
    %dma_wait3A_44 = arith.constant 0 : i32
    %dma_wait3A_45 = arith.constant 0 : i32
    %dma_wait3A_46 = tpu.memref_slice %arg8[%dma_wait3A_44, %dma_wait3A_45] : memref<10240x16xf32, #tpu.memory_space<vmem_shared>> -> memref<10240x16xf32, #tpu.memory_space<vmem_shared>>
    tpu.wait_indirect_dma semaphore(%arg9 : memref<!tpu.dma_semaphore, #tpu.memory_space<semaphore_mem>>) src(%arg7 : memref<128x16xf32, #tpu.memory_space<vmem>>) dst(%dma_wait3A_46 : memref<10240x16xf32, #tpu.memory_space<vmem_shared>>)
    %barrier3A_47 = arith.constant 0 : index
    tpu.barrier barrier_id(%barrier3A_47)
    %mul3A_48 = arith.constant 640 : i32
    %mul3A_49 = arith.muli %arg1, %mul3A_48 : i32
    %mul3A_50 = arith.constant 640 : i32
    %mul3A_51 = arith.muli %arg1, %mul3A_50 : i32
    "tpu.region"() ({
      %run_scoped3A_52 = tpu.sem_alloc : memref<!tpu.dma_semaphore, #tpu.memory_space<semaphore_mem>>
      %dma_start3A_53 = arith.constant 0 : i32
      %dma_start3A_54 = tpu.memref_slice %arg5[%arg0, %mul3A_51, %dma_start3A_53] : memref<2x10240x16xf32, #tpu.memory_space<hbm>> -> memref<1x640x16xf32, #tpu.memory_space<hbm>>
      %dma_start3A_55 = tpu.memref_squeeze %dma_start3A_54 : memref<1x640x16xf32, #tpu.memory_space<hbm>> -> memref<640x16xf32, #tpu.memory_space<hbm>>
      %dma_start3A_56 = arith.constant 0 : i32
      %dma_start3A_57 = tpu.memref_slice %arg8[%mul3A_49, %dma_start3A_56] : memref<10240x16xf32, #tpu.memory_space<vmem_shared>> -> memref<640x16xf32, #tpu.memory_space<vmem_shared>>
      tpu.enqueue_dma source(%dma_start3A_57 : memref<640x16xf32, #tpu.memory_space<vmem_shared>>) target(%dma_start3A_55 : memref<640x16xf32, #tpu.memory_space<hbm>>) target_semaphore(%run_scoped3A_52 : memref<!tpu.dma_semaphore, #tpu.memory_space<semaphore_mem>>)
      %dma_wait3A_58 = arith.constant 0 : i32
      %dma_wait3A_59 = tpu.memref_slice %arg5[%arg0, %mul3A_51, %dma_wait3A_58] : memref<2x10240x16xf32, #tpu.memory_space<hbm>> -> memref<1x640x16xf32, #tpu.memory_space<hbm>>
      %dma_wait3A_60 = tpu.memref_squeeze %dma_wait3A_59 : memref<1x640x16xf32, #tpu.memory_space<hbm>> -> memref<640x16xf32, #tpu.memory_space<hbm>>
      %dma_wait3A_61 = arith.constant 0 : i32
      %dma_wait3A_62 = tpu.memref_slice %arg8[%mul3A_49, %dma_wait3A_61] : memref<10240x16xf32, #tpu.memory_space<vmem_shared>> -> memref<640x16xf32, #tpu.memory_space<vmem_shared>>
      tpu.wait_dma2 semaphore(%run_scoped3A_52 : memref<!tpu.dma_semaphore, #tpu.memory_space<semaphore_mem>>) src(%dma_wait3A_62 : memref<640x16xf32, #tpu.memory_space<vmem_shared>>) dst(%dma_wait3A_60 : memref<640x16xf32, #tpu.memory_space<hbm>>)
      tpu.yield
    }) : () -> ()
    return
  }
}

#map = affine_map<(d0, d1) -> (0, 0)>
#map1 = affine_map<(d0, d1) -> (0, 0, 0)>
#map2 = affine_map<(d0, d1) -> (0, 0, 0, 0)>
module attributes {stable_mosaic.version = 14 : i64} {
  func.func @agg_body(%arg0: i32, %arg1: i32, %arg2: memref<10240x64xf32, #tpu.memory_space<hbm>>, %arg3: memref<10240x64xf32, #tpu.memory_space<hbm>>, %arg4: memref<2528x2x128xi32, #tpu.memory_space<hbm>>, %arg5: memref<10240x64xf32, #tpu.memory_space<hbm>>, %arg6: memref<2x2x10240x64xf32, #tpu.memory_space<hbm>>, %arg7: memref<6x2x128xi32, #tpu.memory_space<vmem>>, %arg8: memref<6x128x64xf32, #tpu.memory_space<vmem>>, %arg9: memref<10240x64xf32, #tpu.memory_space<vmem_shared>>, %arg10: memref<!tpu.dma_semaphore, #tpu.memory_space<semaphore_mem>>, %arg11: memref<!tpu.dma_semaphore, #tpu.memory_space<semaphore_mem>>) attributes {dimension_semantics = [#tpu.dimension_semantics<core_parallel>, #tpu.dimension_semantics<subcore_parallel>], iteration_bounds = array<i64: 2, 16>, scalar_prefetch = 0 : i64, scratch_operands = 5 : i64, tpu.core_type = #tpu.core_type<sc_vector_subcore>, window_params = [{transform_indices = #map}, {transform_indices = #map}, {transform_indices = #map1}, {transform_indices = #map}, {transform_indices = #map2}]} {
    %eq3A = arith.constant 0 : i32
    %eq3A_0 = arith.cmpi eq, %arg0, %eq3A : i32
    %jit3A = arith.constant 126 : i32
    %jit3A_1 = arith.constant 32 : i32
    %select_n3A = arith.select %eq3A_0, %jit3A, %jit3A_1 : i32
    %eq3A_2 = arith.constant 0 : i32
    %eq3A_3 = arith.cmpi eq, %arg0, %eq3A_2 : i32
    %mul3A = arith.constant 126 : i32
    %mul3A_4 = arith.muli %arg1, %mul3A : i32
    %mul3A_5 = arith.constant 32 : i32
    %mul3A_6 = arith.muli %arg1, %mul3A_5 : i32
    %add3A = arith.constant 2016 : i32
    %add3A_7 = arith.addi %add3A, %mul3A_6 : i32
    %select_n3A_8 = arith.select %eq3A_3, %mul3A_4, %add3A_7 : i32
    %add3A_9 = arith.constant 0 : i32
    %add3A_10 = arith.addi %select_n3A_8, %add3A_9 : i32
    %run_scoped3A = arith.constant 0 : i32
    "tpu.region"() ({
      %run_scoped3A_298 = tpu.sem_alloc : memref<!tpu.dma_semaphore, #tpu.memory_space<semaphore_mem>>
      %dma_start3A_299 = arith.constant 0 : i32
      %dma_start3A_300 = arith.constant 0 : i32
      %dma_start3A_301 = tpu.memref_slice %arg7[%run_scoped3A, %dma_start3A_299, %dma_start3A_300] : memref<6x2x128xi32, #tpu.memory_space<vmem>> -> memref<1x2x128xi32, #tpu.memory_space<vmem>>
      %dma_start3A_302 = tpu.memref_squeeze %dma_start3A_301 : memref<1x2x128xi32, #tpu.memory_space<vmem>> -> memref<2x128xi32, #tpu.memory_space<vmem>>
      %dma_start3A_303 = arith.constant 0 : i32
      %dma_start3A_304 = arith.constant 0 : i32
      %dma_start3A_305 = tpu.memref_slice %arg4[%add3A_10, %dma_start3A_303, %dma_start3A_304] : memref<2528x2x128xi32, #tpu.memory_space<hbm>> -> memref<1x2x128xi32, #tpu.memory_space<hbm>>
      %dma_start3A_306 = tpu.memref_squeeze %dma_start3A_305 : memref<1x2x128xi32, #tpu.memory_space<hbm>> -> memref<2x128xi32, #tpu.memory_space<hbm>>
      %dma_start3A_307 = arith.constant 0 : i32
      %dma_start3A_308 = arith.constant 0 : i32
      %dma_start3A_309 = tpu.memref_slice %arg7[%run_scoped3A, %dma_start3A_307, %dma_start3A_308] : memref<6x2x128xi32, #tpu.memory_space<vmem>> -> memref<1x2x128xi32, #tpu.memory_space<vmem>>
      %dma_start3A_310 = tpu.memref_squeeze %dma_start3A_309 : memref<1x2x128xi32, #tpu.memory_space<vmem>> -> memref<2x128xi32, #tpu.memory_space<vmem>>
      %dma_start3A_311 = arith.constant 0 : i32
      %dma_start3A_312 = arith.constant 0 : i32
      %dma_start3A_313 = tpu.memref_slice %arg4[%add3A_10, %dma_start3A_311, %dma_start3A_312] : memref<2528x2x128xi32, #tpu.memory_space<hbm>> -> memref<1x2x128xi32, #tpu.memory_space<hbm>>
      %dma_start3A_314 = tpu.memref_squeeze %dma_start3A_313 : memref<1x2x128xi32, #tpu.memory_space<hbm>> -> memref<2x128xi32, #tpu.memory_space<hbm>>
      tpu.enqueue_dma source(%dma_start3A_314 : memref<2x128xi32, #tpu.memory_space<hbm>>) target(%dma_start3A_310 : memref<2x128xi32, #tpu.memory_space<vmem>>) target_semaphore(%run_scoped3A_298 : memref<!tpu.dma_semaphore, #tpu.memory_space<semaphore_mem>>)
      %dma_wait3A_315 = arith.constant 0 : i32
      %dma_wait3A_316 = arith.constant 0 : i32
      %dma_wait3A_317 = tpu.memref_slice %arg7[%run_scoped3A, %dma_wait3A_315, %dma_wait3A_316] : memref<6x2x128xi32, #tpu.memory_space<vmem>> -> memref<1x2x128xi32, #tpu.memory_space<vmem>>
      %dma_wait3A_318 = tpu.memref_squeeze %dma_wait3A_317 : memref<1x2x128xi32, #tpu.memory_space<vmem>> -> memref<2x128xi32, #tpu.memory_space<vmem>>
      %dma_wait3A_319 = arith.constant 0 : i32
      %dma_wait3A_320 = arith.constant 0 : i32
      %dma_wait3A_321 = tpu.memref_slice %arg4[%add3A_10, %dma_wait3A_319, %dma_wait3A_320] : memref<2528x2x128xi32, #tpu.memory_space<hbm>> -> memref<1x2x128xi32, #tpu.memory_space<hbm>>
      %dma_wait3A_322 = tpu.memref_squeeze %dma_wait3A_321 : memref<1x2x128xi32, #tpu.memory_space<hbm>> -> memref<2x128xi32, #tpu.memory_space<hbm>>
      %dma_wait3A_323 = arith.constant 0 : i32
      %dma_wait3A_324 = arith.constant 0 : i32
      %dma_wait3A_325 = tpu.memref_slice %arg7[%run_scoped3A, %dma_wait3A_323, %dma_wait3A_324] : memref<6x2x128xi32, #tpu.memory_space<vmem>> -> memref<1x2x128xi32, #tpu.memory_space<vmem>>
      %dma_wait3A_326 = tpu.memref_squeeze %dma_wait3A_325 : memref<1x2x128xi32, #tpu.memory_space<vmem>> -> memref<2x128xi32, #tpu.memory_space<vmem>>
      %dma_wait3A_327 = arith.constant 0 : i32
      %dma_wait3A_328 = arith.constant 0 : i32
      %dma_wait3A_329 = tpu.memref_slice %arg4[%add3A_10, %dma_wait3A_327, %dma_wait3A_328] : memref<2528x2x128xi32, #tpu.memory_space<hbm>> -> memref<1x2x128xi32, #tpu.memory_space<hbm>>
      %dma_wait3A_330 = tpu.memref_squeeze %dma_wait3A_329 : memref<1x2x128xi32, #tpu.memory_space<hbm>> -> memref<2x128xi32, #tpu.memory_space<hbm>>
      tpu.wait_dma2 semaphore(%run_scoped3A_298 : memref<!tpu.dma_semaphore, #tpu.memory_space<semaphore_mem>>) src(%dma_wait3A_330 : memref<2x128xi32, #tpu.memory_space<hbm>>) dst(%dma_wait3A_326 : memref<2x128xi32, #tpu.memory_space<vmem>>)
      tpu.yield
    }) : () -> ()
    %dma_start3A = arith.constant 0 : i32
    %dma_start3A_11 = arith.constant 0 : i32
    %dma_start3A_12 = arith.constant 0 : i32
    %dma_start3A_13 = arith.constant 0 : i32
    %dma_start3A_14 = arith.constant 0 : i32
    %dma_start3A_15 = tpu.memref_slice %arg8[%dma_start3A_12, %dma_start3A_13, %dma_start3A_14] : memref<6x128x64xf32, #tpu.memory_space<vmem>> -> memref<1x128x64xf32, #tpu.memory_space<vmem>>
    %dma_start3A_16 = tpu.memref_squeeze %dma_start3A_15 : memref<1x128x64xf32, #tpu.memory_space<vmem>> -> memref<128x64xf32, #tpu.memory_space<vmem>>
    %dma_start3A_17 = arith.constant 0 : i32
    %dma_start3A_18 = tpu.memref_slice %arg7[%dma_start3A, %dma_start3A_11, %dma_start3A_17] : memref<6x2x128xi32, #tpu.memory_space<vmem>> -> memref<1x1x128xi32, #tpu.memory_space<vmem>>
    %dma_start3A_19 = tpu.memref_squeeze %dma_start3A_18 : memref<1x1x128xi32, #tpu.memory_space<vmem>> -> memref<128xi32, #tpu.memory_space<vmem>>
    %dma_start3A_20 = arith.constant 0 : i32
    %dma_start3A_21 = arith.constant 0 : i32
    %dma_start3A_22 = tpu.memref_slice %arg2[%dma_start3A_20, %dma_start3A_21] : memref<10240x64xf32, #tpu.memory_space<hbm>> -> memref<10240x64xf32, #tpu.memory_space<hbm>>
    tpu.enqueue_indirect_dma source(%dma_start3A_22 : memref<10240x64xf32, #tpu.memory_space<hbm>>) target(%dma_start3A_16 : memref<128x64xf32, #tpu.memory_space<vmem>>) offsets(%dma_start3A_19 : memref<128xi32, #tpu.memory_space<vmem>>) semaphore(%arg10 : memref<!tpu.dma_semaphore, #tpu.memory_space<semaphore_mem>>)
    %add3A_23 = arith.constant 1 : i32
    %add3A_24 = arith.addi %select_n3A_8, %add3A_23 : i32
    %run_scoped3A_25 = arith.constant 1 : i32
    "tpu.region"() ({
      %run_scoped3A_298 = tpu.sem_alloc : memref<!tpu.dma_semaphore, #tpu.memory_space<semaphore_mem>>
      %dma_start3A_299 = arith.constant 0 : i32
      %dma_start3A_300 = arith.constant 0 : i32
      %dma_start3A_301 = tpu.memref_slice %arg7[%run_scoped3A_25, %dma_start3A_299, %dma_start3A_300] : memref<6x2x128xi32, #tpu.memory_space<vmem>> -> memref<1x2x128xi32, #tpu.memory_space<vmem>>
      %dma_start3A_302 = tpu.memref_squeeze %dma_start3A_301 : memref<1x2x128xi32, #tpu.memory_space<vmem>> -> memref<2x128xi32, #tpu.memory_space<vmem>>
      %dma_start3A_303 = arith.constant 0 : i32
      %dma_start3A_304 = arith.constant 0 : i32
      %dma_start3A_305 = tpu.memref_slice %arg4[%add3A_24, %dma_start3A_303, %dma_start3A_304] : memref<2528x2x128xi32, #tpu.memory_space<hbm>> -> memref<1x2x128xi32, #tpu.memory_space<hbm>>
      %dma_start3A_306 = tpu.memref_squeeze %dma_start3A_305 : memref<1x2x128xi32, #tpu.memory_space<hbm>> -> memref<2x128xi32, #tpu.memory_space<hbm>>
      %dma_start3A_307 = arith.constant 0 : i32
      %dma_start3A_308 = arith.constant 0 : i32
      %dma_start3A_309 = tpu.memref_slice %arg7[%run_scoped3A_25, %dma_start3A_307, %dma_start3A_308] : memref<6x2x128xi32, #tpu.memory_space<vmem>> -> memref<1x2x128xi32, #tpu.memory_space<vmem>>
      %dma_start3A_310 = tpu.memref_squeeze %dma_start3A_309 : memref<1x2x128xi32, #tpu.memory_space<vmem>> -> memref<2x128xi32, #tpu.memory_space<vmem>>
      %dma_start3A_311 = arith.constant 0 : i32
      %dma_start3A_312 = arith.constant 0 : i32
      %dma_start3A_313 = tpu.memref_slice %arg4[%add3A_24, %dma_start3A_311, %dma_start3A_312] : memref<2528x2x128xi32, #tpu.memory_space<hbm>> -> memref<1x2x128xi32, #tpu.memory_space<hbm>>
      %dma_start3A_314 = tpu.memref_squeeze %dma_start3A_313 : memref<1x2x128xi32, #tpu.memory_space<hbm>> -> memref<2x128xi32, #tpu.memory_space<hbm>>
      tpu.enqueue_dma source(%dma_start3A_314 : memref<2x128xi32, #tpu.memory_space<hbm>>) target(%dma_start3A_310 : memref<2x128xi32, #tpu.memory_space<vmem>>) target_semaphore(%run_scoped3A_298 : memref<!tpu.dma_semaphore, #tpu.memory_space<semaphore_mem>>)
      %dma_wait3A_315 = arith.constant 0 : i32
      %dma_wait3A_316 = arith.constant 0 : i32
      %dma_wait3A_317 = tpu.memref_slice %arg7[%run_scoped3A_25, %dma_wait3A_315, %dma_wait3A_316] : memref<6x2x128xi32, #tpu.memory_space<vmem>> -> memref<1x2x128xi32, #tpu.memory_space<vmem>>
      %dma_wait3A_318 = tpu.memref_squeeze %dma_wait3A_317 : memref<1x2x128xi32, #tpu.memory_space<vmem>> -> memref<2x128xi32, #tpu.memory_space<vmem>>
      %dma_wait3A_319 = arith.constant 0 : i32
      %dma_wait3A_320 = arith.constant 0 : i32
      %dma_wait3A_321 = tpu.memref_slice %arg4[%add3A_24, %dma_wait3A_319, %dma_wait3A_320] : memref<2528x2x128xi32, #tpu.memory_space<hbm>> -> memref<1x2x128xi32, #tpu.memory_space<hbm>>
      %dma_wait3A_322 = tpu.memref_squeeze %dma_wait3A_321 : memref<1x2x128xi32, #tpu.memory_space<hbm>> -> memref<2x128xi32, #tpu.memory_space<hbm>>
      %dma_wait3A_323 = arith.constant 0 : i32
      %dma_wait3A_324 = arith.constant 0 : i32
      %dma_wait3A_325 = tpu.memref_slice %arg7[%run_scoped3A_25, %dma_wait3A_323, %dma_wait3A_324] : memref<6x2x128xi32, #tpu.memory_space<vmem>> -> memref<1x2x128xi32, #tpu.memory_space<vmem>>
      %dma_wait3A_326 = tpu.memref_squeeze %dma_wait3A_325 : memref<1x2x128xi32, #tpu.memory_space<vmem>> -> memref<2x128xi32, #tpu.memory_space<vmem>>
      %dma_wait3A_327 = arith.constant 0 : i32
      %dma_wait3A_328 = arith.constant 0 : i32
      %dma_wait3A_329 = tpu.memref_slice %arg4[%add3A_24, %dma_wait3A_327, %dma_wait3A_328] : memref<2528x2x128xi32, #tpu.memory_space<hbm>> -> memref<1x2x128xi32, #tpu.memory_space<hbm>>
      %dma_wait3A_330 = tpu.memref_squeeze %dma_wait3A_329 : memref<1x2x128xi32, #tpu.memory_space<hbm>> -> memref<2x128xi32, #tpu.memory_space<hbm>>
      tpu.wait_dma2 semaphore(%run_scoped3A_298 : memref<!tpu.dma_semaphore, #tpu.memory_space<semaphore_mem>>) src(%dma_wait3A_330 : memref<2x128xi32, #tpu.memory_space<hbm>>) dst(%dma_wait3A_326 : memref<2x128xi32, #tpu.memory_space<vmem>>)
      tpu.yield
    }) : () -> ()
    %dma_start3A_26 = arith.constant 1 : i32
    %dma_start3A_27 = arith.constant 0 : i32
    %dma_start3A_28 = arith.constant 1 : i32
    %dma_start3A_29 = arith.constant 0 : i32
    %dma_start3A_30 = arith.constant 0 : i32
    %dma_start3A_31 = tpu.memref_slice %arg8[%dma_start3A_28, %dma_start3A_29, %dma_start3A_30] : memref<6x128x64xf32, #tpu.memory_space<vmem>> -> memref<1x128x64xf32, #tpu.memory_space<vmem>>
    %dma_start3A_32 = tpu.memref_squeeze %dma_start3A_31 : memref<1x128x64xf32, #tpu.memory_space<vmem>> -> memref<128x64xf32, #tpu.memory_space<vmem>>
    %dma_start3A_33 = arith.constant 0 : i32
    %dma_start3A_34 = tpu.memref_slice %arg7[%dma_start3A_26, %dma_start3A_27, %dma_start3A_33] : memref<6x2x128xi32, #tpu.memory_space<vmem>> -> memref<1x1x128xi32, #tpu.memory_space<vmem>>
    %dma_start3A_35 = tpu.memref_squeeze %dma_start3A_34 : memref<1x1x128xi32, #tpu.memory_space<vmem>> -> memref<128xi32, #tpu.memory_space<vmem>>
    %dma_start3A_36 = arith.constant 0 : i32
    %dma_start3A_37 = arith.constant 0 : i32
    %dma_start3A_38 = tpu.memref_slice %arg2[%dma_start3A_36, %dma_start3A_37] : memref<10240x64xf32, #tpu.memory_space<hbm>> -> memref<10240x64xf32, #tpu.memory_space<hbm>>
    tpu.enqueue_indirect_dma source(%dma_start3A_38 : memref<10240x64xf32, #tpu.memory_space<hbm>>) target(%dma_start3A_32 : memref<128x64xf32, #tpu.memory_space<vmem>>) offsets(%dma_start3A_35 : memref<128xi32, #tpu.memory_space<vmem>>) semaphore(%arg10 : memref<!tpu.dma_semaphore, #tpu.memory_space<semaphore_mem>>)
    %add3A_39 = arith.constant 2 : i32
    %add3A_40 = arith.addi %select_n3A_8, %add3A_39 : i32
    %run_scoped3A_41 = arith.constant 2 : i32
    "tpu.region"() ({
      %run_scoped3A_298 = tpu.sem_alloc : memref<!tpu.dma_semaphore, #tpu.memory_space<semaphore_mem>>
      %dma_start3A_299 = arith.constant 0 : i32
      %dma_start3A_300 = arith.constant 0 : i32
      %dma_start3A_301 = tpu.memref_slice %arg7[%run_scoped3A_41, %dma_start3A_299, %dma_start3A_300] : memref<6x2x128xi32, #tpu.memory_space<vmem>> -> memref<1x2x128xi32, #tpu.memory_space<vmem>>
      %dma_start3A_302 = tpu.memref_squeeze %dma_start3A_301 : memref<1x2x128xi32, #tpu.memory_space<vmem>> -> memref<2x128xi32, #tpu.memory_space<vmem>>
      %dma_start3A_303 = arith.constant 0 : i32
      %dma_start3A_304 = arith.constant 0 : i32
      %dma_start3A_305 = tpu.memref_slice %arg4[%add3A_40, %dma_start3A_303, %dma_start3A_304] : memref<2528x2x128xi32, #tpu.memory_space<hbm>> -> memref<1x2x128xi32, #tpu.memory_space<hbm>>
      %dma_start3A_306 = tpu.memref_squeeze %dma_start3A_305 : memref<1x2x128xi32, #tpu.memory_space<hbm>> -> memref<2x128xi32, #tpu.memory_space<hbm>>
      %dma_start3A_307 = arith.constant 0 : i32
      %dma_start3A_308 = arith.constant 0 : i32
      %dma_start3A_309 = tpu.memref_slice %arg7[%run_scoped3A_41, %dma_start3A_307, %dma_start3A_308] : memref<6x2x128xi32, #tpu.memory_space<vmem>> -> memref<1x2x128xi32, #tpu.memory_space<vmem>>
      %dma_start3A_310 = tpu.memref_squeeze %dma_start3A_309 : memref<1x2x128xi32, #tpu.memory_space<vmem>> -> memref<2x128xi32, #tpu.memory_space<vmem>>
      %dma_start3A_311 = arith.constant 0 : i32
      %dma_start3A_312 = arith.constant 0 : i32
      %dma_start3A_313 = tpu.memref_slice %arg4[%add3A_40, %dma_start3A_311, %dma_start3A_312] : memref<2528x2x128xi32, #tpu.memory_space<hbm>> -> memref<1x2x128xi32, #tpu.memory_space<hbm>>
      %dma_start3A_314 = tpu.memref_squeeze %dma_start3A_313 : memref<1x2x128xi32, #tpu.memory_space<hbm>> -> memref<2x128xi32, #tpu.memory_space<hbm>>
      tpu.enqueue_dma source(%dma_start3A_314 : memref<2x128xi32, #tpu.memory_space<hbm>>) target(%dma_start3A_310 : memref<2x128xi32, #tpu.memory_space<vmem>>) target_semaphore(%run_scoped3A_298 : memref<!tpu.dma_semaphore, #tpu.memory_space<semaphore_mem>>)
      %dma_wait3A_315 = arith.constant 0 : i32
      %dma_wait3A_316 = arith.constant 0 : i32
      %dma_wait3A_317 = tpu.memref_slice %arg7[%run_scoped3A_41, %dma_wait3A_315, %dma_wait3A_316] : memref<6x2x128xi32, #tpu.memory_space<vmem>> -> memref<1x2x128xi32, #tpu.memory_space<vmem>>
      %dma_wait3A_318 = tpu.memref_squeeze %dma_wait3A_317 : memref<1x2x128xi32, #tpu.memory_space<vmem>> -> memref<2x128xi32, #tpu.memory_space<vmem>>
      %dma_wait3A_319 = arith.constant 0 : i32
      %dma_wait3A_320 = arith.constant 0 : i32
      %dma_wait3A_321 = tpu.memref_slice %arg4[%add3A_40, %dma_wait3A_319, %dma_wait3A_320] : memref<2528x2x128xi32, #tpu.memory_space<hbm>> -> memref<1x2x128xi32, #tpu.memory_space<hbm>>
      %dma_wait3A_322 = tpu.memref_squeeze %dma_wait3A_321 : memref<1x2x128xi32, #tpu.memory_space<hbm>> -> memref<2x128xi32, #tpu.memory_space<hbm>>
      %dma_wait3A_323 = arith.constant 0 : i32
      %dma_wait3A_324 = arith.constant 0 : i32
      %dma_wait3A_325 = tpu.memref_slice %arg7[%run_scoped3A_41, %dma_wait3A_323, %dma_wait3A_324] : memref<6x2x128xi32, #tpu.memory_space<vmem>> -> memref<1x2x128xi32, #tpu.memory_space<vmem>>
      %dma_wait3A_326 = tpu.memref_squeeze %dma_wait3A_325 : memref<1x2x128xi32, #tpu.memory_space<vmem>> -> memref<2x128xi32, #tpu.memory_space<vmem>>
      %dma_wait3A_327 = arith.constant 0 : i32
      %dma_wait3A_328 = arith.constant 0 : i32
      %dma_wait3A_329 = tpu.memref_slice %arg4[%add3A_40, %dma_wait3A_327, %dma_wait3A_328] : memref<2528x2x128xi32, #tpu.memory_space<hbm>> -> memref<1x2x128xi32, #tpu.memory_space<hbm>>
      %dma_wait3A_330 = tpu.memref_squeeze %dma_wait3A_329 : memref<1x2x128xi32, #tpu.memory_space<hbm>> -> memref<2x128xi32, #tpu.memory_space<hbm>>
      tpu.wait_dma2 semaphore(%run_scoped3A_298 : memref<!tpu.dma_semaphore, #tpu.memory_space<semaphore_mem>>) src(%dma_wait3A_330 : memref<2x128xi32, #tpu.memory_space<hbm>>) dst(%dma_wait3A_326 : memref<2x128xi32, #tpu.memory_space<vmem>>)
      tpu.yield
    }) : () -> ()
    %dma_start3A_42 = arith.constant 2 : i32
    %dma_start3A_43 = arith.constant 0 : i32
    %dma_start3A_44 = arith.constant 2 : i32
    %dma_start3A_45 = arith.constant 0 : i32
    %dma_start3A_46 = arith.constant 0 : i32
    %dma_start3A_47 = tpu.memref_slice %arg8[%dma_start3A_44, %dma_start3A_45, %dma_start3A_46] : memref<6x128x64xf32, #tpu.memory_space<vmem>> -> memref<1x128x64xf32, #tpu.memory_space<vmem>>
    %dma_start3A_48 = tpu.memref_squeeze %dma_start3A_47 : memref<1x128x64xf32, #tpu.memory_space<vmem>> -> memref<128x64xf32, #tpu.memory_space<vmem>>
    %dma_start3A_49 = arith.constant 0 : i32
    %dma_start3A_50 = tpu.memref_slice %arg7[%dma_start3A_42, %dma_start3A_43, %dma_start3A_49] : memref<6x2x128xi32, #tpu.memory_space<vmem>> -> memref<1x1x128xi32, #tpu.memory_space<vmem>>
    %dma_start3A_51 = tpu.memref_squeeze %dma_start3A_50 : memref<1x1x128xi32, #tpu.memory_space<vmem>> -> memref<128xi32, #tpu.memory_space<vmem>>
    %dma_start3A_52 = arith.constant 0 : i32
    %dma_start3A_53 = arith.constant 0 : i32
    %dma_start3A_54 = tpu.memref_slice %arg2[%dma_start3A_52, %dma_start3A_53] : memref<10240x64xf32, #tpu.memory_space<hbm>> -> memref<10240x64xf32, #tpu.memory_space<hbm>>
    tpu.enqueue_indirect_dma source(%dma_start3A_54 : memref<10240x64xf32, #tpu.memory_space<hbm>>) target(%dma_start3A_48 : memref<128x64xf32, #tpu.memory_space<vmem>>) offsets(%dma_start3A_51 : memref<128xi32, #tpu.memory_space<vmem>>) semaphore(%arg10 : memref<!tpu.dma_semaphore, #tpu.memory_space<semaphore_mem>>)
    %mul3A_55 = arith.constant 640 : i32
    %mul3A_56 = arith.muli %arg1, %mul3A_55 : i32
    %mul3A_57 = arith.constant 640 : i32
    %mul3A_58 = arith.muli %arg1, %mul3A_57 : i32
    "tpu.region"() ({
      %run_scoped3A_298 = tpu.sem_alloc : memref<!tpu.dma_semaphore, #tpu.memory_space<semaphore_mem>>
      %dma_start3A_299 = arith.constant 0 : i32
      %dma_start3A_300 = tpu.memref_slice %arg9[%mul3A_58, %dma_start3A_299] : memref<10240x64xf32, #tpu.memory_space<vmem_shared>> -> memref<640x64xf32, #tpu.memory_space<vmem_shared>>
      %dma_start3A_301 = arith.constant 0 : i32
      %dma_start3A_302 = tpu.memref_slice %arg5[%mul3A_56, %dma_start3A_301] : memref<10240x64xf32, #tpu.memory_space<hbm>> -> memref<640x64xf32, #tpu.memory_space<hbm>>
      tpu.enqueue_dma source(%dma_start3A_302 : memref<640x64xf32, #tpu.memory_space<hbm>>) target(%dma_start3A_300 : memref<640x64xf32, #tpu.memory_space<vmem_shared>>) target_semaphore(%run_scoped3A_298 : memref<!tpu.dma_semaphore, #tpu.memory_space<semaphore_mem>>)
      %dma_wait3A_303 = arith.constant 0 : i32
      %dma_wait3A_304 = tpu.memref_slice %arg9[%mul3A_58, %dma_wait3A_303] : memref<10240x64xf32, #tpu.memory_space<vmem_shared>> -> memref<640x64xf32, #tpu.memory_space<vmem_shared>>
      %dma_wait3A_305 = arith.constant 0 : i32
      %dma_wait3A_306 = tpu.memref_slice %arg5[%mul3A_56, %dma_wait3A_305] : memref<10240x64xf32, #tpu.memory_space<hbm>> -> memref<640x64xf32, #tpu.memory_space<hbm>>
      tpu.wait_dma2 semaphore(%run_scoped3A_298 : memref<!tpu.dma_semaphore, #tpu.memory_space<semaphore_mem>>) src(%dma_wait3A_306 : memref<640x64xf32, #tpu.memory_space<hbm>>) dst(%dma_wait3A_304 : memref<640x64xf32, #tpu.memory_space<vmem_shared>>)
      tpu.yield
    }) : () -> ()
    %barrier3A = arith.constant 0 : index
    tpu.barrier barrier_id(%barrier3A)
    %while3A = arith.constant 0 : i32
    %while3A_59 = arith.constant 0 : i32
    %while3A_60 = arith.subi %select_n3A, %while3A_59 : i32
    %while3A_61 = arith.addi %while3A_59, %while3A_60 : i32
    %while3A_62 = arith.constant 1 : i32
    %while3A_63 = arith.divsi %while3A_60, %while3A_62 : i32
    %while3A_64 = arith.muli %while3A_63, %while3A_62 : i32
    %while3A_65 = arith.addi %while3A_59, %while3A_64 : i32
    %while3A_66 = arith.constant 1 : i32
    scf.for %while3A_298 = %while3A_59 to %while3A_65 step %while3A_66  : i32 {
      %jit3A_299 = arith.constant 6 : i32
      %eq3A_300 = arith.constant 0 : i32
      %eq3A_301 = arith.cmpi eq, %jit3A_299, %eq3A_300 : i32
      %jit3A_302 = arith.constant 1 : i32
      %select_n3A_303 = arith.select %eq3A_301, %jit3A_302, %jit3A_299 : i32
      %rem3A = arith.remsi %while3A_298, %select_n3A_303 : i32
      %ne3A = arith.constant 0 : i32
      %ne3A_304 = arith.cmpi ne, %rem3A, %ne3A : i32
      %lt3A = arith.constant 0 : i32
      %lt3A_305 = arith.cmpi slt, %rem3A, %lt3A : i32
      %lt3A_306 = arith.constant 0 : i32
      %lt3A_307 = arith.cmpi slt, %select_n3A_303, %lt3A_306 : i32
      %ne3A_308 = arith.xori %lt3A_305, %lt3A_307 : i1
      %and3A = arith.andi %ne3A_308, %ne3A_304 : i1
      %add3A_309 = arith.addi %rem3A, %select_n3A_303 : i32
      %select_n3A_310 = arith.select %and3A, %add3A_309, %rem3A : i32
      %jit3A_311 = arith.constant 6 : i32
      %eq3A_312 = arith.constant 0 : i32
      %eq3A_313 = arith.cmpi eq, %jit3A_311, %eq3A_312 : i32
      %jit3A_314 = arith.constant 1 : i32
      %select_n3A_315 = arith.select %eq3A_313, %jit3A_314, %jit3A_311 : i32
      %rem3A_316 = arith.remsi %while3A_298, %select_n3A_315 : i32
      %ne3A_317 = arith.constant 0 : i32
      %ne3A_318 = arith.cmpi ne, %rem3A_316, %ne3A_317 : i32
      %lt3A_319 = arith.constant 0 : i32
      %lt3A_320 = arith.cmpi slt, %rem3A_316, %lt3A_319 : i32
      %lt3A_321 = arith.constant 0 : i32
      %lt3A_322 = arith.cmpi slt, %select_n3A_315, %lt3A_321 : i32
      %ne3A_323 = arith.xori %lt3A_320, %lt3A_322 : i1
      %and3A_324 = arith.andi %ne3A_323, %ne3A_318 : i1
      %add3A_325 = arith.addi %rem3A_316, %select_n3A_315 : i32
      %select_n3A_326 = arith.select %and3A_324, %add3A_325, %rem3A_316 : i32
      %dma_wait3A_327 = arith.constant 0 : i32
      %dma_wait3A_328 = arith.constant 0 : i32
      %dma_wait3A_329 = arith.constant 0 : i32
      %dma_wait3A_330 = tpu.memref_slice %arg8[%select_n3A_326, %dma_wait3A_328, %dma_wait3A_329] : memref<6x128x64xf32, #tpu.memory_space<vmem>> -> memref<1x128x64xf32, #tpu.memory_space<vmem>>
      %dma_wait3A_331 = tpu.memref_squeeze %dma_wait3A_330 : memref<1x128x64xf32, #tpu.memory_space<vmem>> -> memref<128x64xf32, #tpu.memory_space<vmem>>
      %dma_wait3A_332 = arith.constant 0 : i32
      %dma_wait3A_333 = tpu.memref_slice %arg7[%select_n3A_310, %dma_wait3A_327, %dma_wait3A_332] : memref<6x2x128xi32, #tpu.memory_space<vmem>> -> memref<1x1x128xi32, #tpu.memory_space<vmem>>
      %dma_wait3A_334 = tpu.memref_squeeze %dma_wait3A_333 : memref<1x1x128xi32, #tpu.memory_space<vmem>> -> memref<128xi32, #tpu.memory_space<vmem>>
      %dma_wait3A_335 = arith.constant 0 : i32
      %dma_wait3A_336 = arith.constant 0 : i32
      %dma_wait3A_337 = tpu.memref_slice %arg2[%dma_wait3A_335, %dma_wait3A_336] : memref<10240x64xf32, #tpu.memory_space<hbm>> -> memref<10240x64xf32, #tpu.memory_space<hbm>>
      tpu.wait_indirect_dma semaphore(%arg10 : memref<!tpu.dma_semaphore, #tpu.memory_space<semaphore_mem>>) src(%dma_wait3A_337 : memref<10240x64xf32, #tpu.memory_space<hbm>>) dst(%dma_wait3A_331 : memref<128x64xf32, #tpu.memory_space<vmem>>)
      %jit3A_338 = arith.constant 6 : i32
      %eq3A_339 = arith.constant 0 : i32
      %eq3A_340 = arith.cmpi eq, %jit3A_338, %eq3A_339 : i32
      %jit3A_341 = arith.constant 1 : i32
      %select_n3A_342 = arith.select %eq3A_340, %jit3A_341, %jit3A_338 : i32
      %rem3A_343 = arith.remsi %while3A_298, %select_n3A_342 : i32
      %ne3A_344 = arith.constant 0 : i32
      %ne3A_345 = arith.cmpi ne, %rem3A_343, %ne3A_344 : i32
      %lt3A_346 = arith.constant 0 : i32
      %lt3A_347 = arith.cmpi slt, %rem3A_343, %lt3A_346 : i32
      %lt3A_348 = arith.constant 0 : i32
      %lt3A_349 = arith.cmpi slt, %select_n3A_342, %lt3A_348 : i32
      %ne3A_350 = arith.xori %lt3A_347, %lt3A_349 : i1
      %and3A_351 = arith.andi %ne3A_350, %ne3A_345 : i1
      %add3A_352 = arith.addi %rem3A_343, %select_n3A_342 : i32
      %select_n3A_353 = arith.select %and3A_351, %add3A_352, %rem3A_343 : i32
      %jit3A_354 = arith.constant 6 : i32
      %eq3A_355 = arith.constant 0 : i32
      %eq3A_356 = arith.cmpi eq, %jit3A_354, %eq3A_355 : i32
      %jit3A_357 = arith.constant 1 : i32
      %select_n3A_358 = arith.select %eq3A_356, %jit3A_357, %jit3A_354 : i32
      %rem3A_359 = arith.remsi %while3A_298, %select_n3A_358 : i32
      %ne3A_360 = arith.constant 0 : i32
      %ne3A_361 = arith.cmpi ne, %rem3A_359, %ne3A_360 : i32
      %lt3A_362 = arith.constant 0 : i32
      %lt3A_363 = arith.cmpi slt, %rem3A_359, %lt3A_362 : i32
      %lt3A_364 = arith.constant 0 : i32
      %lt3A_365 = arith.cmpi slt, %select_n3A_358, %lt3A_364 : i32
      %ne3A_366 = arith.xori %lt3A_363, %lt3A_365 : i1
      %and3A_367 = arith.andi %ne3A_366, %ne3A_361 : i1
      %add3A_368 = arith.addi %rem3A_359, %select_n3A_358 : i32
      %select_n3A_369 = arith.select %and3A_367, %add3A_368, %rem3A_359 : i32
      %dma_start3A_370 = arith.constant 1 : i32
      %dma_start3A_371 = arith.constant 0 : i32
      %dma_start3A_372 = arith.constant 0 : i32
      %dma_start3A_373 = tpu.memref_slice %arg8[%select_n3A_353, %dma_start3A_371, %dma_start3A_372] : memref<6x128x64xf32, #tpu.memory_space<vmem>> -> memref<1x128x64xf32, #tpu.memory_space<vmem>>
      %dma_start3A_374 = tpu.memref_squeeze %dma_start3A_373 : memref<1x128x64xf32, #tpu.memory_space<vmem>> -> memref<128x64xf32, #tpu.memory_space<vmem>>
      %dma_start3A_375 = arith.constant 0 : i32
      %dma_start3A_376 = tpu.memref_slice %arg7[%select_n3A_369, %dma_start3A_370, %dma_start3A_375] : memref<6x2x128xi32, #tpu.memory_space<vmem>> -> memref<1x1x128xi32, #tpu.memory_space<vmem>>
      %dma_start3A_377 = tpu.memref_squeeze %dma_start3A_376 : memref<1x1x128xi32, #tpu.memory_space<vmem>> -> memref<128xi32, #tpu.memory_space<vmem>>
      %dma_start3A_378 = arith.constant 0 : i32
      %dma_start3A_379 = arith.constant 0 : i32
      %dma_start3A_380 = tpu.memref_slice %arg9[%dma_start3A_378, %dma_start3A_379] : memref<10240x64xf32, #tpu.memory_space<vmem_shared>> -> memref<10240x64xf32, #tpu.memory_space<vmem_shared>>
      tpu.enqueue_indirect_dma source(%dma_start3A_374 : memref<128x64xf32, #tpu.memory_space<vmem>>) target(%dma_start3A_380 : memref<10240x64xf32, #tpu.memory_space<vmem_shared>>) offsets(%dma_start3A_377 : memref<128xi32, #tpu.memory_space<vmem>>) semaphore(%arg11 : memref<!tpu.dma_semaphore, #tpu.memory_space<semaphore_mem>>) {add = true}
      %add3A_381 = arith.constant 3 : i32
      %add3A_382 = arith.addi %while3A_298, %add3A_381 : i32
      %lt3A_383 = arith.cmpi slt, %add3A_382, %select_n3A : i32
      %ge3A = arith.constant 3 : i32
      %ge3A_384 = arith.cmpi sge, %while3A_298, %ge3A : i32
      %and3A_385 = arith.andi %lt3A_383, %ge3A_384 : i1
      %convert_element_type3A = arith.extui %and3A_385 : i1 to i32
      %cond3A = arith.constant 0 : i32
      %cond3A_386 = arith.cmpi ne, %convert_element_type3A, %cond3A : i32
      scf.if %cond3A_386 {
        %sub3A = arith.constant 3 : i32
        %sub3A_393 = arith.subi %while3A_298, %sub3A : i32
        %jit3A_394 = arith.constant 6 : i32
        %eq3A_395 = arith.constant 0 : i32
        %eq3A_396 = arith.cmpi eq, %jit3A_394, %eq3A_395 : i32
        %jit3A_397 = arith.constant 1 : i32
        %select_n3A_398 = arith.select %eq3A_396, %jit3A_397, %jit3A_394 : i32
        %rem3A_399 = arith.remsi %sub3A_393, %select_n3A_398 : i32
        %ne3A_400 = arith.constant 0 : i32
        %ne3A_401 = arith.cmpi ne, %rem3A_399, %ne3A_400 : i32
        %lt3A_402 = arith.constant 0 : i32
        %lt3A_403 = arith.cmpi slt, %rem3A_399, %lt3A_402 : i32
        %lt3A_404 = arith.constant 0 : i32
        %lt3A_405 = arith.cmpi slt, %select_n3A_398, %lt3A_404 : i32
        %ne3A_406 = arith.xori %lt3A_403, %lt3A_405 : i1
        %and3A_407 = arith.andi %ne3A_406, %ne3A_401 : i1
        %add3A_408 = arith.addi %rem3A_399, %select_n3A_398 : i32
        %select_n3A_409 = arith.select %and3A_407, %add3A_408, %rem3A_399 : i32
        %jit3A_410 = arith.constant 6 : i32
        %eq3A_411 = arith.constant 0 : i32
        %eq3A_412 = arith.cmpi eq, %jit3A_410, %eq3A_411 : i32
        %jit3A_413 = arith.constant 1 : i32
        %select_n3A_414 = arith.select %eq3A_412, %jit3A_413, %jit3A_410 : i32
        %rem3A_415 = arith.remsi %sub3A_393, %select_n3A_414 : i32
        %ne3A_416 = arith.constant 0 : i32
        %ne3A_417 = arith.cmpi ne, %rem3A_415, %ne3A_416 : i32
        %lt3A_418 = arith.constant 0 : i32
        %lt3A_419 = arith.cmpi slt, %rem3A_415, %lt3A_418 : i32
        %lt3A_420 = arith.constant 0 : i32
        %lt3A_421 = arith.cmpi slt, %select_n3A_414, %lt3A_420 : i32
        %ne3A_422 = arith.xori %lt3A_419, %lt3A_421 : i1
        %and3A_423 = arith.andi %ne3A_422, %ne3A_417 : i1
        %add3A_424 = arith.addi %rem3A_415, %select_n3A_414 : i32
        %select_n3A_425 = arith.select %and3A_423, %add3A_424, %rem3A_415 : i32
        %dma_wait3A_426 = arith.constant 1 : i32
        %dma_wait3A_427 = arith.constant 0 : i32
        %dma_wait3A_428 = arith.constant 0 : i32
        %dma_wait3A_429 = tpu.memref_slice %arg8[%select_n3A_409, %dma_wait3A_427, %dma_wait3A_428] : memref<6x128x64xf32, #tpu.memory_space<vmem>> -> memref<1x128x64xf32, #tpu.memory_space<vmem>>
        %dma_wait3A_430 = tpu.memref_squeeze %dma_wait3A_429 : memref<1x128x64xf32, #tpu.memory_space<vmem>> -> memref<128x64xf32, #tpu.memory_space<vmem>>
        %dma_wait3A_431 = arith.constant 0 : i32
        %dma_wait3A_432 = tpu.memref_slice %arg7[%select_n3A_425, %dma_wait3A_426, %dma_wait3A_431] : memref<6x2x128xi32, #tpu.memory_space<vmem>> -> memref<1x1x128xi32, #tpu.memory_space<vmem>>
        %dma_wait3A_433 = tpu.memref_squeeze %dma_wait3A_432 : memref<1x1x128xi32, #tpu.memory_space<vmem>> -> memref<128xi32, #tpu.memory_space<vmem>>
        %dma_wait3A_434 = arith.constant 0 : i32
        %dma_wait3A_435 = arith.constant 0 : i32
        %dma_wait3A_436 = tpu.memref_slice %arg9[%dma_wait3A_434, %dma_wait3A_435] : memref<10240x64xf32, #tpu.memory_space<vmem_shared>> -> memref<10240x64xf32, #tpu.memory_space<vmem_shared>>
        tpu.wait_indirect_dma semaphore(%arg11 : memref<!tpu.dma_semaphore, #tpu.memory_space<semaphore_mem>>) src(%dma_wait3A_430 : memref<128x64xf32, #tpu.memory_space<vmem>>) dst(%dma_wait3A_436 : memref<10240x64xf32, #tpu.memory_space<vmem_shared>>)
      } else {
      }
      %add3A_387 = arith.constant 3 : i32
      %add3A_388 = arith.addi %while3A_298, %add3A_387 : i32
      %lt3A_389 = arith.cmpi slt, %add3A_388, %select_n3A : i32
      %convert_element_type3A_390 = arith.extui %lt3A_389 : i1 to i32
      %cond3A_391 = arith.constant 0 : i32
      %cond3A_392 = arith.cmpi ne, %convert_element_type3A_390, %cond3A_391 : i32
      scf.if %cond3A_392 {
        %add3A_393 = arith.constant 3 : i32
        %add3A_394 = arith.addi %while3A_298, %add3A_393 : i32
        %add3A_395 = arith.addi %select_n3A_8, %add3A_394 : i32
        %jit3A_396 = arith.constant 6 : i32
        %eq3A_397 = arith.constant 0 : i32
        %eq3A_398 = arith.cmpi eq, %jit3A_396, %eq3A_397 : i32
        %jit3A_399 = arith.constant 1 : i32
        %select_n3A_400 = arith.select %eq3A_398, %jit3A_399, %jit3A_396 : i32
        %rem3A_401 = arith.remsi %add3A_394, %select_n3A_400 : i32
        %ne3A_402 = arith.constant 0 : i32
        %ne3A_403 = arith.cmpi ne, %rem3A_401, %ne3A_402 : i32
        %lt3A_404 = arith.constant 0 : i32
        %lt3A_405 = arith.cmpi slt, %rem3A_401, %lt3A_404 : i32
        %lt3A_406 = arith.constant 0 : i32
        %lt3A_407 = arith.cmpi slt, %select_n3A_400, %lt3A_406 : i32
        %ne3A_408 = arith.xori %lt3A_405, %lt3A_407 : i1
        %and3A_409 = arith.andi %ne3A_408, %ne3A_403 : i1
        %add3A_410 = arith.addi %rem3A_401, %select_n3A_400 : i32
        %select_n3A_411 = arith.select %and3A_409, %add3A_410, %rem3A_401 : i32
        "tpu.region"() ({
          %run_scoped3A_457 = tpu.sem_alloc : memref<!tpu.dma_semaphore, #tpu.memory_space<semaphore_mem>>
          %dma_start3A_458 = arith.constant 0 : i32
          %dma_start3A_459 = arith.constant 0 : i32
          %dma_start3A_460 = tpu.memref_slice %arg7[%select_n3A_411, %dma_start3A_458, %dma_start3A_459] : memref<6x2x128xi32, #tpu.memory_space<vmem>> -> memref<1x2x128xi32, #tpu.memory_space<vmem>>
          %dma_start3A_461 = tpu.memref_squeeze %dma_start3A_460 : memref<1x2x128xi32, #tpu.memory_space<vmem>> -> memref<2x128xi32, #tpu.memory_space<vmem>>
          %dma_start3A_462 = arith.constant 0 : i32
          %dma_start3A_463 = arith.constant 0 : i32
          %dma_start3A_464 = tpu.memref_slice %arg4[%add3A_395, %dma_start3A_462, %dma_start3A_463] : memref<2528x2x128xi32, #tpu.memory_space<hbm>> -> memref<1x2x128xi32, #tpu.memory_space<hbm>>
          %dma_start3A_465 = tpu.memref_squeeze %dma_start3A_464 : memref<1x2x128xi32, #tpu.memory_space<hbm>> -> memref<2x128xi32, #tpu.memory_space<hbm>>
          %dma_start3A_466 = arith.constant 0 : i32
          %dma_start3A_467 = arith.constant 0 : i32
          %dma_start3A_468 = tpu.memref_slice %arg7[%select_n3A_411, %dma_start3A_466, %dma_start3A_467] : memref<6x2x128xi32, #tpu.memory_space<vmem>> -> memref<1x2x128xi32, #tpu.memory_space<vmem>>
          %dma_start3A_469 = tpu.memref_squeeze %dma_start3A_468 : memref<1x2x128xi32, #tpu.memory_space<vmem>> -> memref<2x128xi32, #tpu.memory_space<vmem>>
          %dma_start3A_470 = arith.constant 0 : i32
          %dma_start3A_471 = arith.constant 0 : i32
          %dma_start3A_472 = tpu.memref_slice %arg4[%add3A_395, %dma_start3A_470, %dma_start3A_471] : memref<2528x2x128xi32, #tpu.memory_space<hbm>> -> memref<1x2x128xi32, #tpu.memory_space<hbm>>
          %dma_start3A_473 = tpu.memref_squeeze %dma_start3A_472 : memref<1x2x128xi32, #tpu.memory_space<hbm>> -> memref<2x128xi32, #tpu.memory_space<hbm>>
          tpu.enqueue_dma source(%dma_start3A_473 : memref<2x128xi32, #tpu.memory_space<hbm>>) target(%dma_start3A_469 : memref<2x128xi32, #tpu.memory_space<vmem>>) target_semaphore(%run_scoped3A_457 : memref<!tpu.dma_semaphore, #tpu.memory_space<semaphore_mem>>)
          %dma_wait3A_474 = arith.constant 0 : i32
          %dma_wait3A_475 = arith.constant 0 : i32
          %dma_wait3A_476 = tpu.memref_slice %arg7[%select_n3A_411, %dma_wait3A_474, %dma_wait3A_475] : memref<6x2x128xi32, #tpu.memory_space<vmem>> -> memref<1x2x128xi32, #tpu.memory_space<vmem>>
          %dma_wait3A_477 = tpu.memref_squeeze %dma_wait3A_476 : memref<1x2x128xi32, #tpu.memory_space<vmem>> -> memref<2x128xi32, #tpu.memory_space<vmem>>
          %dma_wait3A_478 = arith.constant 0 : i32
          %dma_wait3A_479 = arith.constant 0 : i32
          %dma_wait3A_480 = tpu.memref_slice %arg4[%add3A_395, %dma_wait3A_478, %dma_wait3A_479] : memref<2528x2x128xi32, #tpu.memory_space<hbm>> -> memref<1x2x128xi32, #tpu.memory_space<hbm>>
          %dma_wait3A_481 = tpu.memref_squeeze %dma_wait3A_480 : memref<1x2x128xi32, #tpu.memory_space<hbm>> -> memref<2x128xi32, #tpu.memory_space<hbm>>
          %dma_wait3A_482 = arith.constant 0 : i32
          %dma_wait3A_483 = arith.constant 0 : i32
          %dma_wait3A_484 = tpu.memref_slice %arg7[%select_n3A_411, %dma_wait3A_482, %dma_wait3A_483] : memref<6x2x128xi32, #tpu.memory_space<vmem>> -> memref<1x2x128xi32, #tpu.memory_space<vmem>>
          %dma_wait3A_485 = tpu.memref_squeeze %dma_wait3A_484 : memref<1x2x128xi32, #tpu.memory_space<vmem>> -> memref<2x128xi32, #tpu.memory_space<vmem>>
          %dma_wait3A_486 = arith.constant 0 : i32
          %dma_wait3A_487 = arith.constant 0 : i32
          %dma_wait3A_488 = tpu.memref_slice %arg4[%add3A_395, %dma_wait3A_486, %dma_wait3A_487] : memref<2528x2x128xi32, #tpu.memory_space<hbm>> -> memref<1x2x128xi32, #tpu.memory_space<hbm>>
          %dma_wait3A_489 = tpu.memref_squeeze %dma_wait3A_488 : memref<1x2x128xi32, #tpu.memory_space<hbm>> -> memref<2x128xi32, #tpu.memory_space<hbm>>
          tpu.wait_dma2 semaphore(%run_scoped3A_457 : memref<!tpu.dma_semaphore, #tpu.memory_space<semaphore_mem>>) src(%dma_wait3A_489 : memref<2x128xi32, #tpu.memory_space<hbm>>) dst(%dma_wait3A_485 : memref<2x128xi32, #tpu.memory_space<vmem>>)
          tpu.yield
        }) : () -> ()
        %add3A_412 = arith.constant 3 : i32
        %add3A_413 = arith.addi %while3A_298, %add3A_412 : i32
        %jit3A_414 = arith.constant 6 : i32
        %eq3A_415 = arith.constant 0 : i32
        %eq3A_416 = arith.cmpi eq, %jit3A_414, %eq3A_415 : i32
        %jit3A_417 = arith.constant 1 : i32
        %select_n3A_418 = arith.select %eq3A_416, %jit3A_417, %jit3A_414 : i32
        %rem3A_419 = arith.remsi %add3A_413, %select_n3A_418 : i32
        %ne3A_420 = arith.constant 0 : i32
        %ne3A_421 = arith.cmpi ne, %rem3A_419, %ne3A_420 : i32
        %lt3A_422 = arith.constant 0 : i32
        %lt3A_423 = arith.cmpi slt, %rem3A_419, %lt3A_422 : i32
        %lt3A_424 = arith.constant 0 : i32
        %lt3A_425 = arith.cmpi slt, %select_n3A_418, %lt3A_424 : i32
        %ne3A_426 = arith.xori %lt3A_423, %lt3A_425 : i1
        %and3A_427 = arith.andi %ne3A_426, %ne3A_421 : i1
        %add3A_428 = arith.addi %rem3A_419, %select_n3A_418 : i32
        %select_n3A_429 = arith.select %and3A_427, %add3A_428, %rem3A_419 : i32
        %jit3A_430 = arith.constant 6 : i32
        %eq3A_431 = arith.constant 0 : i32
        %eq3A_432 = arith.cmpi eq, %jit3A_430, %eq3A_431 : i32
        %jit3A_433 = arith.constant 1 : i32
        %select_n3A_434 = arith.select %eq3A_432, %jit3A_433, %jit3A_430 : i32
        %rem3A_435 = arith.remsi %add3A_413, %select_n3A_434 : i32
        %ne3A_436 = arith.constant 0 : i32
        %ne3A_437 = arith.cmpi ne, %rem3A_435, %ne3A_436 : i32
        %lt3A_438 = arith.constant 0 : i32
        %lt3A_439 = arith.cmpi slt, %rem3A_435, %lt3A_438 : i32
        %lt3A_440 = arith.constant 0 : i32
        %lt3A_441 = arith.cmpi slt, %select_n3A_434, %lt3A_440 : i32
        %ne3A_442 = arith.xori %lt3A_439, %lt3A_441 : i1
        %and3A_443 = arith.andi %ne3A_442, %ne3A_437 : i1
        %add3A_444 = arith.addi %rem3A_435, %select_n3A_434 : i32
        %select_n3A_445 = arith.select %and3A_443, %add3A_444, %rem3A_435 : i32
        %dma_start3A_446 = arith.constant 0 : i32
        %dma_start3A_447 = arith.constant 0 : i32
        %dma_start3A_448 = arith.constant 0 : i32
        %dma_start3A_449 = tpu.memref_slice %arg8[%select_n3A_445, %dma_start3A_447, %dma_start3A_448] : memref<6x128x64xf32, #tpu.memory_space<vmem>> -> memref<1x128x64xf32, #tpu.memory_space<vmem>>
        %dma_start3A_450 = tpu.memref_squeeze %dma_start3A_449 : memref<1x128x64xf32, #tpu.memory_space<vmem>> -> memref<128x64xf32, #tpu.memory_space<vmem>>
        %dma_start3A_451 = arith.constant 0 : i32
        %dma_start3A_452 = tpu.memref_slice %arg7[%select_n3A_429, %dma_start3A_446, %dma_start3A_451] : memref<6x2x128xi32, #tpu.memory_space<vmem>> -> memref<1x1x128xi32, #tpu.memory_space<vmem>>
        %dma_start3A_453 = tpu.memref_squeeze %dma_start3A_452 : memref<1x1x128xi32, #tpu.memory_space<vmem>> -> memref<128xi32, #tpu.memory_space<vmem>>
        %dma_start3A_454 = arith.constant 0 : i32
        %dma_start3A_455 = arith.constant 0 : i32
        %dma_start3A_456 = tpu.memref_slice %arg2[%dma_start3A_454, %dma_start3A_455] : memref<10240x64xf32, #tpu.memory_space<hbm>> -> memref<10240x64xf32, #tpu.memory_space<hbm>>
        tpu.enqueue_indirect_dma source(%dma_start3A_456 : memref<10240x64xf32, #tpu.memory_space<hbm>>) target(%dma_start3A_450 : memref<128x64xf32, #tpu.memory_space<vmem>>) offsets(%dma_start3A_453 : memref<128xi32, #tpu.memory_space<vmem>>) semaphore(%arg10 : memref<!tpu.dma_semaphore, #tpu.memory_space<semaphore_mem>>)
      } else {
      }
    }
    %while3A_67 = arith.constant 1 : i32
    scf.for %while3A_298 = %while3A_65 to %while3A_61 step %while3A_67  : i32 {
      %jit3A_299 = arith.constant 6 : i32
      %eq3A_300 = arith.constant 0 : i32
      %eq3A_301 = arith.cmpi eq, %jit3A_299, %eq3A_300 : i32
      %jit3A_302 = arith.constant 1 : i32
      %select_n3A_303 = arith.select %eq3A_301, %jit3A_302, %jit3A_299 : i32
      %rem3A = arith.remsi %while3A_298, %select_n3A_303 : i32
      %ne3A = arith.constant 0 : i32
      %ne3A_304 = arith.cmpi ne, %rem3A, %ne3A : i32
      %lt3A = arith.constant 0 : i32
      %lt3A_305 = arith.cmpi slt, %rem3A, %lt3A : i32
      %lt3A_306 = arith.constant 0 : i32
      %lt3A_307 = arith.cmpi slt, %select_n3A_303, %lt3A_306 : i32
      %ne3A_308 = arith.xori %lt3A_305, %lt3A_307 : i1
      %and3A = arith.andi %ne3A_308, %ne3A_304 : i1
      %add3A_309 = arith.addi %rem3A, %select_n3A_303 : i32
      %select_n3A_310 = arith.select %and3A, %add3A_309, %rem3A : i32
      %jit3A_311 = arith.constant 6 : i32
      %eq3A_312 = arith.constant 0 : i32
      %eq3A_313 = arith.cmpi eq, %jit3A_311, %eq3A_312 : i32
      %jit3A_314 = arith.constant 1 : i32
      %select_n3A_315 = arith.select %eq3A_313, %jit3A_314, %jit3A_311 : i32
      %rem3A_316 = arith.remsi %while3A_298, %select_n3A_315 : i32
      %ne3A_317 = arith.constant 0 : i32
      %ne3A_318 = arith.cmpi ne, %rem3A_316, %ne3A_317 : i32
      %lt3A_319 = arith.constant 0 : i32
      %lt3A_320 = arith.cmpi slt, %rem3A_316, %lt3A_319 : i32
      %lt3A_321 = arith.constant 0 : i32
      %lt3A_322 = arith.cmpi slt, %select_n3A_315, %lt3A_321 : i32
      %ne3A_323 = arith.xori %lt3A_320, %lt3A_322 : i1
      %and3A_324 = arith.andi %ne3A_323, %ne3A_318 : i1
      %add3A_325 = arith.addi %rem3A_316, %select_n3A_315 : i32
      %select_n3A_326 = arith.select %and3A_324, %add3A_325, %rem3A_316 : i32
      %dma_wait3A_327 = arith.constant 0 : i32
      %dma_wait3A_328 = arith.constant 0 : i32
      %dma_wait3A_329 = arith.constant 0 : i32
      %dma_wait3A_330 = tpu.memref_slice %arg8[%select_n3A_326, %dma_wait3A_328, %dma_wait3A_329] : memref<6x128x64xf32, #tpu.memory_space<vmem>> -> memref<1x128x64xf32, #tpu.memory_space<vmem>>
      %dma_wait3A_331 = tpu.memref_squeeze %dma_wait3A_330 : memref<1x128x64xf32, #tpu.memory_space<vmem>> -> memref<128x64xf32, #tpu.memory_space<vmem>>
      %dma_wait3A_332 = arith.constant 0 : i32
      %dma_wait3A_333 = tpu.memref_slice %arg7[%select_n3A_310, %dma_wait3A_327, %dma_wait3A_332] : memref<6x2x128xi32, #tpu.memory_space<vmem>> -> memref<1x1x128xi32, #tpu.memory_space<vmem>>
      %dma_wait3A_334 = tpu.memref_squeeze %dma_wait3A_333 : memref<1x1x128xi32, #tpu.memory_space<vmem>> -> memref<128xi32, #tpu.memory_space<vmem>>
      %dma_wait3A_335 = arith.constant 0 : i32
      %dma_wait3A_336 = arith.constant 0 : i32
      %dma_wait3A_337 = tpu.memref_slice %arg2[%dma_wait3A_335, %dma_wait3A_336] : memref<10240x64xf32, #tpu.memory_space<hbm>> -> memref<10240x64xf32, #tpu.memory_space<hbm>>
      tpu.wait_indirect_dma semaphore(%arg10 : memref<!tpu.dma_semaphore, #tpu.memory_space<semaphore_mem>>) src(%dma_wait3A_337 : memref<10240x64xf32, #tpu.memory_space<hbm>>) dst(%dma_wait3A_331 : memref<128x64xf32, #tpu.memory_space<vmem>>)
      %jit3A_338 = arith.constant 6 : i32
      %eq3A_339 = arith.constant 0 : i32
      %eq3A_340 = arith.cmpi eq, %jit3A_338, %eq3A_339 : i32
      %jit3A_341 = arith.constant 1 : i32
      %select_n3A_342 = arith.select %eq3A_340, %jit3A_341, %jit3A_338 : i32
      %rem3A_343 = arith.remsi %while3A_298, %select_n3A_342 : i32
      %ne3A_344 = arith.constant 0 : i32
      %ne3A_345 = arith.cmpi ne, %rem3A_343, %ne3A_344 : i32
      %lt3A_346 = arith.constant 0 : i32
      %lt3A_347 = arith.cmpi slt, %rem3A_343, %lt3A_346 : i32
      %lt3A_348 = arith.constant 0 : i32
      %lt3A_349 = arith.cmpi slt, %select_n3A_342, %lt3A_348 : i32
      %ne3A_350 = arith.xori %lt3A_347, %lt3A_349 : i1
      %and3A_351 = arith.andi %ne3A_350, %ne3A_345 : i1
      %add3A_352 = arith.addi %rem3A_343, %select_n3A_342 : i32
      %select_n3A_353 = arith.select %and3A_351, %add3A_352, %rem3A_343 : i32
      %jit3A_354 = arith.constant 6 : i32
      %eq3A_355 = arith.constant 0 : i32
      %eq3A_356 = arith.cmpi eq, %jit3A_354, %eq3A_355 : i32
      %jit3A_357 = arith.constant 1 : i32
      %select_n3A_358 = arith.select %eq3A_356, %jit3A_357, %jit3A_354 : i32
      %rem3A_359 = arith.remsi %while3A_298, %select_n3A_358 : i32
      %ne3A_360 = arith.constant 0 : i32
      %ne3A_361 = arith.cmpi ne, %rem3A_359, %ne3A_360 : i32
      %lt3A_362 = arith.constant 0 : i32
      %lt3A_363 = arith.cmpi slt, %rem3A_359, %lt3A_362 : i32
      %lt3A_364 = arith.constant 0 : i32
      %lt3A_365 = arith.cmpi slt, %select_n3A_358, %lt3A_364 : i32
      %ne3A_366 = arith.xori %lt3A_363, %lt3A_365 : i1
      %and3A_367 = arith.andi %ne3A_366, %ne3A_361 : i1
      %add3A_368 = arith.addi %rem3A_359, %select_n3A_358 : i32
      %select_n3A_369 = arith.select %and3A_367, %add3A_368, %rem3A_359 : i32
      %dma_start3A_370 = arith.constant 1 : i32
      %dma_start3A_371 = arith.constant 0 : i32
      %dma_start3A_372 = arith.constant 0 : i32
      %dma_start3A_373 = tpu.memref_slice %arg8[%select_n3A_353, %dma_start3A_371, %dma_start3A_372] : memref<6x128x64xf32, #tpu.memory_space<vmem>> -> memref<1x128x64xf32, #tpu.memory_space<vmem>>
      %dma_start3A_374 = tpu.memref_squeeze %dma_start3A_373 : memref<1x128x64xf32, #tpu.memory_space<vmem>> -> memref<128x64xf32, #tpu.memory_space<vmem>>
      %dma_start3A_375 = arith.constant 0 : i32
      %dma_start3A_376 = tpu.memref_slice %arg7[%select_n3A_369, %dma_start3A_370, %dma_start3A_375] : memref<6x2x128xi32, #tpu.memory_space<vmem>> -> memref<1x1x128xi32, #tpu.memory_space<vmem>>
      %dma_start3A_377 = tpu.memref_squeeze %dma_start3A_376 : memref<1x1x128xi32, #tpu.memory_space<vmem>> -> memref<128xi32, #tpu.memory_space<vmem>>
      %dma_start3A_378 = arith.constant 0 : i32
      %dma_start3A_379 = arith.constant 0 : i32
      %dma_start3A_380 = tpu.memref_slice %arg9[%dma_start3A_378, %dma_start3A_379] : memref<10240x64xf32, #tpu.memory_space<vmem_shared>> -> memref<10240x64xf32, #tpu.memory_space<vmem_shared>>
      tpu.enqueue_indirect_dma source(%dma_start3A_374 : memref<128x64xf32, #tpu.memory_space<vmem>>) target(%dma_start3A_380 : memref<10240x64xf32, #tpu.memory_space<vmem_shared>>) offsets(%dma_start3A_377 : memref<128xi32, #tpu.memory_space<vmem>>) semaphore(%arg11 : memref<!tpu.dma_semaphore, #tpu.memory_space<semaphore_mem>>) {add = true}
      %add3A_381 = arith.constant 3 : i32
      %add3A_382 = arith.addi %while3A_298, %add3A_381 : i32
      %lt3A_383 = arith.cmpi slt, %add3A_382, %select_n3A : i32
      %ge3A = arith.constant 3 : i32
      %ge3A_384 = arith.cmpi sge, %while3A_298, %ge3A : i32
      %and3A_385 = arith.andi %lt3A_383, %ge3A_384 : i1
      %convert_element_type3A = arith.extui %and3A_385 : i1 to i32
      %cond3A = arith.constant 0 : i32
      %cond3A_386 = arith.cmpi ne, %convert_element_type3A, %cond3A : i32
      scf.if %cond3A_386 {
        %sub3A = arith.constant 3 : i32
        %sub3A_393 = arith.subi %while3A_298, %sub3A : i32
        %jit3A_394 = arith.constant 6 : i32
        %eq3A_395 = arith.constant 0 : i32
        %eq3A_396 = arith.cmpi eq, %jit3A_394, %eq3A_395 : i32
        %jit3A_397 = arith.constant 1 : i32
        %select_n3A_398 = arith.select %eq3A_396, %jit3A_397, %jit3A_394 : i32
        %rem3A_399 = arith.remsi %sub3A_393, %select_n3A_398 : i32
        %ne3A_400 = arith.constant 0 : i32
        %ne3A_401 = arith.cmpi ne, %rem3A_399, %ne3A_400 : i32
        %lt3A_402 = arith.constant 0 : i32
        %lt3A_403 = arith.cmpi slt, %rem3A_399, %lt3A_402 : i32
        %lt3A_404 = arith.constant 0 : i32
        %lt3A_405 = arith.cmpi slt, %select_n3A_398, %lt3A_404 : i32
        %ne3A_406 = arith.xori %lt3A_403, %lt3A_405 : i1
        %and3A_407 = arith.andi %ne3A_406, %ne3A_401 : i1
        %add3A_408 = arith.addi %rem3A_399, %select_n3A_398 : i32
        %select_n3A_409 = arith.select %and3A_407, %add3A_408, %rem3A_399 : i32
        %jit3A_410 = arith.constant 6 : i32
        %eq3A_411 = arith.constant 0 : i32
        %eq3A_412 = arith.cmpi eq, %jit3A_410, %eq3A_411 : i32
        %jit3A_413 = arith.constant 1 : i32
        %select_n3A_414 = arith.select %eq3A_412, %jit3A_413, %jit3A_410 : i32
        %rem3A_415 = arith.remsi %sub3A_393, %select_n3A_414 : i32
        %ne3A_416 = arith.constant 0 : i32
        %ne3A_417 = arith.cmpi ne, %rem3A_415, %ne3A_416 : i32
        %lt3A_418 = arith.constant 0 : i32
        %lt3A_419 = arith.cmpi slt, %rem3A_415, %lt3A_418 : i32
        %lt3A_420 = arith.constant 0 : i32
        %lt3A_421 = arith.cmpi slt, %select_n3A_414, %lt3A_420 : i32
        %ne3A_422 = arith.xori %lt3A_419, %lt3A_421 : i1
        %and3A_423 = arith.andi %ne3A_422, %ne3A_417 : i1
        %add3A_424 = arith.addi %rem3A_415, %select_n3A_414 : i32
        %select_n3A_425 = arith.select %and3A_423, %add3A_424, %rem3A_415 : i32
        %dma_wait3A_426 = arith.constant 1 : i32
        %dma_wait3A_427 = arith.constant 0 : i32
        %dma_wait3A_428 = arith.constant 0 : i32
        %dma_wait3A_429 = tpu.memref_slice %arg8[%select_n3A_409, %dma_wait3A_427, %dma_wait3A_428] : memref<6x128x64xf32, #tpu.memory_space<vmem>> -> memref<1x128x64xf32, #tpu.memory_space<vmem>>
        %dma_wait3A_430 = tpu.memref_squeeze %dma_wait3A_429 : memref<1x128x64xf32, #tpu.memory_space<vmem>> -> memref<128x64xf32, #tpu.memory_space<vmem>>
        %dma_wait3A_431 = arith.constant 0 : i32
        %dma_wait3A_432 = tpu.memref_slice %arg7[%select_n3A_425, %dma_wait3A_426, %dma_wait3A_431] : memref<6x2x128xi32, #tpu.memory_space<vmem>> -> memref<1x1x128xi32, #tpu.memory_space<vmem>>
        %dma_wait3A_433 = tpu.memref_squeeze %dma_wait3A_432 : memref<1x1x128xi32, #tpu.memory_space<vmem>> -> memref<128xi32, #tpu.memory_space<vmem>>
        %dma_wait3A_434 = arith.constant 0 : i32
        %dma_wait3A_435 = arith.constant 0 : i32
        %dma_wait3A_436 = tpu.memref_slice %arg9[%dma_wait3A_434, %dma_wait3A_435] : memref<10240x64xf32, #tpu.memory_space<vmem_shared>> -> memref<10240x64xf32, #tpu.memory_space<vmem_shared>>
        tpu.wait_indirect_dma semaphore(%arg11 : memref<!tpu.dma_semaphore, #tpu.memory_space<semaphore_mem>>) src(%dma_wait3A_430 : memref<128x64xf32, #tpu.memory_space<vmem>>) dst(%dma_wait3A_436 : memref<10240x64xf32, #tpu.memory_space<vmem_shared>>)
      } else {
      }
      %add3A_387 = arith.constant 3 : i32
      %add3A_388 = arith.addi %while3A_298, %add3A_387 : i32
      %lt3A_389 = arith.cmpi slt, %add3A_388, %select_n3A : i32
      %convert_element_type3A_390 = arith.extui %lt3A_389 : i1 to i32
      %cond3A_391 = arith.constant 0 : i32
      %cond3A_392 = arith.cmpi ne, %convert_element_type3A_390, %cond3A_391 : i32
      scf.if %cond3A_392 {
        %add3A_393 = arith.constant 3 : i32
        %add3A_394 = arith.addi %while3A_298, %add3A_393 : i32
        %add3A_395 = arith.addi %select_n3A_8, %add3A_394 : i32
        %jit3A_396 = arith.constant 6 : i32
        %eq3A_397 = arith.constant 0 : i32
        %eq3A_398 = arith.cmpi eq, %jit3A_396, %eq3A_397 : i32
        %jit3A_399 = arith.constant 1 : i32
        %select_n3A_400 = arith.select %eq3A_398, %jit3A_399, %jit3A_396 : i32
        %rem3A_401 = arith.remsi %add3A_394, %select_n3A_400 : i32
        %ne3A_402 = arith.constant 0 : i32
        %ne3A_403 = arith.cmpi ne, %rem3A_401, %ne3A_402 : i32
        %lt3A_404 = arith.constant 0 : i32
        %lt3A_405 = arith.cmpi slt, %rem3A_401, %lt3A_404 : i32
        %lt3A_406 = arith.constant 0 : i32
        %lt3A_407 = arith.cmpi slt, %select_n3A_400, %lt3A_406 : i32
        %ne3A_408 = arith.xori %lt3A_405, %lt3A_407 : i1
        %and3A_409 = arith.andi %ne3A_408, %ne3A_403 : i1
        %add3A_410 = arith.addi %rem3A_401, %select_n3A_400 : i32
        %select_n3A_411 = arith.select %and3A_409, %add3A_410, %rem3A_401 : i32
        "tpu.region"() ({
          %run_scoped3A_457 = tpu.sem_alloc : memref<!tpu.dma_semaphore, #tpu.memory_space<semaphore_mem>>
          %dma_start3A_458 = arith.constant 0 : i32
          %dma_start3A_459 = arith.constant 0 : i32
          %dma_start3A_460 = tpu.memref_slice %arg7[%select_n3A_411, %dma_start3A_458, %dma_start3A_459] : memref<6x2x128xi32, #tpu.memory_space<vmem>> -> memref<1x2x128xi32, #tpu.memory_space<vmem>>
          %dma_start3A_461 = tpu.memref_squeeze %dma_start3A_460 : memref<1x2x128xi32, #tpu.memory_space<vmem>> -> memref<2x128xi32, #tpu.memory_space<vmem>>
          %dma_start3A_462 = arith.constant 0 : i32
          %dma_start3A_463 = arith.constant 0 : i32
          %dma_start3A_464 = tpu.memref_slice %arg4[%add3A_395, %dma_start3A_462, %dma_start3A_463] : memref<2528x2x128xi32, #tpu.memory_space<hbm>> -> memref<1x2x128xi32, #tpu.memory_space<hbm>>
          %dma_start3A_465 = tpu.memref_squeeze %dma_start3A_464 : memref<1x2x128xi32, #tpu.memory_space<hbm>> -> memref<2x128xi32, #tpu.memory_space<hbm>>
          %dma_start3A_466 = arith.constant 0 : i32
          %dma_start3A_467 = arith.constant 0 : i32
          %dma_start3A_468 = tpu.memref_slice %arg7[%select_n3A_411, %dma_start3A_466, %dma_start3A_467] : memref<6x2x128xi32, #tpu.memory_space<vmem>> -> memref<1x2x128xi32, #tpu.memory_space<vmem>>
          %dma_start3A_469 = tpu.memref_squeeze %dma_start3A_468 : memref<1x2x128xi32, #tpu.memory_space<vmem>> -> memref<2x128xi32, #tpu.memory_space<vmem>>
          %dma_start3A_470 = arith.constant 0 : i32
          %dma_start3A_471 = arith.constant 0 : i32
          %dma_start3A_472 = tpu.memref_slice %arg4[%add3A_395, %dma_start3A_470, %dma_start3A_471] : memref<2528x2x128xi32, #tpu.memory_space<hbm>> -> memref<1x2x128xi32, #tpu.memory_space<hbm>>
          %dma_start3A_473 = tpu.memref_squeeze %dma_start3A_472 : memref<1x2x128xi32, #tpu.memory_space<hbm>> -> memref<2x128xi32, #tpu.memory_space<hbm>>
          tpu.enqueue_dma source(%dma_start3A_473 : memref<2x128xi32, #tpu.memory_space<hbm>>) target(%dma_start3A_469 : memref<2x128xi32, #tpu.memory_space<vmem>>) target_semaphore(%run_scoped3A_457 : memref<!tpu.dma_semaphore, #tpu.memory_space<semaphore_mem>>)
          %dma_wait3A_474 = arith.constant 0 : i32
          %dma_wait3A_475 = arith.constant 0 : i32
          %dma_wait3A_476 = tpu.memref_slice %arg7[%select_n3A_411, %dma_wait3A_474, %dma_wait3A_475] : memref<6x2x128xi32, #tpu.memory_space<vmem>> -> memref<1x2x128xi32, #tpu.memory_space<vmem>>
          %dma_wait3A_477 = tpu.memref_squeeze %dma_wait3A_476 : memref<1x2x128xi32, #tpu.memory_space<vmem>> -> memref<2x128xi32, #tpu.memory_space<vmem>>
          %dma_wait3A_478 = arith.constant 0 : i32
          %dma_wait3A_479 = arith.constant 0 : i32
          %dma_wait3A_480 = tpu.memref_slice %arg4[%add3A_395, %dma_wait3A_478, %dma_wait3A_479] : memref<2528x2x128xi32, #tpu.memory_space<hbm>> -> memref<1x2x128xi32, #tpu.memory_space<hbm>>
          %dma_wait3A_481 = tpu.memref_squeeze %dma_wait3A_480 : memref<1x2x128xi32, #tpu.memory_space<hbm>> -> memref<2x128xi32, #tpu.memory_space<hbm>>
          %dma_wait3A_482 = arith.constant 0 : i32
          %dma_wait3A_483 = arith.constant 0 : i32
          %dma_wait3A_484 = tpu.memref_slice %arg7[%select_n3A_411, %dma_wait3A_482, %dma_wait3A_483] : memref<6x2x128xi32, #tpu.memory_space<vmem>> -> memref<1x2x128xi32, #tpu.memory_space<vmem>>
          %dma_wait3A_485 = tpu.memref_squeeze %dma_wait3A_484 : memref<1x2x128xi32, #tpu.memory_space<vmem>> -> memref<2x128xi32, #tpu.memory_space<vmem>>
          %dma_wait3A_486 = arith.constant 0 : i32
          %dma_wait3A_487 = arith.constant 0 : i32
          %dma_wait3A_488 = tpu.memref_slice %arg4[%add3A_395, %dma_wait3A_486, %dma_wait3A_487] : memref<2528x2x128xi32, #tpu.memory_space<hbm>> -> memref<1x2x128xi32, #tpu.memory_space<hbm>>
          %dma_wait3A_489 = tpu.memref_squeeze %dma_wait3A_488 : memref<1x2x128xi32, #tpu.memory_space<hbm>> -> memref<2x128xi32, #tpu.memory_space<hbm>>
          tpu.wait_dma2 semaphore(%run_scoped3A_457 : memref<!tpu.dma_semaphore, #tpu.memory_space<semaphore_mem>>) src(%dma_wait3A_489 : memref<2x128xi32, #tpu.memory_space<hbm>>) dst(%dma_wait3A_485 : memref<2x128xi32, #tpu.memory_space<vmem>>)
          tpu.yield
        }) : () -> ()
        %add3A_412 = arith.constant 3 : i32
        %add3A_413 = arith.addi %while3A_298, %add3A_412 : i32
        %jit3A_414 = arith.constant 6 : i32
        %eq3A_415 = arith.constant 0 : i32
        %eq3A_416 = arith.cmpi eq, %jit3A_414, %eq3A_415 : i32
        %jit3A_417 = arith.constant 1 : i32
        %select_n3A_418 = arith.select %eq3A_416, %jit3A_417, %jit3A_414 : i32
        %rem3A_419 = arith.remsi %add3A_413, %select_n3A_418 : i32
        %ne3A_420 = arith.constant 0 : i32
        %ne3A_421 = arith.cmpi ne, %rem3A_419, %ne3A_420 : i32
        %lt3A_422 = arith.constant 0 : i32
        %lt3A_423 = arith.cmpi slt, %rem3A_419, %lt3A_422 : i32
        %lt3A_424 = arith.constant 0 : i32
        %lt3A_425 = arith.cmpi slt, %select_n3A_418, %lt3A_424 : i32
        %ne3A_426 = arith.xori %lt3A_423, %lt3A_425 : i1
        %and3A_427 = arith.andi %ne3A_426, %ne3A_421 : i1
        %add3A_428 = arith.addi %rem3A_419, %select_n3A_418 : i32
        %select_n3A_429 = arith.select %and3A_427, %add3A_428, %rem3A_419 : i32
        %jit3A_430 = arith.constant 6 : i32
        %eq3A_431 = arith.constant 0 : i32
        %eq3A_432 = arith.cmpi eq, %jit3A_430, %eq3A_431 : i32
        %jit3A_433 = arith.constant 1 : i32
        %select_n3A_434 = arith.select %eq3A_432, %jit3A_433, %jit3A_430 : i32
        %rem3A_435 = arith.remsi %add3A_413, %select_n3A_434 : i32
        %ne3A_436 = arith.constant 0 : i32
        %ne3A_437 = arith.cmpi ne, %rem3A_435, %ne3A_436 : i32
        %lt3A_438 = arith.constant 0 : i32
        %lt3A_439 = arith.cmpi slt, %rem3A_435, %lt3A_438 : i32
        %lt3A_440 = arith.constant 0 : i32
        %lt3A_441 = arith.cmpi slt, %select_n3A_434, %lt3A_440 : i32
        %ne3A_442 = arith.xori %lt3A_439, %lt3A_441 : i1
        %and3A_443 = arith.andi %ne3A_442, %ne3A_437 : i1
        %add3A_444 = arith.addi %rem3A_435, %select_n3A_434 : i32
        %select_n3A_445 = arith.select %and3A_443, %add3A_444, %rem3A_435 : i32
        %dma_start3A_446 = arith.constant 0 : i32
        %dma_start3A_447 = arith.constant 0 : i32
        %dma_start3A_448 = arith.constant 0 : i32
        %dma_start3A_449 = tpu.memref_slice %arg8[%select_n3A_445, %dma_start3A_447, %dma_start3A_448] : memref<6x128x64xf32, #tpu.memory_space<vmem>> -> memref<1x128x64xf32, #tpu.memory_space<vmem>>
        %dma_start3A_450 = tpu.memref_squeeze %dma_start3A_449 : memref<1x128x64xf32, #tpu.memory_space<vmem>> -> memref<128x64xf32, #tpu.memory_space<vmem>>
        %dma_start3A_451 = arith.constant 0 : i32
        %dma_start3A_452 = tpu.memref_slice %arg7[%select_n3A_429, %dma_start3A_446, %dma_start3A_451] : memref<6x2x128xi32, #tpu.memory_space<vmem>> -> memref<1x1x128xi32, #tpu.memory_space<vmem>>
        %dma_start3A_453 = tpu.memref_squeeze %dma_start3A_452 : memref<1x1x128xi32, #tpu.memory_space<vmem>> -> memref<128xi32, #tpu.memory_space<vmem>>
        %dma_start3A_454 = arith.constant 0 : i32
        %dma_start3A_455 = arith.constant 0 : i32
        %dma_start3A_456 = tpu.memref_slice %arg2[%dma_start3A_454, %dma_start3A_455] : memref<10240x64xf32, #tpu.memory_space<hbm>> -> memref<10240x64xf32, #tpu.memory_space<hbm>>
        tpu.enqueue_indirect_dma source(%dma_start3A_456 : memref<10240x64xf32, #tpu.memory_space<hbm>>) target(%dma_start3A_450 : memref<128x64xf32, #tpu.memory_space<vmem>>) offsets(%dma_start3A_453 : memref<128xi32, #tpu.memory_space<vmem>>) semaphore(%arg10 : memref<!tpu.dma_semaphore, #tpu.memory_space<semaphore_mem>>)
      } else {
      }
    }
    %dma_wait3A = arith.constant 0 : i32
    %dma_wait3A_68 = arith.constant 0 : i32
    %dma_wait3A_69 = arith.constant 1 : i32
    %dma_wait3A_70 = arith.constant 0 : i32
    %dma_wait3A_71 = arith.constant 0 : i32
    %dma_wait3A_72 = tpu.memref_slice %arg8[%dma_wait3A, %dma_wait3A_70, %dma_wait3A_71] : memref<6x128x64xf32, #tpu.memory_space<vmem>> -> memref<1x128x64xf32, #tpu.memory_space<vmem>>
    %dma_wait3A_73 = tpu.memref_squeeze %dma_wait3A_72 : memref<1x128x64xf32, #tpu.memory_space<vmem>> -> memref<128x64xf32, #tpu.memory_space<vmem>>
    %dma_wait3A_74 = arith.constant 0 : i32
    %dma_wait3A_75 = tpu.memref_slice %arg7[%dma_wait3A_68, %dma_wait3A_69, %dma_wait3A_74] : memref<6x2x128xi32, #tpu.memory_space<vmem>> -> memref<1x1x128xi32, #tpu.memory_space<vmem>>
    %dma_wait3A_76 = tpu.memref_squeeze %dma_wait3A_75 : memref<1x1x128xi32, #tpu.memory_space<vmem>> -> memref<128xi32, #tpu.memory_space<vmem>>
    %dma_wait3A_77 = arith.constant 0 : i32
    %dma_wait3A_78 = arith.constant 0 : i32
    %dma_wait3A_79 = tpu.memref_slice %arg9[%dma_wait3A_77, %dma_wait3A_78] : memref<10240x64xf32, #tpu.memory_space<vmem_shared>> -> memref<10240x64xf32, #tpu.memory_space<vmem_shared>>
    tpu.wait_indirect_dma semaphore(%arg11 : memref<!tpu.dma_semaphore, #tpu.memory_space<semaphore_mem>>) src(%dma_wait3A_73 : memref<128x64xf32, #tpu.memory_space<vmem>>) dst(%dma_wait3A_79 : memref<10240x64xf32, #tpu.memory_space<vmem_shared>>)
    %dma_wait3A_80 = arith.constant 1 : i32
    %dma_wait3A_81 = arith.constant 1 : i32
    %dma_wait3A_82 = arith.constant 1 : i32
    %dma_wait3A_83 = arith.constant 0 : i32
    %dma_wait3A_84 = arith.constant 0 : i32
    %dma_wait3A_85 = tpu.memref_slice %arg8[%dma_wait3A_80, %dma_wait3A_83, %dma_wait3A_84] : memref<6x128x64xf32, #tpu.memory_space<vmem>> -> memref<1x128x64xf32, #tpu.memory_space<vmem>>
    %dma_wait3A_86 = tpu.memref_squeeze %dma_wait3A_85 : memref<1x128x64xf32, #tpu.memory_space<vmem>> -> memref<128x64xf32, #tpu.memory_space<vmem>>
    %dma_wait3A_87 = arith.constant 0 : i32
    %dma_wait3A_88 = tpu.memref_slice %arg7[%dma_wait3A_81, %dma_wait3A_82, %dma_wait3A_87] : memref<6x2x128xi32, #tpu.memory_space<vmem>> -> memref<1x1x128xi32, #tpu.memory_space<vmem>>
    %dma_wait3A_89 = tpu.memref_squeeze %dma_wait3A_88 : memref<1x1x128xi32, #tpu.memory_space<vmem>> -> memref<128xi32, #tpu.memory_space<vmem>>
    %dma_wait3A_90 = arith.constant 0 : i32
    %dma_wait3A_91 = arith.constant 0 : i32
    %dma_wait3A_92 = tpu.memref_slice %arg9[%dma_wait3A_90, %dma_wait3A_91] : memref<10240x64xf32, #tpu.memory_space<vmem_shared>> -> memref<10240x64xf32, #tpu.memory_space<vmem_shared>>
    tpu.wait_indirect_dma semaphore(%arg11 : memref<!tpu.dma_semaphore, #tpu.memory_space<semaphore_mem>>) src(%dma_wait3A_86 : memref<128x64xf32, #tpu.memory_space<vmem>>) dst(%dma_wait3A_92 : memref<10240x64xf32, #tpu.memory_space<vmem_shared>>)
    %dma_wait3A_93 = arith.constant 2 : i32
    %dma_wait3A_94 = arith.constant 2 : i32
    %dma_wait3A_95 = arith.constant 1 : i32
    %dma_wait3A_96 = arith.constant 0 : i32
    %dma_wait3A_97 = arith.constant 0 : i32
    %dma_wait3A_98 = tpu.memref_slice %arg8[%dma_wait3A_93, %dma_wait3A_96, %dma_wait3A_97] : memref<6x128x64xf32, #tpu.memory_space<vmem>> -> memref<1x128x64xf32, #tpu.memory_space<vmem>>
    %dma_wait3A_99 = tpu.memref_squeeze %dma_wait3A_98 : memref<1x128x64xf32, #tpu.memory_space<vmem>> -> memref<128x64xf32, #tpu.memory_space<vmem>>
    %dma_wait3A_100 = arith.constant 0 : i32
    %dma_wait3A_101 = tpu.memref_slice %arg7[%dma_wait3A_94, %dma_wait3A_95, %dma_wait3A_100] : memref<6x2x128xi32, #tpu.memory_space<vmem>> -> memref<1x1x128xi32, #tpu.memory_space<vmem>>
    %dma_wait3A_102 = tpu.memref_squeeze %dma_wait3A_101 : memref<1x1x128xi32, #tpu.memory_space<vmem>> -> memref<128xi32, #tpu.memory_space<vmem>>
    %dma_wait3A_103 = arith.constant 0 : i32
    %dma_wait3A_104 = arith.constant 0 : i32
    %dma_wait3A_105 = tpu.memref_slice %arg9[%dma_wait3A_103, %dma_wait3A_104] : memref<10240x64xf32, #tpu.memory_space<vmem_shared>> -> memref<10240x64xf32, #tpu.memory_space<vmem_shared>>
    tpu.wait_indirect_dma semaphore(%arg11 : memref<!tpu.dma_semaphore, #tpu.memory_space<semaphore_mem>>) src(%dma_wait3A_99 : memref<128x64xf32, #tpu.memory_space<vmem>>) dst(%dma_wait3A_105 : memref<10240x64xf32, #tpu.memory_space<vmem_shared>>)
    %dma_wait3A_106 = arith.constant 3 : i32
    %dma_wait3A_107 = arith.constant 3 : i32
    %dma_wait3A_108 = arith.constant 1 : i32
    %dma_wait3A_109 = arith.constant 0 : i32
    %dma_wait3A_110 = arith.constant 0 : i32
    %dma_wait3A_111 = tpu.memref_slice %arg8[%dma_wait3A_106, %dma_wait3A_109, %dma_wait3A_110] : memref<6x128x64xf32, #tpu.memory_space<vmem>> -> memref<1x128x64xf32, #tpu.memory_space<vmem>>
    %dma_wait3A_112 = tpu.memref_squeeze %dma_wait3A_111 : memref<1x128x64xf32, #tpu.memory_space<vmem>> -> memref<128x64xf32, #tpu.memory_space<vmem>>
    %dma_wait3A_113 = arith.constant 0 : i32
    %dma_wait3A_114 = tpu.memref_slice %arg7[%dma_wait3A_107, %dma_wait3A_108, %dma_wait3A_113] : memref<6x2x128xi32, #tpu.memory_space<vmem>> -> memref<1x1x128xi32, #tpu.memory_space<vmem>>
    %dma_wait3A_115 = tpu.memref_squeeze %dma_wait3A_114 : memref<1x1x128xi32, #tpu.memory_space<vmem>> -> memref<128xi32, #tpu.memory_space<vmem>>
    %dma_wait3A_116 = arith.constant 0 : i32
    %dma_wait3A_117 = arith.constant 0 : i32
    %dma_wait3A_118 = tpu.memref_slice %arg9[%dma_wait3A_116, %dma_wait3A_117] : memref<10240x64xf32, #tpu.memory_space<vmem_shared>> -> memref<10240x64xf32, #tpu.memory_space<vmem_shared>>
    tpu.wait_indirect_dma semaphore(%arg11 : memref<!tpu.dma_semaphore, #tpu.memory_space<semaphore_mem>>) src(%dma_wait3A_112 : memref<128x64xf32, #tpu.memory_space<vmem>>) dst(%dma_wait3A_118 : memref<10240x64xf32, #tpu.memory_space<vmem_shared>>)
    %dma_wait3A_119 = arith.constant 4 : i32
    %dma_wait3A_120 = arith.constant 4 : i32
    %dma_wait3A_121 = arith.constant 1 : i32
    %dma_wait3A_122 = arith.constant 0 : i32
    %dma_wait3A_123 = arith.constant 0 : i32
    %dma_wait3A_124 = tpu.memref_slice %arg8[%dma_wait3A_119, %dma_wait3A_122, %dma_wait3A_123] : memref<6x128x64xf32, #tpu.memory_space<vmem>> -> memref<1x128x64xf32, #tpu.memory_space<vmem>>
    %dma_wait3A_125 = tpu.memref_squeeze %dma_wait3A_124 : memref<1x128x64xf32, #tpu.memory_space<vmem>> -> memref<128x64xf32, #tpu.memory_space<vmem>>
    %dma_wait3A_126 = arith.constant 0 : i32
    %dma_wait3A_127 = tpu.memref_slice %arg7[%dma_wait3A_120, %dma_wait3A_121, %dma_wait3A_126] : memref<6x2x128xi32, #tpu.memory_space<vmem>> -> memref<1x1x128xi32, #tpu.memory_space<vmem>>
    %dma_wait3A_128 = tpu.memref_squeeze %dma_wait3A_127 : memref<1x1x128xi32, #tpu.memory_space<vmem>> -> memref<128xi32, #tpu.memory_space<vmem>>
    %dma_wait3A_129 = arith.constant 0 : i32
    %dma_wait3A_130 = arith.constant 0 : i32
    %dma_wait3A_131 = tpu.memref_slice %arg9[%dma_wait3A_129, %dma_wait3A_130] : memref<10240x64xf32, #tpu.memory_space<vmem_shared>> -> memref<10240x64xf32, #tpu.memory_space<vmem_shared>>
    tpu.wait_indirect_dma semaphore(%arg11 : memref<!tpu.dma_semaphore, #tpu.memory_space<semaphore_mem>>) src(%dma_wait3A_125 : memref<128x64xf32, #tpu.memory_space<vmem>>) dst(%dma_wait3A_131 : memref<10240x64xf32, #tpu.memory_space<vmem_shared>>)
    %dma_wait3A_132 = arith.constant 5 : i32
    %dma_wait3A_133 = arith.constant 5 : i32
    %dma_wait3A_134 = arith.constant 1 : i32
    %dma_wait3A_135 = arith.constant 0 : i32
    %dma_wait3A_136 = arith.constant 0 : i32
    %dma_wait3A_137 = tpu.memref_slice %arg8[%dma_wait3A_132, %dma_wait3A_135, %dma_wait3A_136] : memref<6x128x64xf32, #tpu.memory_space<vmem>> -> memref<1x128x64xf32, #tpu.memory_space<vmem>>
    %dma_wait3A_138 = tpu.memref_squeeze %dma_wait3A_137 : memref<1x128x64xf32, #tpu.memory_space<vmem>> -> memref<128x64xf32, #tpu.memory_space<vmem>>
    %dma_wait3A_139 = arith.constant 0 : i32
    %dma_wait3A_140 = tpu.memref_slice %arg7[%dma_wait3A_133, %dma_wait3A_134, %dma_wait3A_139] : memref<6x2x128xi32, #tpu.memory_space<vmem>> -> memref<1x1x128xi32, #tpu.memory_space<vmem>>
    %dma_wait3A_141 = tpu.memref_squeeze %dma_wait3A_140 : memref<1x1x128xi32, #tpu.memory_space<vmem>> -> memref<128xi32, #tpu.memory_space<vmem>>
    %dma_wait3A_142 = arith.constant 0 : i32
    %dma_wait3A_143 = arith.constant 0 : i32
    %dma_wait3A_144 = tpu.memref_slice %arg9[%dma_wait3A_142, %dma_wait3A_143] : memref<10240x64xf32, #tpu.memory_space<vmem_shared>> -> memref<10240x64xf32, #tpu.memory_space<vmem_shared>>
    tpu.wait_indirect_dma semaphore(%arg11 : memref<!tpu.dma_semaphore, #tpu.memory_space<semaphore_mem>>) src(%dma_wait3A_138 : memref<128x64xf32, #tpu.memory_space<vmem>>) dst(%dma_wait3A_144 : memref<10240x64xf32, #tpu.memory_space<vmem_shared>>)
    %barrier3A_145 = arith.constant 0 : index
    tpu.barrier barrier_id(%barrier3A_145)
    %mul3A_146 = arith.constant 640 : i32
    %mul3A_147 = arith.muli %arg1, %mul3A_146 : i32
    %mul3A_148 = arith.constant 640 : i32
    %mul3A_149 = arith.muli %arg1, %mul3A_148 : i32
    %run_scoped3A_150 = arith.constant 0 : i32
    "tpu.region"() ({
      %run_scoped3A_298 = tpu.sem_alloc : memref<!tpu.dma_semaphore, #tpu.memory_space<semaphore_mem>>
      %dma_start3A_299 = arith.constant 0 : i32
      %dma_start3A_300 = tpu.memref_slice %arg6[%run_scoped3A_150, %arg0, %mul3A_149, %dma_start3A_299] : memref<2x2x10240x64xf32, #tpu.memory_space<hbm>> -> memref<1x1x640x64xf32, #tpu.memory_space<hbm>>
      %dma_start3A_301 = tpu.memref_squeeze %dma_start3A_300 : memref<1x1x640x64xf32, #tpu.memory_space<hbm>> -> memref<640x64xf32, #tpu.memory_space<hbm>>
      %dma_start3A_302 = arith.constant 0 : i32
      %dma_start3A_303 = tpu.memref_slice %arg9[%mul3A_147, %dma_start3A_302] : memref<10240x64xf32, #tpu.memory_space<vmem_shared>> -> memref<640x64xf32, #tpu.memory_space<vmem_shared>>
      tpu.enqueue_dma source(%dma_start3A_303 : memref<640x64xf32, #tpu.memory_space<vmem_shared>>) target(%dma_start3A_301 : memref<640x64xf32, #tpu.memory_space<hbm>>) target_semaphore(%run_scoped3A_298 : memref<!tpu.dma_semaphore, #tpu.memory_space<semaphore_mem>>)
      %dma_wait3A_304 = arith.constant 0 : i32
      %dma_wait3A_305 = tpu.memref_slice %arg6[%run_scoped3A_150, %arg0, %mul3A_149, %dma_wait3A_304] : memref<2x2x10240x64xf32, #tpu.memory_space<hbm>> -> memref<1x1x640x64xf32, #tpu.memory_space<hbm>>
      %dma_wait3A_306 = tpu.memref_squeeze %dma_wait3A_305 : memref<1x1x640x64xf32, #tpu.memory_space<hbm>> -> memref<640x64xf32, #tpu.memory_space<hbm>>
      %dma_wait3A_307 = arith.constant 0 : i32
      %dma_wait3A_308 = tpu.memref_slice %arg9[%mul3A_147, %dma_wait3A_307] : memref<10240x64xf32, #tpu.memory_space<vmem_shared>> -> memref<640x64xf32, #tpu.memory_space<vmem_shared>>
      tpu.wait_dma2 semaphore(%run_scoped3A_298 : memref<!tpu.dma_semaphore, #tpu.memory_space<semaphore_mem>>) src(%dma_wait3A_308 : memref<640x64xf32, #tpu.memory_space<vmem_shared>>) dst(%dma_wait3A_306 : memref<640x64xf32, #tpu.memory_space<hbm>>)
      tpu.yield
    }) : () -> ()
    %add3A_151 = arith.constant 0 : i32
    %add3A_152 = arith.addi %select_n3A_8, %add3A_151 : i32
    %run_scoped3A_153 = arith.constant 0 : i32
    "tpu.region"() ({
      %run_scoped3A_298 = tpu.sem_alloc : memref<!tpu.dma_semaphore, #tpu.memory_space<semaphore_mem>>
      %dma_start3A_299 = arith.constant 0 : i32
      %dma_start3A_300 = arith.constant 0 : i32
      %dma_start3A_301 = tpu.memref_slice %arg7[%run_scoped3A_153, %dma_start3A_299, %dma_start3A_300] : memref<6x2x128xi32, #tpu.memory_space<vmem>> -> memref<1x2x128xi32, #tpu.memory_space<vmem>>
      %dma_start3A_302 = tpu.memref_squeeze %dma_start3A_301 : memref<1x2x128xi32, #tpu.memory_space<vmem>> -> memref<2x128xi32, #tpu.memory_space<vmem>>
      %dma_start3A_303 = arith.constant 0 : i32
      %dma_start3A_304 = arith.constant 0 : i32
      %dma_start3A_305 = tpu.memref_slice %arg4[%add3A_152, %dma_start3A_303, %dma_start3A_304] : memref<2528x2x128xi32, #tpu.memory_space<hbm>> -> memref<1x2x128xi32, #tpu.memory_space<hbm>>
      %dma_start3A_306 = tpu.memref_squeeze %dma_start3A_305 : memref<1x2x128xi32, #tpu.memory_space<hbm>> -> memref<2x128xi32, #tpu.memory_space<hbm>>
      %dma_start3A_307 = arith.constant 0 : i32
      %dma_start3A_308 = arith.constant 0 : i32
      %dma_start3A_309 = tpu.memref_slice %arg7[%run_scoped3A_153, %dma_start3A_307, %dma_start3A_308] : memref<6x2x128xi32, #tpu.memory_space<vmem>> -> memref<1x2x128xi32, #tpu.memory_space<vmem>>
      %dma_start3A_310 = tpu.memref_squeeze %dma_start3A_309 : memref<1x2x128xi32, #tpu.memory_space<vmem>> -> memref<2x128xi32, #tpu.memory_space<vmem>>
      %dma_start3A_311 = arith.constant 0 : i32
      %dma_start3A_312 = arith.constant 0 : i32
      %dma_start3A_313 = tpu.memref_slice %arg4[%add3A_152, %dma_start3A_311, %dma_start3A_312] : memref<2528x2x128xi32, #tpu.memory_space<hbm>> -> memref<1x2x128xi32, #tpu.memory_space<hbm>>
      %dma_start3A_314 = tpu.memref_squeeze %dma_start3A_313 : memref<1x2x128xi32, #tpu.memory_space<hbm>> -> memref<2x128xi32, #tpu.memory_space<hbm>>
      tpu.enqueue_dma source(%dma_start3A_314 : memref<2x128xi32, #tpu.memory_space<hbm>>) target(%dma_start3A_310 : memref<2x128xi32, #tpu.memory_space<vmem>>) target_semaphore(%run_scoped3A_298 : memref<!tpu.dma_semaphore, #tpu.memory_space<semaphore_mem>>)
      %dma_wait3A_315 = arith.constant 0 : i32
      %dma_wait3A_316 = arith.constant 0 : i32
      %dma_wait3A_317 = tpu.memref_slice %arg7[%run_scoped3A_153, %dma_wait3A_315, %dma_wait3A_316] : memref<6x2x128xi32, #tpu.memory_space<vmem>> -> memref<1x2x128xi32, #tpu.memory_space<vmem>>
      %dma_wait3A_318 = tpu.memref_squeeze %dma_wait3A_317 : memref<1x2x128xi32, #tpu.memory_space<vmem>> -> memref<2x128xi32, #tpu.memory_space<vmem>>
      %dma_wait3A_319 = arith.constant 0 : i32
      %dma_wait3A_320 = arith.constant 0 : i32
      %dma_wait3A_321 = tpu.memref_slice %arg4[%add3A_152, %dma_wait3A_319, %dma_wait3A_320] : memref<2528x2x128xi32, #tpu.memory_space<hbm>> -> memref<1x2x128xi32, #tpu.memory_space<hbm>>
      %dma_wait3A_322 = tpu.memref_squeeze %dma_wait3A_321 : memref<1x2x128xi32, #tpu.memory_space<hbm>> -> memref<2x128xi32, #tpu.memory_space<hbm>>
      %dma_wait3A_323 = arith.constant 0 : i32
      %dma_wait3A_324 = arith.constant 0 : i32
      %dma_wait3A_325 = tpu.memref_slice %arg7[%run_scoped3A_153, %dma_wait3A_323, %dma_wait3A_324] : memref<6x2x128xi32, #tpu.memory_space<vmem>> -> memref<1x2x128xi32, #tpu.memory_space<vmem>>
      %dma_wait3A_326 = tpu.memref_squeeze %dma_wait3A_325 : memref<1x2x128xi32, #tpu.memory_space<vmem>> -> memref<2x128xi32, #tpu.memory_space<vmem>>
      %dma_wait3A_327 = arith.constant 0 : i32
      %dma_wait3A_328 = arith.constant 0 : i32
      %dma_wait3A_329 = tpu.memref_slice %arg4[%add3A_152, %dma_wait3A_327, %dma_wait3A_328] : memref<2528x2x128xi32, #tpu.memory_space<hbm>> -> memref<1x2x128xi32, #tpu.memory_space<hbm>>
      %dma_wait3A_330 = tpu.memref_squeeze %dma_wait3A_329 : memref<1x2x128xi32, #tpu.memory_space<hbm>> -> memref<2x128xi32, #tpu.memory_space<hbm>>
      tpu.wait_dma2 semaphore(%run_scoped3A_298 : memref<!tpu.dma_semaphore, #tpu.memory_space<semaphore_mem>>) src(%dma_wait3A_330 : memref<2x128xi32, #tpu.memory_space<hbm>>) dst(%dma_wait3A_326 : memref<2x128xi32, #tpu.memory_space<vmem>>)
      tpu.yield
    }) : () -> ()
    %dma_start3A_154 = arith.constant 0 : i32
    %dma_start3A_155 = arith.constant 0 : i32
    %dma_start3A_156 = arith.constant 0 : i32
    %dma_start3A_157 = arith.constant 0 : i32
    %dma_start3A_158 = arith.constant 0 : i32
    %dma_start3A_159 = tpu.memref_slice %arg8[%dma_start3A_156, %dma_start3A_157, %dma_start3A_158] : memref<6x128x64xf32, #tpu.memory_space<vmem>> -> memref<1x128x64xf32, #tpu.memory_space<vmem>>
    %dma_start3A_160 = tpu.memref_squeeze %dma_start3A_159 : memref<1x128x64xf32, #tpu.memory_space<vmem>> -> memref<128x64xf32, #tpu.memory_space<vmem>>
    %dma_start3A_161 = arith.constant 0 : i32
    %dma_start3A_162 = tpu.memref_slice %arg7[%dma_start3A_154, %dma_start3A_155, %dma_start3A_161] : memref<6x2x128xi32, #tpu.memory_space<vmem>> -> memref<1x1x128xi32, #tpu.memory_space<vmem>>
    %dma_start3A_163 = tpu.memref_squeeze %dma_start3A_162 : memref<1x1x128xi32, #tpu.memory_space<vmem>> -> memref<128xi32, #tpu.memory_space<vmem>>
    %dma_start3A_164 = arith.constant 0 : i32
    %dma_start3A_165 = arith.constant 0 : i32
    %dma_start3A_166 = tpu.memref_slice %arg3[%dma_start3A_164, %dma_start3A_165] : memref<10240x64xf32, #tpu.memory_space<hbm>> -> memref<10240x64xf32, #tpu.memory_space<hbm>>
    tpu.enqueue_indirect_dma source(%dma_start3A_166 : memref<10240x64xf32, #tpu.memory_space<hbm>>) target(%dma_start3A_160 : memref<128x64xf32, #tpu.memory_space<vmem>>) offsets(%dma_start3A_163 : memref<128xi32, #tpu.memory_space<vmem>>) semaphore(%arg10 : memref<!tpu.dma_semaphore, #tpu.memory_space<semaphore_mem>>)
    %add3A_167 = arith.constant 1 : i32
    %add3A_168 = arith.addi %select_n3A_8, %add3A_167 : i32
    %run_scoped3A_169 = arith.constant 1 : i32
    "tpu.region"() ({
      %run_scoped3A_298 = tpu.sem_alloc : memref<!tpu.dma_semaphore, #tpu.memory_space<semaphore_mem>>
      %dma_start3A_299 = arith.constant 0 : i32
      %dma_start3A_300 = arith.constant 0 : i32
      %dma_start3A_301 = tpu.memref_slice %arg7[%run_scoped3A_169, %dma_start3A_299, %dma_start3A_300] : memref<6x2x128xi32, #tpu.memory_space<vmem>> -> memref<1x2x128xi32, #tpu.memory_space<vmem>>
      %dma_start3A_302 = tpu.memref_squeeze %dma_start3A_301 : memref<1x2x128xi32, #tpu.memory_space<vmem>> -> memref<2x128xi32, #tpu.memory_space<vmem>>
      %dma_start3A_303 = arith.constant 0 : i32
      %dma_start3A_304 = arith.constant 0 : i32
      %dma_start3A_305 = tpu.memref_slice %arg4[%add3A_168, %dma_start3A_303, %dma_start3A_304] : memref<2528x2x128xi32, #tpu.memory_space<hbm>> -> memref<1x2x128xi32, #tpu.memory_space<hbm>>
      %dma_start3A_306 = tpu.memref_squeeze %dma_start3A_305 : memref<1x2x128xi32, #tpu.memory_space<hbm>> -> memref<2x128xi32, #tpu.memory_space<hbm>>
      %dma_start3A_307 = arith.constant 0 : i32
      %dma_start3A_308 = arith.constant 0 : i32
      %dma_start3A_309 = tpu.memref_slice %arg7[%run_scoped3A_169, %dma_start3A_307, %dma_start3A_308] : memref<6x2x128xi32, #tpu.memory_space<vmem>> -> memref<1x2x128xi32, #tpu.memory_space<vmem>>
      %dma_start3A_310 = tpu.memref_squeeze %dma_start3A_309 : memref<1x2x128xi32, #tpu.memory_space<vmem>> -> memref<2x128xi32, #tpu.memory_space<vmem>>
      %dma_start3A_311 = arith.constant 0 : i32
      %dma_start3A_312 = arith.constant 0 : i32
      %dma_start3A_313 = tpu.memref_slice %arg4[%add3A_168, %dma_start3A_311, %dma_start3A_312] : memref<2528x2x128xi32, #tpu.memory_space<hbm>> -> memref<1x2x128xi32, #tpu.memory_space<hbm>>
      %dma_start3A_314 = tpu.memref_squeeze %dma_start3A_313 : memref<1x2x128xi32, #tpu.memory_space<hbm>> -> memref<2x128xi32, #tpu.memory_space<hbm>>
      tpu.enqueue_dma source(%dma_start3A_314 : memref<2x128xi32, #tpu.memory_space<hbm>>) target(%dma_start3A_310 : memref<2x128xi32, #tpu.memory_space<vmem>>) target_semaphore(%run_scoped3A_298 : memref<!tpu.dma_semaphore, #tpu.memory_space<semaphore_mem>>)
      %dma_wait3A_315 = arith.constant 0 : i32
      %dma_wait3A_316 = arith.constant 0 : i32
      %dma_wait3A_317 = tpu.memref_slice %arg7[%run_scoped3A_169, %dma_wait3A_315, %dma_wait3A_316] : memref<6x2x128xi32, #tpu.memory_space<vmem>> -> memref<1x2x128xi32, #tpu.memory_space<vmem>>
      %dma_wait3A_318 = tpu.memref_squeeze %dma_wait3A_317 : memref<1x2x128xi32, #tpu.memory_space<vmem>> -> memref<2x128xi32, #tpu.memory_space<vmem>>
      %dma_wait3A_319 = arith.constant 0 : i32
      %dma_wait3A_320 = arith.constant 0 : i32
      %dma_wait3A_321 = tpu.memref_slice %arg4[%add3A_168, %dma_wait3A_319, %dma_wait3A_320] : memref<2528x2x128xi32, #tpu.memory_space<hbm>> -> memref<1x2x128xi32, #tpu.memory_space<hbm>>
      %dma_wait3A_322 = tpu.memref_squeeze %dma_wait3A_321 : memref<1x2x128xi32, #tpu.memory_space<hbm>> -> memref<2x128xi32, #tpu.memory_space<hbm>>
      %dma_wait3A_323 = arith.constant 0 : i32
      %dma_wait3A_324 = arith.constant 0 : i32
      %dma_wait3A_325 = tpu.memref_slice %arg7[%run_scoped3A_169, %dma_wait3A_323, %dma_wait3A_324] : memref<6x2x128xi32, #tpu.memory_space<vmem>> -> memref<1x2x128xi32, #tpu.memory_space<vmem>>
      %dma_wait3A_326 = tpu.memref_squeeze %dma_wait3A_325 : memref<1x2x128xi32, #tpu.memory_space<vmem>> -> memref<2x128xi32, #tpu.memory_space<vmem>>
      %dma_wait3A_327 = arith.constant 0 : i32
      %dma_wait3A_328 = arith.constant 0 : i32
      %dma_wait3A_329 = tpu.memref_slice %arg4[%add3A_168, %dma_wait3A_327, %dma_wait3A_328] : memref<2528x2x128xi32, #tpu.memory_space<hbm>> -> memref<1x2x128xi32, #tpu.memory_space<hbm>>
      %dma_wait3A_330 = tpu.memref_squeeze %dma_wait3A_329 : memref<1x2x128xi32, #tpu.memory_space<hbm>> -> memref<2x128xi32, #tpu.memory_space<hbm>>
      tpu.wait_dma2 semaphore(%run_scoped3A_298 : memref<!tpu.dma_semaphore, #tpu.memory_space<semaphore_mem>>) src(%dma_wait3A_330 : memref<2x128xi32, #tpu.memory_space<hbm>>) dst(%dma_wait3A_326 : memref<2x128xi32, #tpu.memory_space<vmem>>)
      tpu.yield
    }) : () -> ()
    %dma_start3A_170 = arith.constant 1 : i32
    %dma_start3A_171 = arith.constant 0 : i32
    %dma_start3A_172 = arith.constant 1 : i32
    %dma_start3A_173 = arith.constant 0 : i32
    %dma_start3A_174 = arith.constant 0 : i32
    %dma_start3A_175 = tpu.memref_slice %arg8[%dma_start3A_172, %dma_start3A_173, %dma_start3A_174] : memref<6x128x64xf32, #tpu.memory_space<vmem>> -> memref<1x128x64xf32, #tpu.memory_space<vmem>>
    %dma_start3A_176 = tpu.memref_squeeze %dma_start3A_175 : memref<1x128x64xf32, #tpu.memory_space<vmem>> -> memref<128x64xf32, #tpu.memory_space<vmem>>
    %dma_start3A_177 = arith.constant 0 : i32
    %dma_start3A_178 = tpu.memref_slice %arg7[%dma_start3A_170, %dma_start3A_171, %dma_start3A_177] : memref<6x2x128xi32, #tpu.memory_space<vmem>> -> memref<1x1x128xi32, #tpu.memory_space<vmem>>
    %dma_start3A_179 = tpu.memref_squeeze %dma_start3A_178 : memref<1x1x128xi32, #tpu.memory_space<vmem>> -> memref<128xi32, #tpu.memory_space<vmem>>
    %dma_start3A_180 = arith.constant 0 : i32
    %dma_start3A_181 = arith.constant 0 : i32
    %dma_start3A_182 = tpu.memref_slice %arg3[%dma_start3A_180, %dma_start3A_181] : memref<10240x64xf32, #tpu.memory_space<hbm>> -> memref<10240x64xf32, #tpu.memory_space<hbm>>
    tpu.enqueue_indirect_dma source(%dma_start3A_182 : memref<10240x64xf32, #tpu.memory_space<hbm>>) target(%dma_start3A_176 : memref<128x64xf32, #tpu.memory_space<vmem>>) offsets(%dma_start3A_179 : memref<128xi32, #tpu.memory_space<vmem>>) semaphore(%arg10 : memref<!tpu.dma_semaphore, #tpu.memory_space<semaphore_mem>>)
    %add3A_183 = arith.constant 2 : i32
    %add3A_184 = arith.addi %select_n3A_8, %add3A_183 : i32
    %run_scoped3A_185 = arith.constant 2 : i32
    "tpu.region"() ({
      %run_scoped3A_298 = tpu.sem_alloc : memref<!tpu.dma_semaphore, #tpu.memory_space<semaphore_mem>>
      %dma_start3A_299 = arith.constant 0 : i32
      %dma_start3A_300 = arith.constant 0 : i32
      %dma_start3A_301 = tpu.memref_slice %arg7[%run_scoped3A_185, %dma_start3A_299, %dma_start3A_300] : memref<6x2x128xi32, #tpu.memory_space<vmem>> -> memref<1x2x128xi32, #tpu.memory_space<vmem>>
      %dma_start3A_302 = tpu.memref_squeeze %dma_start3A_301 : memref<1x2x128xi32, #tpu.memory_space<vmem>> -> memref<2x128xi32, #tpu.memory_space<vmem>>
      %dma_start3A_303 = arith.constant 0 : i32
      %dma_start3A_304 = arith.constant 0 : i32
      %dma_start3A_305 = tpu.memref_slice %arg4[%add3A_184, %dma_start3A_303, %dma_start3A_304] : memref<2528x2x128xi32, #tpu.memory_space<hbm>> -> memref<1x2x128xi32, #tpu.memory_space<hbm>>
      %dma_start3A_306 = tpu.memref_squeeze %dma_start3A_305 : memref<1x2x128xi32, #tpu.memory_space<hbm>> -> memref<2x128xi32, #tpu.memory_space<hbm>>
      %dma_start3A_307 = arith.constant 0 : i32
      %dma_start3A_308 = arith.constant 0 : i32
      %dma_start3A_309 = tpu.memref_slice %arg7[%run_scoped3A_185, %dma_start3A_307, %dma_start3A_308] : memref<6x2x128xi32, #tpu.memory_space<vmem>> -> memref<1x2x128xi32, #tpu.memory_space<vmem>>
      %dma_start3A_310 = tpu.memref_squeeze %dma_start3A_309 : memref<1x2x128xi32, #tpu.memory_space<vmem>> -> memref<2x128xi32, #tpu.memory_space<vmem>>
      %dma_start3A_311 = arith.constant 0 : i32
      %dma_start3A_312 = arith.constant 0 : i32
      %dma_start3A_313 = tpu.memref_slice %arg4[%add3A_184, %dma_start3A_311, %dma_start3A_312] : memref<2528x2x128xi32, #tpu.memory_space<hbm>> -> memref<1x2x128xi32, #tpu.memory_space<hbm>>
      %dma_start3A_314 = tpu.memref_squeeze %dma_start3A_313 : memref<1x2x128xi32, #tpu.memory_space<hbm>> -> memref<2x128xi32, #tpu.memory_space<hbm>>
      tpu.enqueue_dma source(%dma_start3A_314 : memref<2x128xi32, #tpu.memory_space<hbm>>) target(%dma_start3A_310 : memref<2x128xi32, #tpu.memory_space<vmem>>) target_semaphore(%run_scoped3A_298 : memref<!tpu.dma_semaphore, #tpu.memory_space<semaphore_mem>>)
      %dma_wait3A_315 = arith.constant 0 : i32
      %dma_wait3A_316 = arith.constant 0 : i32
      %dma_wait3A_317 = tpu.memref_slice %arg7[%run_scoped3A_185, %dma_wait3A_315, %dma_wait3A_316] : memref<6x2x128xi32, #tpu.memory_space<vmem>> -> memref<1x2x128xi32, #tpu.memory_space<vmem>>
      %dma_wait3A_318 = tpu.memref_squeeze %dma_wait3A_317 : memref<1x2x128xi32, #tpu.memory_space<vmem>> -> memref<2x128xi32, #tpu.memory_space<vmem>>
      %dma_wait3A_319 = arith.constant 0 : i32
      %dma_wait3A_320 = arith.constant 0 : i32
      %dma_wait3A_321 = tpu.memref_slice %arg4[%add3A_184, %dma_wait3A_319, %dma_wait3A_320] : memref<2528x2x128xi32, #tpu.memory_space<hbm>> -> memref<1x2x128xi32, #tpu.memory_space<hbm>>
      %dma_wait3A_322 = tpu.memref_squeeze %dma_wait3A_321 : memref<1x2x128xi32, #tpu.memory_space<hbm>> -> memref<2x128xi32, #tpu.memory_space<hbm>>
      %dma_wait3A_323 = arith.constant 0 : i32
      %dma_wait3A_324 = arith.constant 0 : i32
      %dma_wait3A_325 = tpu.memref_slice %arg7[%run_scoped3A_185, %dma_wait3A_323, %dma_wait3A_324] : memref<6x2x128xi32, #tpu.memory_space<vmem>> -> memref<1x2x128xi32, #tpu.memory_space<vmem>>
      %dma_wait3A_326 = tpu.memref_squeeze %dma_wait3A_325 : memref<1x2x128xi32, #tpu.memory_space<vmem>> -> memref<2x128xi32, #tpu.memory_space<vmem>>
      %dma_wait3A_327 = arith.constant 0 : i32
      %dma_wait3A_328 = arith.constant 0 : i32
      %dma_wait3A_329 = tpu.memref_slice %arg4[%add3A_184, %dma_wait3A_327, %dma_wait3A_328] : memref<2528x2x128xi32, #tpu.memory_space<hbm>> -> memref<1x2x128xi32, #tpu.memory_space<hbm>>
      %dma_wait3A_330 = tpu.memref_squeeze %dma_wait3A_329 : memref<1x2x128xi32, #tpu.memory_space<hbm>> -> memref<2x128xi32, #tpu.memory_space<hbm>>
      tpu.wait_dma2 semaphore(%run_scoped3A_298 : memref<!tpu.dma_semaphore, #tpu.memory_space<semaphore_mem>>) src(%dma_wait3A_330 : memref<2x128xi32, #tpu.memory_space<hbm>>) dst(%dma_wait3A_326 : memref<2x128xi32, #tpu.memory_space<vmem>>)
      tpu.yield
    }) : () -> ()
    %dma_start3A_186 = arith.constant 2 : i32
    %dma_start3A_187 = arith.constant 0 : i32
    %dma_start3A_188 = arith.constant 2 : i32
    %dma_start3A_189 = arith.constant 0 : i32
    %dma_start3A_190 = arith.constant 0 : i32
    %dma_start3A_191 = tpu.memref_slice %arg8[%dma_start3A_188, %dma_start3A_189, %dma_start3A_190] : memref<6x128x64xf32, #tpu.memory_space<vmem>> -> memref<1x128x64xf32, #tpu.memory_space<vmem>>
    %dma_start3A_192 = tpu.memref_squeeze %dma_start3A_191 : memref<1x128x64xf32, #tpu.memory_space<vmem>> -> memref<128x64xf32, #tpu.memory_space<vmem>>
    %dma_start3A_193 = arith.constant 0 : i32
    %dma_start3A_194 = tpu.memref_slice %arg7[%dma_start3A_186, %dma_start3A_187, %dma_start3A_193] : memref<6x2x128xi32, #tpu.memory_space<vmem>> -> memref<1x1x128xi32, #tpu.memory_space<vmem>>
    %dma_start3A_195 = tpu.memref_squeeze %dma_start3A_194 : memref<1x1x128xi32, #tpu.memory_space<vmem>> -> memref<128xi32, #tpu.memory_space<vmem>>
    %dma_start3A_196 = arith.constant 0 : i32
    %dma_start3A_197 = arith.constant 0 : i32
    %dma_start3A_198 = tpu.memref_slice %arg3[%dma_start3A_196, %dma_start3A_197] : memref<10240x64xf32, #tpu.memory_space<hbm>> -> memref<10240x64xf32, #tpu.memory_space<hbm>>
    tpu.enqueue_indirect_dma source(%dma_start3A_198 : memref<10240x64xf32, #tpu.memory_space<hbm>>) target(%dma_start3A_192 : memref<128x64xf32, #tpu.memory_space<vmem>>) offsets(%dma_start3A_195 : memref<128xi32, #tpu.memory_space<vmem>>) semaphore(%arg10 : memref<!tpu.dma_semaphore, #tpu.memory_space<semaphore_mem>>)
    %mul3A_199 = arith.constant 640 : i32
    %mul3A_200 = arith.muli %arg1, %mul3A_199 : i32
    %mul3A_201 = arith.constant 640 : i32
    %mul3A_202 = arith.muli %arg1, %mul3A_201 : i32
    "tpu.region"() ({
      %run_scoped3A_298 = tpu.sem_alloc : memref<!tpu.dma_semaphore, #tpu.memory_space<semaphore_mem>>
      %dma_start3A_299 = arith.constant 0 : i32
      %dma_start3A_300 = tpu.memref_slice %arg9[%mul3A_202, %dma_start3A_299] : memref<10240x64xf32, #tpu.memory_space<vmem_shared>> -> memref<640x64xf32, #tpu.memory_space<vmem_shared>>
      %dma_start3A_301 = arith.constant 0 : i32
      %dma_start3A_302 = tpu.memref_slice %arg5[%mul3A_200, %dma_start3A_301] : memref<10240x64xf32, #tpu.memory_space<hbm>> -> memref<640x64xf32, #tpu.memory_space<hbm>>
      tpu.enqueue_dma source(%dma_start3A_302 : memref<640x64xf32, #tpu.memory_space<hbm>>) target(%dma_start3A_300 : memref<640x64xf32, #tpu.memory_space<vmem_shared>>) target_semaphore(%run_scoped3A_298 : memref<!tpu.dma_semaphore, #tpu.memory_space<semaphore_mem>>)
      %dma_wait3A_303 = arith.constant 0 : i32
      %dma_wait3A_304 = tpu.memref_slice %arg9[%mul3A_202, %dma_wait3A_303] : memref<10240x64xf32, #tpu.memory_space<vmem_shared>> -> memref<640x64xf32, #tpu.memory_space<vmem_shared>>
      %dma_wait3A_305 = arith.constant 0 : i32
      %dma_wait3A_306 = tpu.memref_slice %arg5[%mul3A_200, %dma_wait3A_305] : memref<10240x64xf32, #tpu.memory_space<hbm>> -> memref<640x64xf32, #tpu.memory_space<hbm>>
      tpu.wait_dma2 semaphore(%run_scoped3A_298 : memref<!tpu.dma_semaphore, #tpu.memory_space<semaphore_mem>>) src(%dma_wait3A_306 : memref<640x64xf32, #tpu.memory_space<hbm>>) dst(%dma_wait3A_304 : memref<640x64xf32, #tpu.memory_space<vmem_shared>>)
      tpu.yield
    }) : () -> ()
    %barrier3A_203 = arith.constant 0 : index
    tpu.barrier barrier_id(%barrier3A_203)
    %while3A_204 = arith.constant 0 : i32
    %while3A_205 = arith.constant 0 : i32
    %while3A_206 = arith.subi %select_n3A, %while3A_205 : i32
    %while3A_207 = arith.addi %while3A_205, %while3A_206 : i32
    %while3A_208 = arith.constant 1 : i32
    %while3A_209 = arith.divsi %while3A_206, %while3A_208 : i32
    %while3A_210 = arith.muli %while3A_209, %while3A_208 : i32
    %while3A_211 = arith.addi %while3A_205, %while3A_210 : i32
    %while3A_212 = arith.constant 1 : i32
    scf.for %while3A_298 = %while3A_205 to %while3A_211 step %while3A_212  : i32 {
      %jit3A_299 = arith.constant 6 : i32
      %eq3A_300 = arith.constant 0 : i32
      %eq3A_301 = arith.cmpi eq, %jit3A_299, %eq3A_300 : i32
      %jit3A_302 = arith.constant 1 : i32
      %select_n3A_303 = arith.select %eq3A_301, %jit3A_302, %jit3A_299 : i32
      %rem3A = arith.remsi %while3A_298, %select_n3A_303 : i32
      %ne3A = arith.constant 0 : i32
      %ne3A_304 = arith.cmpi ne, %rem3A, %ne3A : i32
      %lt3A = arith.constant 0 : i32
      %lt3A_305 = arith.cmpi slt, %rem3A, %lt3A : i32
      %lt3A_306 = arith.constant 0 : i32
      %lt3A_307 = arith.cmpi slt, %select_n3A_303, %lt3A_306 : i32
      %ne3A_308 = arith.xori %lt3A_305, %lt3A_307 : i1
      %and3A = arith.andi %ne3A_308, %ne3A_304 : i1
      %add3A_309 = arith.addi %rem3A, %select_n3A_303 : i32
      %select_n3A_310 = arith.select %and3A, %add3A_309, %rem3A : i32
      %jit3A_311 = arith.constant 6 : i32
      %eq3A_312 = arith.constant 0 : i32
      %eq3A_313 = arith.cmpi eq, %jit3A_311, %eq3A_312 : i32
      %jit3A_314 = arith.constant 1 : i32
      %select_n3A_315 = arith.select %eq3A_313, %jit3A_314, %jit3A_311 : i32
      %rem3A_316 = arith.remsi %while3A_298, %select_n3A_315 : i32
      %ne3A_317 = arith.constant 0 : i32
      %ne3A_318 = arith.cmpi ne, %rem3A_316, %ne3A_317 : i32
      %lt3A_319 = arith.constant 0 : i32
      %lt3A_320 = arith.cmpi slt, %rem3A_316, %lt3A_319 : i32
      %lt3A_321 = arith.constant 0 : i32
      %lt3A_322 = arith.cmpi slt, %select_n3A_315, %lt3A_321 : i32
      %ne3A_323 = arith.xori %lt3A_320, %lt3A_322 : i1
      %and3A_324 = arith.andi %ne3A_323, %ne3A_318 : i1
      %add3A_325 = arith.addi %rem3A_316, %select_n3A_315 : i32
      %select_n3A_326 = arith.select %and3A_324, %add3A_325, %rem3A_316 : i32
      %dma_wait3A_327 = arith.constant 0 : i32
      %dma_wait3A_328 = arith.constant 0 : i32
      %dma_wait3A_329 = arith.constant 0 : i32
      %dma_wait3A_330 = tpu.memref_slice %arg8[%select_n3A_326, %dma_wait3A_328, %dma_wait3A_329] : memref<6x128x64xf32, #tpu.memory_space<vmem>> -> memref<1x128x64xf32, #tpu.memory_space<vmem>>
      %dma_wait3A_331 = tpu.memref_squeeze %dma_wait3A_330 : memref<1x128x64xf32, #tpu.memory_space<vmem>> -> memref<128x64xf32, #tpu.memory_space<vmem>>
      %dma_wait3A_332 = arith.constant 0 : i32
      %dma_wait3A_333 = tpu.memref_slice %arg7[%select_n3A_310, %dma_wait3A_327, %dma_wait3A_332] : memref<6x2x128xi32, #tpu.memory_space<vmem>> -> memref<1x1x128xi32, #tpu.memory_space<vmem>>
      %dma_wait3A_334 = tpu.memref_squeeze %dma_wait3A_333 : memref<1x1x128xi32, #tpu.memory_space<vmem>> -> memref<128xi32, #tpu.memory_space<vmem>>
      %dma_wait3A_335 = arith.constant 0 : i32
      %dma_wait3A_336 = arith.constant 0 : i32
      %dma_wait3A_337 = tpu.memref_slice %arg3[%dma_wait3A_335, %dma_wait3A_336] : memref<10240x64xf32, #tpu.memory_space<hbm>> -> memref<10240x64xf32, #tpu.memory_space<hbm>>
      tpu.wait_indirect_dma semaphore(%arg10 : memref<!tpu.dma_semaphore, #tpu.memory_space<semaphore_mem>>) src(%dma_wait3A_337 : memref<10240x64xf32, #tpu.memory_space<hbm>>) dst(%dma_wait3A_331 : memref<128x64xf32, #tpu.memory_space<vmem>>)
      %jit3A_338 = arith.constant 6 : i32
      %eq3A_339 = arith.constant 0 : i32
      %eq3A_340 = arith.cmpi eq, %jit3A_338, %eq3A_339 : i32
      %jit3A_341 = arith.constant 1 : i32
      %select_n3A_342 = arith.select %eq3A_340, %jit3A_341, %jit3A_338 : i32
      %rem3A_343 = arith.remsi %while3A_298, %select_n3A_342 : i32
      %ne3A_344 = arith.constant 0 : i32
      %ne3A_345 = arith.cmpi ne, %rem3A_343, %ne3A_344 : i32
      %lt3A_346 = arith.constant 0 : i32
      %lt3A_347 = arith.cmpi slt, %rem3A_343, %lt3A_346 : i32
      %lt3A_348 = arith.constant 0 : i32
      %lt3A_349 = arith.cmpi slt, %select_n3A_342, %lt3A_348 : i32
      %ne3A_350 = arith.xori %lt3A_347, %lt3A_349 : i1
      %and3A_351 = arith.andi %ne3A_350, %ne3A_345 : i1
      %add3A_352 = arith.addi %rem3A_343, %select_n3A_342 : i32
      %select_n3A_353 = arith.select %and3A_351, %add3A_352, %rem3A_343 : i32
      %jit3A_354 = arith.constant 6 : i32
      %eq3A_355 = arith.constant 0 : i32
      %eq3A_356 = arith.cmpi eq, %jit3A_354, %eq3A_355 : i32
      %jit3A_357 = arith.constant 1 : i32
      %select_n3A_358 = arith.select %eq3A_356, %jit3A_357, %jit3A_354 : i32
      %rem3A_359 = arith.remsi %while3A_298, %select_n3A_358 : i32
      %ne3A_360 = arith.constant 0 : i32
      %ne3A_361 = arith.cmpi ne, %rem3A_359, %ne3A_360 : i32
      %lt3A_362 = arith.constant 0 : i32
      %lt3A_363 = arith.cmpi slt, %rem3A_359, %lt3A_362 : i32
      %lt3A_364 = arith.constant 0 : i32
      %lt3A_365 = arith.cmpi slt, %select_n3A_358, %lt3A_364 : i32
      %ne3A_366 = arith.xori %lt3A_363, %lt3A_365 : i1
      %and3A_367 = arith.andi %ne3A_366, %ne3A_361 : i1
      %add3A_368 = arith.addi %rem3A_359, %select_n3A_358 : i32
      %select_n3A_369 = arith.select %and3A_367, %add3A_368, %rem3A_359 : i32
      %dma_start3A_370 = arith.constant 1 : i32
      %dma_start3A_371 = arith.constant 0 : i32
      %dma_start3A_372 = arith.constant 0 : i32
      %dma_start3A_373 = tpu.memref_slice %arg8[%select_n3A_353, %dma_start3A_371, %dma_start3A_372] : memref<6x128x64xf32, #tpu.memory_space<vmem>> -> memref<1x128x64xf32, #tpu.memory_space<vmem>>
      %dma_start3A_374 = tpu.memref_squeeze %dma_start3A_373 : memref<1x128x64xf32, #tpu.memory_space<vmem>> -> memref<128x64xf32, #tpu.memory_space<vmem>>
      %dma_start3A_375 = arith.constant 0 : i32
      %dma_start3A_376 = tpu.memref_slice %arg7[%select_n3A_369, %dma_start3A_370, %dma_start3A_375] : memref<6x2x128xi32, #tpu.memory_space<vmem>> -> memref<1x1x128xi32, #tpu.memory_space<vmem>>
      %dma_start3A_377 = tpu.memref_squeeze %dma_start3A_376 : memref<1x1x128xi32, #tpu.memory_space<vmem>> -> memref<128xi32, #tpu.memory_space<vmem>>
      %dma_start3A_378 = arith.constant 0 : i32
      %dma_start3A_379 = arith.constant 0 : i32
      %dma_start3A_380 = tpu.memref_slice %arg9[%dma_start3A_378, %dma_start3A_379] : memref<10240x64xf32, #tpu.memory_space<vmem_shared>> -> memref<10240x64xf32, #tpu.memory_space<vmem_shared>>
      tpu.enqueue_indirect_dma source(%dma_start3A_374 : memref<128x64xf32, #tpu.memory_space<vmem>>) target(%dma_start3A_380 : memref<10240x64xf32, #tpu.memory_space<vmem_shared>>) offsets(%dma_start3A_377 : memref<128xi32, #tpu.memory_space<vmem>>) semaphore(%arg11 : memref<!tpu.dma_semaphore, #tpu.memory_space<semaphore_mem>>) {add = true}
      %add3A_381 = arith.constant 3 : i32
      %add3A_382 = arith.addi %while3A_298, %add3A_381 : i32
      %lt3A_383 = arith.cmpi slt, %add3A_382, %select_n3A : i32
      %ge3A = arith.constant 3 : i32
      %ge3A_384 = arith.cmpi sge, %while3A_298, %ge3A : i32
      %and3A_385 = arith.andi %lt3A_383, %ge3A_384 : i1
      %convert_element_type3A = arith.extui %and3A_385 : i1 to i32
      %cond3A = arith.constant 0 : i32
      %cond3A_386 = arith.cmpi ne, %convert_element_type3A, %cond3A : i32
      scf.if %cond3A_386 {
        %sub3A = arith.constant 3 : i32
        %sub3A_393 = arith.subi %while3A_298, %sub3A : i32
        %jit3A_394 = arith.constant 6 : i32
        %eq3A_395 = arith.constant 0 : i32
        %eq3A_396 = arith.cmpi eq, %jit3A_394, %eq3A_395 : i32
        %jit3A_397 = arith.constant 1 : i32
        %select_n3A_398 = arith.select %eq3A_396, %jit3A_397, %jit3A_394 : i32
        %rem3A_399 = arith.remsi %sub3A_393, %select_n3A_398 : i32
        %ne3A_400 = arith.constant 0 : i32
        %ne3A_401 = arith.cmpi ne, %rem3A_399, %ne3A_400 : i32
        %lt3A_402 = arith.constant 0 : i32
        %lt3A_403 = arith.cmpi slt, %rem3A_399, %lt3A_402 : i32
        %lt3A_404 = arith.constant 0 : i32
        %lt3A_405 = arith.cmpi slt, %select_n3A_398, %lt3A_404 : i32
        %ne3A_406 = arith.xori %lt3A_403, %lt3A_405 : i1
        %and3A_407 = arith.andi %ne3A_406, %ne3A_401 : i1
        %add3A_408 = arith.addi %rem3A_399, %select_n3A_398 : i32
        %select_n3A_409 = arith.select %and3A_407, %add3A_408, %rem3A_399 : i32
        %jit3A_410 = arith.constant 6 : i32
        %eq3A_411 = arith.constant 0 : i32
        %eq3A_412 = arith.cmpi eq, %jit3A_410, %eq3A_411 : i32
        %jit3A_413 = arith.constant 1 : i32
        %select_n3A_414 = arith.select %eq3A_412, %jit3A_413, %jit3A_410 : i32
        %rem3A_415 = arith.remsi %sub3A_393, %select_n3A_414 : i32
        %ne3A_416 = arith.constant 0 : i32
        %ne3A_417 = arith.cmpi ne, %rem3A_415, %ne3A_416 : i32
        %lt3A_418 = arith.constant 0 : i32
        %lt3A_419 = arith.cmpi slt, %rem3A_415, %lt3A_418 : i32
        %lt3A_420 = arith.constant 0 : i32
        %lt3A_421 = arith.cmpi slt, %select_n3A_414, %lt3A_420 : i32
        %ne3A_422 = arith.xori %lt3A_419, %lt3A_421 : i1
        %and3A_423 = arith.andi %ne3A_422, %ne3A_417 : i1
        %add3A_424 = arith.addi %rem3A_415, %select_n3A_414 : i32
        %select_n3A_425 = arith.select %and3A_423, %add3A_424, %rem3A_415 : i32
        %dma_wait3A_426 = arith.constant 1 : i32
        %dma_wait3A_427 = arith.constant 0 : i32
        %dma_wait3A_428 = arith.constant 0 : i32
        %dma_wait3A_429 = tpu.memref_slice %arg8[%select_n3A_409, %dma_wait3A_427, %dma_wait3A_428] : memref<6x128x64xf32, #tpu.memory_space<vmem>> -> memref<1x128x64xf32, #tpu.memory_space<vmem>>
        %dma_wait3A_430 = tpu.memref_squeeze %dma_wait3A_429 : memref<1x128x64xf32, #tpu.memory_space<vmem>> -> memref<128x64xf32, #tpu.memory_space<vmem>>
        %dma_wait3A_431 = arith.constant 0 : i32
        %dma_wait3A_432 = tpu.memref_slice %arg7[%select_n3A_425, %dma_wait3A_426, %dma_wait3A_431] : memref<6x2x128xi32, #tpu.memory_space<vmem>> -> memref<1x1x128xi32, #tpu.memory_space<vmem>>
        %dma_wait3A_433 = tpu.memref_squeeze %dma_wait3A_432 : memref<1x1x128xi32, #tpu.memory_space<vmem>> -> memref<128xi32, #tpu.memory_space<vmem>>
        %dma_wait3A_434 = arith.constant 0 : i32
        %dma_wait3A_435 = arith.constant 0 : i32
        %dma_wait3A_436 = tpu.memref_slice %arg9[%dma_wait3A_434, %dma_wait3A_435] : memref<10240x64xf32, #tpu.memory_space<vmem_shared>> -> memref<10240x64xf32, #tpu.memory_space<vmem_shared>>
        tpu.wait_indirect_dma semaphore(%arg11 : memref<!tpu.dma_semaphore, #tpu.memory_space<semaphore_mem>>) src(%dma_wait3A_430 : memref<128x64xf32, #tpu.memory_space<vmem>>) dst(%dma_wait3A_436 : memref<10240x64xf32, #tpu.memory_space<vmem_shared>>)
      } else {
      }
      %add3A_387 = arith.constant 3 : i32
      %add3A_388 = arith.addi %while3A_298, %add3A_387 : i32
      %lt3A_389 = arith.cmpi slt, %add3A_388, %select_n3A : i32
      %convert_element_type3A_390 = arith.extui %lt3A_389 : i1 to i32
      %cond3A_391 = arith.constant 0 : i32
      %cond3A_392 = arith.cmpi ne, %convert_element_type3A_390, %cond3A_391 : i32
      scf.if %cond3A_392 {
        %add3A_393 = arith.constant 3 : i32
        %add3A_394 = arith.addi %while3A_298, %add3A_393 : i32
        %add3A_395 = arith.addi %select_n3A_8, %add3A_394 : i32
        %jit3A_396 = arith.constant 6 : i32
        %eq3A_397 = arith.constant 0 : i32
        %eq3A_398 = arith.cmpi eq, %jit3A_396, %eq3A_397 : i32
        %jit3A_399 = arith.constant 1 : i32
        %select_n3A_400 = arith.select %eq3A_398, %jit3A_399, %jit3A_396 : i32
        %rem3A_401 = arith.remsi %add3A_394, %select_n3A_400 : i32
        %ne3A_402 = arith.constant 0 : i32
        %ne3A_403 = arith.cmpi ne, %rem3A_401, %ne3A_402 : i32
        %lt3A_404 = arith.constant 0 : i32
        %lt3A_405 = arith.cmpi slt, %rem3A_401, %lt3A_404 : i32
        %lt3A_406 = arith.constant 0 : i32
        %lt3A_407 = arith.cmpi slt, %select_n3A_400, %lt3A_406 : i32
        %ne3A_408 = arith.xori %lt3A_405, %lt3A_407 : i1
        %and3A_409 = arith.andi %ne3A_408, %ne3A_403 : i1
        %add3A_410 = arith.addi %rem3A_401, %select_n3A_400 : i32
        %select_n3A_411 = arith.select %and3A_409, %add3A_410, %rem3A_401 : i32
        "tpu.region"() ({
          %run_scoped3A_457 = tpu.sem_alloc : memref<!tpu.dma_semaphore, #tpu.memory_space<semaphore_mem>>
          %dma_start3A_458 = arith.constant 0 : i32
          %dma_start3A_459 = arith.constant 0 : i32
          %dma_start3A_460 = tpu.memref_slice %arg7[%select_n3A_411, %dma_start3A_458, %dma_start3A_459] : memref<6x2x128xi32, #tpu.memory_space<vmem>> -> memref<1x2x128xi32, #tpu.memory_space<vmem>>
          %dma_start3A_461 = tpu.memref_squeeze %dma_start3A_460 : memref<1x2x128xi32, #tpu.memory_space<vmem>> -> memref<2x128xi32, #tpu.memory_space<vmem>>
          %dma_start3A_462 = arith.constant 0 : i32
          %dma_start3A_463 = arith.constant 0 : i32
          %dma_start3A_464 = tpu.memref_slice %arg4[%add3A_395, %dma_start3A_462, %dma_start3A_463] : memref<2528x2x128xi32, #tpu.memory_space<hbm>> -> memref<1x2x128xi32, #tpu.memory_space<hbm>>
          %dma_start3A_465 = tpu.memref_squeeze %dma_start3A_464 : memref<1x2x128xi32, #tpu.memory_space<hbm>> -> memref<2x128xi32, #tpu.memory_space<hbm>>
          %dma_start3A_466 = arith.constant 0 : i32
          %dma_start3A_467 = arith.constant 0 : i32
          %dma_start3A_468 = tpu.memref_slice %arg7[%select_n3A_411, %dma_start3A_466, %dma_start3A_467] : memref<6x2x128xi32, #tpu.memory_space<vmem>> -> memref<1x2x128xi32, #tpu.memory_space<vmem>>
          %dma_start3A_469 = tpu.memref_squeeze %dma_start3A_468 : memref<1x2x128xi32, #tpu.memory_space<vmem>> -> memref<2x128xi32, #tpu.memory_space<vmem>>
          %dma_start3A_470 = arith.constant 0 : i32
          %dma_start3A_471 = arith.constant 0 : i32
          %dma_start3A_472 = tpu.memref_slice %arg4[%add3A_395, %dma_start3A_470, %dma_start3A_471] : memref<2528x2x128xi32, #tpu.memory_space<hbm>> -> memref<1x2x128xi32, #tpu.memory_space<hbm>>
          %dma_start3A_473 = tpu.memref_squeeze %dma_start3A_472 : memref<1x2x128xi32, #tpu.memory_space<hbm>> -> memref<2x128xi32, #tpu.memory_space<hbm>>
          tpu.enqueue_dma source(%dma_start3A_473 : memref<2x128xi32, #tpu.memory_space<hbm>>) target(%dma_start3A_469 : memref<2x128xi32, #tpu.memory_space<vmem>>) target_semaphore(%run_scoped3A_457 : memref<!tpu.dma_semaphore, #tpu.memory_space<semaphore_mem>>)
          %dma_wait3A_474 = arith.constant 0 : i32
          %dma_wait3A_475 = arith.constant 0 : i32
          %dma_wait3A_476 = tpu.memref_slice %arg7[%select_n3A_411, %dma_wait3A_474, %dma_wait3A_475] : memref<6x2x128xi32, #tpu.memory_space<vmem>> -> memref<1x2x128xi32, #tpu.memory_space<vmem>>
          %dma_wait3A_477 = tpu.memref_squeeze %dma_wait3A_476 : memref<1x2x128xi32, #tpu.memory_space<vmem>> -> memref<2x128xi32, #tpu.memory_space<vmem>>
          %dma_wait3A_478 = arith.constant 0 : i32
          %dma_wait3A_479 = arith.constant 0 : i32
          %dma_wait3A_480 = tpu.memref_slice %arg4[%add3A_395, %dma_wait3A_478, %dma_wait3A_479] : memref<2528x2x128xi32, #tpu.memory_space<hbm>> -> memref<1x2x128xi32, #tpu.memory_space<hbm>>
          %dma_wait3A_481 = tpu.memref_squeeze %dma_wait3A_480 : memref<1x2x128xi32, #tpu.memory_space<hbm>> -> memref<2x128xi32, #tpu.memory_space<hbm>>
          %dma_wait3A_482 = arith.constant 0 : i32
          %dma_wait3A_483 = arith.constant 0 : i32
          %dma_wait3A_484 = tpu.memref_slice %arg7[%select_n3A_411, %dma_wait3A_482, %dma_wait3A_483] : memref<6x2x128xi32, #tpu.memory_space<vmem>> -> memref<1x2x128xi32, #tpu.memory_space<vmem>>
          %dma_wait3A_485 = tpu.memref_squeeze %dma_wait3A_484 : memref<1x2x128xi32, #tpu.memory_space<vmem>> -> memref<2x128xi32, #tpu.memory_space<vmem>>
          %dma_wait3A_486 = arith.constant 0 : i32
          %dma_wait3A_487 = arith.constant 0 : i32
          %dma_wait3A_488 = tpu.memref_slice %arg4[%add3A_395, %dma_wait3A_486, %dma_wait3A_487] : memref<2528x2x128xi32, #tpu.memory_space<hbm>> -> memref<1x2x128xi32, #tpu.memory_space<hbm>>
          %dma_wait3A_489 = tpu.memref_squeeze %dma_wait3A_488 : memref<1x2x128xi32, #tpu.memory_space<hbm>> -> memref<2x128xi32, #tpu.memory_space<hbm>>
          tpu.wait_dma2 semaphore(%run_scoped3A_457 : memref<!tpu.dma_semaphore, #tpu.memory_space<semaphore_mem>>) src(%dma_wait3A_489 : memref<2x128xi32, #tpu.memory_space<hbm>>) dst(%dma_wait3A_485 : memref<2x128xi32, #tpu.memory_space<vmem>>)
          tpu.yield
        }) : () -> ()
        %add3A_412 = arith.constant 3 : i32
        %add3A_413 = arith.addi %while3A_298, %add3A_412 : i32
        %jit3A_414 = arith.constant 6 : i32
        %eq3A_415 = arith.constant 0 : i32
        %eq3A_416 = arith.cmpi eq, %jit3A_414, %eq3A_415 : i32
        %jit3A_417 = arith.constant 1 : i32
        %select_n3A_418 = arith.select %eq3A_416, %jit3A_417, %jit3A_414 : i32
        %rem3A_419 = arith.remsi %add3A_413, %select_n3A_418 : i32
        %ne3A_420 = arith.constant 0 : i32
        %ne3A_421 = arith.cmpi ne, %rem3A_419, %ne3A_420 : i32
        %lt3A_422 = arith.constant 0 : i32
        %lt3A_423 = arith.cmpi slt, %rem3A_419, %lt3A_422 : i32
        %lt3A_424 = arith.constant 0 : i32
        %lt3A_425 = arith.cmpi slt, %select_n3A_418, %lt3A_424 : i32
        %ne3A_426 = arith.xori %lt3A_423, %lt3A_425 : i1
        %and3A_427 = arith.andi %ne3A_426, %ne3A_421 : i1
        %add3A_428 = arith.addi %rem3A_419, %select_n3A_418 : i32
        %select_n3A_429 = arith.select %and3A_427, %add3A_428, %rem3A_419 : i32
        %jit3A_430 = arith.constant 6 : i32
        %eq3A_431 = arith.constant 0 : i32
        %eq3A_432 = arith.cmpi eq, %jit3A_430, %eq3A_431 : i32
        %jit3A_433 = arith.constant 1 : i32
        %select_n3A_434 = arith.select %eq3A_432, %jit3A_433, %jit3A_430 : i32
        %rem3A_435 = arith.remsi %add3A_413, %select_n3A_434 : i32
        %ne3A_436 = arith.constant 0 : i32
        %ne3A_437 = arith.cmpi ne, %rem3A_435, %ne3A_436 : i32
        %lt3A_438 = arith.constant 0 : i32
        %lt3A_439 = arith.cmpi slt, %rem3A_435, %lt3A_438 : i32
        %lt3A_440 = arith.constant 0 : i32
        %lt3A_441 = arith.cmpi slt, %select_n3A_434, %lt3A_440 : i32
        %ne3A_442 = arith.xori %lt3A_439, %lt3A_441 : i1
        %and3A_443 = arith.andi %ne3A_442, %ne3A_437 : i1
        %add3A_444 = arith.addi %rem3A_435, %select_n3A_434 : i32
        %select_n3A_445 = arith.select %and3A_443, %add3A_444, %rem3A_435 : i32
        %dma_start3A_446 = arith.constant 0 : i32
        %dma_start3A_447 = arith.constant 0 : i32
        %dma_start3A_448 = arith.constant 0 : i32
        %dma_start3A_449 = tpu.memref_slice %arg8[%select_n3A_445, %dma_start3A_447, %dma_start3A_448] : memref<6x128x64xf32, #tpu.memory_space<vmem>> -> memref<1x128x64xf32, #tpu.memory_space<vmem>>
        %dma_start3A_450 = tpu.memref_squeeze %dma_start3A_449 : memref<1x128x64xf32, #tpu.memory_space<vmem>> -> memref<128x64xf32, #tpu.memory_space<vmem>>
        %dma_start3A_451 = arith.constant 0 : i32
        %dma_start3A_452 = tpu.memref_slice %arg7[%select_n3A_429, %dma_start3A_446, %dma_start3A_451] : memref<6x2x128xi32, #tpu.memory_space<vmem>> -> memref<1x1x128xi32, #tpu.memory_space<vmem>>
        %dma_start3A_453 = tpu.memref_squeeze %dma_start3A_452 : memref<1x1x128xi32, #tpu.memory_space<vmem>> -> memref<128xi32, #tpu.memory_space<vmem>>
        %dma_start3A_454 = arith.constant 0 : i32
        %dma_start3A_455 = arith.constant 0 : i32
        %dma_start3A_456 = tpu.memref_slice %arg3[%dma_start3A_454, %dma_start3A_455] : memref<10240x64xf32, #tpu.memory_space<hbm>> -> memref<10240x64xf32, #tpu.memory_space<hbm>>
        tpu.enqueue_indirect_dma source(%dma_start3A_456 : memref<10240x64xf32, #tpu.memory_space<hbm>>) target(%dma_start3A_450 : memref<128x64xf32, #tpu.memory_space<vmem>>) offsets(%dma_start3A_453 : memref<128xi32, #tpu.memory_space<vmem>>) semaphore(%arg10 : memref<!tpu.dma_semaphore, #tpu.memory_space<semaphore_mem>>)
      } else {
      }
    }
    %while3A_213 = arith.constant 1 : i32
    scf.for %while3A_298 = %while3A_211 to %while3A_207 step %while3A_213  : i32 {
      %jit3A_299 = arith.constant 6 : i32
      %eq3A_300 = arith.constant 0 : i32
      %eq3A_301 = arith.cmpi eq, %jit3A_299, %eq3A_300 : i32
      %jit3A_302 = arith.constant 1 : i32
      %select_n3A_303 = arith.select %eq3A_301, %jit3A_302, %jit3A_299 : i32
      %rem3A = arith.remsi %while3A_298, %select_n3A_303 : i32
      %ne3A = arith.constant 0 : i32
      %ne3A_304 = arith.cmpi ne, %rem3A, %ne3A : i32
      %lt3A = arith.constant 0 : i32
      %lt3A_305 = arith.cmpi slt, %rem3A, %lt3A : i32
      %lt3A_306 = arith.constant 0 : i32
      %lt3A_307 = arith.cmpi slt, %select_n3A_303, %lt3A_306 : i32
      %ne3A_308 = arith.xori %lt3A_305, %lt3A_307 : i1
      %and3A = arith.andi %ne3A_308, %ne3A_304 : i1
      %add3A_309 = arith.addi %rem3A, %select_n3A_303 : i32
      %select_n3A_310 = arith.select %and3A, %add3A_309, %rem3A : i32
      %jit3A_311 = arith.constant 6 : i32
      %eq3A_312 = arith.constant 0 : i32
      %eq3A_313 = arith.cmpi eq, %jit3A_311, %eq3A_312 : i32
      %jit3A_314 = arith.constant 1 : i32
      %select_n3A_315 = arith.select %eq3A_313, %jit3A_314, %jit3A_311 : i32
      %rem3A_316 = arith.remsi %while3A_298, %select_n3A_315 : i32
      %ne3A_317 = arith.constant 0 : i32
      %ne3A_318 = arith.cmpi ne, %rem3A_316, %ne3A_317 : i32
      %lt3A_319 = arith.constant 0 : i32
      %lt3A_320 = arith.cmpi slt, %rem3A_316, %lt3A_319 : i32
      %lt3A_321 = arith.constant 0 : i32
      %lt3A_322 = arith.cmpi slt, %select_n3A_315, %lt3A_321 : i32
      %ne3A_323 = arith.xori %lt3A_320, %lt3A_322 : i1
      %and3A_324 = arith.andi %ne3A_323, %ne3A_318 : i1
      %add3A_325 = arith.addi %rem3A_316, %select_n3A_315 : i32
      %select_n3A_326 = arith.select %and3A_324, %add3A_325, %rem3A_316 : i32
      %dma_wait3A_327 = arith.constant 0 : i32
      %dma_wait3A_328 = arith.constant 0 : i32
      %dma_wait3A_329 = arith.constant 0 : i32
      %dma_wait3A_330 = tpu.memref_slice %arg8[%select_n3A_326, %dma_wait3A_328, %dma_wait3A_329] : memref<6x128x64xf32, #tpu.memory_space<vmem>> -> memref<1x128x64xf32, #tpu.memory_space<vmem>>
      %dma_wait3A_331 = tpu.memref_squeeze %dma_wait3A_330 : memref<1x128x64xf32, #tpu.memory_space<vmem>> -> memref<128x64xf32, #tpu.memory_space<vmem>>
      %dma_wait3A_332 = arith.constant 0 : i32
      %dma_wait3A_333 = tpu.memref_slice %arg7[%select_n3A_310, %dma_wait3A_327, %dma_wait3A_332] : memref<6x2x128xi32, #tpu.memory_space<vmem>> -> memref<1x1x128xi32, #tpu.memory_space<vmem>>
      %dma_wait3A_334 = tpu.memref_squeeze %dma_wait3A_333 : memref<1x1x128xi32, #tpu.memory_space<vmem>> -> memref<128xi32, #tpu.memory_space<vmem>>
      %dma_wait3A_335 = arith.constant 0 : i32
      %dma_wait3A_336 = arith.constant 0 : i32
      %dma_wait3A_337 = tpu.memref_slice %arg3[%dma_wait3A_335, %dma_wait3A_336] : memref<10240x64xf32, #tpu.memory_space<hbm>> -> memref<10240x64xf32, #tpu.memory_space<hbm>>
      tpu.wait_indirect_dma semaphore(%arg10 : memref<!tpu.dma_semaphore, #tpu.memory_space<semaphore_mem>>) src(%dma_wait3A_337 : memref<10240x64xf32, #tpu.memory_space<hbm>>) dst(%dma_wait3A_331 : memref<128x64xf32, #tpu.memory_space<vmem>>)
      %jit3A_338 = arith.constant 6 : i32
      %eq3A_339 = arith.constant 0 : i32
      %eq3A_340 = arith.cmpi eq, %jit3A_338, %eq3A_339 : i32
      %jit3A_341 = arith.constant 1 : i32
      %select_n3A_342 = arith.select %eq3A_340, %jit3A_341, %jit3A_338 : i32
      %rem3A_343 = arith.remsi %while3A_298, %select_n3A_342 : i32
      %ne3A_344 = arith.constant 0 : i32
      %ne3A_345 = arith.cmpi ne, %rem3A_343, %ne3A_344 : i32
      %lt3A_346 = arith.constant 0 : i32
      %lt3A_347 = arith.cmpi slt, %rem3A_343, %lt3A_346 : i32
      %lt3A_348 = arith.constant 0 : i32
      %lt3A_349 = arith.cmpi slt, %select_n3A_342, %lt3A_348 : i32
      %ne3A_350 = arith.xori %lt3A_347, %lt3A_349 : i1
      %and3A_351 = arith.andi %ne3A_350, %ne3A_345 : i1
      %add3A_352 = arith.addi %rem3A_343, %select_n3A_342 : i32
      %select_n3A_353 = arith.select %and3A_351, %add3A_352, %rem3A_343 : i32
      %jit3A_354 = arith.constant 6 : i32
      %eq3A_355 = arith.constant 0 : i32
      %eq3A_356 = arith.cmpi eq, %jit3A_354, %eq3A_355 : i32
      %jit3A_357 = arith.constant 1 : i32
      %select_n3A_358 = arith.select %eq3A_356, %jit3A_357, %jit3A_354 : i32
      %rem3A_359 = arith.remsi %while3A_298, %select_n3A_358 : i32
      %ne3A_360 = arith.constant 0 : i32
      %ne3A_361 = arith.cmpi ne, %rem3A_359, %ne3A_360 : i32
      %lt3A_362 = arith.constant 0 : i32
      %lt3A_363 = arith.cmpi slt, %rem3A_359, %lt3A_362 : i32
      %lt3A_364 = arith.constant 0 : i32
      %lt3A_365 = arith.cmpi slt, %select_n3A_358, %lt3A_364 : i32
      %ne3A_366 = arith.xori %lt3A_363, %lt3A_365 : i1
      %and3A_367 = arith.andi %ne3A_366, %ne3A_361 : i1
      %add3A_368 = arith.addi %rem3A_359, %select_n3A_358 : i32
      %select_n3A_369 = arith.select %and3A_367, %add3A_368, %rem3A_359 : i32
      %dma_start3A_370 = arith.constant 1 : i32
      %dma_start3A_371 = arith.constant 0 : i32
      %dma_start3A_372 = arith.constant 0 : i32
      %dma_start3A_373 = tpu.memref_slice %arg8[%select_n3A_353, %dma_start3A_371, %dma_start3A_372] : memref<6x128x64xf32, #tpu.memory_space<vmem>> -> memref<1x128x64xf32, #tpu.memory_space<vmem>>
      %dma_start3A_374 = tpu.memref_squeeze %dma_start3A_373 : memref<1x128x64xf32, #tpu.memory_space<vmem>> -> memref<128x64xf32, #tpu.memory_space<vmem>>
      %dma_start3A_375 = arith.constant 0 : i32
      %dma_start3A_376 = tpu.memref_slice %arg7[%select_n3A_369, %dma_start3A_370, %dma_start3A_375] : memref<6x2x128xi32, #tpu.memory_space<vmem>> -> memref<1x1x128xi32, #tpu.memory_space<vmem>>
      %dma_start3A_377 = tpu.memref_squeeze %dma_start3A_376 : memref<1x1x128xi32, #tpu.memory_space<vmem>> -> memref<128xi32, #tpu.memory_space<vmem>>
      %dma_start3A_378 = arith.constant 0 : i32
      %dma_start3A_379 = arith.constant 0 : i32
      %dma_start3A_380 = tpu.memref_slice %arg9[%dma_start3A_378, %dma_start3A_379] : memref<10240x64xf32, #tpu.memory_space<vmem_shared>> -> memref<10240x64xf32, #tpu.memory_space<vmem_shared>>
      tpu.enqueue_indirect_dma source(%dma_start3A_374 : memref<128x64xf32, #tpu.memory_space<vmem>>) target(%dma_start3A_380 : memref<10240x64xf32, #tpu.memory_space<vmem_shared>>) offsets(%dma_start3A_377 : memref<128xi32, #tpu.memory_space<vmem>>) semaphore(%arg11 : memref<!tpu.dma_semaphore, #tpu.memory_space<semaphore_mem>>) {add = true}
      %add3A_381 = arith.constant 3 : i32
      %add3A_382 = arith.addi %while3A_298, %add3A_381 : i32
      %lt3A_383 = arith.cmpi slt, %add3A_382, %select_n3A : i32
      %ge3A = arith.constant 3 : i32
      %ge3A_384 = arith.cmpi sge, %while3A_298, %ge3A : i32
      %and3A_385 = arith.andi %lt3A_383, %ge3A_384 : i1
      %convert_element_type3A = arith.extui %and3A_385 : i1 to i32
      %cond3A = arith.constant 0 : i32
      %cond3A_386 = arith.cmpi ne, %convert_element_type3A, %cond3A : i32
      scf.if %cond3A_386 {
        %sub3A = arith.constant 3 : i32
        %sub3A_393 = arith.subi %while3A_298, %sub3A : i32
        %jit3A_394 = arith.constant 6 : i32
        %eq3A_395 = arith.constant 0 : i32
        %eq3A_396 = arith.cmpi eq, %jit3A_394, %eq3A_395 : i32
        %jit3A_397 = arith.constant 1 : i32
        %select_n3A_398 = arith.select %eq3A_396, %jit3A_397, %jit3A_394 : i32
        %rem3A_399 = arith.remsi %sub3A_393, %select_n3A_398 : i32
        %ne3A_400 = arith.constant 0 : i32
        %ne3A_401 = arith.cmpi ne, %rem3A_399, %ne3A_400 : i32
        %lt3A_402 = arith.constant 0 : i32
        %lt3A_403 = arith.cmpi slt, %rem3A_399, %lt3A_402 : i32
        %lt3A_404 = arith.constant 0 : i32
        %lt3A_405 = arith.cmpi slt, %select_n3A_398, %lt3A_404 : i32
        %ne3A_406 = arith.xori %lt3A_403, %lt3A_405 : i1
        %and3A_407 = arith.andi %ne3A_406, %ne3A_401 : i1
        %add3A_408 = arith.addi %rem3A_399, %select_n3A_398 : i32
        %select_n3A_409 = arith.select %and3A_407, %add3A_408, %rem3A_399 : i32
        %jit3A_410 = arith.constant 6 : i32
        %eq3A_411 = arith.constant 0 : i32
        %eq3A_412 = arith.cmpi eq, %jit3A_410, %eq3A_411 : i32
        %jit3A_413 = arith.constant 1 : i32
        %select_n3A_414 = arith.select %eq3A_412, %jit3A_413, %jit3A_410 : i32
        %rem3A_415 = arith.remsi %sub3A_393, %select_n3A_414 : i32
        %ne3A_416 = arith.constant 0 : i32
        %ne3A_417 = arith.cmpi ne, %rem3A_415, %ne3A_416 : i32
        %lt3A_418 = arith.constant 0 : i32
        %lt3A_419 = arith.cmpi slt, %rem3A_415, %lt3A_418 : i32
        %lt3A_420 = arith.constant 0 : i32
        %lt3A_421 = arith.cmpi slt, %select_n3A_414, %lt3A_420 : i32
        %ne3A_422 = arith.xori %lt3A_419, %lt3A_421 : i1
        %and3A_423 = arith.andi %ne3A_422, %ne3A_417 : i1
        %add3A_424 = arith.addi %rem3A_415, %select_n3A_414 : i32
        %select_n3A_425 = arith.select %and3A_423, %add3A_424, %rem3A_415 : i32
        %dma_wait3A_426 = arith.constant 1 : i32
        %dma_wait3A_427 = arith.constant 0 : i32
        %dma_wait3A_428 = arith.constant 0 : i32
        %dma_wait3A_429 = tpu.memref_slice %arg8[%select_n3A_409, %dma_wait3A_427, %dma_wait3A_428] : memref<6x128x64xf32, #tpu.memory_space<vmem>> -> memref<1x128x64xf32, #tpu.memory_space<vmem>>
        %dma_wait3A_430 = tpu.memref_squeeze %dma_wait3A_429 : memref<1x128x64xf32, #tpu.memory_space<vmem>> -> memref<128x64xf32, #tpu.memory_space<vmem>>
        %dma_wait3A_431 = arith.constant 0 : i32
        %dma_wait3A_432 = tpu.memref_slice %arg7[%select_n3A_425, %dma_wait3A_426, %dma_wait3A_431] : memref<6x2x128xi32, #tpu.memory_space<vmem>> -> memref<1x1x128xi32, #tpu.memory_space<vmem>>
        %dma_wait3A_433 = tpu.memref_squeeze %dma_wait3A_432 : memref<1x1x128xi32, #tpu.memory_space<vmem>> -> memref<128xi32, #tpu.memory_space<vmem>>
        %dma_wait3A_434 = arith.constant 0 : i32
        %dma_wait3A_435 = arith.constant 0 : i32
        %dma_wait3A_436 = tpu.memref_slice %arg9[%dma_wait3A_434, %dma_wait3A_435] : memref<10240x64xf32, #tpu.memory_space<vmem_shared>> -> memref<10240x64xf32, #tpu.memory_space<vmem_shared>>
        tpu.wait_indirect_dma semaphore(%arg11 : memref<!tpu.dma_semaphore, #tpu.memory_space<semaphore_mem>>) src(%dma_wait3A_430 : memref<128x64xf32, #tpu.memory_space<vmem>>) dst(%dma_wait3A_436 : memref<10240x64xf32, #tpu.memory_space<vmem_shared>>)
      } else {
      }
      %add3A_387 = arith.constant 3 : i32
      %add3A_388 = arith.addi %while3A_298, %add3A_387 : i32
      %lt3A_389 = arith.cmpi slt, %add3A_388, %select_n3A : i32
      %convert_element_type3A_390 = arith.extui %lt3A_389 : i1 to i32
      %cond3A_391 = arith.constant 0 : i32
      %cond3A_392 = arith.cmpi ne, %convert_element_type3A_390, %cond3A_391 : i32
      scf.if %cond3A_392 {
        %add3A_393 = arith.constant 3 : i32
        %add3A_394 = arith.addi %while3A_298, %add3A_393 : i32
        %add3A_395 = arith.addi %select_n3A_8, %add3A_394 : i32
        %jit3A_396 = arith.constant 6 : i32
        %eq3A_397 = arith.constant 0 : i32
        %eq3A_398 = arith.cmpi eq, %jit3A_396, %eq3A_397 : i32
        %jit3A_399 = arith.constant 1 : i32
        %select_n3A_400 = arith.select %eq3A_398, %jit3A_399, %jit3A_396 : i32
        %rem3A_401 = arith.remsi %add3A_394, %select_n3A_400 : i32
        %ne3A_402 = arith.constant 0 : i32
        %ne3A_403 = arith.cmpi ne, %rem3A_401, %ne3A_402 : i32
        %lt3A_404 = arith.constant 0 : i32
        %lt3A_405 = arith.cmpi slt, %rem3A_401, %lt3A_404 : i32
        %lt3A_406 = arith.constant 0 : i32
        %lt3A_407 = arith.cmpi slt, %select_n3A_400, %lt3A_406 : i32
        %ne3A_408 = arith.xori %lt3A_405, %lt3A_407 : i1
        %and3A_409 = arith.andi %ne3A_408, %ne3A_403 : i1
        %add3A_410 = arith.addi %rem3A_401, %select_n3A_400 : i32
        %select_n3A_411 = arith.select %and3A_409, %add3A_410, %rem3A_401 : i32
        "tpu.region"() ({
          %run_scoped3A_457 = tpu.sem_alloc : memref<!tpu.dma_semaphore, #tpu.memory_space<semaphore_mem>>
          %dma_start3A_458 = arith.constant 0 : i32
          %dma_start3A_459 = arith.constant 0 : i32
          %dma_start3A_460 = tpu.memref_slice %arg7[%select_n3A_411, %dma_start3A_458, %dma_start3A_459] : memref<6x2x128xi32, #tpu.memory_space<vmem>> -> memref<1x2x128xi32, #tpu.memory_space<vmem>>
          %dma_start3A_461 = tpu.memref_squeeze %dma_start3A_460 : memref<1x2x128xi32, #tpu.memory_space<vmem>> -> memref<2x128xi32, #tpu.memory_space<vmem>>
          %dma_start3A_462 = arith.constant 0 : i32
          %dma_start3A_463 = arith.constant 0 : i32
          %dma_start3A_464 = tpu.memref_slice %arg4[%add3A_395, %dma_start3A_462, %dma_start3A_463] : memref<2528x2x128xi32, #tpu.memory_space<hbm>> -> memref<1x2x128xi32, #tpu.memory_space<hbm>>
          %dma_start3A_465 = tpu.memref_squeeze %dma_start3A_464 : memref<1x2x128xi32, #tpu.memory_space<hbm>> -> memref<2x128xi32, #tpu.memory_space<hbm>>
          %dma_start3A_466 = arith.constant 0 : i32
          %dma_start3A_467 = arith.constant 0 : i32
          %dma_start3A_468 = tpu.memref_slice %arg7[%select_n3A_411, %dma_start3A_466, %dma_start3A_467] : memref<6x2x128xi32, #tpu.memory_space<vmem>> -> memref<1x2x128xi32, #tpu.memory_space<vmem>>
          %dma_start3A_469 = tpu.memref_squeeze %dma_start3A_468 : memref<1x2x128xi32, #tpu.memory_space<vmem>> -> memref<2x128xi32, #tpu.memory_space<vmem>>
          %dma_start3A_470 = arith.constant 0 : i32
          %dma_start3A_471 = arith.constant 0 : i32
          %dma_start3A_472 = tpu.memref_slice %arg4[%add3A_395, %dma_start3A_470, %dma_start3A_471] : memref<2528x2x128xi32, #tpu.memory_space<hbm>> -> memref<1x2x128xi32, #tpu.memory_space<hbm>>
          %dma_start3A_473 = tpu.memref_squeeze %dma_start3A_472 : memref<1x2x128xi32, #tpu.memory_space<hbm>> -> memref<2x128xi32, #tpu.memory_space<hbm>>
          tpu.enqueue_dma source(%dma_start3A_473 : memref<2x128xi32, #tpu.memory_space<hbm>>) target(%dma_start3A_469 : memref<2x128xi32, #tpu.memory_space<vmem>>) target_semaphore(%run_scoped3A_457 : memref<!tpu.dma_semaphore, #tpu.memory_space<semaphore_mem>>)
          %dma_wait3A_474 = arith.constant 0 : i32
          %dma_wait3A_475 = arith.constant 0 : i32
          %dma_wait3A_476 = tpu.memref_slice %arg7[%select_n3A_411, %dma_wait3A_474, %dma_wait3A_475] : memref<6x2x128xi32, #tpu.memory_space<vmem>> -> memref<1x2x128xi32, #tpu.memory_space<vmem>>
          %dma_wait3A_477 = tpu.memref_squeeze %dma_wait3A_476 : memref<1x2x128xi32, #tpu.memory_space<vmem>> -> memref<2x128xi32, #tpu.memory_space<vmem>>
          %dma_wait3A_478 = arith.constant 0 : i32
          %dma_wait3A_479 = arith.constant 0 : i32
          %dma_wait3A_480 = tpu.memref_slice %arg4[%add3A_395, %dma_wait3A_478, %dma_wait3A_479] : memref<2528x2x128xi32, #tpu.memory_space<hbm>> -> memref<1x2x128xi32, #tpu.memory_space<hbm>>
          %dma_wait3A_481 = tpu.memref_squeeze %dma_wait3A_480 : memref<1x2x128xi32, #tpu.memory_space<hbm>> -> memref<2x128xi32, #tpu.memory_space<hbm>>
          %dma_wait3A_482 = arith.constant 0 : i32
          %dma_wait3A_483 = arith.constant 0 : i32
          %dma_wait3A_484 = tpu.memref_slice %arg7[%select_n3A_411, %dma_wait3A_482, %dma_wait3A_483] : memref<6x2x128xi32, #tpu.memory_space<vmem>> -> memref<1x2x128xi32, #tpu.memory_space<vmem>>
          %dma_wait3A_485 = tpu.memref_squeeze %dma_wait3A_484 : memref<1x2x128xi32, #tpu.memory_space<vmem>> -> memref<2x128xi32, #tpu.memory_space<vmem>>
          %dma_wait3A_486 = arith.constant 0 : i32
          %dma_wait3A_487 = arith.constant 0 : i32
          %dma_wait3A_488 = tpu.memref_slice %arg4[%add3A_395, %dma_wait3A_486, %dma_wait3A_487] : memref<2528x2x128xi32, #tpu.memory_space<hbm>> -> memref<1x2x128xi32, #tpu.memory_space<hbm>>
          %dma_wait3A_489 = tpu.memref_squeeze %dma_wait3A_488 : memref<1x2x128xi32, #tpu.memory_space<hbm>> -> memref<2x128xi32, #tpu.memory_space<hbm>>
          tpu.wait_dma2 semaphore(%run_scoped3A_457 : memref<!tpu.dma_semaphore, #tpu.memory_space<semaphore_mem>>) src(%dma_wait3A_489 : memref<2x128xi32, #tpu.memory_space<hbm>>) dst(%dma_wait3A_485 : memref<2x128xi32, #tpu.memory_space<vmem>>)
          tpu.yield
        }) : () -> ()
        %add3A_412 = arith.constant 3 : i32
        %add3A_413 = arith.addi %while3A_298, %add3A_412 : i32
        %jit3A_414 = arith.constant 6 : i32
        %eq3A_415 = arith.constant 0 : i32
        %eq3A_416 = arith.cmpi eq, %jit3A_414, %eq3A_415 : i32
        %jit3A_417 = arith.constant 1 : i32
        %select_n3A_418 = arith.select %eq3A_416, %jit3A_417, %jit3A_414 : i32
        %rem3A_419 = arith.remsi %add3A_413, %select_n3A_418 : i32
        %ne3A_420 = arith.constant 0 : i32
        %ne3A_421 = arith.cmpi ne, %rem3A_419, %ne3A_420 : i32
        %lt3A_422 = arith.constant 0 : i32
        %lt3A_423 = arith.cmpi slt, %rem3A_419, %lt3A_422 : i32
        %lt3A_424 = arith.constant 0 : i32
        %lt3A_425 = arith.cmpi slt, %select_n3A_418, %lt3A_424 : i32
        %ne3A_426 = arith.xori %lt3A_423, %lt3A_425 : i1
        %and3A_427 = arith.andi %ne3A_426, %ne3A_421 : i1
        %add3A_428 = arith.addi %rem3A_419, %select_n3A_418 : i32
        %select_n3A_429 = arith.select %and3A_427, %add3A_428, %rem3A_419 : i32
        %jit3A_430 = arith.constant 6 : i32
        %eq3A_431 = arith.constant 0 : i32
        %eq3A_432 = arith.cmpi eq, %jit3A_430, %eq3A_431 : i32
        %jit3A_433 = arith.constant 1 : i32
        %select_n3A_434 = arith.select %eq3A_432, %jit3A_433, %jit3A_430 : i32
        %rem3A_435 = arith.remsi %add3A_413, %select_n3A_434 : i32
        %ne3A_436 = arith.constant 0 : i32
        %ne3A_437 = arith.cmpi ne, %rem3A_435, %ne3A_436 : i32
        %lt3A_438 = arith.constant 0 : i32
        %lt3A_439 = arith.cmpi slt, %rem3A_435, %lt3A_438 : i32
        %lt3A_440 = arith.constant 0 : i32
        %lt3A_441 = arith.cmpi slt, %select_n3A_434, %lt3A_440 : i32
        %ne3A_442 = arith.xori %lt3A_439, %lt3A_441 : i1
        %and3A_443 = arith.andi %ne3A_442, %ne3A_437 : i1
        %add3A_444 = arith.addi %rem3A_435, %select_n3A_434 : i32
        %select_n3A_445 = arith.select %and3A_443, %add3A_444, %rem3A_435 : i32
        %dma_start3A_446 = arith.constant 0 : i32
        %dma_start3A_447 = arith.constant 0 : i32
        %dma_start3A_448 = arith.constant 0 : i32
        %dma_start3A_449 = tpu.memref_slice %arg8[%select_n3A_445, %dma_start3A_447, %dma_start3A_448] : memref<6x128x64xf32, #tpu.memory_space<vmem>> -> memref<1x128x64xf32, #tpu.memory_space<vmem>>
        %dma_start3A_450 = tpu.memref_squeeze %dma_start3A_449 : memref<1x128x64xf32, #tpu.memory_space<vmem>> -> memref<128x64xf32, #tpu.memory_space<vmem>>
        %dma_start3A_451 = arith.constant 0 : i32
        %dma_start3A_452 = tpu.memref_slice %arg7[%select_n3A_429, %dma_start3A_446, %dma_start3A_451] : memref<6x2x128xi32, #tpu.memory_space<vmem>> -> memref<1x1x128xi32, #tpu.memory_space<vmem>>
        %dma_start3A_453 = tpu.memref_squeeze %dma_start3A_452 : memref<1x1x128xi32, #tpu.memory_space<vmem>> -> memref<128xi32, #tpu.memory_space<vmem>>
        %dma_start3A_454 = arith.constant 0 : i32
        %dma_start3A_455 = arith.constant 0 : i32
        %dma_start3A_456 = tpu.memref_slice %arg3[%dma_start3A_454, %dma_start3A_455] : memref<10240x64xf32, #tpu.memory_space<hbm>> -> memref<10240x64xf32, #tpu.memory_space<hbm>>
        tpu.enqueue_indirect_dma source(%dma_start3A_456 : memref<10240x64xf32, #tpu.memory_space<hbm>>) target(%dma_start3A_450 : memref<128x64xf32, #tpu.memory_space<vmem>>) offsets(%dma_start3A_453 : memref<128xi32, #tpu.memory_space<vmem>>) semaphore(%arg10 : memref<!tpu.dma_semaphore, #tpu.memory_space<semaphore_mem>>)
      } else {
      }
    }
    %dma_wait3A_214 = arith.constant 0 : i32
    %dma_wait3A_215 = arith.constant 0 : i32
    %dma_wait3A_216 = arith.constant 1 : i32
    %dma_wait3A_217 = arith.constant 0 : i32
    %dma_wait3A_218 = arith.constant 0 : i32
    %dma_wait3A_219 = tpu.memref_slice %arg8[%dma_wait3A_214, %dma_wait3A_217, %dma_wait3A_218] : memref<6x128x64xf32, #tpu.memory_space<vmem>> -> memref<1x128x64xf32, #tpu.memory_space<vmem>>
    %dma_wait3A_220 = tpu.memref_squeeze %dma_wait3A_219 : memref<1x128x64xf32, #tpu.memory_space<vmem>> -> memref<128x64xf32, #tpu.memory_space<vmem>>
    %dma_wait3A_221 = arith.constant 0 : i32
    %dma_wait3A_222 = tpu.memref_slice %arg7[%dma_wait3A_215, %dma_wait3A_216, %dma_wait3A_221] : memref<6x2x128xi32, #tpu.memory_space<vmem>> -> memref<1x1x128xi32, #tpu.memory_space<vmem>>
    %dma_wait3A_223 = tpu.memref_squeeze %dma_wait3A_222 : memref<1x1x128xi32, #tpu.memory_space<vmem>> -> memref<128xi32, #tpu.memory_space<vmem>>
    %dma_wait3A_224 = arith.constant 0 : i32
    %dma_wait3A_225 = arith.constant 0 : i32
    %dma_wait3A_226 = tpu.memref_slice %arg9[%dma_wait3A_224, %dma_wait3A_225] : memref<10240x64xf32, #tpu.memory_space<vmem_shared>> -> memref<10240x64xf32, #tpu.memory_space<vmem_shared>>
    tpu.wait_indirect_dma semaphore(%arg11 : memref<!tpu.dma_semaphore, #tpu.memory_space<semaphore_mem>>) src(%dma_wait3A_220 : memref<128x64xf32, #tpu.memory_space<vmem>>) dst(%dma_wait3A_226 : memref<10240x64xf32, #tpu.memory_space<vmem_shared>>)
    %dma_wait3A_227 = arith.constant 1 : i32
    %dma_wait3A_228 = arith.constant 1 : i32
    %dma_wait3A_229 = arith.constant 1 : i32
    %dma_wait3A_230 = arith.constant 0 : i32
    %dma_wait3A_231 = arith.constant 0 : i32
    %dma_wait3A_232 = tpu.memref_slice %arg8[%dma_wait3A_227, %dma_wait3A_230, %dma_wait3A_231] : memref<6x128x64xf32, #tpu.memory_space<vmem>> -> memref<1x128x64xf32, #tpu.memory_space<vmem>>
    %dma_wait3A_233 = tpu.memref_squeeze %dma_wait3A_232 : memref<1x128x64xf32, #tpu.memory_space<vmem>> -> memref<128x64xf32, #tpu.memory_space<vmem>>
    %dma_wait3A_234 = arith.constant 0 : i32
    %dma_wait3A_235 = tpu.memref_slice %arg7[%dma_wait3A_228, %dma_wait3A_229, %dma_wait3A_234] : memref<6x2x128xi32, #tpu.memory_space<vmem>> -> memref<1x1x128xi32, #tpu.memory_space<vmem>>
    %dma_wait3A_236 = tpu.memref_squeeze %dma_wait3A_235 : memref<1x1x128xi32, #tpu.memory_space<vmem>> -> memref<128xi32, #tpu.memory_space<vmem>>
    %dma_wait3A_237 = arith.constant 0 : i32
    %dma_wait3A_238 = arith.constant 0 : i32
    %dma_wait3A_239 = tpu.memref_slice %arg9[%dma_wait3A_237, %dma_wait3A_238] : memref<10240x64xf32, #tpu.memory_space<vmem_shared>> -> memref<10240x64xf32, #tpu.memory_space<vmem_shared>>
    tpu.wait_indirect_dma semaphore(%arg11 : memref<!tpu.dma_semaphore, #tpu.memory_space<semaphore_mem>>) src(%dma_wait3A_233 : memref<128x64xf32, #tpu.memory_space<vmem>>) dst(%dma_wait3A_239 : memref<10240x64xf32, #tpu.memory_space<vmem_shared>>)
    %dma_wait3A_240 = arith.constant 2 : i32
    %dma_wait3A_241 = arith.constant 2 : i32
    %dma_wait3A_242 = arith.constant 1 : i32
    %dma_wait3A_243 = arith.constant 0 : i32
    %dma_wait3A_244 = arith.constant 0 : i32
    %dma_wait3A_245 = tpu.memref_slice %arg8[%dma_wait3A_240, %dma_wait3A_243, %dma_wait3A_244] : memref<6x128x64xf32, #tpu.memory_space<vmem>> -> memref<1x128x64xf32, #tpu.memory_space<vmem>>
    %dma_wait3A_246 = tpu.memref_squeeze %dma_wait3A_245 : memref<1x128x64xf32, #tpu.memory_space<vmem>> -> memref<128x64xf32, #tpu.memory_space<vmem>>
    %dma_wait3A_247 = arith.constant 0 : i32
    %dma_wait3A_248 = tpu.memref_slice %arg7[%dma_wait3A_241, %dma_wait3A_242, %dma_wait3A_247] : memref<6x2x128xi32, #tpu.memory_space<vmem>> -> memref<1x1x128xi32, #tpu.memory_space<vmem>>
    %dma_wait3A_249 = tpu.memref_squeeze %dma_wait3A_248 : memref<1x1x128xi32, #tpu.memory_space<vmem>> -> memref<128xi32, #tpu.memory_space<vmem>>
    %dma_wait3A_250 = arith.constant 0 : i32
    %dma_wait3A_251 = arith.constant 0 : i32
    %dma_wait3A_252 = tpu.memref_slice %arg9[%dma_wait3A_250, %dma_wait3A_251] : memref<10240x64xf32, #tpu.memory_space<vmem_shared>> -> memref<10240x64xf32, #tpu.memory_space<vmem_shared>>
    tpu.wait_indirect_dma semaphore(%arg11 : memref<!tpu.dma_semaphore, #tpu.memory_space<semaphore_mem>>) src(%dma_wait3A_246 : memref<128x64xf32, #tpu.memory_space<vmem>>) dst(%dma_wait3A_252 : memref<10240x64xf32, #tpu.memory_space<vmem_shared>>)
    %dma_wait3A_253 = arith.constant 3 : i32
    %dma_wait3A_254 = arith.constant 3 : i32
    %dma_wait3A_255 = arith.constant 1 : i32
    %dma_wait3A_256 = arith.constant 0 : i32
    %dma_wait3A_257 = arith.constant 0 : i32
    %dma_wait3A_258 = tpu.memref_slice %arg8[%dma_wait3A_253, %dma_wait3A_256, %dma_wait3A_257] : memref<6x128x64xf32, #tpu.memory_space<vmem>> -> memref<1x128x64xf32, #tpu.memory_space<vmem>>
    %dma_wait3A_259 = tpu.memref_squeeze %dma_wait3A_258 : memref<1x128x64xf32, #tpu.memory_space<vmem>> -> memref<128x64xf32, #tpu.memory_space<vmem>>
    %dma_wait3A_260 = arith.constant 0 : i32
    %dma_wait3A_261 = tpu.memref_slice %arg7[%dma_wait3A_254, %dma_wait3A_255, %dma_wait3A_260] : memref<6x2x128xi32, #tpu.memory_space<vmem>> -> memref<1x1x128xi32, #tpu.memory_space<vmem>>
    %dma_wait3A_262 = tpu.memref_squeeze %dma_wait3A_261 : memref<1x1x128xi32, #tpu.memory_space<vmem>> -> memref<128xi32, #tpu.memory_space<vmem>>
    %dma_wait3A_263 = arith.constant 0 : i32
    %dma_wait3A_264 = arith.constant 0 : i32
    %dma_wait3A_265 = tpu.memref_slice %arg9[%dma_wait3A_263, %dma_wait3A_264] : memref<10240x64xf32, #tpu.memory_space<vmem_shared>> -> memref<10240x64xf32, #tpu.memory_space<vmem_shared>>
    tpu.wait_indirect_dma semaphore(%arg11 : memref<!tpu.dma_semaphore, #tpu.memory_space<semaphore_mem>>) src(%dma_wait3A_259 : memref<128x64xf32, #tpu.memory_space<vmem>>) dst(%dma_wait3A_265 : memref<10240x64xf32, #tpu.memory_space<vmem_shared>>)
    %dma_wait3A_266 = arith.constant 4 : i32
    %dma_wait3A_267 = arith.constant 4 : i32
    %dma_wait3A_268 = arith.constant 1 : i32
    %dma_wait3A_269 = arith.constant 0 : i32
    %dma_wait3A_270 = arith.constant 0 : i32
    %dma_wait3A_271 = tpu.memref_slice %arg8[%dma_wait3A_266, %dma_wait3A_269, %dma_wait3A_270] : memref<6x128x64xf32, #tpu.memory_space<vmem>> -> memref<1x128x64xf32, #tpu.memory_space<vmem>>
    %dma_wait3A_272 = tpu.memref_squeeze %dma_wait3A_271 : memref<1x128x64xf32, #tpu.memory_space<vmem>> -> memref<128x64xf32, #tpu.memory_space<vmem>>
    %dma_wait3A_273 = arith.constant 0 : i32
    %dma_wait3A_274 = tpu.memref_slice %arg7[%dma_wait3A_267, %dma_wait3A_268, %dma_wait3A_273] : memref<6x2x128xi32, #tpu.memory_space<vmem>> -> memref<1x1x128xi32, #tpu.memory_space<vmem>>
    %dma_wait3A_275 = tpu.memref_squeeze %dma_wait3A_274 : memref<1x1x128xi32, #tpu.memory_space<vmem>> -> memref<128xi32, #tpu.memory_space<vmem>>
    %dma_wait3A_276 = arith.constant 0 : i32
    %dma_wait3A_277 = arith.constant 0 : i32
    %dma_wait3A_278 = tpu.memref_slice %arg9[%dma_wait3A_276, %dma_wait3A_277] : memref<10240x64xf32, #tpu.memory_space<vmem_shared>> -> memref<10240x64xf32, #tpu.memory_space<vmem_shared>>
    tpu.wait_indirect_dma semaphore(%arg11 : memref<!tpu.dma_semaphore, #tpu.memory_space<semaphore_mem>>) src(%dma_wait3A_272 : memref<128x64xf32, #tpu.memory_space<vmem>>) dst(%dma_wait3A_278 : memref<10240x64xf32, #tpu.memory_space<vmem_shared>>)
    %dma_wait3A_279 = arith.constant 5 : i32
    %dma_wait3A_280 = arith.constant 5 : i32
    %dma_wait3A_281 = arith.constant 1 : i32
    %dma_wait3A_282 = arith.constant 0 : i32
    %dma_wait3A_283 = arith.constant 0 : i32
    %dma_wait3A_284 = tpu.memref_slice %arg8[%dma_wait3A_279, %dma_wait3A_282, %dma_wait3A_283] : memref<6x128x64xf32, #tpu.memory_space<vmem>> -> memref<1x128x64xf32, #tpu.memory_space<vmem>>
    %dma_wait3A_285 = tpu.memref_squeeze %dma_wait3A_284 : memref<1x128x64xf32, #tpu.memory_space<vmem>> -> memref<128x64xf32, #tpu.memory_space<vmem>>
    %dma_wait3A_286 = arith.constant 0 : i32
    %dma_wait3A_287 = tpu.memref_slice %arg7[%dma_wait3A_280, %dma_wait3A_281, %dma_wait3A_286] : memref<6x2x128xi32, #tpu.memory_space<vmem>> -> memref<1x1x128xi32, #tpu.memory_space<vmem>>
    %dma_wait3A_288 = tpu.memref_squeeze %dma_wait3A_287 : memref<1x1x128xi32, #tpu.memory_space<vmem>> -> memref<128xi32, #tpu.memory_space<vmem>>
    %dma_wait3A_289 = arith.constant 0 : i32
    %dma_wait3A_290 = arith.constant 0 : i32
    %dma_wait3A_291 = tpu.memref_slice %arg9[%dma_wait3A_289, %dma_wait3A_290] : memref<10240x64xf32, #tpu.memory_space<vmem_shared>> -> memref<10240x64xf32, #tpu.memory_space<vmem_shared>>
    tpu.wait_indirect_dma semaphore(%arg11 : memref<!tpu.dma_semaphore, #tpu.memory_space<semaphore_mem>>) src(%dma_wait3A_285 : memref<128x64xf32, #tpu.memory_space<vmem>>) dst(%dma_wait3A_291 : memref<10240x64xf32, #tpu.memory_space<vmem_shared>>)
    %barrier3A_292 = arith.constant 0 : index
    tpu.barrier barrier_id(%barrier3A_292)
    %mul3A_293 = arith.constant 640 : i32
    %mul3A_294 = arith.muli %arg1, %mul3A_293 : i32
    %mul3A_295 = arith.constant 640 : i32
    %mul3A_296 = arith.muli %arg1, %mul3A_295 : i32
    %run_scoped3A_297 = arith.constant 1 : i32
    "tpu.region"() ({
      %run_scoped3A_298 = tpu.sem_alloc : memref<!tpu.dma_semaphore, #tpu.memory_space<semaphore_mem>>
      %dma_start3A_299 = arith.constant 0 : i32
      %dma_start3A_300 = tpu.memref_slice %arg6[%run_scoped3A_297, %arg0, %mul3A_296, %dma_start3A_299] : memref<2x2x10240x64xf32, #tpu.memory_space<hbm>> -> memref<1x1x640x64xf32, #tpu.memory_space<hbm>>
      %dma_start3A_301 = tpu.memref_squeeze %dma_start3A_300 : memref<1x1x640x64xf32, #tpu.memory_space<hbm>> -> memref<640x64xf32, #tpu.memory_space<hbm>>
      %dma_start3A_302 = arith.constant 0 : i32
      %dma_start3A_303 = tpu.memref_slice %arg9[%mul3A_294, %dma_start3A_302] : memref<10240x64xf32, #tpu.memory_space<vmem_shared>> -> memref<640x64xf32, #tpu.memory_space<vmem_shared>>
      tpu.enqueue_dma source(%dma_start3A_303 : memref<640x64xf32, #tpu.memory_space<vmem_shared>>) target(%dma_start3A_301 : memref<640x64xf32, #tpu.memory_space<hbm>>) target_semaphore(%run_scoped3A_298 : memref<!tpu.dma_semaphore, #tpu.memory_space<semaphore_mem>>)
      %dma_wait3A_304 = arith.constant 0 : i32
      %dma_wait3A_305 = tpu.memref_slice %arg6[%run_scoped3A_297, %arg0, %mul3A_296, %dma_wait3A_304] : memref<2x2x10240x64xf32, #tpu.memory_space<hbm>> -> memref<1x1x640x64xf32, #tpu.memory_space<hbm>>
      %dma_wait3A_306 = tpu.memref_squeeze %dma_wait3A_305 : memref<1x1x640x64xf32, #tpu.memory_space<hbm>> -> memref<640x64xf32, #tpu.memory_space<hbm>>
      %dma_wait3A_307 = arith.constant 0 : i32
      %dma_wait3A_308 = tpu.memref_slice %arg9[%mul3A_294, %dma_wait3A_307] : memref<10240x64xf32, #tpu.memory_space<vmem_shared>> -> memref<640x64xf32, #tpu.memory_space<vmem_shared>>
      tpu.wait_dma2 semaphore(%run_scoped3A_298 : memref<!tpu.dma_semaphore, #tpu.memory_space<semaphore_mem>>) src(%dma_wait3A_308 : memref<640x64xf32, #tpu.memory_space<vmem_shared>>) dst(%dma_wait3A_306 : memref<640x64xf32, #tpu.memory_space<hbm>>)
      tpu.yield
    }) : () -> ()
    return
  }
}

module attributes {stable_mosaic.version = 14 : i64} {
  func.func @body(%arg0: i32, %arg1: memref<1x512x16xf32, #tpu.memory_space<vmem>>, %arg2: memref<1x512x16xf32, #tpu.memory_space<vmem>>, %arg3: memref<512x128xf32, #tpu.memory_space<vmem>>, %arg4: memref<128x128xf32, #tpu.memory_space<vmem>>, %arg5: memref<512x16xf32, #tpu.memory_space<vmem>>, %arg6: memref<512x64xf32, #tpu.memory_space<vmem>>, %arg7: memref<512x64xf32, #tpu.memory_space<vmem>>) attributes {dimension_semantics = [#tpu.dimension_semantics<arbitrary>], iteration_bounds = array<i64: 20>, scalar_prefetch = 0 : i64, scratch_operands = 0 : i64, tpu.core_type = #tpu.core_type<tc>, window_params = [{transform_indices = @transform_0, window_bounds = array<i64: 1, 512, 16>}, {transform_indices = @transform_1, window_bounds = array<i64: 1, 512, 16>}, {transform_indices = @transform_2, window_bounds = array<i64: 512, 128>}, {pipeline_mode = #tpu.pipeline_mode<synchronous>, transform_indices = @transform_3, window_bounds = array<i64: 128, 128>}, {transform_indices = @transform_4, window_bounds = array<i64: 512, 16>}, {transform_indices = @transform_5, window_bounds = array<i64: 512, 64>}, {transform_indices = @transform_6, window_bounds = array<i64: 512, 64>}]} {
    %get3A = arith.constant 0 : index
    %get3A_0 = arith.constant 0 : index
    %get3A_1 = arith.constant 0 : index
    %get3A_2 = vector.load %arg1[%get3A, %get3A_0, %get3A_1] : memref<1x512x16xf32, #tpu.memory_space<vmem>>, vector<1x512x16xf32>
    %get3A_3 = vector.shape_cast %get3A_2 : vector<1x512x16xf32> to vector<512x16xf32>
    %get3A_4 = arith.constant 0 : index
    %get3A_5 = arith.constant 0 : index
    %get3A_6 = arith.constant 0 : index
    %get3A_7 = vector.load %arg2[%get3A_4, %get3A_5, %get3A_6] : memref<1x512x16xf32, #tpu.memory_space<vmem>>, vector<1x512x16xf32>
    %get3A_8 = vector.shape_cast %get3A_7 : vector<1x512x16xf32> to vector<512x16xf32>
    %add3A = arith.addf %get3A_3, %get3A_8 : vector<512x16xf32>
    %add3A_9 = arith.constant 1.000000e+00 : f32
    %add3A_10 = vector.broadcast %add3A_9 : f32 to vector<512x16xf32>
    %add3A_11 = arith.addf %add3A, %add3A_10 : vector<512x16xf32>
    %rsqrt3A = math.rsqrt %add3A_11 : vector<512x16xf32>
    %swap3A = arith.constant 0 : index
    %swap3A_12 = arith.constant 0 : index
    %swap3A_13 = vector.load %arg5[%swap3A, %swap3A_12] : memref<512x16xf32, #tpu.memory_space<vmem>>, vector<512x16xf32>
    tpu.vector_store %arg5[%swap3A, %swap3A_12], %rsqrt3A {strides = array<i32>} : memref<512x16xf32, #tpu.memory_space<vmem>>, vector<512x16xf32>,
    %get3A_14 = arith.constant 0 : index
    %get3A_15 = arith.constant 0 : index
    %get3A_16 = vector.load %arg3[%get3A_14, %get3A_15] : memref<512x128xf32, #tpu.memory_space<vmem>>, vector<512x128xf32>
    %get3A_17 = arith.constant 0 : index
    %get3A_18 = arith.constant 0 : index
    %get3A_19 = vector.load %arg4[%get3A_17, %get3A_18] : memref<128x128xf32, #tpu.memory_space<vmem>>, vector<128x128xf32>
    %dot_general3A = arith.constant dense<0.000000e+00> : vector<512x128xf32>
    %dot_general3A_20 = tpu.matmul %get3A_16, %get3A_19, %dot_general3A {dimension_numbers = #tpu.dot_dimension_numbers<[1], [0], [0], [1], [0, 0, 1, 1], [], []>, transpose_lhs_hint = false} : vector<512x128xf32>, vector<128x128xf32>, vector<512x128xf32> -> vector<512x128xf32>
    %slice3A = vector.extract_strided_slice %rsqrt3A {offsets = [0, 0], sizes = [512, 1], strides = [1, 1]} : vector<512x16xf32> to vector<512x1xf32>
    %mul3A = vector.broadcast %slice3A : vector<512x1xf32> to vector<512x128xf32>
    %mul3A_21 = arith.mulf %dot_general3A_20, %mul3A : vector<512x128xf32>
    %slice3A_22 = vector.extract_strided_slice %mul3A_21 {offsets = [0, 0], sizes = [512, 64], strides = [1, 1]} : vector<512x128xf32> to vector<512x64xf32>
    %swap3A_23 = arith.constant 0 : index
    %swap3A_24 = arith.constant 0 : index
    %swap3A_25 = vector.load %arg6[%swap3A_23, %swap3A_24] : memref<512x64xf32, #tpu.memory_space<vmem>>, vector<512x64xf32>
    tpu.vector_store %arg6[%swap3A_23, %swap3A_24], %slice3A_22 {strides = array<i32>} : memref<512x64xf32, #tpu.memory_space<vmem>>, vector<512x64xf32>,
    %slice3A_26 = vector.extract_strided_slice %mul3A_21 {offsets = [0, 64], sizes = [512, 64], strides = [1, 1]} : vector<512x128xf32> to vector<512x64xf32>
    %swap3A_27 = arith.constant 0 : index
    %swap3A_28 = arith.constant 0 : index
    %swap3A_29 = vector.load %arg7[%swap3A_27, %swap3A_28] : memref<512x64xf32, #tpu.memory_space<vmem>>, vector<512x64xf32>
    tpu.vector_store %arg7[%swap3A_27, %swap3A_28], %slice3A_26 {strides = array<i32>} : memref<512x64xf32, #tpu.memory_space<vmem>>, vector<512x64xf32>,
    return
  }
  func.func @transform_0(%arg0: i32) -> (i32, i32, i32) {
    %c0_i32 = arith.constant 0 : i32
    %c0_i32_0 = arith.constant 0 : i32
    %c0_i32_1 = arith.constant 0 : i32
    return %c0_i32, %arg0, %c0_i32_0 : i32, i32, i32
  }
  func.func @transform_1(%arg0: i32) -> (i32, i32, i32) {
    %c1_i32 = arith.constant 1 : i32
    %c0_i32 = arith.constant 0 : i32
    %c0_i32_0 = arith.constant 0 : i32
    return %c1_i32, %arg0, %c0_i32 : i32, i32, i32
  }
  func.func @transform_2(%arg0: i32) -> (i32, i32) {
    %c0_i32 = arith.constant 0 : i32
    %c0_i32_0 = arith.constant 0 : i32
    return %arg0, %c0_i32 : i32, i32
  }
  func.func @transform_3(%arg0: i32) -> (i32, i32) {
    %c0_i32 = arith.constant 0 : i32
    %c0_i32_0 = arith.constant 0 : i32
    %c0_i32_1 = arith.constant 0 : i32
    return %c0_i32, %c0_i32_0 : i32, i32
  }
  func.func @transform_4(%arg0: i32) -> (i32, i32) {
    %c0_i32 = arith.constant 0 : i32
    %c0_i32_0 = arith.constant 0 : i32
    return %arg0, %c0_i32 : i32, i32
  }
  func.func @transform_5(%arg0: i32) -> (i32, i32) {
    %c0_i32 = arith.constant 0 : i32
    %c0_i32_0 = arith.constant 0 : i32
    return %arg0, %c0_i32 : i32, i32
  }
  func.func @transform_6(%arg0: i32) -> (i32, i32) {
    %c0_i32 = arith.constant 0 : i32
    %c0_i32_0 = arith.constant 0 : i32
    return %arg0, %c0_i32 : i32, i32
  }
}

module attributes {stable_mosaic.version = 14 : i64} {
  func.func @body(%arg0: i32, %arg1: memref<1x1x512x64xf32, #tpu.memory_space<vmem>>, %arg2: memref<1x1x512x64xf32, #tpu.memory_space<vmem>>, %arg3: memref<1x1x512x64xf32, #tpu.memory_space<vmem>>, %arg4: memref<1x1x512x64xf32, #tpu.memory_space<vmem>>, %arg5: memref<512x64xf32, #tpu.memory_space<vmem>>, %arg6: memref<512x64xf32, #tpu.memory_space<vmem>>, %arg7: memref<512x128xf32, #tpu.memory_space<vmem>>, %arg8: memref<512x16xf32, #tpu.memory_space<vmem>>, %arg9: memref<128xf32, #tpu.memory_space<vmem>>, %arg10: memref<128xf32, #tpu.memory_space<vmem>>, %arg11: memref<128xf32, #tpu.memory_space<vmem>>, %arg12: memref<128x64xf32, #tpu.memory_space<vmem>>, %arg13: memref<128x64xf32, #tpu.memory_space<vmem>>, %arg14: memref<64xf32, #tpu.memory_space<vmem>>, %arg15: memref<512x64xf32, #tpu.memory_space<vmem>>, %arg16: memref<512x64xf32, #tpu.memory_space<vmem>>) attributes {dimension_semantics = [#tpu.dimension_semantics<arbitrary>], iteration_bounds = array<i64: 20>, scalar_prefetch = 0 : i64, scratch_operands = 0 : i64, tpu.core_type = #tpu.core_type<tc>, window_params = [{transform_indices = @transform_0, window_bounds = array<i64: 1, 1, 512, 64>}, {transform_indices = @transform_1, window_bounds = array<i64: 1, 1, 512, 64>}, {transform_indices = @transform_2, window_bounds = array<i64: 1, 1, 512, 64>}, {transform_indices = @transform_3, window_bounds = array<i64: 1, 1, 512, 64>}, {transform_indices = @transform_4, window_bounds = array<i64: 512, 64>}, {transform_indices = @transform_5, window_bounds = array<i64: 512, 64>}, {transform_indices = @transform_6, window_bounds = array<i64: 512, 128>}, {transform_indices = @transform_7, window_bounds = array<i64: 512, 16>}, {pipeline_mode = #tpu.pipeline_mode<synchronous>, transform_indices = @transform_8, window_bounds = array<i64: 128>}, {pipeline_mode = #tpu.pipeline_mode<synchronous>, transform_indices = @transform_9, window_bounds = array<i64: 128>}, {pipeline_mode = #tpu.pipeline_mode<synchronous>, transform_indices = @transform_10, window_bounds = array<i64: 128>}, {pipeline_mode = #tpu.pipeline_mode<synchronous>, transform_indices = @transform_11, window_bounds = array<i64: 128, 64>}, {pipeline_mode = #tpu.pipeline_mode<synchronous>, transform_indices = @transform_12, window_bounds = array<i64: 128, 64>}, {pipeline_mode = #tpu.pipeline_mode<synchronous>, transform_indices = @transform_13, window_bounds = array<i64: 64>}, {transform_indices = @transform_14, window_bounds = array<i64: 512, 64>}, {transform_indices = @transform_15, window_bounds = array<i64: 512, 64>}]} {
    %get3A = arith.constant 0 : index
    %get3A_0 = arith.constant 0 : index
    %get3A_1 = vector.load %arg8[%get3A, %get3A_0] : memref<512x16xf32, #tpu.memory_space<vmem>>, vector<512x16xf32>
    %slice3A = vector.extract_strided_slice %get3A_1 {offsets = [0, 0], sizes = [512, 1], strides = [1, 1]} : vector<512x16xf32> to vector<512x1xf32>
    %get3A_2 = arith.constant 0 : index
    %get3A_3 = arith.constant 0 : index
    %get3A_4 = arith.constant 0 : index
    %get3A_5 = arith.constant 0 : index
    %get3A_6 = vector.load %arg1[%get3A_2, %get3A_3, %get3A_4, %get3A_5] : memref<1x1x512x64xf32, #tpu.memory_space<vmem>>, vector<1x1x512x64xf32>
    %get3A_7 = vector.shape_cast %get3A_6 : vector<1x1x512x64xf32> to vector<512x64xf32>
    %get3A_8 = arith.constant 0 : index
    %get3A_9 = arith.constant 0 : index
    %get3A_10 = arith.constant 0 : index
    %get3A_11 = arith.constant 0 : index
    %get3A_12 = vector.load %arg2[%get3A_8, %get3A_9, %get3A_10, %get3A_11] : memref<1x1x512x64xf32, #tpu.memory_space<vmem>>, vector<1x1x512x64xf32>
    %get3A_13 = vector.shape_cast %get3A_12 : vector<1x1x512x64xf32> to vector<512x64xf32>
    %add3A = arith.addf %get3A_7, %get3A_13 : vector<512x64xf32>
    %get3A_14 = arith.constant 0 : index
    %get3A_15 = arith.constant 0 : index
    %get3A_16 = vector.load %arg5[%get3A_14, %get3A_15] : memref<512x64xf32, #tpu.memory_space<vmem>>, vector<512x64xf32>
    %add3A_17 = arith.addf %add3A, %get3A_16 : vector<512x64xf32>
    %get3A_18 = arith.constant 0 : index
    %get3A_19 = arith.constant 0 : index
    %get3A_20 = arith.constant 0 : index
    %get3A_21 = arith.constant 0 : index
    %get3A_22 = vector.load %arg3[%get3A_18, %get3A_19, %get3A_20, %get3A_21] : memref<1x1x512x64xf32, #tpu.memory_space<vmem>>, vector<1x1x512x64xf32>
    %get3A_23 = vector.shape_cast %get3A_22 : vector<1x1x512x64xf32> to vector<512x64xf32>
    %get3A_24 = arith.constant 0 : index
    %get3A_25 = arith.constant 0 : index
    %get3A_26 = arith.constant 0 : index
    %get3A_27 = arith.constant 0 : index
    %get3A_28 = vector.load %arg4[%get3A_24, %get3A_25, %get3A_26, %get3A_27] : memref<1x1x512x64xf32, #tpu.memory_space<vmem>>, vector<1x1x512x64xf32>
    %get3A_29 = vector.shape_cast %get3A_28 : vector<1x1x512x64xf32> to vector<512x64xf32>
    %add3A_30 = arith.addf %get3A_23, %get3A_29 : vector<512x64xf32>
    %get3A_31 = arith.constant 0 : index
    %get3A_32 = arith.constant 0 : index
    %get3A_33 = vector.load %arg6[%get3A_31, %get3A_32] : memref<512x64xf32, #tpu.memory_space<vmem>>, vector<512x64xf32>
    %add3A_34 = arith.addf %add3A_30, %get3A_33 : vector<512x64xf32>
    %concatenate3A = tpu.concatenate %add3A_17, %add3A_34 in 1 : vector<512x64xf32>, vector<512x64xf32> -> vector<512x128xf32>
    %mul3A = vector.broadcast %slice3A : vector<512x1xf32> to vector<512x128xf32>
    %mul3A_35 = arith.mulf %concatenate3A, %mul3A : vector<512x128xf32>
    %get3A_36 = arith.constant 0 : index
    %get3A_37 = vector.load %arg9[%get3A_36] : memref<128xf32, #tpu.memory_space<vmem>>, vector<128xf32>
    %broadcast_in_dim3A = vector.shape_cast %get3A_37 : vector<128xf32> to vector<1x128xf32>
    %add3A_38 = vector.broadcast %broadcast_in_dim3A : vector<1x128xf32> to vector<512x128xf32>
    %add3A_39 = arith.addf %mul3A_35, %add3A_38 : vector<512x128xf32>
    %get3A_40 = arith.constant 0 : index
    %get3A_41 = vector.load %arg10[%get3A_40] : memref<128xf32, #tpu.memory_space<vmem>>, vector<128xf32>
    %broadcast_in_dim3A_42 = vector.shape_cast %get3A_41 : vector<128xf32> to vector<1x128xf32>
    %mul3A_43 = arith.constant 0.999994993 : f32
    %mul3A_44 = vector.broadcast %mul3A_43 : f32 to vector<1x128xf32>
    %mul3A_45 = arith.mulf %mul3A_44, %broadcast_in_dim3A_42 : vector<1x128xf32>
    %mul3A_46 = vector.broadcast %mul3A_45 : vector<1x128xf32> to vector<512x128xf32>
    %mul3A_47 = arith.mulf %add3A_39, %mul3A_46 : vector<512x128xf32>
    %get3A_48 = arith.constant 0 : index
    %get3A_49 = vector.load %arg11[%get3A_48] : memref<128xf32, #tpu.memory_space<vmem>>, vector<128xf32>
    %broadcast_in_dim3A_50 = vector.shape_cast %get3A_49 : vector<128xf32> to vector<1x128xf32>
    %add3A_51 = vector.broadcast %broadcast_in_dim3A_50 : vector<1x128xf32> to vector<512x128xf32>
    %add3A_52 = arith.addf %mul3A_47, %add3A_51 : vector<512x128xf32>
    %max3A = arith.constant 0.000000e+00 : f32
    %max3A_53 = vector.broadcast %max3A : f32 to vector<512x128xf32>
    %max3A_54 = arith.maximumf %add3A_52, %max3A_53 : vector<512x128xf32>
    %get3A_55 = arith.constant 0 : index
    %get3A_56 = arith.constant 0 : index
    %get3A_57 = vector.load %arg7[%get3A_55, %get3A_56] : memref<512x128xf32, #tpu.memory_space<vmem>>, vector<512x128xf32>
    %add3A_58 = arith.addf %max3A_54, %get3A_57 : vector<512x128xf32>
    %get3A_59 = arith.constant 0 : index
    %get3A_60 = arith.constant 0 : index
    %get3A_61 = vector.load %arg12[%get3A_59, %get3A_60] : memref<128x64xf32, #tpu.memory_space<vmem>>, vector<128x64xf32>
    %dot_general3A = arith.constant dense<0.000000e+00> : vector<512x64xf32>
    %dot_general3A_62 = tpu.matmul %add3A_58, %get3A_61, %dot_general3A {dimension_numbers = #tpu.dot_dimension_numbers<[1], [0], [0], [1], [0, 0, 1, 1], [], []>, transpose_lhs_hint = false} : vector<512x128xf32>, vector<128x64xf32>, vector<512x64xf32> -> vector<512x64xf32>
    %mul3A_63 = vector.broadcast %slice3A : vector<512x1xf32> to vector<512x64xf32>
    %mul3A_64 = arith.mulf %dot_general3A_62, %mul3A_63 : vector<512x64xf32>
    %swap3A = arith.constant 0 : index
    %swap3A_65 = arith.constant 0 : index
    %swap3A_66 = vector.load %arg15[%swap3A, %swap3A_65] : memref<512x64xf32, #tpu.memory_space<vmem>>, vector<512x64xf32>
    tpu.vector_store %arg15[%swap3A, %swap3A_65], %mul3A_64 {strides = array<i32>} : memref<512x64xf32, #tpu.memory_space<vmem>>, vector<512x64xf32>,
    %get3A_67 = arith.constant 0 : index
    %get3A_68 = arith.constant 0 : index
    %get3A_69 = vector.load %arg13[%get3A_67, %get3A_68] : memref<128x64xf32, #tpu.memory_space<vmem>>, vector<128x64xf32>
    %dot_general3A_70 = arith.constant dense<0.000000e+00> : vector<512x64xf32>
    %dot_general3A_71 = tpu.matmul %add3A_58, %get3A_69, %dot_general3A_70 {dimension_numbers = #tpu.dot_dimension_numbers<[1], [0], [0], [1], [0, 0, 1, 1], [], []>, transpose_lhs_hint = false} : vector<512x128xf32>, vector<128x64xf32>, vector<512x64xf32> -> vector<512x64xf32>
    %get3A_72 = arith.constant 0 : index
    %get3A_73 = vector.load %arg14[%get3A_72] : memref<64xf32, #tpu.memory_space<vmem>>, vector<64xf32>
    %broadcast_in_dim3A_74 = vector.shape_cast %get3A_73 : vector<64xf32> to vector<1x64xf32>
    %add3A_75 = vector.broadcast %broadcast_in_dim3A_74 : vector<1x64xf32> to vector<512x64xf32>
    %add3A_76 = arith.addf %dot_general3A_71, %add3A_75 : vector<512x64xf32>
    %swap3A_77 = arith.constant 0 : index
    %swap3A_78 = arith.constant 0 : index
    %swap3A_79 = vector.load %arg16[%swap3A_77, %swap3A_78] : memref<512x64xf32, #tpu.memory_space<vmem>>, vector<512x64xf32>
    tpu.vector_store %arg16[%swap3A_77, %swap3A_78], %add3A_76 {strides = array<i32>} : memref<512x64xf32, #tpu.memory_space<vmem>>, vector<512x64xf32>,
    return
  }
  func.func @transform_0(%arg0: i32) -> (i32, i32, i32, i32) {
    %c0_i32 = arith.constant 0 : i32
    %c0_i32_0 = arith.constant 0 : i32
    %c0_i32_1 = arith.constant 0 : i32
    %c0_i32_2 = arith.constant 0 : i32
    return %c0_i32, %c0_i32_0, %arg0, %c0_i32_1 : i32, i32, i32, i32
  }
  func.func @transform_1(%arg0: i32) -> (i32, i32, i32, i32) {
    %c0_i32 = arith.constant 0 : i32
    %c1_i32 = arith.constant 1 : i32
    %c0_i32_0 = arith.constant 0 : i32
    %c0_i32_1 = arith.constant 0 : i32
    return %c0_i32, %c1_i32, %arg0, %c0_i32_0 : i32, i32, i32, i32
  }
  func.func @transform_2(%arg0: i32) -> (i32, i32, i32, i32) {
    %c1_i32 = arith.constant 1 : i32
    %c0_i32 = arith.constant 0 : i32
    %c0_i32_0 = arith.constant 0 : i32
    %c0_i32_1 = arith.constant 0 : i32
    return %c1_i32, %c0_i32, %arg0, %c0_i32_0 : i32, i32, i32, i32
  }
  func.func @transform_3(%arg0: i32) -> (i32, i32, i32, i32) {
    %c1_i32 = arith.constant 1 : i32
    %c1_i32_0 = arith.constant 1 : i32
    %c0_i32 = arith.constant 0 : i32
    %c0_i32_1 = arith.constant 0 : i32
    return %c1_i32, %c1_i32_0, %arg0, %c0_i32 : i32, i32, i32, i32
  }
  func.func @transform_4(%arg0: i32) -> (i32, i32) {
    %c0_i32 = arith.constant 0 : i32
    %c0_i32_0 = arith.constant 0 : i32
    return %arg0, %c0_i32 : i32, i32
  }
  func.func @transform_5(%arg0: i32) -> (i32, i32) {
    %c0_i32 = arith.constant 0 : i32
    %c0_i32_0 = arith.constant 0 : i32
    return %arg0, %c0_i32 : i32, i32
  }
  func.func @transform_6(%arg0: i32) -> (i32, i32) {
    %c0_i32 = arith.constant 0 : i32
    %c0_i32_0 = arith.constant 0 : i32
    return %arg0, %c0_i32 : i32, i32
  }
  func.func @transform_7(%arg0: i32) -> (i32, i32) {
    %c0_i32 = arith.constant 0 : i32
    %c0_i32_0 = arith.constant 0 : i32
    return %arg0, %c0_i32 : i32, i32
  }
  func.func @transform_8(%arg0: i32) -> i32 {
    %c0_i32 = arith.constant 0 : i32
    %c0_i32_0 = arith.constant 0 : i32
    return %c0_i32 : i32
  }
  func.func @transform_9(%arg0: i32) -> i32 {
    %c0_i32 = arith.constant 0 : i32
    %c0_i32_0 = arith.constant 0 : i32
    return %c0_i32 : i32
  }
  func.func @transform_10(%arg0: i32) -> i32 {
    %c0_i32 = arith.constant 0 : i32
    %c0_i32_0 = arith.constant 0 : i32
    return %c0_i32 : i32
  }
  func.func @transform_11(%arg0: i32) -> (i32, i32) {
    %c0_i32 = arith.constant 0 : i32
    %c0_i32_0 = arith.constant 0 : i32
    %c0_i32_1 = arith.constant 0 : i32
    return %c0_i32, %c0_i32_0 : i32, i32
  }
  func.func @transform_12(%arg0: i32) -> (i32, i32) {
    %c0_i32 = arith.constant 0 : i32
    %c0_i32_0 = arith.constant 0 : i32
    %c0_i32_1 = arith.constant 0 : i32
    return %c0_i32, %c0_i32_0 : i32, i32
  }
  func.func @transform_13(%arg0: i32) -> i32 {
    %c0_i32 = arith.constant 0 : i32
    %c0_i32_0 = arith.constant 0 : i32
    return %c0_i32 : i32
  }
  func.func @transform_14(%arg0: i32) -> (i32, i32) {
    %c0_i32 = arith.constant 0 : i32
    %c0_i32_0 = arith.constant 0 : i32
    return %arg0, %c0_i32 : i32, i32
  }
  func.func @transform_15(%arg0: i32) -> (i32, i32) {
    %c0_i32 = arith.constant 0 : i32
    %c0_i32_0 = arith.constant 0 : i32
    return %arg0, %c0_i32 : i32, i32
  }
}

module attributes {stable_mosaic.version = 14 : i64} {
  func.func @body(%arg0: i32, %arg1: memref<1x1x512x64xf32, #tpu.memory_space<vmem>>, %arg2: memref<1x1x512x64xf32, #tpu.memory_space<vmem>>, %arg3: memref<512x64xf32, #tpu.memory_space<vmem>>, %arg4: memref<512x64xf32, #tpu.memory_space<vmem>>, %arg5: memref<512x16xf32, #tpu.memory_space<vmem>>, %arg6: memref<64xf32, #tpu.memory_space<vmem>>, %arg7: memref<64xf32, #tpu.memory_space<vmem>>, %arg8: memref<64xf32, #tpu.memory_space<vmem>>, %arg9: memref<64x32xf32, #tpu.memory_space<vmem>>, %arg10: memref<64x32xf32, #tpu.memory_space<vmem>>, %arg11: memref<32xf32, #tpu.memory_space<vmem>>, %arg12: memref<512x32xf32, #tpu.memory_space<vmem>>, %arg13: memref<512x32xf32, #tpu.memory_space<vmem>>) attributes {dimension_semantics = [#tpu.dimension_semantics<arbitrary>], iteration_bounds = array<i64: 20>, scalar_prefetch = 0 : i64, scratch_operands = 0 : i64, tpu.core_type = #tpu.core_type<tc>, window_params = [{transform_indices = @transform_0, window_bounds = array<i64: 1, 1, 512, 64>}, {transform_indices = @transform_1, window_bounds = array<i64: 1, 1, 512, 64>}, {transform_indices = @transform_2, window_bounds = array<i64: 512, 64>}, {transform_indices = @transform_3, window_bounds = array<i64: 512, 64>}, {transform_indices = @transform_4, window_bounds = array<i64: 512, 16>}, {pipeline_mode = #tpu.pipeline_mode<synchronous>, transform_indices = @transform_5, window_bounds = array<i64: 64>}, {pipeline_mode = #tpu.pipeline_mode<synchronous>, transform_indices = @transform_6, window_bounds = array<i64: 64>}, {pipeline_mode = #tpu.pipeline_mode<synchronous>, transform_indices = @transform_7, window_bounds = array<i64: 64>}, {pipeline_mode = #tpu.pipeline_mode<synchronous>, transform_indices = @transform_8, window_bounds = array<i64: 64, 32>}, {pipeline_mode = #tpu.pipeline_mode<synchronous>, transform_indices = @transform_9, window_bounds = array<i64: 64, 32>}, {pipeline_mode = #tpu.pipeline_mode<synchronous>, transform_indices = @transform_10, window_bounds = array<i64: 32>}, {transform_indices = @transform_11, window_bounds = array<i64: 512, 32>}, {transform_indices = @transform_12, window_bounds = array<i64: 512, 32>}]} {
    %get3A = arith.constant 0 : index
    %get3A_0 = arith.constant 0 : index
    %get3A_1 = vector.load %arg5[%get3A, %get3A_0] : memref<512x16xf32, #tpu.memory_space<vmem>>, vector<512x16xf32>
    %slice3A = vector.extract_strided_slice %get3A_1 {offsets = [0, 0], sizes = [512, 1], strides = [1, 1]} : vector<512x16xf32> to vector<512x1xf32>
    %get3A_2 = arith.constant 0 : index
    %get3A_3 = arith.constant 0 : index
    %get3A_4 = arith.constant 0 : index
    %get3A_5 = arith.constant 0 : index
    %get3A_6 = vector.load %arg1[%get3A_2, %get3A_3, %get3A_4, %get3A_5] : memref<1x1x512x64xf32, #tpu.memory_space<vmem>>, vector<1x1x512x64xf32>
    %get3A_7 = vector.shape_cast %get3A_6 : vector<1x1x512x64xf32> to vector<512x64xf32>
    %get3A_8 = arith.constant 0 : index
    %get3A_9 = arith.constant 0 : index
    %get3A_10 = arith.constant 0 : index
    %get3A_11 = arith.constant 0 : index
    %get3A_12 = vector.load %arg2[%get3A_8, %get3A_9, %get3A_10, %get3A_11] : memref<1x1x512x64xf32, #tpu.memory_space<vmem>>, vector<1x1x512x64xf32>
    %get3A_13 = vector.shape_cast %get3A_12 : vector<1x1x512x64xf32> to vector<512x64xf32>
    %add3A = arith.addf %get3A_7, %get3A_13 : vector<512x64xf32>
    %get3A_14 = arith.constant 0 : index
    %get3A_15 = arith.constant 0 : index
    %get3A_16 = vector.load %arg3[%get3A_14, %get3A_15] : memref<512x64xf32, #tpu.memory_space<vmem>>, vector<512x64xf32>
    %add3A_17 = arith.addf %add3A, %get3A_16 : vector<512x64xf32>
    %mul3A = vector.broadcast %slice3A : vector<512x1xf32> to vector<512x64xf32>
    %mul3A_18 = arith.mulf %add3A_17, %mul3A : vector<512x64xf32>
    %get3A_19 = arith.constant 0 : index
    %get3A_20 = vector.load %arg6[%get3A_19] : memref<64xf32, #tpu.memory_space<vmem>>, vector<64xf32>
    %broadcast_in_dim3A = vector.shape_cast %get3A_20 : vector<64xf32> to vector<1x64xf32>
    %add3A_21 = vector.broadcast %broadcast_in_dim3A : vector<1x64xf32> to vector<512x64xf32>
    %add3A_22 = arith.addf %mul3A_18, %add3A_21 : vector<512x64xf32>
    %get3A_23 = arith.constant 0 : index
    %get3A_24 = vector.load %arg7[%get3A_23] : memref<64xf32, #tpu.memory_space<vmem>>, vector<64xf32>
    %broadcast_in_dim3A_25 = vector.shape_cast %get3A_24 : vector<64xf32> to vector<1x64xf32>
    %mul3A_26 = arith.constant 0.999994993 : f32
    %mul3A_27 = vector.broadcast %mul3A_26 : f32 to vector<1x64xf32>
    %mul3A_28 = arith.mulf %mul3A_27, %broadcast_in_dim3A_25 : vector<1x64xf32>
    %mul3A_29 = vector.broadcast %mul3A_28 : vector<1x64xf32> to vector<512x64xf32>
    %mul3A_30 = arith.mulf %add3A_22, %mul3A_29 : vector<512x64xf32>
    %get3A_31 = arith.constant 0 : index
    %get3A_32 = vector.load %arg8[%get3A_31] : memref<64xf32, #tpu.memory_space<vmem>>, vector<64xf32>
    %broadcast_in_dim3A_33 = vector.shape_cast %get3A_32 : vector<64xf32> to vector<1x64xf32>
    %add3A_34 = vector.broadcast %broadcast_in_dim3A_33 : vector<1x64xf32> to vector<512x64xf32>
    %add3A_35 = arith.addf %mul3A_30, %add3A_34 : vector<512x64xf32>
    %max3A = arith.constant 0.000000e+00 : f32
    %max3A_36 = vector.broadcast %max3A : f32 to vector<512x64xf32>
    %max3A_37 = arith.maximumf %add3A_35, %max3A_36 : vector<512x64xf32>
    %get3A_38 = arith.constant 0 : index
    %get3A_39 = arith.constant 0 : index
    %get3A_40 = vector.load %arg4[%get3A_38, %get3A_39] : memref<512x64xf32, #tpu.memory_space<vmem>>, vector<512x64xf32>
    %add3A_41 = arith.addf %max3A_37, %get3A_40 : vector<512x64xf32>
    %get3A_42 = arith.constant 0 : index
    %get3A_43 = arith.constant 0 : index
    %get3A_44 = vector.load %arg9[%get3A_42, %get3A_43] : memref<64x32xf32, #tpu.memory_space<vmem>>, vector<64x32xf32>
    %dot_general3A = arith.constant dense<0.000000e+00> : vector<512x32xf32>
    %dot_general3A_45 = tpu.matmul %add3A_41, %get3A_44, %dot_general3A {dimension_numbers = #tpu.dot_dimension_numbers<[1], [0], [0], [1], [0, 0, 1, 1], [], []>, transpose_lhs_hint = false} : vector<512x64xf32>, vector<64x32xf32>, vector<512x32xf32> -> vector<512x32xf32>
    %mul3A_46 = vector.broadcast %slice3A : vector<512x1xf32> to vector<512x32xf32>
    %mul3A_47 = arith.mulf %dot_general3A_45, %mul3A_46 : vector<512x32xf32>
    %swap3A = arith.constant 0 : index
    %swap3A_48 = arith.constant 0 : index
    %swap3A_49 = vector.load %arg12[%swap3A, %swap3A_48] : memref<512x32xf32, #tpu.memory_space<vmem>>, vector<512x32xf32>
    tpu.vector_store %arg12[%swap3A, %swap3A_48], %mul3A_47 {strides = array<i32>} : memref<512x32xf32, #tpu.memory_space<vmem>>, vector<512x32xf32>,
    %get3A_50 = arith.constant 0 : index
    %get3A_51 = arith.constant 0 : index
    %get3A_52 = vector.load %arg10[%get3A_50, %get3A_51] : memref<64x32xf32, #tpu.memory_space<vmem>>, vector<64x32xf32>
    %dot_general3A_53 = arith.constant dense<0.000000e+00> : vector<512x32xf32>
    %dot_general3A_54 = tpu.matmul %add3A_41, %get3A_52, %dot_general3A_53 {dimension_numbers = #tpu.dot_dimension_numbers<[1], [0], [0], [1], [0, 0, 1, 1], [], []>, transpose_lhs_hint = false} : vector<512x64xf32>, vector<64x32xf32>, vector<512x32xf32> -> vector<512x32xf32>
    %get3A_55 = arith.constant 0 : index
    %get3A_56 = vector.load %arg11[%get3A_55] : memref<32xf32, #tpu.memory_space<vmem>>, vector<32xf32>
    %broadcast_in_dim3A_57 = vector.shape_cast %get3A_56 : vector<32xf32> to vector<1x32xf32>
    %add3A_58 = vector.broadcast %broadcast_in_dim3A_57 : vector<1x32xf32> to vector<512x32xf32>
    %add3A_59 = arith.addf %dot_general3A_54, %add3A_58 : vector<512x32xf32>
    %swap3A_60 = arith.constant 0 : index
    %swap3A_61 = arith.constant 0 : index
    %swap3A_62 = vector.load %arg13[%swap3A_60, %swap3A_61] : memref<512x32xf32, #tpu.memory_space<vmem>>, vector<512x32xf32>
    tpu.vector_store %arg13[%swap3A_60, %swap3A_61], %add3A_59 {strides = array<i32>} : memref<512x32xf32, #tpu.memory_space<vmem>>, vector<512x32xf32>,
    return
  }
  func.func @transform_0(%arg0: i32) -> (i32, i32, i32, i32) {
    %c0_i32 = arith.constant 0 : i32
    %c0_i32_0 = arith.constant 0 : i32
    %c0_i32_1 = arith.constant 0 : i32
    %c0_i32_2 = arith.constant 0 : i32
    return %c0_i32, %c0_i32_0, %arg0, %c0_i32_1 : i32, i32, i32, i32
  }
  func.func @transform_1(%arg0: i32) -> (i32, i32, i32, i32) {
    %c0_i32 = arith.constant 0 : i32
    %c1_i32 = arith.constant 1 : i32
    %c0_i32_0 = arith.constant 0 : i32
    %c0_i32_1 = arith.constant 0 : i32
    return %c0_i32, %c1_i32, %arg0, %c0_i32_0 : i32, i32, i32, i32
  }
  func.func @transform_2(%arg0: i32) -> (i32, i32) {
    %c0_i32 = arith.constant 0 : i32
    %c0_i32_0 = arith.constant 0 : i32
    return %arg0, %c0_i32 : i32, i32
  }
  func.func @transform_3(%arg0: i32) -> (i32, i32) {
    %c0_i32 = arith.constant 0 : i32
    %c0_i32_0 = arith.constant 0 : i32
    return %arg0, %c0_i32 : i32, i32
  }
  func.func @transform_4(%arg0: i32) -> (i32, i32) {
    %c0_i32 = arith.constant 0 : i32
    %c0_i32_0 = arith.constant 0 : i32
    return %arg0, %c0_i32 : i32, i32
  }
  func.func @transform_5(%arg0: i32) -> i32 {
    %c0_i32 = arith.constant 0 : i32
    %c0_i32_0 = arith.constant 0 : i32
    return %c0_i32 : i32
  }
  func.func @transform_6(%arg0: i32) -> i32 {
    %c0_i32 = arith.constant 0 : i32
    %c0_i32_0 = arith.constant 0 : i32
    return %c0_i32 : i32
  }
  func.func @transform_7(%arg0: i32) -> i32 {
    %c0_i32 = arith.constant 0 : i32
    %c0_i32_0 = arith.constant 0 : i32
    return %c0_i32 : i32
  }
  func.func @transform_8(%arg0: i32) -> (i32, i32) {
    %c0_i32 = arith.constant 0 : i32
    %c0_i32_0 = arith.constant 0 : i32
    %c0_i32_1 = arith.constant 0 : i32
    return %c0_i32, %c0_i32_0 : i32, i32
  }
  func.func @transform_9(%arg0: i32) -> (i32, i32) {
    %c0_i32 = arith.constant 0 : i32
    %c0_i32_0 = arith.constant 0 : i32
    %c0_i32_1 = arith.constant 0 : i32
    return %c0_i32, %c0_i32_0 : i32, i32
  }
  func.func @transform_10(%arg0: i32) -> i32 {
    %c0_i32 = arith.constant 0 : i32
    %c0_i32_0 = arith.constant 0 : i32
    return %c0_i32 : i32
  }
  func.func @transform_11(%arg0: i32) -> (i32, i32) {
    %c0_i32 = arith.constant 0 : i32
    %c0_i32_0 = arith.constant 0 : i32
    return %arg0, %c0_i32 : i32, i32
  }
  func.func @transform_12(%arg0: i32) -> (i32, i32) {
    %c0_i32 = arith.constant 0 : i32
    %c0_i32_0 = arith.constant 0 : i32
    return %arg0, %c0_i32 : i32, i32
  }
}

module attributes {stable_mosaic.version = 14 : i64} {
  func.func @body(%arg0: i32, %arg1: memref<1x1x512x32xf32, #tpu.memory_space<vmem>>, %arg2: memref<1x1x512x32xf32, #tpu.memory_space<vmem>>, %arg3: memref<512x32xf32, #tpu.memory_space<vmem>>, %arg4: memref<512x32xf32, #tpu.memory_space<vmem>>, %arg5: memref<512x16xf32, #tpu.memory_space<vmem>>, %arg6: memref<32xf32, #tpu.memory_space<vmem>>, %arg7: memref<32xf32, #tpu.memory_space<vmem>>, %arg8: memref<32xf32, #tpu.memory_space<vmem>>, %arg9: memref<32x16xf32, #tpu.memory_space<vmem>>, %arg10: memref<16xf32, #tpu.memory_space<vmem>>, %arg11: memref<16x2xf32, #tpu.memory_space<vmem>>, %arg12: memref<2xf32, #tpu.memory_space<vmem>>, %arg13: memref<512x2xf32, #tpu.memory_space<vmem>>) attributes {dimension_semantics = [#tpu.dimension_semantics<arbitrary>], iteration_bounds = array<i64: 20>, scalar_prefetch = 0 : i64, scratch_operands = 0 : i64, tpu.core_type = #tpu.core_type<tc>, window_params = [{transform_indices = @transform_0, window_bounds = array<i64: 1, 1, 512, 32>}, {transform_indices = @transform_1, window_bounds = array<i64: 1, 1, 512, 32>}, {transform_indices = @transform_2, window_bounds = array<i64: 512, 32>}, {transform_indices = @transform_3, window_bounds = array<i64: 512, 32>}, {transform_indices = @transform_4, window_bounds = array<i64: 512, 16>}, {pipeline_mode = #tpu.pipeline_mode<synchronous>, transform_indices = @transform_5, window_bounds = array<i64: 32>}, {pipeline_mode = #tpu.pipeline_mode<synchronous>, transform_indices = @transform_6, window_bounds = array<i64: 32>}, {pipeline_mode = #tpu.pipeline_mode<synchronous>, transform_indices = @transform_7, window_bounds = array<i64: 32>}, {pipeline_mode = #tpu.pipeline_mode<synchronous>, transform_indices = @transform_8, window_bounds = array<i64: 32, 16>}, {pipeline_mode = #tpu.pipeline_mode<synchronous>, transform_indices = @transform_9, window_bounds = array<i64: 16>}, {pipeline_mode = #tpu.pipeline_mode<synchronous>, transform_indices = @transform_10, window_bounds = array<i64: 16, 2>}, {pipeline_mode = #tpu.pipeline_mode<synchronous>, transform_indices = @transform_11, window_bounds = array<i64: 2>}, {transform_indices = @transform_12, window_bounds = array<i64: 512, 2>}]} {
    %get3A = arith.constant 0 : index
    %get3A_0 = arith.constant 0 : index
    %get3A_1 = vector.load %arg5[%get3A, %get3A_0] : memref<512x16xf32, #tpu.memory_space<vmem>>, vector<512x16xf32>
    %slice3A = vector.extract_strided_slice %get3A_1 {offsets = [0, 0], sizes = [512, 1], strides = [1, 1]} : vector<512x16xf32> to vector<512x1xf32>
    %get3A_2 = arith.constant 0 : index
    %get3A_3 = arith.constant 0 : index
    %get3A_4 = arith.constant 0 : index
    %get3A_5 = arith.constant 0 : index
    %get3A_6 = vector.load %arg1[%get3A_2, %get3A_3, %get3A_4, %get3A_5] : memref<1x1x512x32xf32, #tpu.memory_space<vmem>>, vector<1x1x512x32xf32>
    %get3A_7 = vector.shape_cast %get3A_6 : vector<1x1x512x32xf32> to vector<512x32xf32>
    %get3A_8 = arith.constant 0 : index
    %get3A_9 = arith.constant 0 : index
    %get3A_10 = arith.constant 0 : index
    %get3A_11 = arith.constant 0 : index
    %get3A_12 = vector.load %arg2[%get3A_8, %get3A_9, %get3A_10, %get3A_11] : memref<1x1x512x32xf32, #tpu.memory_space<vmem>>, vector<1x1x512x32xf32>
    %get3A_13 = vector.shape_cast %get3A_12 : vector<1x1x512x32xf32> to vector<512x32xf32>
    %add3A = arith.addf %get3A_7, %get3A_13 : vector<512x32xf32>
    %get3A_14 = arith.constant 0 : index
    %get3A_15 = arith.constant 0 : index
    %get3A_16 = vector.load %arg3[%get3A_14, %get3A_15] : memref<512x32xf32, #tpu.memory_space<vmem>>, vector<512x32xf32>
    %add3A_17 = arith.addf %add3A, %get3A_16 : vector<512x32xf32>
    %mul3A = vector.broadcast %slice3A : vector<512x1xf32> to vector<512x32xf32>
    %mul3A_18 = arith.mulf %add3A_17, %mul3A : vector<512x32xf32>
    %get3A_19 = arith.constant 0 : index
    %get3A_20 = vector.load %arg6[%get3A_19] : memref<32xf32, #tpu.memory_space<vmem>>, vector<32xf32>
    %broadcast_in_dim3A = vector.shape_cast %get3A_20 : vector<32xf32> to vector<1x32xf32>
    %add3A_21 = vector.broadcast %broadcast_in_dim3A : vector<1x32xf32> to vector<512x32xf32>
    %add3A_22 = arith.addf %mul3A_18, %add3A_21 : vector<512x32xf32>
    %get3A_23 = arith.constant 0 : index
    %get3A_24 = vector.load %arg7[%get3A_23] : memref<32xf32, #tpu.memory_space<vmem>>, vector<32xf32>
    %broadcast_in_dim3A_25 = vector.shape_cast %get3A_24 : vector<32xf32> to vector<1x32xf32>
    %mul3A_26 = arith.constant 0.999994993 : f32
    %mul3A_27 = vector.broadcast %mul3A_26 : f32 to vector<1x32xf32>
    %mul3A_28 = arith.mulf %mul3A_27, %broadcast_in_dim3A_25 : vector<1x32xf32>
    %mul3A_29 = vector.broadcast %mul3A_28 : vector<1x32xf32> to vector<512x32xf32>
    %mul3A_30 = arith.mulf %add3A_22, %mul3A_29 : vector<512x32xf32>
    %get3A_31 = arith.constant 0 : index
    %get3A_32 = vector.load %arg8[%get3A_31] : memref<32xf32, #tpu.memory_space<vmem>>, vector<32xf32>
    %broadcast_in_dim3A_33 = vector.shape_cast %get3A_32 : vector<32xf32> to vector<1x32xf32>
    %add3A_34 = vector.broadcast %broadcast_in_dim3A_33 : vector<1x32xf32> to vector<512x32xf32>
    %add3A_35 = arith.addf %mul3A_30, %add3A_34 : vector<512x32xf32>
    %max3A = arith.constant 0.000000e+00 : f32
    %max3A_36 = vector.broadcast %max3A : f32 to vector<512x32xf32>
    %max3A_37 = arith.maximumf %add3A_35, %max3A_36 : vector<512x32xf32>
    %get3A_38 = arith.constant 0 : index
    %get3A_39 = arith.constant 0 : index
    %get3A_40 = vector.load %arg4[%get3A_38, %get3A_39] : memref<512x32xf32, #tpu.memory_space<vmem>>, vector<512x32xf32>
    %add3A_41 = arith.addf %max3A_37, %get3A_40 : vector<512x32xf32>
    %get3A_42 = arith.constant 0 : index
    %get3A_43 = arith.constant 0 : index
    %get3A_44 = vector.load %arg9[%get3A_42, %get3A_43] : memref<32x16xf32, #tpu.memory_space<vmem>>, vector<32x16xf32>
    %dot_general3A = arith.constant dense<0.000000e+00> : vector<512x16xf32>
    %dot_general3A_45 = tpu.matmul %add3A_41, %get3A_44, %dot_general3A {dimension_numbers = #tpu.dot_dimension_numbers<[1], [0], [0], [1], [0, 0, 1, 1], [], []>, transpose_lhs_hint = false} : vector<512x32xf32>, vector<32x16xf32>, vector<512x16xf32> -> vector<512x16xf32>
    %get3A_46 = arith.constant 0 : index
    %get3A_47 = vector.load %arg10[%get3A_46] : memref<16xf32, #tpu.memory_space<vmem>>, vector<16xf32>
    %broadcast_in_dim3A_48 = vector.shape_cast %get3A_47 : vector<16xf32> to vector<1x16xf32>
    %add3A_49 = vector.broadcast %broadcast_in_dim3A_48 : vector<1x16xf32> to vector<512x16xf32>
    %add3A_50 = arith.addf %dot_general3A_45, %add3A_49 : vector<512x16xf32>
    %max3A_51 = arith.constant 0.000000e+00 : f32
    %max3A_52 = vector.broadcast %max3A_51 : f32 to vector<512x16xf32>
    %max3A_53 = arith.maximumf %add3A_50, %max3A_52 : vector<512x16xf32>
    %get3A_54 = arith.constant 0 : index
    %get3A_55 = arith.constant 0 : index
    %get3A_56 = vector.load %arg11[%get3A_54, %get3A_55] : memref<16x2xf32, #tpu.memory_space<vmem>>, vector<16x2xf32>
    %dot_general3A_57 = arith.constant dense<0.000000e+00> : vector<512x2xf32>
    %dot_general3A_58 = tpu.matmul %max3A_53, %get3A_56, %dot_general3A_57 {dimension_numbers = #tpu.dot_dimension_numbers<[1], [0], [0], [1], [0, 0, 1, 1], [], []>, transpose_lhs_hint = false} : vector<512x16xf32>, vector<16x2xf32>, vector<512x2xf32> -> vector<512x2xf32>
    %get3A_59 = arith.constant 0 : index
    %get3A_60 = vector.load %arg12[%get3A_59] : memref<2xf32, #tpu.memory_space<vmem>>, vector<2xf32>
    %broadcast_in_dim3A_61 = vector.shape_cast %get3A_60 : vector<2xf32> to vector<1x2xf32>
    %add3A_62 = vector.broadcast %broadcast_in_dim3A_61 : vector<1x2xf32> to vector<512x2xf32>
    %add3A_63 = arith.addf %dot_general3A_58, %add3A_62 : vector<512x2xf32>
    %reduce_max3A = arith.constant dense<0xFF800000> : vector<512xf32>
    %reduce_max3A_64 = vector.multi_reduction <maximumf>, %add3A_63, %reduce_max3A [1] : vector<512x2xf32> to vector<512xf32>
    %broadcast_in_dim3A_65 = vector.shape_cast %reduce_max3A_64 : vector<512xf32> to vector<512x1xf32>
    %sub3A = vector.broadcast %broadcast_in_dim3A_65 : vector<512x1xf32> to vector<512x2xf32>
    %sub3A_66 = arith.subf %add3A_63, %sub3A : vector<512x2xf32>
    %exp3A = math.exp %sub3A_66 : vector<512x2xf32>
    %reduce_sum3A = arith.constant dense<0.000000e+00> : vector<512xf32>
    %reduce_sum3A_67 = vector.multi_reduction <add>, %exp3A, %reduce_sum3A [1] : vector<512x2xf32> to vector<512xf32>
    %broadcast_in_dim3A_68 = vector.shape_cast %reduce_sum3A_67 : vector<512xf32> to vector<512x1xf32>
    %log3A = math.log %broadcast_in_dim3A_68 : vector<512x1xf32>
    %add3A_69 = arith.addf %broadcast_in_dim3A_65, %log3A : vector<512x1xf32>
    %sub3A_70 = vector.broadcast %add3A_69 : vector<512x1xf32> to vector<512x2xf32>
    %sub3A_71 = arith.subf %add3A_63, %sub3A_70 : vector<512x2xf32>
    %swap3A = arith.constant 0 : index
    %swap3A_72 = arith.constant 0 : index
    %swap3A_73 = vector.load %arg13[%swap3A, %swap3A_72] : memref<512x2xf32, #tpu.memory_space<vmem>>, vector<512x2xf32>
    tpu.vector_store %arg13[%swap3A, %swap3A_72], %sub3A_71 {strides = array<i32>} : memref<512x2xf32, #tpu.memory_space<vmem>>, vector<512x2xf32>,
    return
  }
  func.func @transform_0(%arg0: i32) -> (i32, i32, i32, i32) {
    %c0_i32 = arith.constant 0 : i32
    %c0_i32_0 = arith.constant 0 : i32
    %c0_i32_1 = arith.constant 0 : i32
    %c0_i32_2 = arith.constant 0 : i32
    return %c0_i32, %c0_i32_0, %arg0, %c0_i32_1 : i32, i32, i32, i32
  }
  func.func @transform_1(%arg0: i32) -> (i32, i32, i32, i32) {
    %c0_i32 = arith.constant 0 : i32
    %c1_i32 = arith.constant 1 : i32
    %c0_i32_0 = arith.constant 0 : i32
    %c0_i32_1 = arith.constant 0 : i32
    return %c0_i32, %c1_i32, %arg0, %c0_i32_0 : i32, i32, i32, i32
  }
  func.func @transform_2(%arg0: i32) -> (i32, i32) {
    %c0_i32 = arith.constant 0 : i32
    %c0_i32_0 = arith.constant 0 : i32
    return %arg0, %c0_i32 : i32, i32
  }
  func.func @transform_3(%arg0: i32) -> (i32, i32) {
    %c0_i32 = arith.constant 0 : i32
    %c0_i32_0 = arith.constant 0 : i32
    return %arg0, %c0_i32 : i32, i32
  }
  func.func @transform_4(%arg0: i32) -> (i32, i32) {
    %c0_i32 = arith.constant 0 : i32
    %c0_i32_0 = arith.constant 0 : i32
    return %arg0, %c0_i32 : i32, i32
  }
  func.func @transform_5(%arg0: i32) -> i32 {
    %c0_i32 = arith.constant 0 : i32
    %c0_i32_0 = arith.constant 0 : i32
    return %c0_i32 : i32
  }
  func.func @transform_6(%arg0: i32) -> i32 {
    %c0_i32 = arith.constant 0 : i32
    %c0_i32_0 = arith.constant 0 : i32
    return %c0_i32 : i32
  }
  func.func @transform_7(%arg0: i32) -> i32 {
    %c0_i32 = arith.constant 0 : i32
    %c0_i32_0 = arith.constant 0 : i32
    return %c0_i32 : i32
  }
  func.func @transform_8(%arg0: i32) -> (i32, i32) {
    %c0_i32 = arith.constant 0 : i32
    %c0_i32_0 = arith.constant 0 : i32
    %c0_i32_1 = arith.constant 0 : i32
    return %c0_i32, %c0_i32_0 : i32, i32
  }
  func.func @transform_9(%arg0: i32) -> i32 {
    %c0_i32 = arith.constant 0 : i32
    %c0_i32_0 = arith.constant 0 : i32
    return %c0_i32 : i32
  }
  func.func @transform_10(%arg0: i32) -> (i32, i32) {
    %c0_i32 = arith.constant 0 : i32
    %c0_i32_0 = arith.constant 0 : i32
    %c0_i32_1 = arith.constant 0 : i32
    return %c0_i32, %c0_i32_0 : i32, i32
  }
  func.func @transform_11(%arg0: i32) -> i32 {
    %c0_i32 = arith.constant 0 : i32
    %c0_i32_0 = arith.constant 0 : i32
    return %c0_i32 : i32
  }
  func.func @transform_12(%arg0: i32) -> (i32, i32) {
    %c0_i32 = arith.constant 0 : i32
    %c0_i32_0 = arith.constant 0 : i32
    return %arg0, %c0_i32 : i32, i32
  }
}

</mosaic_0001>

<sc_bundles>
// kernel: kernel.10.cloned.1.call-start
scs
__scs_entry_jumppad:
0x0: {  	(pc) =	sbr.rel $0x88, $3  }
0x1: {  	(tag) =	ssettag $0x0;
	lr =	simm.s32 $0x1  }
0x2: {  	[smem:$0x3F8B] =	sst lr;
	_ =	strace $0xD0000000  }
0x3: {  	_ = 	snop  }
0x4: {  	_ = 	snop  }
0x5: {  	_ = 	snop  }
0x6: {  	_ = 	snop  }
0x7: {  	_ = 	snop  }
__scs_overlays_trampoline_lowered:
0x8: {  	[smem:$0x3F9A] =	sst s0  }
0x9: {  	[smem:$0x3F9B] =	sst s1  }
0xa: {  	[smem:$0x3F9C] =	sst s2  }
0xb: {  	[smem:$0x3F9D] =	sst s3  }
0xc: {  	[smem:$0x3F9E] =	sst s4  }
0xd: {  	[smem:$0x3F9F] =	sst s5  }
0xe: {  	[smem:$0x3FA0] =	sst s6  }
0xf: {  	[smem:$0x3FA1] =	sst s7  }
0x10: {  	[smem:$0x3FA2] =	sst s8  }
0x11: {  	[smem:$0x3FA3] =	sst s9;
	s0 =	simm.s32 @!p0 $0x0  }
0x12: {  	s1 =	sld [smem:$0x3F89];
	s0 =	simm.s32 @p0 $0x1  }
0x13: {  	[smem:$0x3FA4] =	sst s0;
	s0 =	simm.s32 @!p1 $0x0  }
0x14: {  	s2 =	sld [smem:$0x3F88];
	s0 =	simm.s32 @p1 $0x1  }
0x15: {  	[smem:$0x3FA5] =	sst s0;
	s0 =	simm.s32 @!p2 $0x0  }
0x16: {  	s3 =	sld [smem:$0x3FDB];
	s0 =	simm.s32 @p2 $0x1  }
0x17: {  	s4 =	simm.s32 $0x1BF5;
	[smem:$0x3FA7] =	sst s0  }
0x18: {  	s0 =	sld [smem:$0x3F8A];
	_ =	swait.ge [sflag:s4], $0x0  }
0x19: {  	s7 =	sld [smem:$0x3F8B]  }
0x1a: {  	s8 =	sadd.s32 $0xFFFFE003, lr  }
0x1b: {  	s9 =	sadd.s32 $0xFFFFFEF7, lr;
	s5 =	simm.s32 $0xFFFFFFFF;
	p2 =	slt.u32 s8, $0xFFFFF086  }
0x1c: {  	p1 =	slt.u32 s9, $0xF7A;
	s5 =	simm.s32 @!p2 $0x0  }
0x1d: {  	s5 =	simm.s32 @p1 $0x1;
	p0 =	seq.s32 s7, s2  }
0x1e: {  	s7 =	smul.u32 @!p0 $0xF7A, s2;
	p2 =	seq.s32 @!p0 s5, $0x0  }
0x1f: {  	s9 =	smul.u32 $0xF7A, s1;
	s8 =	simm.s32 @!p0 $0x1BF5;
	p2 =	por !p2, p0  }
0x20: {  	[sflag:s8] =	ssyncset.s32 @!p0 $0xFFFFF086;
	s6 =	sadd.s32 @!p0 s3, s7;
	s7 =	simm.s32 @!p0 $0x108  }
0x21: {  	s3 =	sadd.s32 s3, s9;
	s6 =	sadd.s32 @!p0 $0x88, s6;
	s7 =	simm.s32 @p2 $0x1082  }
0x22: {  	[simem:s7], [sflag:s8] =	dma.local @!p0 [hbm:s6], $0xF7A  }
0x23: {  	s9 =	sor.u32 $0xD0000000, s2;
	s6 =	simm.s32 $0x108;
	_ =	swait.ge @!p0 [sflag:s8], $0x0  }
0x24: {  	s3 =	sadd.s32 $0x88, s3;
	s6 =	simm.s32 @!p1 $0x1082;
	[sflag:s4] =	ssyncset.s32 $0xFFFFF086  }
0x25: {  	[simem:s6], [sflag:s4] =	dma.local [hbm:s3], $0xF7A  }
0x26: {  	[smem:$0x3F8B] =	sst s1;
	(tag) =	ssettag s2;
	_ =	strace s9  }
0x27: {  	s1 =	sld [smem:$0x3F9B]  }
0x28: {  	s2 =	sld [smem:$0x3F9C]  }
0x29: {  	s4 =	sld [smem:$0x3F9E]  }
0x2a: {  	p0 =	seq.s32 s5, $0x0;
	s5 =	sld [smem:$0x3F9F]  }
0x2b: {  	s6 =	sld [smem:$0x3FA0]  }
0x2c: {  	s7 =	sld [smem:$0x3FA1]  }
0x2d: {  	s3 =	simm.s32 $0x108;
	s8 =	sld [smem:$0x3FA2]  }
0x2e: {  	s3 =	simm.s32 @!p0 $0x1082;
	s9 =	sld [smem:$0x3FA3]  }
0x2f: {  	lr =	sadd.s32 s0, s3;
	s0 =	sld [smem:$0x3F9A]  }
0x30: {  	s3 =	sld [smem:$0x3F9D]  }
0x31: {  	[smem:$0x3FA6] =	sst s10  }
0x32: {  	s10 =	sld [smem:$0x3FA4];
	_ =	sdelay $0x3  }
0x33: {  	p0 =	seq.s32 s10, $0x1;
	s10 =	sld [smem:$0x3FA6];
	_ =	sdelay $0x3  }
0x34: {  	[smem:$0x3FA6] =	sst s10  }
0x35: {  	s10 =	sld [smem:$0x3FA5];
	_ =	sdelay $0x3  }
0x36: {  	p1 =	seq.s32 s10, $0x1;
	s10 =	sld [smem:$0x3FA6];
	_ =	sdelay $0x3  }
0x37: {  	[smem:$0x3FA6] =	sst s10  }
0x38: {  	s10 =	sld [smem:$0x3FA7]  }
0x39: {  	_ = 	snop;
	(pc) =	sbr.ind lr, $3  }
0x3a: {  	_ = 	snop  }
0x3b: {  	_ = 	snop  }
0x3c: {  	p2 =	seq.s32 s10, $0x1;
	s10 =	sld [smem:$0x3FA6]  }
0x3d: {  	_ =	shalt  }
0x3e: {  	_ =	shalt  }
0x3f: {  	_ =	shalt  }
0x40: {  	_ =	shalt  }
0x41: {  	_ =	shalt  }
0x42: {  	_ =	shalt  }
0x43: {  	_ =	shalt  }
0x44: {  	_ =	shalt  }
0x45: {  	_ =	shalt  }
0x46: {  	_ =	shalt  }
0x47: {  	_ =	shalt  }
0x48: {  	_ =	shalt  }
0x49: {  	_ =	shalt  }
0x4a: {  	_ =	shalt  }
0x4b: {  	_ =	shalt  }
0x4c: {  	_ =	shalt  }
0x4d: {  	_ =	shalt  }
0x4e: {  	_ =	shalt  }
0x4f: {  	_ =	shalt  }
0x50: {  	_ =	shalt  }
0x51: {  	_ =	shalt  }
0x52: {  	_ =	shalt  }
0x53: {  	_ =	shalt  }
0x54: {  	_ =	shalt  }
0x55: {  	_ =	shalt  }
0x56: {  	_ =	shalt  }
0x57: {  	_ =	shalt  }
0x58: {  	_ =	shalt  }
0x59: {  	_ =	shalt  }
0x5a: {  	_ =	shalt  }
0x5b: {  	_ =	shalt  }
0x5c: {  	_ =	shalt  }
0x5d: {  	_ =	shalt  }
0x5e: {  	_ =	shalt  }
0x5f: {  	_ =	shalt  }
0x60: {  	_ =	shalt  }
0x61: {  	_ =	shalt  }
0x62: {  	_ =	shalt  }
0x63: {  	_ =	shalt  }
0x64: {  	_ =	shalt  }
0x65: {  	_ =	shalt  }
0x66: {  	_ =	shalt  }
0x67: {  	_ =	shalt  }
0x68: {  	_ =	shalt  }
0x69: {  	_ =	shalt  }
0x6a: {  	_ =	shalt  }
0x6b: {  	_ =	shalt  }
0x6c: {  	_ =	shalt  }
0x6d: {  	_ =	shalt  }
0x6e: {  	_ =	shalt  }
0x6f: {  	_ =	shalt  }
0x70: {  	_ =	shalt  }
0x71: {  	_ =	shalt  }
0x72: {  	_ =	shalt  }
0x73: {  	_ =	shalt  }
0x74: {  	_ =	shalt  }
0x75: {  	_ =	shalt  }
0x76: {  	_ =	shalt  }
0x77: {  	_ =	shalt  }
0x78: {  	_ =	shalt  }
0x79: {  	_ =	shalt  }
0x7a: {  	_ =	shalt  }
0x7b: {  	_ =	shalt  }
0x7c: {  	_ =	shalt  }
0x7d: {  	_ =	shalt  }
0x7e: {  	_ =	shalt  }
0x7f: {  	_ =	shalt  }
0x80: {  	_ =	shalt  }
0x81: {  	_ =	shalt  }
0x82: {  	_ =	shalt  }
0x83: {  	_ =	shalt  }
0x84: {  	_ =	shalt  }
0x85: {  	_ =	shalt  }
0x86: {  	_ =	shalt  }
0x87: {  	_ =	shalt  }
.Lfunc_end0:
.L_simem_size_0:
called_computation_lowered:
.L_overlay_start_0:
0x88: {  	s2 =	sld [smem:$0x3FD9]  }
0x89: {  	s3 =	sld [smem:$0x3FFE];
	_ =	sdelay $0x1  }
0x8a: {  	s1 =	srdreg.scid  }
0x8b: {  	s0 =	sand.u32 $0x1, s1  }
0x8c: {  	s17 =	sshll.u32 s0, $0xA;
	s2 =	sadd.s32 s3, s2  }
0x8d: {  	s2 =	sadd.s32 s2, s17  }
0x8e: {  	[smem:$0x3FB2] =	sst s2  }
0x8f: {  	_ = 	snop  }
0x90: {  	s2 =	sld [smem:$0x3FD0];
	(tm) =	ssettm $0x1  }
0x91: {  	s18 =	sld [smem:$0x3FFB];
	_ =	sdelay $0x3  }
0x92: {  	_ =	strace s18  }
0x93: {  	s3 =	sld [smem:$0x3FFC];
	_ =	sdelay $0x3  }
0x94: {  	_ =	strace s3  }
0x95: {  	s3 =	sld [smem:$0x3FFD];
	_ =	sdelay $0x3  }
0x96: {  	_ =	strace s3  }
0x97: {  	_ =	strace $0x8FFFFFFF  }
0x98: {  	s19 =	sld [smem:$0x3FDB];
	_ =	sdelay $0x1  }
0x99: {  	s4 =	simm.s32 $_scs_section_size  }
0x9a: {  	s5 =	simm.s32 $_size__tile_overlayer_lowered;
	s6 =	simm.s32 $_tile_overlayer_lowered  }
0x9b: {  	s22 =	simm.s32 $0x1BFF;
	s21 =	sshll.u32 s6, $0x1;
	s3 =	sadd.s32 s4, s19  }
0x9c: {  	s7 =	simm.s32 $0x0;
	s20 =	sshll.u32 s5, $0x1;
	s5 =	sadd.s32 s21, s3  }
0x9d: {  	[timem:s7], [sflag:s22] =	dma.local [hbm:s5], s20  }
0x9e: {  	_ =	swait.ge [sflag:s22], s20  }
0x9f: {  	s4 =	ssub.s32 $0x0, s20;
	[sflag:s22] =	ssyncset.done $0x0  }
0xa0: {  	[sflag:s22] =	ssyncadd.s32 s4;
	_ =	sdelay $0x1  }
0xa1: {  	s23 =	simm.s32 $0x1B8B  }
0xa2: {  	_ =	swait.ge [sflag:s23], $0x1  }
0xa3: {  	[sflag:s23] =	ssyncset.done $0x0  }
0xa4: {  	s25 =	simm.s32 $0x1B8E;
	s24 =	sld [smem:$0x3FFE];
	[sflag:s23] =	ssyncadd.s32 $0xFFFFFFFF  }
0xa5: {  	s26 =	simm.s32 $execute0_lowered;
	[smem:$0x3FD2] =	sst s25  }
0xa6: {  	s5 =	sshll.u32 s26, $0x1;
	_ =	strace $0x80000046;
	[dreg:$0x1] =	wrdreg $0xFFFFFFFF  }
0xa7: {  	s28 =	simm.s32 $_size_execute0_lowered;
	s3 =	sadd.s32 s3, s5;
	[dreg:$0x0] =	wrdreg $0x0  }
0xa8: {  	s5 =	sshll.u32 s28, $0x1;
	[dreg:$0x2] =	wrdreg s3  }
0xa9: {  	[dreg:$0x3] =	wrdreg s5  }
0xaa: {  	[dreg:$0x4] =	wrdreg $0xC0  }
0xab: {  	_ =	task [dreg:s7], $0x5FFFF  }
0xac: {  	[dreg:$0x1] =	wrdreg $0xFFFFFFFF  }
0xad: {  	[dreg:$0x0] =	wrdreg $0x60  }
0xae: {  	[dreg:$0x2] =	wrdreg s24  }
0xaf: {  	[dreg:$0x3] =	wrdreg s2  }
0xb0: {  	[dreg:$0x4] =	wrdreg $0xA000  }
0xb1: {  	[dreg:$0x5] =	wrdreg $0x9  }
0xb2: {  	_ =	task.clear_ibuf [dreg:s7], $0x6FFFF;
	_ =	strace $0x90000046  }
0xb3: {  	s29 =	simm.s32 $0x9;
	_ =	strace $0x80000048  }
0xb4: {  	_ =	swait.ge [sflag:s29], $0x1  }
0xb5: {  	[sflag:s29] =	ssyncadd.s32 $0xFFFFFFFF  }
0xb6: {  	_ =	strace $0x90000048  }
0xb7: {  	_ =	sfence  }
0xb8: {  	s30 =	sld [smem:$0x0];
	_ =	sdelay $0x2  }
0xb9: {  	s31 =	sshll.u32 s1, $0xD;
	s1 =	sshrl.u32 s1, $0x2  }
0xba: {  	s3 =	sand.u32 $0x4000, s31;
	s1 =	sadd.s32 s1, s30  }
0xbb: {  	s0 =	sor.u32 s3, s0;
	s1 =	sshll.u32 s1, $0x11  }
0xbc: {  	s0 =	sor.u32 s1, s0  }
0xbd: {  	s0 =	sadd.s32 $0x8F2B, s0  }
0xbe: {  	[sflag:s0] =	ssyncadd.remote.s32 $0x1  }
0xbf: {  	_ =	sfence.sel $0xFFFF  }
0xc0: {  	[dreg:$0x0] =	wrdreg $0xFFFFFFFF;
	(pc) =	sbr.abs _section_cstart, $3  }
0xc1: {  	[dreg:$0x1] =	wrdreg $0xFFFFFFFF  }
0xc2: {  	_ =	task.clear_ibuf [dreg:s7], $0x2FFFF;
	_ =	strace $0x9FFFFFFF  }
0xc3: {  	(tm) =	ssettm $0x7FFFFFFF  }
tec
execute0_lowered:
.L_overlay_start_1:
0x0: {  	(tag) =	ssettag $0x1  }
0x1: {  	s5 =	rddreg [dreg:$0x0]  }
0x2: {  	s2 =	rddreg [dreg:$0x1]  }
0x3: {  	s3 =	rddreg [dreg:$0x2]  }
0x4: {  	s0 =	rddreg [dreg:$0x3]  }
0x5: {  	s4 =	simm.s32 $0x0;
	s1 =	stileid.u32;
	s6 =	srdreg.scid  }
0x6: {  	s16 =	simm.s32 $0x180;
	s17 =	simm.s32 $0x1;
	s18 =	simm.s32 $0x200  }
0x7: {  	s19 =	simm.s32 $0x0;
	[smem:$0x7FF] =	sst s4;
	s7 =	smul.u32 $0x2800, s1  }
0x8: {  	s6 =	sand.u32 $0x1, s6;
	s9 =	sshll.u32 s1, $0x1;
	s14 =	smul.u32 $0x9E, s1  }
0x9: {  	s10 =	sadd.s32 $0x5800, s5;
	s31 =	sshll.u32 s1, $0x6;
	s8 =	smul.u32 $0x28000, s6  }
0xa: {  	s9 =	sor.u32 s6, s9;
	s13 =	ssub.s32 $0x2, s6;
	s6 =	smul.u32 $0x4F, s6  }
0xb: {  	_ =	strace $0x80000047;
	s11 =	sshrl.u32 s7, $0x3;
	s12 =	smul.u32 $0x4F00, s9  }
0xc: {  	s24 =	sshrl.u32 s13, $0x1;
	s15 =	sadd.s32 s7, s3;
	s25 =	smul.u32 $0x9E0, s9  }
0xd: {  	s11 =	sadd.s32 s11, s5;
	s8 =	sadd.s32 s7, s8;
	s13 =	ssub.s32 s13, s24  }
0xe: {  	s28 =	sadd.s32 s6, s14;
	s14 =	simm.s32 $0x80;
	s8 =	sshrl.u32 s8, $0x3  }
0xf: {  	s26 =	sshrl.u32 s12, $0x3;
	s6 =	sadd.s32 s10, s25;
	s30 =	sshll.u32 s28, $0x5  }
0x10: {  	s9 =	smax.u32 s13, $0x1;
	s12 =	sor.u32 $0x1C02, s31;
	s13 =	sshrl.u32 s15, $0x3  }
0x11: {  	s15 =	simm.s32 $0x100;
	s8 =	sadd.s32 s8, s5;
	s5 =	sadd.s32 $0x19400, s11  }
0x12: {  	s29 =	sadd.s32 s10, s26;
	s10 =	sadd.s32 s10, s30;
	s11 =	simm.s32 $0x2  }
0x13: {  	s7 =	sadd.s32 $0x20, s29;
	s8 =	sadd.s32 $0x1E400, s8;
	s10 =	sadd.s32 $0x40, s10  }
.LBB2_1:
0x14: {  	[tilespmem:s18], [sflag:$0x2] =	stream.linear.gather [hbm4b:s2+s4], $0x800, $0x38;
	[tilespmem:$0x3200] =	vst v63  }
0x15: {  	_ =	swait.ge [sflag:s11], $0x800  }
0x16: {  	[sflag:s11] =	ssyncset.done $0x0  }
0x17: {  	[sflag:s11] =	ssyncadd.s32 $0xFFFFF800  }
0x18: {  	[spmem:s13], [sflag:s12] =	dma.local [hbm:s5], $0x500  }
0x19: {  	_ =	swait.ge [sflag:s11], $0x500  }
0x1a: {  	[sflag:s11] =	ssyncset.done $0x0  }
0x1b: {  	[sflag:s11] =	ssyncadd.s32 $0xFFFFFB00  }
0x1c: {  	[bflag:$0x0] =	sbarrier.arrive $0xFFFF  }
0x1d: {  	[tilespmem:s4], [sflag:$0x2] =	stream.linear.gather [hbm4b:s6+s4], $0x100, $0x38;
	[tilespmem:$0x3200] =	vst v63  }
0x1e: {  	_ =	swait.ge [sflag:s11], $0x100  }
0x1f: {  	[sflag:s11] =	ssyncset.done $0x0  }
0x20: {  	[sflag:s11] =	ssyncadd.s32 $0xFFFFFF00  }
0x21: {  	[spmem:s3] =	stream.indirect.scatter.add.f32 [tilespmem:s18], [sflag:$0x1], $0x10, s14, s14, $0xb8;
	[tilespmem:$0x3200] =	vst v63  }
0x22: {  	_ = 	snop  }
0x23: {  	[tilespmem:s15], [sflag:$0x2] =	stream.linear.gather [hbm4b:s7+s4], $0x100, $0x38;
	[tilespmem:$0x3200] =	vst v63  }
0x24: {  	_ =	swait.ge [sflag:s11], $0x100  }
0x25: {  	[sflag:s11] =	ssyncset.done $0x0  }
0x26: {  	[sflag:s11] =	ssyncadd.s32 $0xFFFFFF00  }
0x27: {  	[spmem:s3] =	stream.indirect.scatter.add.f32 [tilespmem:s18], [sflag:$0x1], $0x10, s16, s14, $0xb8;
	[tilespmem:$0x3200] =	vst v63  }
0x28: {  	_ =	swait.ge [sflag:s17], $0x800  }
0x29: {  	[sflag:s17] =	ssyncset.done $0x0  }
0x2a: {  	s21 =	sand.u32 $0x100, s18;
	[sflag:s17] =	ssyncadd.s32 $0xFFFFF800  }
0x2b: {  	[tilespmem:s21], [sflag:$0x2] =	stream.linear.gather [hbm4b:s10+s4], $0x100, $0x38;
	[tilespmem:$0x3200] =	vst v63  }
0x2c: {  	_ =	swait.ge [sflag:s11], $0x100  }
0x2d: {  	s20 =	simm.s32 $0x300;
	[sflag:s11] =	ssyncset.done $0x0  }
0x2e: {  	s22 =	sor.u32 $0x80, s21;
	s21 =	sadd.s32 $0x20, s10;
	[sflag:s11] =	ssyncadd.s32 $0xFFFFFF00  }
.LBB2_2:
0x2f: {  	[spmem:s3] =	stream.indirect.scatter.add.f32 [tilespmem:s18], [sflag:$0x1], $0x10, s22, s14, $0xb8;
	[tilespmem:$0x3200] =	vst v63  }
0x30: {  	s22 =	smov.u32 s20  }
0x31: {  	p0 =	sne.s32 s20, $0x4E00;
	s20 =	sadd.s32 $0x100, s20;
	_ =	swait.ge [sflag:s17], $0x800  }
0x32: {  	[sflag:s17] =	ssyncset.done $0x0  }
.Ltmp0:
0x33: {  	s22 =	sand.u32 $0x100, s22;
	[sflag:s17] =	ssyncadd.s32 $0xFFFFF800;
	(pc) =	sbr.rel @p0 .LBB2_2-.Ltmp0, $4  }
0x34: {  	[tilespmem:s22], [sflag:$0x2] =	stream.linear.gather [hbm4b:s21+s4], $0x100, $0x38;
	[tilespmem:$0x3200] =	vst v63  }
0x35: {  	_ =	swait.ge [sflag:s11], $0x100  }
0x36: {  	[sflag:s11] =	ssyncset.done $0x0  }
0x37: {  	s22 =	sor.u32 $0x80, s22;
	s21 =	sadd.s32 $0x20, s21;
	[sflag:s11] =	ssyncadd.s32 $0xFFFFFF00  }
0x38: {  	[spmem:s3] =	stream.indirect.scatter.add.f32 [tilespmem:s18], [sflag:$0x1], $0x10, s22, s14, $0xb8;
	[tilespmem:$0x3200] =	vst v63  }
0x39: {  	_ =	swait.ge [sflag:s17], $0x800  }
0x3a: {  	[sflag:s17] =	ssyncset.done $0x0  }
0x3b: {  	[sflag:s17] =	ssyncadd.s32 $0xFFFFF800  }
0x3c: {  	_ =	swait.ge [sflag:s17], $0x800  }
0x3d: {  	s19 =	sadd.s32 $0x1, s19;
	[sflag:s17] =	ssyncset.done $0x0  }
0x3e: {  	p0 =	sne.s32 s19, s9;
	[sflag:s17] =	ssyncadd.s32 $0xFFFFF800  }
.Ltmp1:
0x3f: {  	[bflag:$0x0] =	sbarrier.arrive $0xFFFF;
	(pc) =	sbr.rel @p0 .LBB2_1-.Ltmp1, $4  }
0x40: {  	[hbm:s8], [sflag:s12] =	dma.local [spmem:s13], $0x500  }
0x41: {  	_ =	swait.ge [sflag:s11], $0x500  }
0x42: {  	[sflag:s11] =	ssyncset.done $0x0  }
0x43: {  	[sflag:s11] =	ssyncadd.s32 $0xFFFFFB00  }
0x44: {  	_ =	sfence.sel $0x180000  }
0x45: {  	[bflag:$0x0] =	sbarrier.arrive $0xFFFF  }
0x46: {  	p0 =	sne.s32 s1, $0x0;
	_ =	strace $0x90000047  }
0x47: {  	s0 =	sadd.s32 @!p0 $0x100000, s0;
	[bflag:$0x2] =	sbarrier.arrive $0xFFFF  }
0x48: {  	[sflag:s0] =	ssyncadd.tile.s32 @!p0 $0x1;
	_ =	shalt  }
.Lfunc_end2:
_tile_overlayer_lowered:
.L_overlay_start_2:
0x49: {  	(tag) =	ssettag $0x2  }
0x4a: {  	s0 =	rddreg [dreg:$0x0];
	s2 =	stileid.u32  }
0x4b: {  	s1 =	rddreg [dreg:$0x1];
	p0 =	sne.s32 s2, $0x0  }
0x4c: {  	s3 =	rddreg [dreg:$0x2];
	[bflag:$0x3] =	sbarrier.arrive $0xFFFF;
	s2 =	simm.s32 @!p0 $0x1C02  }
0x4d: {  	[timem:s3], [sflag:s2] =	dma.local @!p0 [hbm:s0], s1  }
0x4e: {  	s0 =	simm.s32 @!p0 $0x2  }
0x4f: {  	_ =	swait.ge @!p0 [sflag:s0], s1  }
0x50: {  	s1 =	ssub.s32 @!p0 $0x0, s1;
	[sflag:s0] =	ssyncset.done @!p0 $0x0  }
0x51: {  	[sflag:s0] =	ssyncadd.s32 @!p0 s1  }
0x52: {  	[bflag:$0x3] =	sbarrier.arrive $0xFFFF  }
0x53: {  	_ =	shalt  }

// kernel: kernel.13.cloned.1.call-start
scs
__scs_entry_jumppad:
0x0: {  	(pc) =	sbr.rel $0x88, $3  }
0x1: {  	(tag) =	ssettag $0x0;
	lr =	simm.s32 $0x1  }
0x2: {  	[smem:$0x3F8B] =	sst lr;
	_ =	strace $0xD0000000  }
0x3: {  	_ = 	snop  }
0x4: {  	_ = 	snop  }
0x5: {  	_ = 	snop  }
0x6: {  	_ = 	snop  }
0x7: {  	_ = 	snop  }
__scs_overlays_trampoline_lowered:
0x8: {  	[smem:$0x3F9A] =	sst s0  }
0x9: {  	[smem:$0x3F9B] =	sst s1  }
0xa: {  	[smem:$0x3F9C] =	sst s2  }
0xb: {  	[smem:$0x3F9D] =	sst s3  }
0xc: {  	[smem:$0x3F9E] =	sst s4  }
0xd: {  	[smem:$0x3F9F] =	sst s5  }
0xe: {  	[smem:$0x3FA0] =	sst s6  }
0xf: {  	[smem:$0x3FA1] =	sst s7  }
0x10: {  	[smem:$0x3FA2] =	sst s8  }
0x11: {  	[smem:$0x3FA3] =	sst s9;
	s0 =	simm.s32 @!p0 $0x0  }
0x12: {  	s1 =	sld [smem:$0x3F89];
	s0 =	simm.s32 @p0 $0x1  }
0x13: {  	[smem:$0x3FA4] =	sst s0;
	s0 =	simm.s32 @!p1 $0x0  }
0x14: {  	s2 =	sld [smem:$0x3F88];
	s0 =	simm.s32 @p1 $0x1  }
0x15: {  	[smem:$0x3FA5] =	sst s0;
	s0 =	simm.s32 @!p2 $0x0  }
0x16: {  	s3 =	sld [smem:$0x3FDB];
	s0 =	simm.s32 @p2 $0x1  }
0x17: {  	s4 =	simm.s32 $0x1BF5;
	[smem:$0x3FA7] =	sst s0  }
0x18: {  	s0 =	sld [smem:$0x3F8A];
	_ =	swait.ge [sflag:s4], $0x0  }
0x19: {  	s7 =	sld [smem:$0x3F8B]  }
0x1a: {  	s8 =	sadd.s32 $0xFFFFE003, lr  }
0x1b: {  	s9 =	sadd.s32 $0xFFFFFEF7, lr;
	s5 =	simm.s32 $0xFFFFFFFF;
	p2 =	slt.u32 s8, $0xFFFFF086  }
0x1c: {  	p1 =	slt.u32 s9, $0xF7A;
	s5 =	simm.s32 @!p2 $0x0  }
0x1d: {  	s5 =	simm.s32 @p1 $0x1;
	p0 =	seq.s32 s7, s2  }
0x1e: {  	s7 =	smul.u32 @!p0 $0xF7A, s2;
	p2 =	seq.s32 @!p0 s5, $0x0  }
0x1f: {  	s9 =	smul.u32 $0xF7A, s1;
	s8 =	simm.s32 @!p0 $0x1BF5;
	p2 =	por !p2, p0  }
0x20: {  	[sflag:s8] =	ssyncset.s32 @!p0 $0xFFFFF086;
	s6 =	sadd.s32 @!p0 s3, s7;
	s7 =	simm.s32 @!p0 $0x108  }
0x21: {  	s3 =	sadd.s32 s3, s9;
	s6 =	sadd.s32 @!p0 $0x88, s6;
	s7 =	simm.s32 @p2 $0x1082  }
0x22: {  	[simem:s7], [sflag:s8] =	dma.local @!p0 [hbm:s6], $0xF7A  }
0x23: {  	s9 =	sor.u32 $0xD0000000, s2;
	s6 =	simm.s32 $0x108;
	_ =	swait.ge @!p0 [sflag:s8], $0x0  }
0x24: {  	s3 =	sadd.s32 $0x88, s3;
	s6 =	simm.s32 @!p1 $0x1082;
	[sflag:s4] =	ssyncset.s32 $0xFFFFF086  }
0x25: {  	[simem:s6], [sflag:s4] =	dma.local [hbm:s3], $0xF7A  }
0x26: {  	[smem:$0x3F8B] =	sst s1;
	(tag) =	ssettag s2;
	_ =	strace s9  }
0x27: {  	s1 =	sld [smem:$0x3F9B]  }
0x28: {  	s2 =	sld [smem:$0x3F9C]  }
0x29: {  	s4 =	sld [smem:$0x3F9E]  }
0x2a: {  	p0 =	seq.s32 s5, $0x0;
	s5 =	sld [smem:$0x3F9F]  }
0x2b: {  	s6 =	sld [smem:$0x3FA0]  }
0x2c: {  	s7 =	sld [smem:$0x3FA1]  }
0x2d: {  	s3 =	simm.s32 $0x108;
	s8 =	sld [smem:$0x3FA2]  }
0x2e: {  	s3 =	simm.s32 @!p0 $0x1082;
	s9 =	sld [smem:$0x3FA3]  }
0x2f: {  	lr =	sadd.s32 s0, s3;
	s0 =	sld [smem:$0x3F9A]  }
0x30: {  	s3 =	sld [smem:$0x3F9D]  }
0x31: {  	[smem:$0x3FA6] =	sst s10  }
0x32: {  	s10 =	sld [smem:$0x3FA4];
	_ =	sdelay $0x3  }
0x33: {  	p0 =	seq.s32 s10, $0x1;
	s10 =	sld [smem:$0x3FA6];
	_ =	sdelay $0x3  }
0x34: {  	[smem:$0x3FA6] =	sst s10  }
0x35: {  	s10 =	sld [smem:$0x3FA5];
	_ =	sdelay $0x3  }
0x36: {  	p1 =	seq.s32 s10, $0x1;
	s10 =	sld [smem:$0x3FA6];
	_ =	sdelay $0x3  }
0x37: {  	[smem:$0x3FA6] =	sst s10  }
0x38: {  	s10 =	sld [smem:$0x3FA7]  }
0x39: {  	_ = 	snop;
	(pc) =	sbr.ind lr, $3  }
0x3a: {  	_ = 	snop  }
0x3b: {  	_ = 	snop  }
0x3c: {  	p2 =	seq.s32 s10, $0x1;
	s10 =	sld [smem:$0x3FA6]  }
0x3d: {  	_ =	shalt  }
0x3e: {  	_ =	shalt  }
0x3f: {  	_ =	shalt  }
0x40: {  	_ =	shalt  }
0x41: {  	_ =	shalt  }
0x42: {  	_ =	shalt  }
0x43: {  	_ =	shalt  }
0x44: {  	_ =	shalt  }
0x45: {  	_ =	shalt  }
0x46: {  	_ =	shalt  }
0x47: {  	_ =	shalt  }
0x48: {  	_ =	shalt  }
0x49: {  	_ =	shalt  }
0x4a: {  	_ =	shalt  }
0x4b: {  	_ =	shalt  }
0x4c: {  	_ =	shalt  }
0x4d: {  	_ =	shalt  }
0x4e: {  	_ =	shalt  }
0x4f: {  	_ =	shalt  }
0x50: {  	_ =	shalt  }
0x51: {  	_ =	shalt  }
0x52: {  	_ =	shalt  }
0x53: {  	_ =	shalt  }
0x54: {  	_ =	shalt  }
0x55: {  	_ =	shalt  }
0x56: {  	_ =	shalt  }
0x57: {  	_ =	shalt  }
0x58: {  	_ =	shalt  }
0x59: {  	_ =	shalt  }
0x5a: {  	_ =	shalt  }
0x5b: {  	_ =	shalt  }
0x5c: {  	_ =	shalt  }
0x5d: {  	_ =	shalt  }
0x5e: {  	_ =	shalt  }
0x5f: {  	_ =	shalt  }
0x60: {  	_ =	shalt  }
0x61: {  	_ =	shalt  }
0x62: {  	_ =	shalt  }
0x63: {  	_ =	shalt  }
0x64: {  	_ =	shalt  }
0x65: {  	_ =	shalt  }
0x66: {  	_ =	shalt  }
0x67: {  	_ =	shalt  }
0x68: {  	_ =	shalt  }
0x69: {  	_ =	shalt  }
0x6a: {  	_ =	shalt  }
0x6b: {  	_ =	shalt  }
0x6c: {  	_ =	shalt  }
0x6d: {  	_ =	shalt  }
0x6e: {  	_ =	shalt  }
0x6f: {  	_ =	shalt  }
0x70: {  	_ =	shalt  }
0x71: {  	_ =	shalt  }
0x72: {  	_ =	shalt  }
0x73: {  	_ =	shalt  }
0x74: {  	_ =	shalt  }
0x75: {  	_ =	shalt  }
0x76: {  	_ =	shalt  }
0x77: {  	_ =	shalt  }
0x78: {  	_ =	shalt  }
0x79: {  	_ =	shalt  }
0x7a: {  	_ =	shalt  }
0x7b: {  	_ =	shalt  }
0x7c: {  	_ =	shalt  }
0x7d: {  	_ =	shalt  }
0x7e: {  	_ =	shalt  }
0x7f: {  	_ =	shalt  }
0x80: {  	_ =	shalt  }
0x81: {  	_ =	shalt  }
0x82: {  	_ =	shalt  }
0x83: {  	_ =	shalt  }
0x84: {  	_ =	shalt  }
0x85: {  	_ =	shalt  }
0x86: {  	_ =	shalt  }
0x87: {  	_ =	shalt  }
.Lfunc_end0:
.L_simem_size_0:
called_computation.1_lowered:
.L_overlay_start_0:
0x88: {  	s2 =	sld [smem:$0x3FD9]  }
0x89: {  	s3 =	sld [smem:$0x3FFE];
	_ =	sdelay $0x1  }
0x8a: {  	s1 =	srdreg.scid  }
0x8b: {  	s0 =	sand.u32 $0x1, s1  }
0x8c: {  	s16 =	sshll.u32 s0, $0xA;
	s2 =	sadd.s32 s3, s2  }
0x8d: {  	s2 =	sadd.s32 s2, s16  }
0x8e: {  	[smem:$0x3FB2] =	sst s2  }
0x8f: {  	_ = 	snop  }
0x90: {  	(tm) =	ssettm $0x1  }
0x91: {  	s17 =	sld [smem:$0x3FFB];
	_ =	sdelay $0x3  }
0x92: {  	_ =	strace s17  }
0x93: {  	s2 =	sld [smem:$0x3FFC];
	_ =	sdelay $0x3  }
0x94: {  	_ =	strace s2  }
0x95: {  	s2 =	sld [smem:$0x3FFD];
	_ =	sdelay $0x3  }
0x96: {  	_ =	strace s2  }
0x97: {  	_ =	strace $0x8FFFFFFF  }
0x98: {  	s18 =	sld [smem:$0x3FDB];
	_ =	sdelay $0x1  }
0x99: {  	s19 =	simm.s32 $_scs_section_size  }
0x9a: {  	s4 =	simm.s32 $_size__tile_overlayer_lowered;
	s5 =	simm.s32 $_tile_overlayer_lowered  }
0x9b: {  	s22 =	simm.s32 $0x1BFF;
	s21 =	sshll.u32 s5, $0x1;
	s2 =	sadd.s32 s19, s18  }
0x9c: {  	s6 =	simm.s32 $0x0;
	s20 =	sshll.u32 s4, $0x1;
	s4 =	sadd.s32 s21, s2  }
0x9d: {  	[timem:s6], [sflag:s22] =	dma.local [hbm:s4], s20  }
0x9e: {  	_ =	swait.ge [sflag:s22], s20  }
0x9f: {  	s3 =	ssub.s32 $0x0, s20;
	[sflag:s22] =	ssyncset.done $0x0  }
0xa0: {  	[sflag:s22] =	ssyncadd.s32 s3;
	_ =	sdelay $0x1  }
0xa1: {  	s23 =	simm.s32 $0x1B8B  }
0xa2: {  	_ =	swait.ge [sflag:s23], $0x1  }
0xa3: {  	[sflag:s23] =	ssyncset.done $0x0  }
0xa4: {  	s25 =	simm.s32 $0x1B8E;
	s24 =	sld [smem:$0x3FFE];
	[sflag:s23] =	ssyncadd.s32 $0xFFFFFFFF  }
0xa5: {  	s26 =	simm.s32 $execute0_lowered;
	[smem:$0x3FD2] =	sst s25  }
0xa6: {  	s4 =	sshll.u32 s26, $0x1;
	_ =	strace $0x80000049;
	[dreg:$0x1] =	wrdreg $0xFFFFFFFF  }
0xa7: {  	s28 =	simm.s32 $_size_execute0_lowered;
	s2 =	sadd.s32 s2, s4;
	[dreg:$0x0] =	wrdreg $0x0  }
0xa8: {  	s4 =	sshll.u32 s28, $0x1;
	[dreg:$0x2] =	wrdreg s2  }
0xa9: {  	[dreg:$0x3] =	wrdreg s4  }
0xaa: {  	[dreg:$0x4] =	wrdreg $0xC0  }
0xab: {  	_ =	task [dreg:s6], $0x5FFFF  }
0xac: {  	[dreg:$0x1] =	wrdreg $0xFFFFFFFF  }
0xad: {  	[dreg:$0x0] =	wrdreg $0x60  }
0xae: {  	[dreg:$0x2] =	wrdreg s24  }
0xaf: {  	[dreg:$0x3] =	wrdreg $0xC6000  }
0xb0: {  	[dreg:$0x4] =	wrdreg $0x9  }
0xb1: {  	_ =	task.clear_ibuf [dreg:s6], $0x5FFFF;
	_ =	strace $0x90000049  }
0xb2: {  	s29 =	simm.s32 $0x9;
	_ =	strace $0x8000004B  }
0xb3: {  	_ =	swait.ge [sflag:s29], $0x1  }
0xb4: {  	[sflag:s29] =	ssyncadd.s32 $0xFFFFFFFF  }
0xb5: {  	_ =	strace $0x9000004B  }
0xb6: {  	_ =	sfence  }
0xb7: {  	s30 =	sld [smem:$0x0];
	_ =	sdelay $0x2  }
0xb8: {  	s31 =	sshll.u32 s1, $0xD;
	s1 =	sshrl.u32 s1, $0x2  }
0xb9: {  	s3 =	sand.u32 $0x4000, s31;
	s1 =	sadd.s32 s1, s30  }
0xba: {  	s0 =	sor.u32 s3, s0;
	s1 =	sshll.u32 s1, $0x11  }
0xbb: {  	s0 =	sor.u32 s1, s0  }
0xbc: {  	s0 =	sadd.s32 $0x8F2B, s0  }
0xbd: {  	[sflag:s0] =	ssyncadd.remote.s32 $0x1  }
0xbe: {  	_ =	sfence.sel $0xFFFF  }
0xbf: {  	[dreg:$0x0] =	wrdreg $0xFFFFFFFF;
	(pc) =	sbr.abs _section_cstart, $3  }
0xc0: {  	[dreg:$0x1] =	wrdreg $0xFFFFFFFF  }
0xc1: {  	_ =	task.clear_ibuf [dreg:s6], $0x2FFFF;
	_ =	strace $0x9FFFFFFF  }
0xc2: {  	(tm) =	ssettm $0x7FFFFFFF  }
0xc3: {  	_ =	shalt  }
tec
execute0_lowered:
.L_overlay_start_1:
0x0: {  	(tag) =	ssettag $0x1  }
0x1: {  	s0 =	rddreg [dreg:$0x0]  }
0x2: {  	s2 =	rddreg [dreg:$0x1];
	s6 =	simm.s32 $0x0;
	s1 =	srdreg.scid  }
0x3: {  	s3 =	stileid.u32;
	s21 =	simm.s32 $0x1;
	s22 =	simm.s32 $0x80  }
0x4: {  	s1 =	sand.u32 $0x1, s1;
	s4 =	smul.u32 $0x7E, s3;
	s5 =	sshll.u32 s3, $0x5  }
0x5: {  	[smem:$0x7FF] =	sst s6;
	s7 =	smul.u32 $0xA000, s3;
	s6 =	simm.s32 $0x7E  }
0x6: {  	s30 =	sshll.u32 s3, $0x6;
	p0 =	seq.s32 s1, $0x0;
	s5 =	sadd.s32 $0x7E0, s5  }
0x7: {  	_ =	strace $0x8000004A;
	s8 =	smul.u32 $0xA0000, s1;
	s1 =	ssub.s32 $0x2, s1  }
0x8: {  	s19 =	sor.u32 $0x1C03, s30;
	s5 =	smov.u32 @p0 s4;
	s4 =	sadd.s32 $0x8C400, s0  }
0x9: {  	s24 =	sshrl.u32 s7, $0x3;
	s9 =	sshrl.u32 s1, $0x1;
	s6 =	simm.s32 @!p0 $0x20  }
0xa: {  	s23 =	sshll.u32 s5, $0x5;
	s5 =	sadd.s32 $0x78400, s0;
	s10 =	sadd.s32 s24, s0  }
0xb: {  	s25 =	sadd.s32 s7, s8;
	s1 =	ssub.s32 s1, s9;
	s7 =	sadd.s32 s7, s2  }
0xc: {  	s24 =	simm.s32 $0x3;
	s11 =	sadd.s32 s23, s0;
	s26 =	sadd.s32 $0xA0400, s10  }
0xd: {  	s8 =	sshrl.u32 s25, $0x3;
	s29 =	smax.u32 s1, $0x1;
	[dreg:$0x5] =	wrdreg s26  }
0xe: {  	s20 =	sshrl.u32 s7, $0x3;
	s18 =	sadd.s32 $0x5820, s11;
	[dreg:$0x8] =	wrdreg s29  }
0xf: {  	s0 =	sadd.s32 s8, s0;
	s31 =	sadd.s32 $0x5840, s11;
	[dreg:$0x3] =	wrdreg s18  }
0x10: {  	s23 =	simm.s32 $0x2;
	s28 =	sadd.s32 $0xB4400, s0;
	[dreg:$0x4] =	wrdreg s31  }
0x11: {  	s25 =	simm.s32 $0x0;
	s0 =	sadd.s32 $0xDC400, s0;
	[dreg:$0x6] =	wrdreg s28  }
0x12: {  	s17 =	sadd.s32 $0x5800, s11;
	s14 =	sadd.s32 $0x5860, s11;
	[dreg:$0x7] =	wrdreg s0  }
.LBB2_1:
0x13: {  	s0 =	simm.s32 $0x0  }
0x14: {  	[tilespmem:s0], [sflag:$0x3] =	stream.linear.gather [hbm4b:s17+s0], $0x100, $0x38;
	[tilespmem:$0x16600] =	vst v63  }
0x15: {  	_ =	swait.ge [sflag:s24], $0x100  }
0x16: {  	[sflag:s24] =	ssyncset.done $0x0  }
0x17: {  	s1 =	simm.s32 $0x600;
	[sflag:s24] =	ssyncadd.s32 $0xFFFFFF00  }
0x18: {  	[tilespmem:s1], [sflag:$0x1] =	stream.indirect.gather [hbm4b:s4+s22], $0x40, s0, s22, $0xb8;
	[tilespmem:$0x16600] =	vst v63  }
0x19: {  	s29 =	smov.u32 s17;
	s11 =	simm.s32 $0x100;
	s3 =	simm.s32 $0x2600  }
0x1a: {  	[tilespmem:s11], [sflag:$0x3] =	stream.linear.gather [hbm4b:s18+s0], $0x100, $0x38;
	[tilespmem:$0x16600] =	vst v63  }
0x1b: {  	s12 =	simm.s32 $0x200;
	s13 =	simm.s32 $0x4600;
	_ =	swait.ge [sflag:s24], $0x100  }
0x1c: {  	s26 =	simm.s32 $0x300;
	s28 =	simm.s32 $0x6600;
	[sflag:s24] =	ssyncset.done $0x0  }
0x1d: {  	s30 =	simm.s32 $0x1;
	s16 =	smulhi.u32 $0xAAAAAAAB, s24;
	[sflag:s24] =	ssyncadd.s32 $0xFFFFFF00  }
0x1e: {  	[tilespmem:s3], [sflag:$0x1] =	stream.indirect.gather [hbm4b:s4+s22], $0x40, s11, s22, $0xb8;
	[tilespmem:$0x16600] =	vst v63  }
0x1f: {  	p0 =	sne.s32 s6, $0x1;
	p1 =	por $0x1, $0x1;
	s8 =	sshrl.u32 s16, $0x2  }
0x20: {  	[tilespmem:s12], [sflag:$0x3] =	stream.linear.gather [hbm4b:s31+s0], $0x100, $0x38;
	[tilespmem:$0x16600] =	vst v63  }
0x21: {  	p2 =	sle.u32 @!p1 s6, $0x3;
	s18 =	smul.u32 $0xFFFFE800, s8;
	_ =	swait.ge [sflag:s24], $0x100  }
0x22: {  	p2 =	por p2, p1;
	s8 =	smul.u32 $0xFFFD0000, s8;
	[sflag:s24] =	ssyncset.done $0x0  }
0x23: {  	s0 =	smulhi.u32 $0xAAAAAAAB, s0;
	s15 =	rddreg [dreg:$0x5];
	[sflag:s24] =	ssyncadd.s32 $0xFFFFFF00  }
0x24: {  	[tilespmem:s13], [sflag:$0x1] =	stream.indirect.gather [hbm4b:s4+s22], $0x40, s12, s22, $0xb8;
	[tilespmem:$0x16600] =	vst v63  }
0x25: {  	[spmem:s20], [sflag:s19] =	dma.local [hbm:s15], $0x1400  }
0x26: {  	p1 =	sle.u32 s6, $0x3;
	s16 =	simm.s32 $0x4;
	_ =	swait.ge [sflag:s24], $0x1400  }
0x27: {  	s8 =	sshra.s32 s8, $0x2;
	s0 =	sshrl.u32 s0, $0x2;
	[sflag:s24] =	ssyncset.done $0x0  }
0x28: {  	s11 =	simm.s32 @!p2 $0x2;
	s7 =	smul.u32 $0xFFFD0000, s0;
	[sflag:s24] =	ssyncadd.s32 $0xFFFFEC00  }
0x29: {  	s31 =	simm.s32 $0x2600;
	s0 =	smul.u32 $0xFFFFE800, s0;
	[bflag:$0x0] =	sbarrier.arrive $0xFFFF  }
0x2a: {  	s12 =	simm.s32 $0x300;
	s13 =	simm.s32 $0x6600;
	_ =	swait.ge [sflag:s21], $0x2000  }
0x2b: {  	s17 =	sshra.s32 s7, $0x2;
	s0 =	sshra.s32 s0, $0x2;
	[sflag:s21] =	ssyncset.done $0x0  }
0x2c: {  	s1 =	sadd.s32 $0x600, s17;
	s0 =	sadd.s32 $0x80, s0;
	[sflag:s21] =	ssyncadd.s32 $0xFFFFE000  }
0x2d: {  	[spmem:s2] =	stream.indirect.scatter.add.f32 [tilespmem:s1], [sflag:$0x2], $0x40, s0, s22, $0xb8;
	[tilespmem:$0x16600] =	vst v63  }
.Ltmp0:
0x2e: {  	s7 =	sshra.s32 s18, $0x2;
	_ =	swait.ge @!p2 [sflag:s11], $0x2000;
	(pc) =	sbr.rel @!p0 .LBB2_3-.Ltmp0, $4  }
0x2f: {  	s18 =	sadd.s32 $0x300, s7;
	s7 =	simm.s32 @!p1 $0x3;
	[sflag:s11] =	ssyncset.done @!p2 $0x0  }
0x30: {  	s0 =	simm.s32 $0x180;
	[sflag:s11] =	ssyncadd.s32 @!p2 $0xFFFFE000;
	s11 =	simm.s32 @!p1 $0x0  }
0x31: {  	[tilespmem:s18], [sflag:$0x3] =	stream.linear.gather @!p1 [hbm4b:s14+s11], $0x100, $0x38;
	[tilespmem:$0x16600] =	vst v63  }
0x32: {  	s1 =	sadd.s32 $0x20, s14;
	s11 =	simm.s32 $0x8600;
	_ =	swait.ge @!p1 [sflag:s7], $0x100  }
.LBB2_2:
0x33: {  	[sflag:s7] =	ssyncset.done @!p1 $0x0;
	s12 =	sadd.s32 $0x100, s12;
	s9 =	smov.u32 s30  }
0x34: {  	s30 =	sadd.s32 $0x1, s30;
	s10 =	smov.u32 s31;
	s15 =	smov.u32 s0  }
0x35: {  	s8 =	sadd.s32 s8, s13;
	[sflag:s7] =	ssyncadd.s32 @!p1 $0xFFFFFF00;
	s7 =	simm.s32 @!p1 $0x80  }
0x36: {  	[tilespmem:s8], [sflag:$0x1] =	stream.indirect.gather @!p1 [hbm4b:s4+s7], $0x40, s18, s7, $0xb8;
	[tilespmem:$0x16600] =	vst v63  }
0x37: {  	s17 =	smov.u32 s1;
	p0 =	sne.s32 s6, s30;
	s7 =	smulhi.u32 $0xAAAAAAAB, s9  }
0x38: {  	s31 =	sadd.s32 $0x2000, s31;
	s0 =	sadd.s32 $0x100, s0;
	s13 =	smov.u32 s11  }
0x39: {  	s1 =	sadd.s32 $0x20, s1;
	s8 =	smulhi.u32 $0xAAAAAAAB, s16;
	s7 =	sshrl.u32 s7, $0x2  }
0x3a: {  	s3 =	sadd.s32 $0x3, s9;
	p1 =	slt.u32 s9, $0x3;
	s18 =	smul.u32 $0xFFFD0000, s7  }
0x3b: {  	p2 =	sge.u32 @!p1 s3, s6;
	s7 =	smul.u32 $0xFFFFE800, s7;
	_ =	swait.ge [sflag:s21], $0x2000  }
0x3c: {  	s8 =	sshrl.u32 s8, $0x2;
	s9 =	sshra.s32 s18, $0x2;
	[sflag:s21] =	ssyncset.done $0x0  }
0x3d: {  	s18 =	smul.u32 $0xFFFFE800, s8;
	s7 =	sshra.s32 s7, $0x2;
	s9 =	sadd.s32 s9, s10  }
0x3e: {  	p2 =	por p2, p1;
	s7 =	sadd.s32 s7, s15;
	[sflag:s21] =	ssyncadd.s32 $0xFFFFE000  }
0x3f: {  	[spmem:s2] =	stream.indirect.scatter.add.f32 [tilespmem:s9], [sflag:$0x2], $0x40, s7, s22, $0xb8;
	[tilespmem:$0x16600] =	vst v63  }
0x40: {  	s8 =	smul.u32 $0xFFFD0000, s8;
	s7 =	sshra.s32 s18, $0x2;
	s9 =	simm.s32 @!p2 $0x2  }
.Ltmp1:
0x41: {  	p1 =	sge.u32 s3, s6;
	_ =	swait.ge @!p2 [sflag:s9], $0x2000;
	(pc) =	sbr.rel @p0 .LBB2_2-.Ltmp1, $4  }
0x42: {  	s18 =	sadd.s32 s7, s12;
	s7 =	simm.s32 @!p1 $0x3;
	[sflag:s9] =	ssyncset.done @!p2 $0x0  }
0x43: {  	s3 =	simm.s32 @!p1 $0x0;
	s8 =	sshra.s32 s8, $0x2;
	[sflag:s9] =	ssyncadd.s32 @!p2 $0xFFFFE000  }
0x44: {  	[tilespmem:s18], [sflag:$0x3] =	stream.linear.gather @!p1 [hbm4b:s17+s3], $0x100, $0x38;
	[tilespmem:$0x16600] =	vst v63  }
0x45: {  	s11 =	sadd.s32 $0x2000, s11;
	s16 =	sadd.s32 $0x1, s16;
	_ =	swait.ge @!p1 [sflag:s7], $0x100  }
.LBB2_3:
0x46: {  	[sflag:s7] =	ssyncset.done @!p1 $0x0  }
0x47: {  	s0 =	sadd.s32 s8, s13;
	s1 =	simm.s32 @!p1 $0x80;
	[sflag:s7] =	ssyncadd.s32 @!p1 $0xFFFFFF00  }
0x48: {  	[tilespmem:s0], [sflag:$0x1] =	stream.indirect.gather @!p1 [hbm4b:s4+s1], $0x40, s18, s1, $0xb8;
	[tilespmem:$0x16600] =	vst v63  }
0x49: {  	_ =	swait.ge [sflag:s23], $0x2000  }
0x4a: {  	[sflag:s23] =	ssyncset.done $0x0  }
0x4b: {  	[sflag:s23] =	ssyncadd.s32 $0xFFFFE000  }
0x4c: {  	_ =	swait.ge [sflag:s23], $0x2000  }
0x4d: {  	[sflag:s23] =	ssyncset.done $0x0  }
0x4e: {  	[sflag:s23] =	ssyncadd.s32 $0xFFFFE000  }
0x4f: {  	_ =	swait.ge [sflag:s23], $0x2000  }
0x50: {  	[sflag:s23] =	ssyncset.done $0x0  }
0x51: {  	[sflag:s23] =	ssyncadd.s32 $0xFFFFE000  }
0x52: {  	_ =	swait.ge [sflag:s23], $0x2000  }
0x53: {  	[sflag:s23] =	ssyncset.done $0x0  }
0x54: {  	[sflag:s23] =	ssyncadd.s32 $0xFFFFE000  }
0x55: {  	_ =	swait.ge [sflag:s23], $0x2000  }
0x56: {  	[sflag:s23] =	ssyncset.done $0x0  }
0x57: {  	[sflag:s23] =	ssyncadd.s32 $0xFFFFE000  }
0x58: {  	_ =	swait.ge [sflag:s23], $0x2000  }
0x59: {  	[sflag:s23] =	ssyncset.done $0x0  }
0x5a: {  	[sflag:s23] =	ssyncadd.s32 $0xFFFFE000  }
0x5b: {  	[bflag:$0x0] =	sbarrier.arrive $0xFFFF  }
0x5c: {  	s0 =	simm.s32 $0x3;
	s11 =	rddreg [dreg:$0x6]  }
0x5d: {  	[hbm:s11], [sflag:s19] =	dma.local [spmem:s20], $0x1400  }
0x5e: {  	_ =	swait.ge [sflag:s0], $0x1400  }
0x5f: {  	[sflag:s0] =	ssyncset.done $0x0  }
0x60: {  	s12 =	simm.s32 $0x0;
	[sflag:s0] =	ssyncadd.s32 $0xFFFFEC00  }
0x61: {  	[tilespmem:s12], [sflag:$0x3] =	stream.linear.gather [hbm4b:s29+s12], $0x100, $0x38;
	[tilespmem:$0x16600] =	vst v63  }
0x62: {  	_ =	swait.ge [sflag:s0], $0x100  }
0x63: {  	[sflag:s0] =	ssyncset.done $0x0  }
0x64: {  	s3 =	simm.s32 $0x80;
	s13 =	simm.s32 $0x600;
	[sflag:s0] =	ssyncadd.s32 $0xFFFFFF00  }
0x65: {  	[tilespmem:s13], [sflag:$0x1] =	stream.indirect.gather [hbm4b:s5+s3], $0x40, s12, s3, $0xb8;
	[tilespmem:$0x16600] =	vst v63  }
0x66: {  	s15 =	simm.s32 $0x100;
	s18 =	rddreg [dreg:$0x3]  }
0x67: {  	[tilespmem:s15], [sflag:$0x3] =	stream.linear.gather [hbm4b:s18+s12], $0x100, $0x38;
	[tilespmem:$0x16600] =	vst v63  }
0x68: {  	s17 =	smov.u32 s29;
	_ =	swait.ge [sflag:s0], $0x100  }
0x69: {  	s16 =	simm.s32 $0x2600;
	s9 =	simm.s32 $0x200;
	[sflag:s0] =	ssyncset.done $0x0  }
0x6a: {  	s10 =	simm.s32 $0x4600;
	p0 =	por $0x1, $0x1;
	[sflag:s0] =	ssyncadd.s32 $0xFFFFFF00  }
0x6b: {  	[tilespmem:s16], [sflag:$0x1] =	stream.indirect.gather [hbm4b:s5+s3], $0x40, s15, s3, $0xb8;
	[tilespmem:$0x16600] =	vst v63  }
0x6c: {  	s30 =	sadd.s32 $0x20, s14;
	p1 =	sle.u32 @!p0 s6, $0x3;
	s31 =	rddreg [dreg:$0x4]  }
0x6d: {  	[tilespmem:s9], [sflag:$0x3] =	stream.linear.gather [hbm4b:s31+s12], $0x100, $0x38;
	[tilespmem:$0x16600] =	vst v63  }
0x6e: {  	s1 =	smulhi.u32 $0xAAAAAAAB, s12;
	p2 =	por p1, p0;
	_ =	swait.ge [sflag:s0], $0x100  }
0x6f: {  	p0 =	sne.s32 s6, $0x1;
	p1 =	sle.u32 s6, $0x3;
	[sflag:s0] =	ssyncset.done $0x0  }
0x70: {  	s1 =	sshrl.u32 s1, $0x2;
	s11 =	rddreg [dreg:$0x5];
	[sflag:s0] =	ssyncadd.s32 $0xFFFFFF00  }
0x71: {  	[tilespmem:s10], [sflag:$0x1] =	stream.indirect.gather [hbm4b:s5+s3], $0x40, s9, s3, $0xb8;
	[tilespmem:$0x16600] =	vst v63  }
0x72: {  	[spmem:s20], [sflag:s19] =	dma.local [hbm:s11], $0x1400  }
0x73: {  	s8 =	simm.s32 @!p2 $0x2;
	s12 =	smul.u32 $0xFFFD0000, s1;
	_ =	swait.ge [sflag:s0], $0x1400  }
0x74: {  	s7 =	simm.s32 @!p1 $0x3;
	s1 =	smul.u32 $0xFFFFE800, s1;
	[sflag:s0] =	ssyncset.done $0x0  }
0x75: {  	s29 =	simm.s32 $0x1;
	[sflag:s0] =	ssyncadd.s32 $0xFFFFEC00;
	s0 =	smulhi.u32 $0xAAAAAAAB, s0  }
0x76: {  	s15 =	sshra.s32 s12, $0x2;
	s1 =	sshra.s32 s1, $0x2;
	[bflag:$0x0] =	sbarrier.arrive $0xFFFF  }
0x77: {  	s12 =	simm.s32 $0x8600;
	_ =	swait.ge [sflag:s21], $0x2000;
	s13 =	sshrl.u32 s0, $0x2  }
0x78: {  	s1 =	sadd.s32 $0x80, s1;
	[sflag:s21] =	ssyncset.done $0x0;
	s16 =	smul.u32 $0xFFFFE800, s13  }
0x79: {  	s0 =	sadd.s32 $0x600, s15;
	s9 =	smul.u32 $0xFFFD0000, s13;
	[sflag:s21] =	ssyncadd.s32 $0xFFFFE000  }
0x7a: {  	[spmem:s2] =	stream.indirect.scatter.add.f32 [tilespmem:s0], [sflag:$0x2], $0x40, s1, s22, $0xb8;
	[tilespmem:$0x16600] =	vst v63  }
.Ltmp2:
0x7b: {  	s11 =	simm.s32 $0x4;
	_ =	swait.ge @!p2 [sflag:s8], $0x2000;
	(pc) =	sbr.rel @!p0 .LBB2_5-.Ltmp2, $4  }
0x7c: {  	s0 =	simm.s32 $0x2600;
	s3 =	sshra.s32 s16, $0x2;
	[sflag:s8] =	ssyncset.done @!p2 $0x0  }
0x7d: {  	s13 =	sadd.s32 $0x300, s3;
	s3 =	simm.s32 @!p1 $0x0;
	[sflag:s8] =	ssyncadd.s32 @!p2 $0xFFFFE000  }
0x7e: {  	[tilespmem:s13], [sflag:$0x3] =	stream.linear.gather @!p1 [hbm4b:s14+s3], $0x100, $0x38;
	[tilespmem:$0x16600] =	vst v63  }
0x7f: {  	s1 =	simm.s32 $0x180;
	s8 =	sshra.s32 s9, $0x2;
	_ =	swait.ge @!p1 [sflag:s7], $0x100  }
.LBB2_4:
0x80: {  	[sflag:s7] =	ssyncset.done @!p1 $0x0;
	s26 =	sadd.s32 $0x100, s26;
	s3 =	smov.u32 s29  }
0x81: {  	s29 =	sadd.s32 $0x1, s29;
	s9 =	smov.u32 s0;
	s10 =	smov.u32 s1  }
0x82: {  	s8 =	sadd.s32 s8, s28;
	[sflag:s7] =	ssyncadd.s32 @!p1 $0xFFFFFF00;
	s7 =	simm.s32 @!p1 $0x80  }
0x83: {  	[tilespmem:s8], [sflag:$0x1] =	stream.indirect.gather @!p1 [hbm4b:s5+s7], $0x40, s13, s7, $0xb8;
	[tilespmem:$0x16600] =	vst v63  }
0x84: {  	s15 =	smov.u32 s30;
	p0 =	sne.s32 s6, s29;
	s7 =	smulhi.u32 $0xAAAAAAAB, s3  }
0x85: {  	s0 =	sadd.s32 $0x2000, s0;
	s1 =	sadd.s32 $0x100, s1;
	s28 =	smov.u32 s12  }
0x86: {  	s30 =	sadd.s32 $0x20, s30;
	s8 =	smulhi.u32 $0xAAAAAAAB, s11;
	s7 =	sshrl.u32 s7, $0x2  }
0x87: {  	s16 =	sadd.s32 $0x3, s3;
	p1 =	slt.u32 s3, $0x3;
	s13 =	smul.u32 $0xFFFD0000, s7  }
0x88: {  	p2 =	sge.u32 @!p1 s16, s6;
	s3 =	smul.u32 $0xFFFFE800, s7;
	_ =	swait.ge [sflag:s21], $0x2000  }
0x89: {  	s7 =	sshrl.u32 s8, $0x2;
	s8 =	sshra.s32 s13, $0x2;
	[sflag:s21] =	ssyncset.done $0x0  }
0x8a: {  	s13 =	smul.u32 $0xFFFFE800, s7;
	s3 =	sshra.s32 s3, $0x2;
	s8 =	sadd.s32 s8, s9  }
0x8b: {  	p2 =	por p2, p1;
	s3 =	sadd.s32 s3, s10;
	[sflag:s21] =	ssyncadd.s32 $0xFFFFE000  }
0x8c: {  	[spmem:s2] =	stream.indirect.scatter.add.f32 [tilespmem:s8], [sflag:$0x2], $0x40, s3, s22, $0xb8;
	[tilespmem:$0x16600] =	vst v63  }
0x8d: {  	s9 =	simm.s32 @!p2 $0x2;
	s3 =	sshra.s32 s13, $0x2;
	s8 =	smul.u32 $0xFFFD0000, s7  }
.Ltmp3:
0x8e: {  	p1 =	sge.u32 s16, s6;
	_ =	swait.ge @!p2 [sflag:s9], $0x2000;
	(pc) =	sbr.rel @p0 .LBB2_4-.Ltmp3, $4  }
0x8f: {  	s7 =	simm.s32 @!p1 $0x3;
	s13 =	sadd.s32 s3, s26;
	[sflag:s9] =	ssyncset.done @!p2 $0x0  }
0x90: {  	s3 =	simm.s32 @!p1 $0x0;
	s8 =	sshra.s32 s8, $0x2;
	[sflag:s9] =	ssyncadd.s32 @!p2 $0xFFFFE000  }
0x91: {  	[tilespmem:s13], [sflag:$0x3] =	stream.linear.gather @!p1 [hbm4b:s15+s3], $0x100, $0x38;
	[tilespmem:$0x16600] =	vst v63  }
0x92: {  	s12 =	sadd.s32 $0x2000, s12;
	s11 =	sadd.s32 $0x1, s11;
	_ =	swait.ge @!p1 [sflag:s7], $0x100  }
.LBB2_5:
0x93: {  	[sflag:s7] =	ssyncset.done @!p1 $0x0  }
0x94: {  	s0 =	sadd.s32 s8, s28;
	s1 =	simm.s32 @!p1 $0x80;
	[sflag:s7] =	ssyncadd.s32 @!p1 $0xFFFFFF00  }
0x95: {  	[tilespmem:s0], [sflag:$0x1] =	stream.indirect.gather @!p1 [hbm4b:s5+s1], $0x40, s13, s1, $0xb8;
	[tilespmem:$0x16600] =	vst v63  }
0x96: {  	_ =	swait.ge [sflag:s23], $0x2000  }
0x97: {  	[sflag:s23] =	ssyncset.done $0x0  }
0x98: {  	[sflag:s23] =	ssyncadd.s32 $0xFFFFE000  }
0x99: {  	_ =	swait.ge [sflag:s23], $0x2000  }
0x9a: {  	[sflag:s23] =	ssyncset.done $0x0  }
0x9b: {  	[sflag:s23] =	ssyncadd.s32 $0xFFFFE000  }
0x9c: {  	_ =	swait.ge [sflag:s23], $0x2000  }
0x9d: {  	[sflag:s23] =	ssyncset.done $0x0  }
0x9e: {  	[sflag:s23] =	ssyncadd.s32 $0xFFFFE000  }
0x9f: {  	_ =	swait.ge [sflag:s23], $0x2000  }
0xa0: {  	[sflag:s23] =	ssyncset.done $0x0  }
0xa1: {  	[sflag:s23] =	ssyncadd.s32 $0xFFFFE000  }
0xa2: {  	_ =	swait.ge [sflag:s23], $0x2000  }
0xa3: {  	[sflag:s23] =	ssyncset.done $0x0  }
0xa4: {  	[sflag:s23] =	ssyncadd.s32 $0xFFFFE000  }
0xa5: {  	_ =	swait.ge [sflag:s23], $0x2000  }
0xa6: {  	[sflag:s23] =	ssyncset.done $0x0  }
0xa7: {  	[sflag:s23] =	ssyncadd.s32 $0xFFFFE000  }
0xa8: {  	[bflag:$0x0] =	sbarrier.arrive $0xFFFF  }
0xa9: {  	s29 =	rddreg [dreg:$0x7]  }
0xaa: {  	[hbm:s29], [sflag:s19] =	dma.local [spmem:s20], $0x1400  }
0xab: {  	_ =	swait.ge [sflag:s24], $0x1400  }
0xac: {  	s25 =	sadd.s32 $0x1, s25;
	s30 =	rddreg [dreg:$0x8]  }
0xad: {  	p0 =	sne.s32 s25, s30  }
.Ltmp4:
0xae: {  	_ = 	snop;
	(pc) =	sbr.rel @p0 .LBB2_1-.Ltmp4, $3  }
0xaf: {  	_ =	sdelay $0x1  }
0xb0: {  	[sflag:s24] =	ssyncset.done $0x0  }
0xb1: {  	[sflag:s24] =	ssyncadd.s32 $0xFFFFEC00  }
0xb2: {  	_ =	sfence.sel $0x180000  }
0xb3: {  	[bflag:$0x0] =	sbarrier.arrive $0xFFFF  }
0xb4: {  	_ =	strace $0x9000004A  }
0xb5: {  	s0 =	stileid.u32;
	[bflag:$0x2] =	sbarrier.arrive $0xFFFF  }
0xb6: {  	p0 =	sne.s32 s0, $0x0;
	s0 =	rddreg [dreg:$0x2]  }
0xb7: {  	s0 =	sadd.s32 @!p0 $0x100000, s0  }
0xb8: {  	[sflag:s0] =	ssyncadd.tile.s32 @!p0 $0x1;
	_ =	shalt  }
.Lfunc_end2:
_tile_overlayer_lowered:
.L_overlay_start_2:
0xb9: {  	(tag) =	ssettag $0x2  }
0xba: {  	s0 =	rddreg [dreg:$0x0];
	s2 =	stileid.u32  }
0xbb: {  	s1 =	rddreg [dreg:$0x1];
	p0 =	sne.s32 s2, $0x0  }
0xbc: {  	s3 =	rddreg [dreg:$0x2];
	[bflag:$0x3] =	sbarrier.arrive $0xFFFF;
	s2 =	simm.s32 @!p0 $0x1C03  }
0xbd: {  	[timem:s3], [sflag:s2] =	dma.local @!p0 [hbm:s0], s1  }
0xbe: {  	s0 =	simm.s32 @!p0 $0x3  }
0xbf: {  	_ =	swait.ge @!p0 [sflag:s0], s1  }
0xc0: {  	s1 =	ssub.s32 @!p0 $0x0, s1;
	[sflag:s0] =	ssyncset.done @!p0 $0x0  }
0xc1: {  	[sflag:s0] =	ssyncadd.s32 @!p0 s1  }
0xc2: {  	[bflag:$0x3] =	sbarrier.arrive $0xFFFF  }
0xc3: {  	_ =	shalt  }

// kernel: kernel.16.cloned.1.call-start
scs
__scs_entry_jumppad:
0x0: {  	(pc) =	sbr.rel $0x88, $3  }
0x1: {  	(tag) =	ssettag $0x0;
	lr =	simm.s32 $0x1  }
0x2: {  	[smem:$0x3F8B] =	sst lr;
	_ =	strace $0xD0000000  }
0x3: {  	_ = 	snop  }
0x4: {  	_ = 	snop  }
0x5: {  	_ = 	snop  }
0x6: {  	_ = 	snop  }
0x7: {  	_ = 	snop  }
__scs_overlays_trampoline_lowered:
0x8: {  	[smem:$0x3F9A] =	sst s0  }
0x9: {  	[smem:$0x3F9B] =	sst s1  }
0xa: {  	[smem:$0x3F9C] =	sst s2  }
0xb: {  	[smem:$0x3F9D] =	sst s3  }
0xc: {  	[smem:$0x3F9E] =	sst s4  }
0xd: {  	[smem:$0x3F9F] =	sst s5  }
0xe: {  	[smem:$0x3FA0] =	sst s6  }
0xf: {  	[smem:$0x3FA1] =	sst s7  }
0x10: {  	[smem:$0x3FA2] =	sst s8  }
0x11: {  	[smem:$0x3FA3] =	sst s9;
	s0 =	simm.s32 @!p0 $0x0  }
0x12: {  	s1 =	sld [smem:$0x3F89];
	s0 =	simm.s32 @p0 $0x1  }
0x13: {  	[smem:$0x3FA4] =	sst s0;
	s0 =	simm.s32 @!p1 $0x0  }
0x14: {  	s2 =	sld [smem:$0x3F88];
	s0 =	simm.s32 @p1 $0x1  }
0x15: {  	[smem:$0x3FA5] =	sst s0;
	s0 =	simm.s32 @!p2 $0x0  }
0x16: {  	s3 =	sld [smem:$0x3FDB];
	s0 =	simm.s32 @p2 $0x1  }
0x17: {  	s4 =	simm.s32 $0x1BF5;
	[smem:$0x3FA7] =	sst s0  }
0x18: {  	s0 =	sld [smem:$0x3F8A];
	_ =	swait.ge [sflag:s4], $0x0  }
0x19: {  	s7 =	sld [smem:$0x3F8B]  }
0x1a: {  	s8 =	sadd.s32 $0xFFFFE003, lr  }
0x1b: {  	s9 =	sadd.s32 $0xFFFFFEF7, lr;
	s5 =	simm.s32 $0xFFFFFFFF;
	p2 =	slt.u32 s8, $0xFFFFF086  }
0x1c: {  	p1 =	slt.u32 s9, $0xF7A;
	s5 =	simm.s32 @!p2 $0x0  }
0x1d: {  	s5 =	simm.s32 @p1 $0x1;
	p0 =	seq.s32 s7, s2  }
0x1e: {  	s7 =	smul.u32 @!p0 $0xF7A, s2;
	p2 =	seq.s32 @!p0 s5, $0x0  }
0x1f: {  	s9 =	smul.u32 $0xF7A, s1;
	s8 =	simm.s32 @!p0 $0x1BF5;
	p2 =	por !p2, p0  }
0x20: {  	[sflag:s8] =	ssyncset.s32 @!p0 $0xFFFFF086;
	s6 =	sadd.s32 @!p0 s3, s7;
	s7 =	simm.s32 @!p0 $0x108  }
0x21: {  	s3 =	sadd.s32 s3, s9;
	s6 =	sadd.s32 @!p0 $0x88, s6;
	s7 =	simm.s32 @p2 $0x1082  }
0x22: {  	[simem:s7], [sflag:s8] =	dma.local @!p0 [hbm:s6], $0xF7A  }
0x23: {  	s9 =	sor.u32 $0xD0000000, s2;
	s6 =	simm.s32 $0x108;
	_ =	swait.ge @!p0 [sflag:s8], $0x0  }
0x24: {  	s3 =	sadd.s32 $0x88, s3;
	s6 =	simm.s32 @!p1 $0x1082;
	[sflag:s4] =	ssyncset.s32 $0xFFFFF086  }
0x25: {  	[simem:s6], [sflag:s4] =	dma.local [hbm:s3], $0xF7A  }
0x26: {  	[smem:$0x3F8B] =	sst s1;
	(tag) =	ssettag s2;
	_ =	strace s9  }
0x27: {  	s1 =	sld [smem:$0x3F9B]  }
0x28: {  	s2 =	sld [smem:$0x3F9C]  }
0x29: {  	s4 =	sld [smem:$0x3F9E]  }
0x2a: {  	p0 =	seq.s32 s5, $0x0;
	s5 =	sld [smem:$0x3F9F]  }
0x2b: {  	s6 =	sld [smem:$0x3FA0]  }
0x2c: {  	s7 =	sld [smem:$0x3FA1]  }
0x2d: {  	s3 =	simm.s32 $0x108;
	s8 =	sld [smem:$0x3FA2]  }
0x2e: {  	s3 =	simm.s32 @!p0 $0x1082;
	s9 =	sld [smem:$0x3FA3]  }
0x2f: {  	lr =	sadd.s32 s0, s3;
	s0 =	sld [smem:$0x3F9A]  }
0x30: {  	s3 =	sld [smem:$0x3F9D]  }
0x31: {  	[smem:$0x3FA6] =	sst s10  }
0x32: {  	s10 =	sld [smem:$0x3FA4];
	_ =	sdelay $0x3  }
0x33: {  	p0 =	seq.s32 s10, $0x1;
	s10 =	sld [smem:$0x3FA6];
	_ =	sdelay $0x3  }
0x34: {  	[smem:$0x3FA6] =	sst s10  }
0x35: {  	s10 =	sld [smem:$0x3FA5];
	_ =	sdelay $0x3  }
0x36: {  	p1 =	seq.s32 s10, $0x1;
	s10 =	sld [smem:$0x3FA6];
	_ =	sdelay $0x3  }
0x37: {  	[smem:$0x3FA6] =	sst s10  }
0x38: {  	s10 =	sld [smem:$0x3FA7]  }
0x39: {  	_ = 	snop;
	(pc) =	sbr.ind lr, $3  }
0x3a: {  	_ = 	snop  }
0x3b: {  	_ = 	snop  }
0x3c: {  	p2 =	seq.s32 s10, $0x1;
	s10 =	sld [smem:$0x3FA6]  }
0x3d: {  	_ =	shalt  }
0x3e: {  	_ =	shalt  }
0x3f: {  	_ =	shalt  }
0x40: {  	_ =	shalt  }
0x41: {  	_ =	shalt  }
0x42: {  	_ =	shalt  }
0x43: {  	_ =	shalt  }
0x44: {  	_ =	shalt  }
0x45: {  	_ =	shalt  }
0x46: {  	_ =	shalt  }
0x47: {  	_ =	shalt  }
0x48: {  	_ =	shalt  }
0x49: {  	_ =	shalt  }
0x4a: {  	_ =	shalt  }
0x4b: {  	_ =	shalt  }
0x4c: {  	_ =	shalt  }
0x4d: {  	_ =	shalt  }
0x4e: {  	_ =	shalt  }
0x4f: {  	_ =	shalt  }
0x50: {  	_ =	shalt  }
0x51: {  	_ =	shalt  }
0x52: {  	_ =	shalt  }
0x53: {  	_ =	shalt  }
0x54: {  	_ =	shalt  }
0x55: {  	_ =	shalt  }
0x56: {  	_ =	shalt  }
0x57: {  	_ =	shalt  }
0x58: {  	_ =	shalt  }
0x59: {  	_ =	shalt  }
0x5a: {  	_ =	shalt  }
0x5b: {  	_ =	shalt  }
0x5c: {  	_ =	shalt  }
0x5d: {  	_ =	shalt  }
0x5e: {  	_ =	shalt  }
0x5f: {  	_ =	shalt  }
0x60: {  	_ =	shalt  }
0x61: {  	_ =	shalt  }
0x62: {  	_ =	shalt  }
0x63: {  	_ =	shalt  }
0x64: {  	_ =	shalt  }
0x65: {  	_ =	shalt  }
0x66: {  	_ =	shalt  }
0x67: {  	_ =	shalt  }
0x68: {  	_ =	shalt  }
0x69: {  	_ =	shalt  }
0x6a: {  	_ =	shalt  }
0x6b: {  	_ =	shalt  }
0x6c: {  	_ =	shalt  }
0x6d: {  	_ =	shalt  }
0x6e: {  	_ =	shalt  }
0x6f: {  	_ =	shalt  }
0x70: {  	_ =	shalt  }
0x71: {  	_ =	shalt  }
0x72: {  	_ =	shalt  }
0x73: {  	_ =	shalt  }
0x74: {  	_ =	shalt  }
0x75: {  	_ =	shalt  }
0x76: {  	_ =	shalt  }
0x77: {  	_ =	shalt  }
0x78: {  	_ =	shalt  }
0x79: {  	_ =	shalt  }
0x7a: {  	_ =	shalt  }
0x7b: {  	_ =	shalt  }
0x7c: {  	_ =	shalt  }
0x7d: {  	_ =	shalt  }
0x7e: {  	_ =	shalt  }
0x7f: {  	_ =	shalt  }
0x80: {  	_ =	shalt  }
0x81: {  	_ =	shalt  }
0x82: {  	_ =	shalt  }
0x83: {  	_ =	shalt  }
0x84: {  	_ =	shalt  }
0x85: {  	_ =	shalt  }
0x86: {  	_ =	shalt  }
0x87: {  	_ =	shalt  }
.Lfunc_end0:
.L_simem_size_0:
called_computation.2_lowered:
.L_overlay_start_0:
0x88: {  	s2 =	sld [smem:$0x3FD9]  }
0x89: {  	s3 =	sld [smem:$0x3FFE];
	_ =	sdelay $0x1  }
0x8a: {  	s1 =	srdreg.scid  }
0x8b: {  	s0 =	sand.u32 $0x1, s1  }
0x8c: {  	s16 =	sshll.u32 s0, $0xA;
	s2 =	sadd.s32 s3, s2  }
0x8d: {  	s2 =	sadd.s32 s2, s16  }
0x8e: {  	[smem:$0x3FB2] =	sst s2  }
0x8f: {  	_ = 	snop  }
0x90: {  	(tm) =	ssettm $0x1  }
0x91: {  	s17 =	sld [smem:$0x3FFB];
	_ =	sdelay $0x3  }
0x92: {  	_ =	strace s17  }
0x93: {  	s2 =	sld [smem:$0x3FFC];
	_ =	sdelay $0x3  }
0x94: {  	_ =	strace s2  }
0x95: {  	s2 =	sld [smem:$0x3FFD];
	_ =	sdelay $0x3  }
0x96: {  	_ =	strace s2  }
0x97: {  	_ =	strace $0x8FFFFFFF  }
0x98: {  	s18 =	sld [smem:$0x3FDB];
	_ =	sdelay $0x1  }
0x99: {  	s19 =	simm.s32 $_scs_section_size  }
0x9a: {  	s4 =	simm.s32 $_size__tile_overlayer_lowered;
	s5 =	simm.s32 $_tile_overlayer_lowered  }
0x9b: {  	s22 =	simm.s32 $0x1BFF;
	s21 =	sshll.u32 s5, $0x1;
	s2 =	sadd.s32 s19, s18  }
0x9c: {  	s6 =	simm.s32 $0x0;
	s20 =	sshll.u32 s4, $0x1;
	s4 =	sadd.s32 s21, s2  }
0x9d: {  	[timem:s6], [sflag:s22] =	dma.local [hbm:s4], s20  }
0x9e: {  	_ =	swait.ge [sflag:s22], s20  }
0x9f: {  	s3 =	ssub.s32 $0x0, s20;
	[sflag:s22] =	ssyncset.done $0x0  }
0xa0: {  	[sflag:s22] =	ssyncadd.s32 s3;
	_ =	sdelay $0x1  }
0xa1: {  	s23 =	simm.s32 $0x1B8B  }
0xa2: {  	_ =	swait.ge [sflag:s23], $0x1  }
0xa3: {  	[sflag:s23] =	ssyncset.done $0x0  }
0xa4: {  	s25 =	simm.s32 $0x1B8E;
	s24 =	sld [smem:$0x3FFE];
	[sflag:s23] =	ssyncadd.s32 $0xFFFFFFFF  }
0xa5: {  	s26 =	simm.s32 $execute0_lowered;
	[smem:$0x3FD2] =	sst s25  }
0xa6: {  	s4 =	sshll.u32 s26, $0x1;
	_ =	strace $0x8000004C;
	[dreg:$0x1] =	wrdreg $0xFFFFFFFF  }
0xa7: {  	s28 =	simm.s32 $_size_execute0_lowered;
	s2 =	sadd.s32 s2, s4;
	[dreg:$0x0] =	wrdreg $0x0  }
0xa8: {  	s4 =	sshll.u32 s28, $0x1;
	[dreg:$0x2] =	wrdreg s2  }
0xa9: {  	[dreg:$0x3] =	wrdreg s4  }
0xaa: {  	[dreg:$0x4] =	wrdreg $0xC0  }
0xab: {  	_ =	task [dreg:s6], $0x5FFFF  }
0xac: {  	[dreg:$0x1] =	wrdreg $0xFFFFFFFF  }
0xad: {  	[dreg:$0x0] =	wrdreg $0x60  }
0xae: {  	[dreg:$0x2] =	wrdreg s24  }
0xaf: {  	[dreg:$0x3] =	wrdreg $0xC6000  }
0xb0: {  	[dreg:$0x4] =	wrdreg $0x9  }
0xb1: {  	_ =	task.clear_ibuf [dreg:s6], $0x5FFFF;
	_ =	strace $0x9000004C  }
0xb2: {  	s29 =	simm.s32 $0x9;
	_ =	strace $0x8000004E  }
0xb3: {  	_ =	swait.ge [sflag:s29], $0x1  }
0xb4: {  	[sflag:s29] =	ssyncadd.s32 $0xFFFFFFFF  }
0xb5: {  	_ =	strace $0x9000004E  }
0xb6: {  	_ =	sfence  }
0xb7: {  	s30 =	sld [smem:$0x0];
	_ =	sdelay $0x2  }
0xb8: {  	s31 =	sshll.u32 s1, $0xD;
	s1 =	sshrl.u32 s1, $0x2  }
0xb9: {  	s3 =	sand.u32 $0x4000, s31;
	s1 =	sadd.s32 s1, s30  }
0xba: {  	s0 =	sor.u32 s3, s0;
	s1 =	sshll.u32 s1, $0x11  }
0xbb: {  	s0 =	sor.u32 s1, s0  }
0xbc: {  	s0 =	sadd.s32 $0x8F2B, s0  }
0xbd: {  	[sflag:s0] =	ssyncadd.remote.s32 $0x1  }
0xbe: {  	_ =	sfence.sel $0xFFFF  }
0xbf: {  	[dreg:$0x0] =	wrdreg $0xFFFFFFFF;
	(pc) =	sbr.abs _section_cstart, $3  }
0xc0: {  	[dreg:$0x1] =	wrdreg $0xFFFFFFFF  }
0xc1: {  	_ =	task.clear_ibuf [dreg:s6], $0x2FFFF;
	_ =	strace $0x9FFFFFFF  }
0xc2: {  	(tm) =	ssettm $0x7FFFFFFF  }
0xc3: {  	_ =	shalt  }
tec
execute0_lowered:
.L_overlay_start_1:
0x0: {  	(tag) =	ssettag $0x1  }
0x1: {  	s0 =	rddreg [dreg:$0x0]  }
0x2: {  	s2 =	rddreg [dreg:$0x1]  }
0x3: {  	s1 =	srdreg.scid;
	s7 =	stileid.u32  }
0x4: {  	s15 =	simm.s32 $0x200;
	s19 =	simm.s32 $0x1;
	s20 =	simm.s32 $0x80  }
0x5: {  	s21 =	simm.s32 $0x2;
	s22 =	simm.s32 $0x3;
	s4 =	smul.u32 $0x7E, s7  }
0x6: {  	s1 =	sand.u32 $0x1, s1;
	s3 =	sshll.u32 s7, $0x5;
	s9 =	smul.u32 $0xA000, s7  }
0x7: {  	s31 =	sshll.u32 s7, $0x6;
	p0 =	seq.s32 s1, $0x0;
	s5 =	sadd.s32 $0x7E0, s3  }
0x8: {  	s3 =	simm.s32 $0x0;
	s6 =	smul.u32 $0xA0000, s1;
	s1 =	ssub.s32 $0x2, s1  }
0x9: {  	s17 =	sor.u32 $0x1C03, s31;
	s5 =	smov.u32 @p0 s4;
	[smem:$0x7FF] =	sst s3  }
0xa: {  	s4 =	sadd.s32 $0xB4400, s0;
	s23 =	sshrl.u32 s9, $0x3;
	s25 =	sshrl.u32 s1, $0x1  }
0xb: {  	s14 =	sadd.s32 s9, s2;
	s5 =	sshll.u32 s5, $0x5;
	_ =	strace $0x8000004D  }
0xc: {  	s6 =	sadd.s32 s9, s6;
	s10 =	sadd.s32 s23, s0;
	s1 =	ssub.s32 s1, s25  }
0xd: {  	s18 =	sshrl.u32 s14, $0x3;
	s23 =	simm.s32 $0x0;
	s12 =	sadd.s32 s5, s0  }
0xe: {  	s24 =	sshrl.u32 s6, $0x3;
	s5 =	simm.s32 $0x7E;
	s30 =	sadd.s32 $0xA0400, s10  }
0xf: {  	s11 =	smax.u32 s1, $0x1;
	s26 =	sadd.s32 $0x5800, s12;
	[dreg:$0x6] =	wrdreg s30  }
0x10: {  	s0 =	sadd.s32 s24, s0;
	s28 =	sadd.s32 $0x5820, s12;
	[dreg:$0x3] =	wrdreg s26  }
0x11: {  	s5 =	simm.s32 @!p0 $0x20;
	s29 =	sadd.s32 $0x5840, s12;
	[dreg:$0x4] =	wrdreg s28  }
0x12: {  	s12 =	sadd.s32 $0x5860, s12;
	[dreg:$0x5] =	wrdreg s29;
	s10 =	sadd.s32 $0xC8400, s0  }
.LBB2_1:
0x13: {  	s0 =	rddreg [dreg:$0x3]  }
0x14: {  	[tilespmem:s3], [sflag:$0x3] =	stream.linear.gather [hbm4b:s0+s3], $0x100, $0x38;
	[tilespmem:$0x16600] =	vst v63  }
0x15: {  	_ =	swait.ge [sflag:s22], $0x100  }
0x16: {  	[sflag:s22] =	ssyncset.done $0x0  }
0x17: {  	s24 =	simm.s32 $0x600;
	[sflag:s22] =	ssyncadd.s32 $0xFFFFFF00  }
0x18: {  	[tilespmem:s24], [sflag:$0x1] =	stream.indirect.gather [hbm4b:s4+s20], $0x40, s3, s20, $0xb8;
	[tilespmem:$0x16600] =	vst v63  }
0x19: {  	s1 =	simm.s32 $0x100;
	s25 =	rddreg [dreg:$0x4]  }
0x1a: {  	[tilespmem:s1], [sflag:$0x3] =	stream.linear.gather [hbm4b:s25+s3], $0x100, $0x38;
	[tilespmem:$0x16600] =	vst v63  }
0x1b: {  	_ =	swait.ge [sflag:s22], $0x100  }
0x1c: {  	[sflag:s22] =	ssyncset.done $0x0  }
0x1d: {  	s26 =	simm.s32 $0x2600;
	[sflag:s22] =	ssyncadd.s32 $0xFFFFFF00  }
0x1e: {  	[tilespmem:s26], [sflag:$0x1] =	stream.indirect.gather [hbm4b:s4+s20], $0x40, s1, s20, $0xb8;
	[tilespmem:$0x16600] =	vst v63  }
0x1f: {  	s6 =	rddreg [dreg:$0x5]  }
0x20: {  	[tilespmem:s15], [sflag:$0x3] =	stream.linear.gather [hbm4b:s6+s3], $0x100, $0x38;
	[tilespmem:$0x16600] =	vst v63  }
0x21: {  	s7 =	simm.s32 $0x4600;
	s9 =	smulhi.u32 $0xAAAAAAAB, s3;
	_ =	swait.ge [sflag:s22], $0x100  }
0x22: {  	s13 =	smulhi.u32 $0xAAAAAAAB, s22;
	p0 =	por $0x1, $0x1;
	[sflag:s22] =	ssyncset.done $0x0  }
0x23: {  	s28 =	simm.s32 $0x2600;
	s8 =	rddreg [dreg:$0x6];
	[sflag:s22] =	ssyncadd.s32 $0xFFFFFF00  }
0x24: {  	[tilespmem:s7], [sflag:$0x1] =	stream.indirect.gather [hbm4b:s4+s20], $0x40, s15, s20, $0xb8;
	[tilespmem:$0x16600] =	vst v63  }
0x25: {  	[spmem:s18], [sflag:s17] =	dma.local [hbm:s8], $0x1400  }
0x26: {  	s29 =	simm.s32 $0x180;
	s30 =	sadd.s32 $0x20, s12;
	_ =	swait.ge [sflag:s22], $0x1400  }
0x27: {  	s31 =	simm.s32 $0x4;
	s0 =	sshrl.u32 s9, $0x2;
	[sflag:s22] =	ssyncset.done $0x0  }
0x28: {  	p1 =	sle.u32 @!p0 s5, $0x3;
	s14 =	smul.u32 $0xFFFD0000, s0;
	[sflag:s22] =	ssyncadd.s32 $0xFFFFEC00  }
0x29: {  	p2 =	por p1, p0;
	s0 =	smul.u32 $0xFFFFE800, s0;
	[bflag:$0x0] =	sbarrier.arrive $0xFFFF  }
0x2a: {  	p0 =	sne.s32 s5, $0x1;
	s14 =	sshra.s32 s14, $0x2;
	_ =	swait.ge [sflag:s19], $0x2000  }
0x2b: {  	s0 =	sshra.s32 s0, $0x2;
	s14 =	sadd.s32 $0x600, s14;
	[sflag:s19] =	ssyncset.done $0x0  }
0x2c: {  	s0 =	sadd.s32 $0x80, s0;
	s1 =	sshrl.u32 s13, $0x2;
	[sflag:s19] =	ssyncadd.s32 $0xFFFFE000  }
0x2d: {  	[spmem:s2] =	stream.indirect.scatter.add.f32 [tilespmem:s14], [sflag:$0x2], $0x40, s0, s20, $0xb8;
	[tilespmem:$0x16600] =	vst v63  }
0x2e: {  	p1 =	sle.u32 s5, $0x3;
	s16 =	smul.u32 $0xFFFFE800, s1;
	s14 =	simm.s32 @!p2 $0x2  }
0x2f: {  	s24 =	simm.s32 $0x300;
	s1 =	smul.u32 $0xFFFD0000, s1;
	_ =	swait.ge @!p2 [sflag:s14], $0x2000  }
.Ltmp0:
0x30: {  	s16 =	sshra.s32 s16, $0x2;
	[sflag:s14] =	ssyncset.done @!p2 $0x0;
	(pc) =	sbr.rel @!p0 .LBB2_3-.Ltmp0, $4  }
0x31: {  	s0 =	sadd.s32 $0x300, s16;
	[sflag:s14] =	ssyncadd.s32 @!p2 $0xFFFFE000;
	s14 =	simm.s32 @!p1 $0x0  }
0x32: {  	[tilespmem:s0], [sflag:$0x3] =	stream.linear.gather @!p1 [hbm4b:s12+s14], $0x100, $0x38;
	[tilespmem:$0x16600] =	vst v63  }
0x33: {  	s25 =	simm.s32 $0x1;
	s26 =	simm.s32 $0x6600;
	s14 =	simm.s32 @!p1 $0x3  }
0x34: {  	s16 =	sshra.s32 s1, $0x2;
	s1 =	simm.s32 $0x8600;
	_ =	swait.ge @!p1 [sflag:s14], $0x100  }
.LBB2_2:
0x35: {  	[sflag:s14] =	ssyncset.done @!p1 $0x0;
	s24 =	sadd.s32 $0x100, s24;
	s6 =	smov.u32 s25  }
0x36: {  	s25 =	sadd.s32 $0x1, s25;
	s7 =	smov.u32 s28;
	s8 =	smov.u32 s29  }
0x37: {  	s16 =	sadd.s32 s16, s26;
	[sflag:s14] =	ssyncadd.s32 @!p1 $0xFFFFFF00;
	s14 =	simm.s32 @!p1 $0x80  }
0x38: {  	[tilespmem:s16], [sflag:$0x1] =	stream.indirect.gather @!p1 [hbm4b:s4+s14], $0x40, s0, s14, $0xb8;
	[tilespmem:$0x16600] =	vst v63  }
0x39: {  	s9 =	smov.u32 s30;
	p0 =	sne.s32 s5, s25;
	s0 =	smulhi.u32 $0xAAAAAAAB, s6  }
0x3a: {  	s28 =	sadd.s32 $0x2000, s28;
	s29 =	sadd.s32 $0x100, s29;
	s26 =	smov.u32 s1  }
0x3b: {  	s30 =	sadd.s32 $0x20, s30;
	s14 =	smulhi.u32 $0xAAAAAAAB, s31;
	s0 =	sshrl.u32 s0, $0x2  }
0x3c: {  	s13 =	sadd.s32 $0x3, s6;
	p1 =	slt.u32 s6, $0x3;
	s16 =	smul.u32 $0xFFFD0000, s0  }
0x3d: {  	p2 =	sge.u32 @!p1 s13, s5;
	s0 =	smul.u32 $0xFFFFE800, s0;
	_ =	swait.ge [sflag:s19], $0x2000  }
0x3e: {  	s6 =	sshrl.u32 s14, $0x2;
	s14 =	sshra.s32 s16, $0x2;
	[sflag:s19] =	ssyncset.done $0x0  }
0x3f: {  	s16 =	smul.u32 $0xFFFFE800, s6;
	s0 =	sshra.s32 s0, $0x2;
	s7 =	sadd.s32 s14, s7  }
0x40: {  	p2 =	por p2, p1;
	s0 =	sadd.s32 s0, s8;
	[sflag:s19] =	ssyncadd.s32 $0xFFFFE000  }
0x41: {  	[spmem:s2] =	stream.indirect.scatter.add.f32 [tilespmem:s7], [sflag:$0x2], $0x40, s0, s20, $0xb8;
	[tilespmem:$0x16600] =	vst v63  }
0x42: {  	s6 =	smul.u32 $0xFFFD0000, s6;
	s0 =	sshra.s32 s16, $0x2;
	s7 =	simm.s32 @!p2 $0x2  }
.Ltmp1:
0x43: {  	p1 =	sge.u32 s13, s5;
	_ =	swait.ge @!p2 [sflag:s7], $0x2000;
	(pc) =	sbr.rel @p0 .LBB2_2-.Ltmp1, $4  }
0x44: {  	s14 =	simm.s32 @!p1 $0x3;
	s0 =	sadd.s32 s0, s24;
	[sflag:s7] =	ssyncset.done @!p2 $0x0  }
0x45: {  	s16 =	sshra.s32 s6, $0x2;
	s6 =	simm.s32 @!p1 $0x0;
	[sflag:s7] =	ssyncadd.s32 @!p2 $0xFFFFE000  }
0x46: {  	[tilespmem:s0], [sflag:$0x3] =	stream.linear.gather @!p1 [hbm4b:s9+s6], $0x100, $0x38;
	[tilespmem:$0x16600] =	vst v63  }
0x47: {  	s1 =	sadd.s32 $0x2000, s1;
	s31 =	sadd.s32 $0x1, s31;
	_ =	swait.ge @!p1 [sflag:s14], $0x100  }
.LBB2_3:
0x48: {  	[sflag:s14] =	ssyncset.done @!p1 $0x0  }
0x49: {  	s1 =	sadd.s32 s16, s26;
	s6 =	simm.s32 @!p1 $0x80;
	[sflag:s14] =	ssyncadd.s32 @!p1 $0xFFFFFF00  }
0x4a: {  	[tilespmem:s1], [sflag:$0x1] =	stream.indirect.gather @!p1 [hbm4b:s4+s6], $0x40, s0, s6, $0xb8;
	[tilespmem:$0x16600] =	vst v63  }
0x4b: {  	_ =	swait.ge [sflag:s21], $0x2000  }
0x4c: {  	[sflag:s21] =	ssyncset.done $0x0  }
0x4d: {  	[sflag:s21] =	ssyncadd.s32 $0xFFFFE000  }
0x4e: {  	_ =	swait.ge [sflag:s21], $0x2000  }
0x4f: {  	[sflag:s21] =	ssyncset.done $0x0  }
0x50: {  	[sflag:s21] =	ssyncadd.s32 $0xFFFFE000  }
0x51: {  	_ =	swait.ge [sflag:s21], $0x2000  }
0x52: {  	[sflag:s21] =	ssyncset.done $0x0  }
0x53: {  	[sflag:s21] =	ssyncadd.s32 $0xFFFFE000  }
0x54: {  	_ =	swait.ge [sflag:s21], $0x2000  }
0x55: {  	[sflag:s21] =	ssyncset.done $0x0  }
0x56: {  	[sflag:s21] =	ssyncadd.s32 $0xFFFFE000  }
0x57: {  	_ =	swait.ge [sflag:s21], $0x2000  }
0x58: {  	[sflag:s21] =	ssyncset.done $0x0  }
0x59: {  	[sflag:s21] =	ssyncadd.s32 $0xFFFFE000  }
0x5a: {  	_ =	swait.ge [sflag:s21], $0x2000  }
0x5b: {  	s23 =	sadd.s32 $0x1, s23;
	[sflag:s21] =	ssyncset.done $0x0  }
0x5c: {  	p0 =	sne.s32 s23, s11;
	[sflag:s21] =	ssyncadd.s32 $0xFFFFE000  }
.Ltmp2:
0x5d: {  	[bflag:$0x0] =	sbarrier.arrive $0xFFFF;
	(pc) =	sbr.rel @p0 .LBB2_1-.Ltmp2, $4  }
0x5e: {  	[hbm:s10], [sflag:s17] =	dma.local [spmem:s18], $0x1400  }
0x5f: {  	_ =	swait.ge [sflag:s22], $0x1400  }
0x60: {  	[sflag:s22] =	ssyncset.done $0x0  }
0x61: {  	[sflag:s22] =	ssyncadd.s32 $0xFFFFEC00  }
0x62: {  	_ =	sfence.sel $0x180000  }
0x63: {  	[bflag:$0x0] =	sbarrier.arrive $0xFFFF  }
0x64: {  	_ =	strace $0x9000004D  }
0x65: {  	s0 =	stileid.u32;
	[bflag:$0x2] =	sbarrier.arrive $0xFFFF  }
0x66: {  	p0 =	sne.s32 s0, $0x0;
	s0 =	rddreg [dreg:$0x2]  }
0x67: {  	s0 =	sadd.s32 @!p0 $0x100000, s0  }
0x68: {  	[sflag:s0] =	ssyncadd.tile.s32 @!p0 $0x1;
	_ =	shalt  }
.Lfunc_end2:
_tile_overlayer_lowered:
.L_overlay_start_2:
0x69: {  	(tag) =	ssettag $0x2  }
0x6a: {  	s0 =	rddreg [dreg:$0x0];
	s2 =	stileid.u32  }
0x6b: {  	s1 =	rddreg [dreg:$0x1];
	p0 =	sne.s32 s2, $0x0  }
0x6c: {  	s3 =	rddreg [dreg:$0x2];
	[bflag:$0x3] =	sbarrier.arrive $0xFFFF;
	s2 =	simm.s32 @!p0 $0x1C03  }
0x6d: {  	[timem:s3], [sflag:s2] =	dma.local @!p0 [hbm:s0], s1  }
0x6e: {  	s0 =	simm.s32 @!p0 $0x3  }
0x6f: {  	_ =	swait.ge @!p0 [sflag:s0], s1  }
0x70: {  	s1 =	ssub.s32 @!p0 $0x0, s1;
	[sflag:s0] =	ssyncset.done @!p0 $0x0  }
0x71: {  	[sflag:s0] =	ssyncadd.s32 @!p0 s1  }
0x72: {  	[bflag:$0x3] =	sbarrier.arrive $0xFFFF  }
0x73: {  	_ =	shalt  }

// kernel: kernel.19.cloned.1.call-start
scs
__scs_entry_jumppad:
0x0: {  	(pc) =	sbr.rel $0x88, $3  }
0x1: {  	(tag) =	ssettag $0x0;
	lr =	simm.s32 $0x1  }
0x2: {  	[smem:$0x3F8B] =	sst lr;
	_ =	strace $0xD0000000  }
0x3: {  	_ = 	snop  }
0x4: {  	_ = 	snop  }
0x5: {  	_ = 	snop  }
0x6: {  	_ = 	snop  }
0x7: {  	_ = 	snop  }
__scs_overlays_trampoline_lowered:
0x8: {  	[smem:$0x3F9A] =	sst s0  }
0x9: {  	[smem:$0x3F9B] =	sst s1  }
0xa: {  	[smem:$0x3F9C] =	sst s2  }
0xb: {  	[smem:$0x3F9D] =	sst s3  }
0xc: {  	[smem:$0x3F9E] =	sst s4  }
0xd: {  	[smem:$0x3F9F] =	sst s5  }
0xe: {  	[smem:$0x3FA0] =	sst s6  }
0xf: {  	[smem:$0x3FA1] =	sst s7  }
0x10: {  	[smem:$0x3FA2] =	sst s8  }
0x11: {  	[smem:$0x3FA3] =	sst s9;
	s0 =	simm.s32 @!p0 $0x0  }
0x12: {  	s1 =	sld [smem:$0x3F89];
	s0 =	simm.s32 @p0 $0x1  }
0x13: {  	[smem:$0x3FA4] =	sst s0;
	s0 =	simm.s32 @!p1 $0x0  }
0x14: {  	s2 =	sld [smem:$0x3F88];
	s0 =	simm.s32 @p1 $0x1  }
0x15: {  	[smem:$0x3FA5] =	sst s0;
	s0 =	simm.s32 @!p2 $0x0  }
0x16: {  	s3 =	sld [smem:$0x3FDB];
	s0 =	simm.s32 @p2 $0x1  }
0x17: {  	s4 =	simm.s32 $0x1BF5;
	[smem:$0x3FA7] =	sst s0  }
0x18: {  	s0 =	sld [smem:$0x3F8A];
	_ =	swait.ge [sflag:s4], $0x0  }
0x19: {  	s7 =	sld [smem:$0x3F8B]  }
0x1a: {  	s8 =	sadd.s32 $0xFFFFE003, lr  }
0x1b: {  	s9 =	sadd.s32 $0xFFFFFEF7, lr;
	s5 =	simm.s32 $0xFFFFFFFF;
	p2 =	slt.u32 s8, $0xFFFFF086  }
0x1c: {  	p1 =	slt.u32 s9, $0xF7A;
	s5 =	simm.s32 @!p2 $0x0  }
0x1d: {  	s5 =	simm.s32 @p1 $0x1;
	p0 =	seq.s32 s7, s2  }
0x1e: {  	s7 =	smul.u32 @!p0 $0xF7A, s2;
	p2 =	seq.s32 @!p0 s5, $0x0  }
0x1f: {  	s9 =	smul.u32 $0xF7A, s1;
	s8 =	simm.s32 @!p0 $0x1BF5;
	p2 =	por !p2, p0  }
0x20: {  	[sflag:s8] =	ssyncset.s32 @!p0 $0xFFFFF086;
	s6 =	sadd.s32 @!p0 s3, s7;
	s7 =	simm.s32 @!p0 $0x108  }
0x21: {  	s3 =	sadd.s32 s3, s9;
	s6 =	sadd.s32 @!p0 $0x88, s6;
	s7 =	simm.s32 @p2 $0x1082  }
0x22: {  	[simem:s7], [sflag:s8] =	dma.local @!p0 [hbm:s6], $0xF7A  }
0x23: {  	s9 =	sor.u32 $0xD0000000, s2;
	s6 =	simm.s32 $0x108;
	_ =	swait.ge @!p0 [sflag:s8], $0x0  }
0x24: {  	s3 =	sadd.s32 $0x88, s3;
	s6 =	simm.s32 @!p1 $0x1082;
	[sflag:s4] =	ssyncset.s32 $0xFFFFF086  }
0x25: {  	[simem:s6], [sflag:s4] =	dma.local [hbm:s3], $0xF7A  }
0x26: {  	[smem:$0x3F8B] =	sst s1;
	(tag) =	ssettag s2;
	_ =	strace s9  }
0x27: {  	s1 =	sld [smem:$0x3F9B]  }
0x28: {  	s2 =	sld [smem:$0x3F9C]  }
0x29: {  	s4 =	sld [smem:$0x3F9E]  }
0x2a: {  	p0 =	seq.s32 s5, $0x0;
	s5 =	sld [smem:$0x3F9F]  }
0x2b: {  	s6 =	sld [smem:$0x3FA0]  }
0x2c: {  	s7 =	sld [smem:$0x3FA1]  }
0x2d: {  	s3 =	simm.s32 $0x108;
	s8 =	sld [smem:$0x3FA2]  }
0x2e: {  	s3 =	simm.s32 @!p0 $0x1082;
	s9 =	sld [smem:$0x3FA3]  }
0x2f: {  	lr =	sadd.s32 s0, s3;
	s0 =	sld [smem:$0x3F9A]  }
0x30: {  	s3 =	sld [smem:$0x3F9D]  }
0x31: {  	[smem:$0x3FA6] =	sst s10  }
0x32: {  	s10 =	sld [smem:$0x3FA4];
	_ =	sdelay $0x3  }
0x33: {  	p0 =	seq.s32 s10, $0x1;
	s10 =	sld [smem:$0x3FA6];
	_ =	sdelay $0x3  }
0x34: {  	[smem:$0x3FA6] =	sst s10  }
0x35: {  	s10 =	sld [smem:$0x3FA5];
	_ =	sdelay $0x3  }
0x36: {  	p1 =	seq.s32 s10, $0x1;
	s10 =	sld [smem:$0x3FA6];
	_ =	sdelay $0x3  }
0x37: {  	[smem:$0x3FA6] =	sst s10  }
0x38: {  	s10 =	sld [smem:$0x3FA7]  }
0x39: {  	_ = 	snop;
	(pc) =	sbr.ind lr, $3  }
0x3a: {  	_ = 	snop  }
0x3b: {  	_ = 	snop  }
0x3c: {  	p2 =	seq.s32 s10, $0x1;
	s10 =	sld [smem:$0x3FA6]  }
0x3d: {  	_ =	shalt  }
0x3e: {  	_ =	shalt  }
0x3f: {  	_ =	shalt  }
0x40: {  	_ =	shalt  }
0x41: {  	_ =	shalt  }
0x42: {  	_ =	shalt  }
0x43: {  	_ =	shalt  }
0x44: {  	_ =	shalt  }
0x45: {  	_ =	shalt  }
0x46: {  	_ =	shalt  }
0x47: {  	_ =	shalt  }
0x48: {  	_ =	shalt  }
0x49: {  	_ =	shalt  }
0x4a: {  	_ =	shalt  }
0x4b: {  	_ =	shalt  }
0x4c: {  	_ =	shalt  }
0x4d: {  	_ =	shalt  }
0x4e: {  	_ =	shalt  }
0x4f: {  	_ =	shalt  }
0x50: {  	_ =	shalt  }
0x51: {  	_ =	shalt  }
0x52: {  	_ =	shalt  }
0x53: {  	_ =	shalt  }
0x54: {  	_ =	shalt  }
0x55: {  	_ =	shalt  }
0x56: {  	_ =	shalt  }
0x57: {  	_ =	shalt  }
0x58: {  	_ =	shalt  }
0x59: {  	_ =	shalt  }
0x5a: {  	_ =	shalt  }
0x5b: {  	_ =	shalt  }
0x5c: {  	_ =	shalt  }
0x5d: {  	_ =	shalt  }
0x5e: {  	_ =	shalt  }
0x5f: {  	_ =	shalt  }
0x60: {  	_ =	shalt  }
0x61: {  	_ =	shalt  }
0x62: {  	_ =	shalt  }
0x63: {  	_ =	shalt  }
0x64: {  	_ =	shalt  }
0x65: {  	_ =	shalt  }
0x66: {  	_ =	shalt  }
0x67: {  	_ =	shalt  }
0x68: {  	_ =	shalt  }
0x69: {  	_ =	shalt  }
0x6a: {  	_ =	shalt  }
0x6b: {  	_ =	shalt  }
0x6c: {  	_ =	shalt  }
0x6d: {  	_ =	shalt  }
0x6e: {  	_ =	shalt  }
0x6f: {  	_ =	shalt  }
0x70: {  	_ =	shalt  }
0x71: {  	_ =	shalt  }
0x72: {  	_ =	shalt  }
0x73: {  	_ =	shalt  }
0x74: {  	_ =	shalt  }
0x75: {  	_ =	shalt  }
0x76: {  	_ =	shalt  }
0x77: {  	_ =	shalt  }
0x78: {  	_ =	shalt  }
0x79: {  	_ =	shalt  }
0x7a: {  	_ =	shalt  }
0x7b: {  	_ =	shalt  }
0x7c: {  	_ =	shalt  }
0x7d: {  	_ =	shalt  }
0x7e: {  	_ =	shalt  }
0x7f: {  	_ =	shalt  }
0x80: {  	_ =	shalt  }
0x81: {  	_ =	shalt  }
0x82: {  	_ =	shalt  }
0x83: {  	_ =	shalt  }
0x84: {  	_ =	shalt  }
0x85: {  	_ =	shalt  }
0x86: {  	_ =	shalt  }
0x87: {  	_ =	shalt  }
.Lfunc_end0:
.L_simem_size_0:
called_computation.3_lowered:
.L_overlay_start_0:
0x88: {  	s2 =	sld [smem:$0x3FD9]  }
0x89: {  	s3 =	sld [smem:$0x3FFE];
	_ =	sdelay $0x1  }
0x8a: {  	s1 =	srdreg.scid  }
0x8b: {  	s0 =	sand.u32 $0x1, s1  }
0x8c: {  	s16 =	sshll.u32 s0, $0xA;
	s2 =	sadd.s32 s3, s2  }
0x8d: {  	s2 =	sadd.s32 s2, s16  }
0x8e: {  	[smem:$0x3FB2] =	sst s2  }
0x8f: {  	_ = 	snop  }
0x90: {  	(tm) =	ssettm $0x1  }
0x91: {  	s17 =	sld [smem:$0x3FFB];
	_ =	sdelay $0x3  }
0x92: {  	_ =	strace s17  }
0x93: {  	s2 =	sld [smem:$0x3FFC];
	_ =	sdelay $0x3  }
0x94: {  	_ =	strace s2  }
0x95: {  	s2 =	sld [smem:$0x3FFD];
	_ =	sdelay $0x3  }
0x96: {  	_ =	strace s2  }
0x97: {  	_ =	strace $0x8FFFFFFF  }
0x98: {  	s18 =	sld [smem:$0x3FDB];
	_ =	sdelay $0x1  }
0x99: {  	s19 =	simm.s32 $_scs_section_size  }
0x9a: {  	s4 =	simm.s32 $_size__tile_overlayer_lowered;
	s5 =	simm.s32 $_tile_overlayer_lowered  }
0x9b: {  	s22 =	simm.s32 $0x1BFF;
	s21 =	sshll.u32 s5, $0x1;
	s2 =	sadd.s32 s19, s18  }
0x9c: {  	s6 =	simm.s32 $0x0;
	s20 =	sshll.u32 s4, $0x1;
	s4 =	sadd.s32 s21, s2  }
0x9d: {  	[timem:s6], [sflag:s22] =	dma.local [hbm:s4], s20  }
0x9e: {  	_ =	swait.ge [sflag:s22], s20  }
0x9f: {  	s3 =	ssub.s32 $0x0, s20;
	[sflag:s22] =	ssyncset.done $0x0  }
0xa0: {  	[sflag:s22] =	ssyncadd.s32 s3;
	_ =	sdelay $0x1  }
0xa1: {  	s23 =	simm.s32 $0x1B8B  }
0xa2: {  	_ =	swait.ge [sflag:s23], $0x1  }
0xa3: {  	[sflag:s23] =	ssyncset.done $0x0  }
0xa4: {  	s25 =	simm.s32 $0x1B8E;
	s24 =	sld [smem:$0x3FFE];
	[sflag:s23] =	ssyncadd.s32 $0xFFFFFFFF  }
0xa5: {  	s26 =	simm.s32 $execute0_lowered;
	[smem:$0x3FD2] =	sst s25  }
0xa6: {  	s4 =	sshll.u32 s26, $0x1;
	_ =	strace $0x8000004F;
	[dreg:$0x1] =	wrdreg $0xFFFFFFFF  }
0xa7: {  	s28 =	simm.s32 $_size_execute0_lowered;
	s2 =	sadd.s32 s2, s4;
	[dreg:$0x0] =	wrdreg $0x0  }
0xa8: {  	s4 =	sshll.u32 s28, $0x1;
	[dreg:$0x2] =	wrdreg s2  }
0xa9: {  	[dreg:$0x3] =	wrdreg s4  }
0xaa: {  	[dreg:$0x4] =	wrdreg $0xC0  }
0xab: {  	_ =	task [dreg:s6], $0x5FFFF  }
0xac: {  	[dreg:$0x1] =	wrdreg $0xFFFFFFFF  }
0xad: {  	[dreg:$0x0] =	wrdreg $0x60  }
0xae: {  	[dreg:$0x2] =	wrdreg s24  }
0xaf: {  	[dreg:$0x3] =	wrdreg $0x66000  }
0xb0: {  	[dreg:$0x4] =	wrdreg $0x9  }
0xb1: {  	_ =	task.clear_ibuf [dreg:s6], $0x5FFFF;
	_ =	strace $0x9000004F  }
0xb2: {  	s29 =	simm.s32 $0x9;
	_ =	strace $0x80000051  }
0xb3: {  	_ =	swait.ge [sflag:s29], $0x1  }
0xb4: {  	[sflag:s29] =	ssyncadd.s32 $0xFFFFFFFF  }
0xb5: {  	_ =	strace $0x90000051  }
0xb6: {  	_ =	sfence  }
0xb7: {  	s30 =	sld [smem:$0x0];
	_ =	sdelay $0x2  }
0xb8: {  	s31 =	sshll.u32 s1, $0xD;
	s1 =	sshrl.u32 s1, $0x2  }
0xb9: {  	s3 =	sand.u32 $0x4000, s31;
	s1 =	sadd.s32 s1, s30  }
0xba: {  	s0 =	sor.u32 s3, s0;
	s1 =	sshll.u32 s1, $0x11  }
0xbb: {  	s0 =	sor.u32 s1, s0  }
0xbc: {  	s0 =	sadd.s32 $0x8F2B, s0  }
0xbd: {  	[sflag:s0] =	ssyncadd.remote.s32 $0x1  }
0xbe: {  	_ =	sfence.sel $0xFFFF  }
0xbf: {  	[dreg:$0x0] =	wrdreg $0xFFFFFFFF;
	(pc) =	sbr.abs _section_cstart, $3  }
0xc0: {  	[dreg:$0x1] =	wrdreg $0xFFFFFFFF  }
0xc1: {  	_ =	task.clear_ibuf [dreg:s6], $0x2FFFF;
	_ =	strace $0x9FFFFFFF  }
0xc2: {  	(tm) =	ssettm $0x7FFFFFFF  }
0xc3: {  	_ =	shalt  }
tec
execute0_lowered:
.L_overlay_start_1:
0x0: {  	(tag) =	ssettag $0x1  }
0x1: {  	s0 =	rddreg [dreg:$0x0];
	s7 =	stileid.u32  }
0x2: {  	s1 =	srdreg.scid;
	s2 =	rddreg [dreg:$0x1]  }
0x3: {  	s15 =	simm.s32 $0x200;
	s19 =	simm.s32 $0x1;
	s3 =	smul.u32 $0x35, s7  }
0x4: {  	s20 =	simm.s32 $0x80;
	s21 =	simm.s32 $0x2;
	s4 =	smul.u32 $0x69, s7  }
0x5: {  	s22 =	simm.s32 $0x3;
	s1 =	sand.u32 $0x1, s1;
	s9 =	smul.u32 $0x5000, s7  }
0x6: {  	s31 =	sshll.u32 s7, $0x6;
	p0 =	seq.s32 s1, $0x0;
	s6 =	smul.u32 $0x50000, s1  }
0x7: {  	s1 =	ssub.s32 $0x2, s1;
	s17 =	sor.u32 $0x1C03, s31;
	s5 =	sadd.s32 $0x690, s3  }
0x8: {  	s3 =	simm.s32 $0x0;
	s23 =	sshrl.u32 s9, $0x3;
	s25 =	sshrl.u32 s1, $0x1  }
0x9: {  	s14 =	sadd.s32 s9, s2;
	s5 =	smov.u32 @p0 s4;
	[smem:$0x7FF] =	sst s3  }
0xa: {  	s4 =	sadd.s32 $0x19400, s0;
	s6 =	sadd.s32 s9, s6;
	s10 =	sadd.s32 s23, s0  }
0xb: {  	s1 =	ssub.s32 s1, s25;
	s18 =	sshrl.u32 s14, $0x3;
	s23 =	simm.s32 $0x0  }
0xc: {  	s5 =	sshll.u32 s5, $0x5;
	_ =	strace $0x80000050;
	s24 =	sshrl.u32 s6, $0x3  }
0xd: {  	s30 =	sadd.s32 $0x23400, s10;
	s11 =	smax.u32 s1, $0x1;
	s12 =	sadd.s32 s5, s0  }
0xe: {  	s0 =	sadd.s32 s24, s0;
	[dreg:$0x6] =	wrdreg s30;
	s26 =	sadd.s32 $0x5800, s12  }
0xf: {  	s5 =	simm.s32 $0x69;
	s28 =	sadd.s32 $0x5820, s12;
	[dreg:$0x3] =	wrdreg s26  }
0x10: {  	s5 =	simm.s32 @!p0 $0x35;
	s29 =	sadd.s32 $0x5840, s12;
	[dreg:$0x4] =	wrdreg s28  }
0x11: {  	s10 =	sadd.s32 $0x2D400, s0;
	s12 =	sadd.s32 $0x5860, s12;
	[dreg:$0x5] =	wrdreg s29  }
.LBB2_1:
0x12: {  	s0 =	rddreg [dreg:$0x3]  }
0x13: {  	[tilespmem:s3], [sflag:$0x3] =	stream.linear.gather [hbm4b:s0+s3], $0x100, $0x38;
	[tilespmem:$0xB600] =	vst v63  }
0x14: {  	_ =	swait.ge [sflag:s22], $0x100  }
0x15: {  	[sflag:s22] =	ssyncset.done $0x0  }
0x16: {  	s24 =	simm.s32 $0x600;
	[sflag:s22] =	ssyncadd.s32 $0xFFFFFF00  }
0x17: {  	[tilespmem:s24], [sflag:$0x1] =	stream.indirect.gather [hbm4b:s4+s20], $0x20, s3, s20, $0xb8;
	[tilespmem:$0xB600] =	vst v63  }
0x18: {  	s1 =	simm.s32 $0x100;
	s25 =	rddreg [dreg:$0x4]  }
0x19: {  	[tilespmem:s1], [sflag:$0x3] =	stream.linear.gather [hbm4b:s25+s3], $0x100, $0x38;
	[tilespmem:$0xB600] =	vst v63  }
0x1a: {  	_ =	swait.ge [sflag:s22], $0x100  }
0x1b: {  	[sflag:s22] =	ssyncset.done $0x0  }
0x1c: {  	s26 =	simm.s32 $0x1600;
	[sflag:s22] =	ssyncadd.s32 $0xFFFFFF00  }
0x1d: {  	[tilespmem:s26], [sflag:$0x1] =	stream.indirect.gather [hbm4b:s4+s20], $0x20, s1, s20, $0xb8;
	[tilespmem:$0xB600] =	vst v63  }
0x1e: {  	s6 =	rddreg [dreg:$0x5]  }
0x1f: {  	[tilespmem:s15], [sflag:$0x3] =	stream.linear.gather [hbm4b:s6+s3], $0x100, $0x38;
	[tilespmem:$0xB600] =	vst v63  }
0x20: {  	s7 =	simm.s32 $0x2600;
	s9 =	smulhi.u32 $0xAAAAAAAB, s3;
	_ =	swait.ge [sflag:s22], $0x100  }
0x21: {  	s13 =	smulhi.u32 $0xAAAAAAAB, s22;
	p0 =	por $0x1, $0x1;
	[sflag:s22] =	ssyncset.done $0x0  }
0x22: {  	s28 =	simm.s32 $0x1600;
	s8 =	rddreg [dreg:$0x6];
	[sflag:s22] =	ssyncadd.s32 $0xFFFFFF00  }
0x23: {  	[tilespmem:s7], [sflag:$0x1] =	stream.indirect.gather [hbm4b:s4+s20], $0x20, s15, s20, $0xb8;
	[tilespmem:$0xB600] =	vst v63  }
0x24: {  	[spmem:s18], [sflag:s17] =	dma.local [hbm:s8], $0xA00  }
0x25: {  	s29 =	simm.s32 $0x180;
	s30 =	sadd.s32 $0x20, s12;
	_ =	swait.ge [sflag:s22], $0xA00  }
0x26: {  	s31 =	simm.s32 $0x4;
	s0 =	sshrl.u32 s9, $0x2;
	[sflag:s22] =	ssyncset.done $0x0  }
0x27: {  	p1 =	sle.u32 @!p0 s5, $0x3;
	s14 =	smul.u32 $0xFFFE8000, s0;
	[sflag:s22] =	ssyncadd.s32 $0xFFFFF600  }
0x28: {  	p2 =	por p1, p0;
	s0 =	smul.u32 $0xFFFFE800, s0;
	[bflag:$0x0] =	sbarrier.arrive $0xFFFF  }
0x29: {  	p0 =	sne.s32 s5, $0x1;
	s14 =	sshra.s32 s14, $0x2;
	_ =	swait.ge [sflag:s19], $0x1000  }
0x2a: {  	s0 =	sshra.s32 s0, $0x2;
	s14 =	sadd.s32 $0x600, s14;
	[sflag:s19] =	ssyncset.done $0x0  }
0x2b: {  	s0 =	sadd.s32 $0x80, s0;
	s1 =	sshrl.u32 s13, $0x2;
	[sflag:s19] =	ssyncadd.s32 $0xFFFFF000  }
0x2c: {  	[spmem:s2] =	stream.indirect.scatter.add.f32 [tilespmem:s14], [sflag:$0x2], $0x20, s0, s20, $0xb8;
	[tilespmem:$0xB600] =	vst v63  }
0x2d: {  	p1 =	sle.u32 s5, $0x3;
	s16 =	smul.u32 $0xFFFFE800, s1;
	s14 =	simm.s32 @!p2 $0x2  }
0x2e: {  	s24 =	simm.s32 $0x300;
	s1 =	smul.u32 $0xFFFE8000, s1;
	_ =	swait.ge @!p2 [sflag:s14], $0x1000  }
.Ltmp0:
0x2f: {  	s16 =	sshra.s32 s16, $0x2;
	[sflag:s14] =	ssyncset.done @!p2 $0x0;
	(pc) =	sbr.rel @!p0 .LBB2_3-.Ltmp0, $4  }
0x30: {  	s0 =	sadd.s32 $0x300, s16;
	[sflag:s14] =	ssyncadd.s32 @!p2 $0xFFFFF000;
	s14 =	simm.s32 @!p1 $0x0  }
0x31: {  	[tilespmem:s0], [sflag:$0x3] =	stream.linear.gather @!p1 [hbm4b:s12+s14], $0x100, $0x38;
	[tilespmem:$0xB600] =	vst v63  }
0x32: {  	s25 =	simm.s32 $0x1;
	s26 =	simm.s32 $0x3600;
	s14 =	simm.s32 @!p1 $0x3  }
0x33: {  	s16 =	sshra.s32 s1, $0x2;
	s1 =	simm.s32 $0x4600;
	_ =	swait.ge @!p1 [sflag:s14], $0x100  }
.LBB2_2:
0x34: {  	[sflag:s14] =	ssyncset.done @!p1 $0x0;
	s24 =	sadd.s32 $0x100, s24;
	s6 =	smov.u32 s25  }
0x35: {  	s25 =	sadd.s32 $0x1, s25;
	s7 =	smov.u32 s28;
	s8 =	smov.u32 s29  }
0x36: {  	s16 =	sadd.s32 s16, s26;
	[sflag:s14] =	ssyncadd.s32 @!p1 $0xFFFFFF00;
	s14 =	simm.s32 @!p1 $0x80  }
0x37: {  	[tilespmem:s16], [sflag:$0x1] =	stream.indirect.gather @!p1 [hbm4b:s4+s14], $0x20, s0, s14, $0xb8;
	[tilespmem:$0xB600] =	vst v63  }
0x38: {  	s9 =	smov.u32 s30;
	p0 =	sne.s32 s5, s25;
	s0 =	smulhi.u32 $0xAAAAAAAB, s6  }
0x39: {  	s28 =	sadd.s32 $0x1000, s28;
	s29 =	sadd.s32 $0x100, s29;
	s26 =	smov.u32 s1  }
0x3a: {  	s30 =	sadd.s32 $0x20, s30;
	s14 =	smulhi.u32 $0xAAAAAAAB, s31;
	s0 =	sshrl.u32 s0, $0x2  }
0x3b: {  	s13 =	sadd.s32 $0x3, s6;
	p1 =	slt.u32 s6, $0x3;
	s16 =	smul.u32 $0xFFFE8000, s0  }
0x3c: {  	p2 =	sge.u32 @!p1 s13, s5;
	s0 =	smul.u32 $0xFFFFE800, s0;
	_ =	swait.ge [sflag:s19], $0x1000  }
0x3d: {  	s6 =	sshrl.u32 s14, $0x2;
	s14 =	sshra.s32 s16, $0x2;
	[sflag:s19] =	ssyncset.done $0x0  }
0x3e: {  	s16 =	smul.u32 $0xFFFFE800, s6;
	s0 =	sshra.s32 s0, $0x2;
	s7 =	sadd.s32 s14, s7  }
0x3f: {  	p2 =	por p2, p1;
	s0 =	sadd.s32 s0, s8;
	[sflag:s19] =	ssyncadd.s32 $0xFFFFF000  }
0x40: {  	[spmem:s2] =	stream.indirect.scatter.add.f32 [tilespmem:s7], [sflag:$0x2], $0x20, s0, s20, $0xb8;
	[tilespmem:$0xB600] =	vst v63  }
0x41: {  	s6 =	smul.u32 $0xFFFE8000, s6;
	s0 =	sshra.s32 s16, $0x2;
	s7 =	simm.s32 @!p2 $0x2  }
.Ltmp1:
0x42: {  	p1 =	sge.u32 s13, s5;
	_ =	swait.ge @!p2 [sflag:s7], $0x1000;
	(pc) =	sbr.rel @p0 .LBB2_2-.Ltmp1, $4  }
0x43: {  	s14 =	simm.s32 @!p1 $0x3;
	s0 =	sadd.s32 s0, s24;
	[sflag:s7] =	ssyncset.done @!p2 $0x0  }
0x44: {  	s16 =	sshra.s32 s6, $0x2;
	s6 =	simm.s32 @!p1 $0x0;
	[sflag:s7] =	ssyncadd.s32 @!p2 $0xFFFFF000  }
0x45: {  	[tilespmem:s0], [sflag:$0x3] =	stream.linear.gather @!p1 [hbm4b:s9+s6], $0x100, $0x38;
	[tilespmem:$0xB600] =	vst v63  }
0x46: {  	s1 =	sadd.s32 $0x1000, s1;
	s31 =	sadd.s32 $0x1, s31;
	_ =	swait.ge @!p1 [sflag:s14], $0x100  }
.LBB2_3:
0x47: {  	[sflag:s14] =	ssyncset.done @!p1 $0x0  }
0x48: {  	s1 =	sadd.s32 s16, s26;
	s6 =	simm.s32 @!p1 $0x80;
	[sflag:s14] =	ssyncadd.s32 @!p1 $0xFFFFFF00  }
0x49: {  	[tilespmem:s1], [sflag:$0x1] =	stream.indirect.gather @!p1 [hbm4b:s4+s6], $0x20, s0, s6, $0xb8;
	[tilespmem:$0xB600] =	vst v63  }
0x4a: {  	_ =	swait.ge [sflag:s21], $0x1000  }
0x4b: {  	[sflag:s21] =	ssyncset.done $0x0  }
0x4c: {  	[sflag:s21] =	ssyncadd.s32 $0xFFFFF000  }
0x4d: {  	_ =	swait.ge [sflag:s21], $0x1000  }
0x4e: {  	[sflag:s21] =	ssyncset.done $0x0  }
0x4f: {  	[sflag:s21] =	ssyncadd.s32 $0xFFFFF000  }
0x50: {  	_ =	swait.ge [sflag:s21], $0x1000  }
0x51: {  	[sflag:s21] =	ssyncset.done $0x0  }
0x52: {  	[sflag:s21] =	ssyncadd.s32 $0xFFFFF000  }
0x53: {  	_ =	swait.ge [sflag:s21], $0x1000  }
0x54: {  	[sflag:s21] =	ssyncset.done $0x0  }
0x55: {  	[sflag:s21] =	ssyncadd.s32 $0xFFFFF000  }
0x56: {  	_ =	swait.ge [sflag:s21], $0x1000  }
0x57: {  	[sflag:s21] =	ssyncset.done $0x0  }
0x58: {  	[sflag:s21] =	ssyncadd.s32 $0xFFFFF000  }
0x59: {  	_ =	swait.ge [sflag:s21], $0x1000  }
0x5a: {  	s23 =	sadd.s32 $0x1, s23;
	[sflag:s21] =	ssyncset.done $0x0  }
0x5b: {  	p0 =	sne.s32 s23, s11;
	[sflag:s21] =	ssyncadd.s32 $0xFFFFF000  }
.Ltmp2:
0x5c: {  	[bflag:$0x0] =	sbarrier.arrive $0xFFFF;
	(pc) =	sbr.rel @p0 .LBB2_1-.Ltmp2, $4  }
0x5d: {  	[hbm:s10], [sflag:s17] =	dma.local [spmem:s18], $0xA00  }
0x5e: {  	_ =	swait.ge [sflag:s22], $0xA00  }
0x5f: {  	[sflag:s22] =	ssyncset.done $0x0  }
0x60: {  	[sflag:s22] =	ssyncadd.s32 $0xFFFFF600  }
0x61: {  	_ =	sfence.sel $0x180000  }
0x62: {  	[bflag:$0x0] =	sbarrier.arrive $0xFFFF  }
0x63: {  	_ =	strace $0x90000050  }
0x64: {  	s0 =	stileid.u32;
	[bflag:$0x2] =	sbarrier.arrive $0xFFFF  }
0x65: {  	p0 =	sne.s32 s0, $0x0;
	s0 =	rddreg [dreg:$0x2]  }
0x66: {  	s0 =	sadd.s32 @!p0 $0x100000, s0  }
0x67: {  	[sflag:s0] =	ssyncadd.tile.s32 @!p0 $0x1;
	_ =	shalt  }
.Lfunc_end2:
_tile_overlayer_lowered:
.L_overlay_start_2:
0x68: {  	(tag) =	ssettag $0x2  }
0x69: {  	s0 =	rddreg [dreg:$0x0];
	s2 =	stileid.u32  }
0x6a: {  	s1 =	rddreg [dreg:$0x1];
	p0 =	sne.s32 s2, $0x0  }
0x6b: {  	s3 =	rddreg [dreg:$0x2];
	[bflag:$0x3] =	sbarrier.arrive $0xFFFF;
	s2 =	simm.s32 @!p0 $0x1C03  }
0x6c: {  	[timem:s3], [sflag:s2] =	dma.local @!p0 [hbm:s0], s1  }
0x6d: {  	s0 =	simm.s32 @!p0 $0x3  }
0x6e: {  	_ =	swait.ge @!p0 [sflag:s0], s1  }
0x6f: {  	s1 =	ssub.s32 @!p0 $0x0, s1;
	[sflag:s0] =	ssyncset.done @!p0 $0x0  }
0x70: {  	[sflag:s0] =	ssyncadd.s32 @!p0 s1  }
0x71: {  	[bflag:$0x3] =	sbarrier.arrive $0xFFFF  }
0x72: {  	_ =	shalt  }

</sc_bundles>
